<compile_context>
chip_gen: v7x
topology: tpu7x:2x2x1
jax: 0.10.2.dev20260603
libtpu: 0.0.44.dev20260713+nightly
codegen_flags: <defaults>
</compile_context>

<pallas_src>
import functools

import jax
import jax.numpy as jnp
import numpy as np
from jax import lax
from jax.experimental import pallas as pl
from jax.experimental.pallas import tpu as pltpu
from jax.experimental.pallas import tpu_sc as plsc

B_, C_, N_, K_ = 1, 128, 10000, 32
CO = 128
LG = 8

NC, NS = 2, 16
NW = NC * NS
NPW = 320
NPAD = NW * NPW
CH = 4
CHK = CH * K_
NCHW = NPW // CH
PAD_EDGES = (NPAD - N_) * K_
TOT_EDGES = N_ * K_
EPS = 1e-5


_TB = 2048


_PERM = np.arange(CO).reshape(4, 2, 16).transpose(0, 2, 1).reshape(-1)


def _table_body(xf_ref, w_ref, wp_ref, a_ref, b_ref, a0_ref, b0_ref):
    w1p = wp_ref[:, :C_]
    w2p = wp_ref[:, C_:]
    xb = xf_ref[...]
    dn = (((0,), (1,)), ((), ()))
    af = lax.dot_general(xb, w1p - w2p, dn, preferred_element_type=jnp.float32)
    bf = lax.dot_general(xb, w2p, dn, preferred_element_type=jnp.float32)
    a_ref[...] = af.astype(jnp.bfloat16)
    b_ref[...] = bf.astype(jnp.bfloat16)

    @pl.when(pl.program_id(0) == 0)
    def _():
        w1 = w_ref[:, :C_]
        w2 = w_ref[:, C_:]
        x8 = xf_ref[:, :8]
        a0_ref[...] = lax.dot_general(x8, w1 - w2, dn,
                                      preferred_element_type=jnp.float32)
        b0_ref[...] = lax.dot_general(x8, w2, dn,
                                      preferred_element_type=jnp.float32)


def _make_tables(xf, w, wp):
    return pl.pallas_call(
        _table_body,
        grid=(NPAD // _TB,),
        in_specs=[
            pl.BlockSpec((C_, _TB), lambda i: (0, i)),
            pl.BlockSpec((CO, 2 * C_), lambda i: (0, 0)),
            pl.BlockSpec((CO, 2 * C_), lambda i: (0, 0)),
        ],
        out_specs=[
            pl.BlockSpec((_TB, CO), lambda i: (i, 0)),
            pl.BlockSpec((_TB, CO), lambda i: (i, 0)),
            pl.BlockSpec((8, CO), lambda i: (0, 0)),
            pl.BlockSpec((8, CO), lambda i: (0, 0)),
        ],
        out_shape=[
            jax.ShapeDtypeStruct((NPAD, CO), jnp.bfloat16),
            jax.ShapeDtypeStruct((NPAD, CO), jnp.bfloat16),
            jax.ShapeDtypeStruct((8, CO), jnp.float32),
            jax.ShapeDtypeStruct((8, CO), jnp.float32),
        ],
    )(xf, w, wp)



_sc_mesh = plsc.VectorSubcoreMesh(core_axis_name="c", subcore_axis_name="s")


@functools.partial(
    pl.kernel,
    mesh=_sc_mesh,
    compiler_params=pltpu.CompilerParams(use_tc_tiling_on_sc=False),
    out_type=[
        jax.ShapeDtypeStruct((NPAD, CO), jnp.float32),
        jax.ShapeDtypeStruct((NW, CO), jnp.float32),
        jax.ShapeDtypeStruct((NW, CO), jnp.float32),
    ],
    scratch_types=[
        pltpu.VMEM((2, 2, CHK), jnp.int32),
        pltpu.VMEM((2, CHK, CO // 2), jnp.int32),
        pltpu.VMEM((2, CHK, CO // 2), jnp.int32),
        pltpu.VMEM((2, CH, CO), jnp.float32),
        pltpu.VMEM((2, CO), jnp.float32),
        pltpu.SemaphoreType.DMA,
        pltpu.SemaphoreType.DMA,
        pltpu.SemaphoreType.DMA,
        pltpu.SemaphoreType.DMA,
        pltpu.SemaphoreType.DMA,
        pltpu.SemaphoreType.DMA,
        pltpu.SemaphoreType.DMA,
        pltpu.SemaphoreType.DMA,
    ],
)
def _sc_gather_reduce(a_hbm, b_hbm, e_hbm, m_hbm, s_hbm, s2_hbm,
                      idx_v, ra_v, rb_v, mo_v, st_v,
                      sem_i0, sem_i1, sem_a0, sem_a1, sem_b0, sem_b1,
                      sem_m0, sem_m1):
    wid = lax.axis_index("s") * NC + lax.axis_index("c")
    cbase = wid * NCHW

    sem_i = (sem_i0, sem_i1)
    sem_a = (sem_a0, sem_a1)
    sem_b = (sem_b0, sem_b1)
    sem_m = (sem_m0, sem_m1)

    def issue_idx(c, p):
        return pltpu.async_copy(e_hbm.at[cbase + c], idx_v.at[p], sem_i[p])

    def issue_gathers(p):
        pltpu.async_copy(a_hbm.at[idx_v.at[p, 0]], ra_v.at[p], sem_a[p])
        pltpu.async_copy(b_hbm.at[idx_v.at[p, 1]], rb_v.at[p], sem_b[p])

    def wait_idx(p):
        pltpu.make_async_copy(e_hbm.at[0], idx_v.at[p], sem_i[p]).wait()

    def wait_gathers(p):
        pltpu.make_async_copy(a_hbm.at[pl.ds(0, CHK)], ra_v.at[p],
                              sem_a[p]).wait()
        pltpu.make_async_copy(b_hbm.at[pl.ds(0, CHK)], rb_v.at[p],
                              sem_b[p]).wait()

    def wait_mwrite(p):
        pltpu.make_async_copy(mo_v.at[p], m_hbm.at[pl.ds(0, CH)],
                              sem_m[p]).wait()

    issue_idx(0, 0).wait()
    issue_gathers(0)
    issue_idx(1, 1)

    zeros = jnp.zeros((16,), jnp.float32)

    mask_hi = jnp.full((16,), -65536, jnp.int32)

    def expand(w):
        lo = lax.bitcast_convert_type(w << 16, jnp.float32)
        hi = lax.bitcast_convert_type(w & mask_hi, jnp.float32)
        return lo, hi

    def row_vectors(rap, rbp, row):
        out = []
        for j in range(4):
            sl = pl.ds(j * 16, 16)
            a_lo, a_hi = expand(rap[row, sl])
            b_lo, b_hi = expand(rbp[row, sl])
            out.append((a_lo, b_lo))
            out.append((a_hi, b_hi))
        return out

    def compute_chunk(c, p, s_acc, s2_acc, first):
        rap = ra_v.at[p]
        rbp = rb_v.at[p]
        for n in range(CH):
            r0 = n * K_
            m_list, s_list, s2_list = [], [], []
            for g, (a, b) in enumerate(row_vectors(rap, rbp, r0)):
                v = a + b
                m_list.append(v)
                s_list.append(s_acc[g] + v)
                s2_list.append(s2_acc[g] + v * v)

            def k_body(k, kc):
                m_l, s_l, s2_l = kc
                m_o, s_o, s2_o = [], [], []
                for g, (a, b) in enumerate(row_vectors(rap, rbp, r0 + k)):
                    v = a + b
                    m_o.append(jnp.maximum(m_l[g], v))
                    s_o.append(s_l[g] + v)
                    s2_o.append(s2_l[g] + v * v)
                return tuple(m_o), tuple(s_o), tuple(s2_o)

            m_fin, s_acc, s2_acc = lax.fori_loop(
                1, K_, k_body,
                (tuple(m_list), tuple(s_list), tuple(s2_list)))

            if n == 0:
                @pl.when(jnp.logical_not(first))
                def _():
                    wait_mwrite(p)
            for g in range(LG):
                mo_v[p, n, pl.ds(g * 16, 16)] = m_fin[g]

        pltpu.async_copy(mo_v.at[p],
                         m_hbm.at[pl.ds(wid * NPW + c * CH, CH)], sem_m[p])
        return s_acc, s2_acc

    def step(c2, carry):
        s_acc, s2_acc = carry
        c = c2 * 2
        first = c2 == 0
        for p in (0, 1):
            cc = c + p
            wait_idx(1 - p)
            issue_gathers(1 - p)
            wait_gathers(p)
            issue_idx(cc + 2, p)
            s_acc, s2_acc = compute_chunk(cc, p, s_acc, s2_acc, first)
        return s_acc, s2_acc

    init = (tuple(zeros for _ in range(LG)), tuple(zeros for _ in range(LG)))
    s_fin, s2_fin = lax.fori_loop(0, NCHW // 2, step, init)

    wait_gathers(0)
    wait_idx(1)
    wait_mwrite(0)
    wait_mwrite(1)

    for g in range(LG):
        sl = pl.ds(g * 16, 16)
        st_v[0, sl] = s_fin[g]
        st_v[1, sl] = s2_fin[g]
    pltpu.sync_copy(st_v.at[0], s_hbm.at[wid])
    pltpu.sync_copy(st_v.at[1], s2_hbm.at[wid])



_TBO = 2048


def _epilogue_body(m_ref, s_ref, s2_ref, a0_ref, b0_ref, g_ref, be_ref,
                   o_ref):
    s = jnp.sum(s_ref[...], axis=0, keepdims=True)
    s2 = jnp.sum(s2_ref[...], axis=0, keepdims=True)
    v0 = a0_ref[0:1, :] + b0_ref[0:1, :]
    s = s - PAD_EDGES * v0
    s2 = s2 - PAD_EDGES * v0 * v0
    mean = s / TOT_EDGES
    var = s2 / TOT_EDGES - mean * mean
    scale = g_ref[...] * lax.rsqrt(var + EPS)
    shift = be_ref[...] - mean * scale
    val = m_ref[...] * scale + shift
    val = jnp.where(val > 0, val, 0.2 * val)
    o_ref[...] = val.T


def _epilogue(m, s, s2, a, b, gamma2d, beta2d):
    return pl.pallas_call(
        _epilogue_body,
        grid=(NPAD // _TBO,),
        in_specs=[
            pl.BlockSpec((_TBO, CO), lambda i: (i, 0)),
            pl.BlockSpec((NW, CO), lambda i: (0, 0)),
            pl.BlockSpec((NW, CO), lambda i: (0, 0)),
            pl.BlockSpec((8, CO), lambda i: (0, 0)),
            pl.BlockSpec((8, CO), lambda i: (0, 0)),
            pl.BlockSpec((1, CO), lambda i: (0, 0)),
            pl.BlockSpec((1, CO), lambda i: (0, 0)),
        ],
        out_specs=pl.BlockSpec((CO, _TBO), lambda i: (0, i)),
        out_shape=jax.ShapeDtypeStruct((CO, NPAD), jnp.float32),
    )(m, s, s2, a, b, gamma2d, beta2d)




def kernel(x, edge_index, W, gamma, beta):
    xf = x[0, :, :, 0]
    xf = jnp.pad(xf, ((0, 0), (0, NPAD - N_)))

    ei = edge_index[:, 0]
    eip = jnp.pad(ei, ((0, 0), (0, NPAD - N_), (0, 0)))
    eip = eip.reshape(2, NW * NCHW, CHK).transpose(1, 0, 2)
    eip = eip[:, ::-1]
    eip = jnp.pad(eip, ((0, 2), (0, 0), (0, 0)))

    wp = W[jnp.asarray(_PERM)]
    a, b, a0, b0 = _make_tables(xf, W, wp)
    ai = lax.bitcast_convert_type(a.reshape(NPAD, CO // 2, 2), jnp.int32)
    bi = lax.bitcast_convert_type(b.reshape(NPAD, CO // 2, 2), jnp.int32)
    m, s, s2 = _sc_gather_reduce(ai, bi, eip)
    out = _epilogue(m, s, s2, a0, b0,
                    gamma.reshape(1, CO), beta.reshape(1, CO))
    return out[:, :N_].reshape(B_, CO, N_)

# --- scband reference (transcript-rebuilt; emitter-appended) ---
"""Pipeline reference for scband-graph-conv2d-57458072486033 (READ-ONLY COPY).

The authoritative reference and input builder live on the scoring server;
editing this copy changes nothing except your own understanding.
"""

import jax, jax.numpy as jnp
import numpy as np

B, C, N, K = 1, 128, 10000, 32
C_OUT = 128

def batched_index_select(xf, idx):
    # xf: [B, C, N], idx: [B, N, K] -> [B, C, N, K]
    def gather_one(xb, ib):
        return xb[:, ib]  # [C, N, K]
    return jax.vmap(gather_one)(xf, idx)

def setup_inputs(seed: int = 0) -> dict:
    key = jax.random.key(seed)
    k1, k2, k3 = jax.random.split(key, 3)
    x = jax.random.normal(k1, (B, C, N, 1), dtype=jnp.float32)
    edge_index = jax.random.randint(k2, (2, B, N, K), 0, N, dtype=jnp.int32)
    # learned params: 1x1 conv weight [C_out, 2*C_in], BN gamma/beta
    W = jax.random.normal(k3, (C_OUT, 2 * C), dtype=jnp.float32) * 0.05
    gamma = jnp.ones((C_OUT,), dtype=jnp.float32)
    beta = jnp.zeros((C_OUT,), dtype=jnp.float32)
    return {"x": x, "edge_index": edge_index, "W": W, "gamma": gamma, "beta": beta}

def reference(x, edge_index, W, gamma, beta):
    xf = x[:, :, :, 0]  # [B, C, N]
    x_i = batched_index_select(xf, edge_index[1])      # center features [B, C, N, K]
    x_j = batched_index_select(xf, edge_index[0])      # neighbor features [B, C, N, K]
    h = jnp.concatenate([x_i, x_j - x_i], axis=1)      # [B, 2C, N, K]
    out = jnp.einsum('oc,bcnk->bonk', W, h)            # 1x1 conv, no bias
    # BatchNorm2d (training-mode batch stats, eps=1e-5)
    mean = jnp.mean(out, axis=(0, 2, 3), keepdims=True)
    var = jnp.var(out, axis=(0, 2, 3), keepdims=True)
    out = (out - mean) / jnp.sqrt(var + 1e-5)
    out = out * gamma.reshape(1, -1, 1, 1) + beta.reshape(1, -1, 1, 1)
    # LeakyReLU(0.2)
    out = jnp.where(out > 0, out, 0.2 * out)
    # max over neighbor dim
    return jnp.max(out, axis=-1)  # [B, C_out, N]

if __name__ == "__main__":
    import jax
    _d = setup_inputs()
    print(jax.jit(kernel)(*tuple(_d.values())))

</pallas_src>

<mosaic_0001>
#map = affine_map<(d0, d1) -> (0, 0)>
#map1 = affine_map<(d0, d1) -> (0, 0, 0)>
module attributes {stable_mosaic.version = 14 : i64} {
  func.func @_sc_gather_reduce(%arg0: i32, %arg1: i32, %arg2: memref<10240x64xi32, #tpu.memory_space<hbm>>, %arg3: memref<10240x64xi32, #tpu.memory_space<hbm>>, %arg4: memref<2562x2x128xi32, #tpu.memory_space<hbm>>, %arg5: memref<10240x128xf32, #tpu.memory_space<hbm>>, %arg6: memref<32x128xf32, #tpu.memory_space<hbm>>, %arg7: memref<32x128xf32, #tpu.memory_space<hbm>>, %arg8: memref<2x2x128xi32, #tpu.memory_space<vmem>>, %arg9: memref<2x128x64xi32, #tpu.memory_space<vmem>>, %arg10: memref<2x128x64xi32, #tpu.memory_space<vmem>>, %arg11: memref<2x4x128xf32, #tpu.memory_space<vmem>>, %arg12: memref<2x128xf32, #tpu.memory_space<vmem>>, %arg13: memref<!tpu.dma_semaphore, #tpu.memory_space<semaphore_mem>>, %arg14: memref<!tpu.dma_semaphore, #tpu.memory_space<semaphore_mem>>, %arg15: memref<!tpu.dma_semaphore, #tpu.memory_space<semaphore_mem>>, %arg16: memref<!tpu.dma_semaphore, #tpu.memory_space<semaphore_mem>>, %arg17: memref<!tpu.dma_semaphore, #tpu.memory_space<semaphore_mem>>, %arg18: memref<!tpu.dma_semaphore, #tpu.memory_space<semaphore_mem>>, %arg19: memref<!tpu.dma_semaphore, #tpu.memory_space<semaphore_mem>>, %arg20: memref<!tpu.dma_semaphore, #tpu.memory_space<semaphore_mem>>) attributes {dimension_semantics = [#tpu.dimension_semantics<core_parallel>, #tpu.dimension_semantics<subcore_parallel>], iteration_bounds = array<i64: 2, 16>, scalar_prefetch = 0 : i64, scratch_operands = 13 : i64, tpu.core_type = #tpu.core_type<sc_vector_subcore>, window_params = [{transform_indices = #map}, {transform_indices = #map}, {transform_indices = #map1}, {transform_indices = #map}, {transform_indices = #map}, {transform_indices = #map}]} {
    %mul3A = arith.constant 2 : i32
    %mul3A_0 = arith.muli %arg1, %mul3A : i32
    %add3A = arith.addi %mul3A_0, %arg0 : i32
    %mul3A_1 = arith.constant 80 : i32
    %mul3A_2 = arith.muli %add3A, %mul3A_1 : i32
    %add3A_3 = arith.constant 0 : i32
    %add3A_4 = arith.addi %mul3A_2, %add3A_3 : i32
    %dma_start3A = arith.constant 0 : i32
    %dma_start3A_5 = arith.constant 0 : i32
    %dma_start3A_6 = arith.constant 0 : i32
    %dma_start3A_7 = tpu.memref_slice %arg8[%dma_start3A, %dma_start3A_5, %dma_start3A_6] : memref<2x2x128xi32, #tpu.memory_space<vmem>> -> memref<1x2x128xi32, #tpu.memory_space<vmem>>
    %dma_start3A_8 = tpu.memref_squeeze %dma_start3A_7 : memref<1x2x128xi32, #tpu.memory_space<vmem>> -> memref<2x128xi32, #tpu.memory_space<vmem>>
    %dma_start3A_9 = arith.constant 0 : i32
    %dma_start3A_10 = arith.constant 0 : i32
    %dma_start3A_11 = tpu.memref_slice %arg4[%add3A_4, %dma_start3A_9, %dma_start3A_10] : memref<2562x2x128xi32, #tpu.memory_space<hbm>> -> memref<1x2x128xi32, #tpu.memory_space<hbm>>
    %dma_start3A_12 = tpu.memref_squeeze %dma_start3A_11 : memref<1x2x128xi32, #tpu.memory_space<hbm>> -> memref<2x128xi32, #tpu.memory_space<hbm>>
    %dma_start3A_13 = arith.constant 0 : i32
    %dma_start3A_14 = arith.constant 0 : i32
    %dma_start3A_15 = tpu.memref_slice %arg8[%dma_start3A, %dma_start3A_13, %dma_start3A_14] : memref<2x2x128xi32, #tpu.memory_space<vmem>> -> memref<1x2x128xi32, #tpu.memory_space<vmem>>
    %dma_start3A_16 = tpu.memref_squeeze %dma_start3A_15 : memref<1x2x128xi32, #tpu.memory_space<vmem>> -> memref<2x128xi32, #tpu.memory_space<vmem>>
    %dma_start3A_17 = arith.constant 0 : i32
    %dma_start3A_18 = arith.constant 0 : i32
    %dma_start3A_19 = tpu.memref_slice %arg4[%add3A_4, %dma_start3A_17, %dma_start3A_18] : memref<2562x2x128xi32, #tpu.memory_space<hbm>> -> memref<1x2x128xi32, #tpu.memory_space<hbm>>
    %dma_start3A_20 = tpu.memref_squeeze %dma_start3A_19 : memref<1x2x128xi32, #tpu.memory_space<hbm>> -> memref<2x128xi32, #tpu.memory_space<hbm>>
    tpu.enqueue_dma source(%dma_start3A_20 : memref<2x128xi32, #tpu.memory_space<hbm>>) target(%dma_start3A_16 : memref<2x128xi32, #tpu.memory_space<vmem>>) target_semaphore(%arg13 : memref<!tpu.dma_semaphore, #tpu.memory_space<semaphore_mem>>)
    %dma_wait3A = arith.constant 0 : i32
    %dma_wait3A_21 = arith.constant 0 : i32
    %dma_wait3A_22 = arith.constant 0 : i32
    %dma_wait3A_23 = tpu.memref_slice %arg8[%dma_wait3A, %dma_wait3A_21, %dma_wait3A_22] : memref<2x2x128xi32, #tpu.memory_space<vmem>> -> memref<1x2x128xi32, #tpu.memory_space<vmem>>
    %dma_wait3A_24 = tpu.memref_squeeze %dma_wait3A_23 : memref<1x2x128xi32, #tpu.memory_space<vmem>> -> memref<2x128xi32, #tpu.memory_space<vmem>>
    %dma_wait3A_25 = arith.constant 0 : i32
    %dma_wait3A_26 = arith.constant 0 : i32
    %dma_wait3A_27 = tpu.memref_slice %arg4[%add3A_4, %dma_wait3A_25, %dma_wait3A_26] : memref<2562x2x128xi32, #tpu.memory_space<hbm>> -> memref<1x2x128xi32, #tpu.memory_space<hbm>>
    %dma_wait3A_28 = tpu.memref_squeeze %dma_wait3A_27 : memref<1x2x128xi32, #tpu.memory_space<hbm>> -> memref<2x128xi32, #tpu.memory_space<hbm>>
    %dma_wait3A_29 = arith.constant 0 : i32
    %dma_wait3A_30 = arith.constant 0 : i32
    %dma_wait3A_31 = tpu.memref_slice %arg8[%dma_wait3A, %dma_wait3A_29, %dma_wait3A_30] : memref<2x2x128xi32, #tpu.memory_space<vmem>> -> memref<1x2x128xi32, #tpu.memory_space<vmem>>
    %dma_wait3A_32 = tpu.memref_squeeze %dma_wait3A_31 : memref<1x2x128xi32, #tpu.memory_space<vmem>> -> memref<2x128xi32, #tpu.memory_space<vmem>>
    %dma_wait3A_33 = arith.constant 0 : i32
    %dma_wait3A_34 = arith.constant 0 : i32
    %dma_wait3A_35 = tpu.memref_slice %arg4[%add3A_4, %dma_wait3A_33, %dma_wait3A_34] : memref<2562x2x128xi32, #tpu.memory_space<hbm>> -> memref<1x2x128xi32, #tpu.memory_space<hbm>>
    %dma_wait3A_36 = tpu.memref_squeeze %dma_wait3A_35 : memref<1x2x128xi32, #tpu.memory_space<hbm>> -> memref<2x128xi32, #tpu.memory_space<hbm>>
    tpu.wait_dma2 semaphore(%arg13 : memref<!tpu.dma_semaphore, #tpu.memory_space<semaphore_mem>>) src(%dma_wait3A_36 : memref<2x128xi32, #tpu.memory_space<hbm>>) dst(%dma_wait3A_32 : memref<2x128xi32, #tpu.memory_space<vmem>>)
    %dma_start3A_37 = arith.constant 0 : i32
    %dma_start3A_38 = arith.constant 0 : i32
    %dma_start3A_39 = arith.constant 0 : i32
    %dma_start3A_40 = arith.constant 0 : i32
    %dma_start3A_41 = arith.constant 0 : i32
    %dma_start3A_42 = tpu.memref_slice %arg9[%dma_start3A_39, %dma_start3A_40, %dma_start3A_41] : memref<2x128x64xi32, #tpu.memory_space<vmem>> -> memref<1x128x64xi32, #tpu.memory_space<vmem>>
    %dma_start3A_43 = tpu.memref_squeeze %dma_start3A_42 : memref<1x128x64xi32, #tpu.memory_space<vmem>> -> memref<128x64xi32, #tpu.memory_space<vmem>>
    %dma_start3A_44 = arith.constant 0 : i32
    %dma_start3A_45 = tpu.memref_slice %arg8[%dma_start3A_37, %dma_start3A_38, %dma_start3A_44] : memref<2x2x128xi32, #tpu.memory_space<vmem>> -> memref<1x1x128xi32, #tpu.memory_space<vmem>>
    %dma_start3A_46 = tpu.memref_squeeze %dma_start3A_45 : memref<1x1x128xi32, #tpu.memory_space<vmem>> -> memref<128xi32, #tpu.memory_space<vmem>>
    %dma_start3A_47 = arith.constant 0 : i32
    %dma_start3A_48 = arith.constant 0 : i32
    %dma_start3A_49 = tpu.memref_slice %arg2[%dma_start3A_47, %dma_start3A_48] : memref<10240x64xi32, #tpu.memory_space<hbm>> -> memref<10240x64xi32, #tpu.memory_space<hbm>>
    tpu.enqueue_indirect_dma source(%dma_start3A_49 : memref<10240x64xi32, #tpu.memory_space<hbm>>) target(%dma_start3A_43 : memref<128x64xi32, #tpu.memory_space<vmem>>) offsets(%dma_start3A_46 : memref<128xi32, #tpu.memory_space<vmem>>) semaphore(%arg15 : memref<!tpu.dma_semaphore, #tpu.memory_space<semaphore_mem>>)
    %dma_start3A_50 = arith.constant 0 : i32
    %dma_start3A_51 = arith.constant 1 : i32
    %dma_start3A_52 = arith.constant 0 : i32
    %dma_start3A_53 = arith.constant 0 : i32
    %dma_start3A_54 = arith.constant 0 : i32
    %dma_start3A_55 = tpu.memref_slice %arg10[%dma_start3A_52, %dma_start3A_53, %dma_start3A_54] : memref<2x128x64xi32, #tpu.memory_space<vmem>> -> memref<1x128x64xi32, #tpu.memory_space<vmem>>
    %dma_start3A_56 = tpu.memref_squeeze %dma_start3A_55 : memref<1x128x64xi32, #tpu.memory_space<vmem>> -> memref<128x64xi32, #tpu.memory_space<vmem>>
    %dma_start3A_57 = arith.constant 0 : i32
    %dma_start3A_58 = tpu.memref_slice %arg8[%dma_start3A_50, %dma_start3A_51, %dma_start3A_57] : memref<2x2x128xi32, #tpu.memory_space<vmem>> -> memref<1x1x128xi32, #tpu.memory_space<vmem>>
    %dma_start3A_59 = tpu.memref_squeeze %dma_start3A_58 : memref<1x1x128xi32, #tpu.memory_space<vmem>> -> memref<128xi32, #tpu.memory_space<vmem>>
    %dma_start3A_60 = arith.constant 0 : i32
    %dma_start3A_61 = arith.constant 0 : i32
    %dma_start3A_62 = tpu.memref_slice %arg3[%dma_start3A_60, %dma_start3A_61] : memref<10240x64xi32, #tpu.memory_space<hbm>> -> memref<10240x64xi32, #tpu.memory_space<hbm>>
    tpu.enqueue_indirect_dma source(%dma_start3A_62 : memref<10240x64xi32, #tpu.memory_space<hbm>>) target(%dma_start3A_56 : memref<128x64xi32, #tpu.memory_space<vmem>>) offsets(%dma_start3A_59 : memref<128xi32, #tpu.memory_space<vmem>>) semaphore(%arg17 : memref<!tpu.dma_semaphore, #tpu.memory_space<semaphore_mem>>)
    %add3A_63 = arith.constant 1 : i32
    %add3A_64 = arith.addi %mul3A_2, %add3A_63 : i32
    %dma_start3A_65 = arith.constant 1 : i32
    %dma_start3A_66 = arith.constant 0 : i32
    %dma_start3A_67 = arith.constant 0 : i32
    %dma_start3A_68 = tpu.memref_slice %arg8[%dma_start3A_65, %dma_start3A_66, %dma_start3A_67] : memref<2x2x128xi32, #tpu.memory_space<vmem>> -> memref<1x2x128xi32, #tpu.memory_space<vmem>>
    %dma_start3A_69 = tpu.memref_squeeze %dma_start3A_68 : memref<1x2x128xi32, #tpu.memory_space<vmem>> -> memref<2x128xi32, #tpu.memory_space<vmem>>
    %dma_start3A_70 = arith.constant 0 : i32
    %dma_start3A_71 = arith.constant 0 : i32
    %dma_start3A_72 = tpu.memref_slice %arg4[%add3A_64, %dma_start3A_70, %dma_start3A_71] : memref<2562x2x128xi32, #tpu.memory_space<hbm>> -> memref<1x2x128xi32, #tpu.memory_space<hbm>>
    %dma_start3A_73 = tpu.memref_squeeze %dma_start3A_72 : memref<1x2x128xi32, #tpu.memory_space<hbm>> -> memref<2x128xi32, #tpu.memory_space<hbm>>
    %dma_start3A_74 = arith.constant 0 : i32
    %dma_start3A_75 = arith.constant 0 : i32
    %dma_start3A_76 = tpu.memref_slice %arg8[%dma_start3A_65, %dma_start3A_74, %dma_start3A_75] : memref<2x2x128xi32, #tpu.memory_space<vmem>> -> memref<1x2x128xi32, #tpu.memory_space<vmem>>
    %dma_start3A_77 = tpu.memref_squeeze %dma_start3A_76 : memref<1x2x128xi32, #tpu.memory_space<vmem>> -> memref<2x128xi32, #tpu.memory_space<vmem>>
    %dma_start3A_78 = arith.constant 0 : i32
    %dma_start3A_79 = arith.constant 0 : i32
    %dma_start3A_80 = tpu.memref_slice %arg4[%add3A_64, %dma_start3A_78, %dma_start3A_79] : memref<2562x2x128xi32, #tpu.memory_space<hbm>> -> memref<1x2x128xi32, #tpu.memory_space<hbm>>
    %dma_start3A_81 = tpu.memref_squeeze %dma_start3A_80 : memref<1x2x128xi32, #tpu.memory_space<hbm>> -> memref<2x128xi32, #tpu.memory_space<hbm>>
    tpu.enqueue_dma source(%dma_start3A_81 : memref<2x128xi32, #tpu.memory_space<hbm>>) target(%dma_start3A_77 : memref<2x128xi32, #tpu.memory_space<vmem>>) target_semaphore(%arg14 : memref<!tpu.dma_semaphore, #tpu.memory_space<semaphore_mem>>)
    %broadcast_in_dim3A = arith.constant 0.000000e+00 : f32
    %broadcast_in_dim3A_82 = vector.broadcast %broadcast_in_dim3A : f32 to vector<16xf32>
    %broadcast_in_dim3A_83 = arith.constant -65536 : i32
    %broadcast_in_dim3A_84 = vector.broadcast %broadcast_in_dim3A_83 : i32 to vector<16xi32>
    %scan3A = arith.constant 0 : i32
    %scan3A_85 = arith.constant 40 : i32
    %scan3A_86 = arith.addi %scan3A, %scan3A_85 : i32
    %scan3A_87 = arith.constant 1 : i32
    %scan3A_88:16 = scf.for %scan3A_264 = %scan3A to %scan3A_86 step %scan3A_87 iter_args(%scan3A_265 = %broadcast_in_dim3A_82, %scan3A_266 = %broadcast_in_dim3A_82, %scan3A_267 = %broadcast_in_dim3A_82, %scan3A_268 = %broadcast_in_dim3A_82, %scan3A_269 = %broadcast_in_dim3A_82, %scan3A_270 = %broadcast_in_dim3A_82, %scan3A_271 = %broadcast_in_dim3A_82, %scan3A_272 = %broadcast_in_dim3A_82, %scan3A_273 = %broadcast_in_dim3A_82, %scan3A_274 = %broadcast_in_dim3A_82, %scan3A_275 = %broadcast_in_dim3A_82, %scan3A_276 = %broadcast_in_dim3A_82, %scan3A_277 = %broadcast_in_dim3A_82, %scan3A_278 = %broadcast_in_dim3A_82, %scan3A_279 = %broadcast_in_dim3A_82, %scan3A_280 = %broadcast_in_dim3A_82) -> (vector<16xf32>, vector<16xf32>, vector<16xf32>, vector<16xf32>, vector<16xf32>, vector<16xf32>, vector<16xf32>, vector<16xf32>, vector<16xf32>, vector<16xf32>, vector<16xf32>, vector<16xf32>, vector<16xf32>, vector<16xf32>, vector<16xf32>, vector<16xf32>)  : i32 {
      %mul3A_281 = arith.constant 2 : i32
      %mul3A_282 = arith.muli %scan3A_264, %mul3A_281 : i32
      %eq3A = arith.constant 0 : i32
      %eq3A_283 = arith.cmpi eq, %scan3A_264, %eq3A : i32
      %add3A_284 = arith.constant 0 : i32
      %add3A_285 = arith.addi %mul3A_282, %add3A_284 : i32
      %dma_wait3A_286 = arith.constant 0 : i32
      %dma_wait3A_287 = arith.constant 1 : i32
      %dma_wait3A_288 = arith.constant 0 : i32
      %dma_wait3A_289 = arith.constant 0 : i32
      %dma_wait3A_290 = tpu.memref_slice %arg8[%dma_wait3A_287, %dma_wait3A_288, %dma_wait3A_289] : memref<2x2x128xi32, #tpu.memory_space<vmem>> -> memref<1x2x128xi32, #tpu.memory_space<vmem>>
      %dma_wait3A_291 = tpu.memref_squeeze %dma_wait3A_290 : memref<1x2x128xi32, #tpu.memory_space<vmem>> -> memref<2x128xi32, #tpu.memory_space<vmem>>
      %dma_wait3A_292 = arith.constant 0 : i32
      %dma_wait3A_293 = arith.constant 0 : i32
      %dma_wait3A_294 = tpu.memref_slice %arg4[%dma_wait3A_286, %dma_wait3A_292, %dma_wait3A_293] : memref<2562x2x128xi32, #tpu.memory_space<hbm>> -> memref<1x2x128xi32, #tpu.memory_space<hbm>>
      %dma_wait3A_295 = tpu.memref_squeeze %dma_wait3A_294 : memref<1x2x128xi32, #tpu.memory_space<hbm>> -> memref<2x128xi32, #tpu.memory_space<hbm>>
      %dma_wait3A_296 = arith.constant 0 : i32
      %dma_wait3A_297 = arith.constant 0 : i32
      %dma_wait3A_298 = tpu.memref_slice %arg8[%dma_wait3A_287, %dma_wait3A_296, %dma_wait3A_297] : memref<2x2x128xi32, #tpu.memory_space<vmem>> -> memref<1x2x128xi32, #tpu.memory_space<vmem>>
      %dma_wait3A_299 = tpu.memref_squeeze %dma_wait3A_298 : memref<1x2x128xi32, #tpu.memory_space<vmem>> -> memref<2x128xi32, #tpu.memory_space<vmem>>
      %dma_wait3A_300 = arith.constant 0 : i32
      %dma_wait3A_301 = arith.constant 0 : i32
      %dma_wait3A_302 = tpu.memref_slice %arg4[%dma_wait3A_286, %dma_wait3A_300, %dma_wait3A_301] : memref<2562x2x128xi32, #tpu.memory_space<hbm>> -> memref<1x2x128xi32, #tpu.memory_space<hbm>>
      %dma_wait3A_303 = tpu.memref_squeeze %dma_wait3A_302 : memref<1x2x128xi32, #tpu.memory_space<hbm>> -> memref<2x128xi32, #tpu.memory_space<hbm>>
      tpu.wait_dma2 semaphore(%arg14 : memref<!tpu.dma_semaphore, #tpu.memory_space<semaphore_mem>>) src(%dma_wait3A_303 : memref<2x128xi32, #tpu.memory_space<hbm>>) dst(%dma_wait3A_299 : memref<2x128xi32, #tpu.memory_space<vmem>>)
      %dma_start3A_304 = arith.constant 1 : i32
      %dma_start3A_305 = arith.constant 0 : i32
      %dma_start3A_306 = arith.constant 1 : i32
      %dma_start3A_307 = arith.constant 0 : i32
      %dma_start3A_308 = arith.constant 0 : i32
      %dma_start3A_309 = tpu.memref_slice %arg9[%dma_start3A_306, %dma_start3A_307, %dma_start3A_308] : memref<2x128x64xi32, #tpu.memory_space<vmem>> -> memref<1x128x64xi32, #tpu.memory_space<vmem>>
      %dma_start3A_310 = tpu.memref_squeeze %dma_start3A_309 : memref<1x128x64xi32, #tpu.memory_space<vmem>> -> memref<128x64xi32, #tpu.memory_space<vmem>>
      %dma_start3A_311 = arith.constant 0 : i32
      %dma_start3A_312 = tpu.memref_slice %arg8[%dma_start3A_304, %dma_start3A_305, %dma_start3A_311] : memref<2x2x128xi32, #tpu.memory_space<vmem>> -> memref<1x1x128xi32, #tpu.memory_space<vmem>>
      %dma_start3A_313 = tpu.memref_squeeze %dma_start3A_312 : memref<1x1x128xi32, #tpu.memory_space<vmem>> -> memref<128xi32, #tpu.memory_space<vmem>>
      %dma_start3A_314 = arith.constant 0 : i32
      %dma_start3A_315 = arith.constant 0 : i32
      %dma_start3A_316 = tpu.memref_slice %arg2[%dma_start3A_314, %dma_start3A_315] : memref<10240x64xi32, #tpu.memory_space<hbm>> -> memref<10240x64xi32, #tpu.memory_space<hbm>>
      tpu.enqueue_indirect_dma source(%dma_start3A_316 : memref<10240x64xi32, #tpu.memory_space<hbm>>) target(%dma_start3A_310 : memref<128x64xi32, #tpu.memory_space<vmem>>) offsets(%dma_start3A_313 : memref<128xi32, #tpu.memory_space<vmem>>) semaphore(%arg16 : memref<!tpu.dma_semaphore, #tpu.memory_space<semaphore_mem>>)
      %dma_start3A_317 = arith.constant 1 : i32
      %dma_start3A_318 = arith.constant 1 : i32
      %dma_start3A_319 = arith.constant 1 : i32
      %dma_start3A_320 = arith.constant 0 : i32
      %dma_start3A_321 = arith.constant 0 : i32
      %dma_start3A_322 = tpu.memref_slice %arg10[%dma_start3A_319, %dma_start3A_320, %dma_start3A_321] : memref<2x128x64xi32, #tpu.memory_space<vmem>> -> memref<1x128x64xi32, #tpu.memory_space<vmem>>
      %dma_start3A_323 = tpu.memref_squeeze %dma_start3A_322 : memref<1x128x64xi32, #tpu.memory_space<vmem>> -> memref<128x64xi32, #tpu.memory_space<vmem>>
      %dma_start3A_324 = arith.constant 0 : i32
      %dma_start3A_325 = tpu.memref_slice %arg8[%dma_start3A_317, %dma_start3A_318, %dma_start3A_324] : memref<2x2x128xi32, #tpu.memory_space<vmem>> -> memref<1x1x128xi32, #tpu.memory_space<vmem>>
      %dma_start3A_326 = tpu.memref_squeeze %dma_start3A_325 : memref<1x1x128xi32, #tpu.memory_space<vmem>> -> memref<128xi32, #tpu.memory_space<vmem>>
      %dma_start3A_327 = arith.constant 0 : i32
      %dma_start3A_328 = arith.constant 0 : i32
      %dma_start3A_329 = tpu.memref_slice %arg3[%dma_start3A_327, %dma_start3A_328] : memref<10240x64xi32, #tpu.memory_space<hbm>> -> memref<10240x64xi32, #tpu.memory_space<hbm>>
      tpu.enqueue_indirect_dma source(%dma_start3A_329 : memref<10240x64xi32, #tpu.memory_space<hbm>>) target(%dma_start3A_323 : memref<128x64xi32, #tpu.memory_space<vmem>>) offsets(%dma_start3A_326 : memref<128xi32, #tpu.memory_space<vmem>>) semaphore(%arg18 : memref<!tpu.dma_semaphore, #tpu.memory_space<semaphore_mem>>)
      %dma_wait3A_330 = arith.constant 0 : i32
      %dma_wait3A_331 = arith.constant 0 : i32
      %dma_wait3A_332 = arith.constant 0 : i32
      %dma_wait3A_333 = tpu.memref_slice %arg9[%dma_wait3A_330, %dma_wait3A_331, %dma_wait3A_332] : memref<2x128x64xi32, #tpu.memory_space<vmem>> -> memref<1x128x64xi32, #tpu.memory_space<vmem>>
      %dma_wait3A_334 = tpu.memref_squeeze %dma_wait3A_333 : memref<1x128x64xi32, #tpu.memory_space<vmem>> -> memref<128x64xi32, #tpu.memory_space<vmem>>
      %dma_wait3A_335 = arith.constant 0 : i32
      %dma_wait3A_336 = arith.constant 0 : i32
      %dma_wait3A_337 = tpu.memref_slice %arg2[%dma_wait3A_335, %dma_wait3A_336] : memref<10240x64xi32, #tpu.memory_space<hbm>> -> memref<128x64xi32, #tpu.memory_space<hbm>>
      %dma_wait3A_338 = arith.constant 0 : i32
      %dma_wait3A_339 = arith.constant 0 : i32
      %dma_wait3A_340 = tpu.memref_slice %arg9[%dma_wait3A_330, %dma_wait3A_338, %dma_wait3A_339] : memref<2x128x64xi32, #tpu.memory_space<vmem>> -> memref<1x128x64xi32, #tpu.memory_space<vmem>>
      %dma_wait3A_341 = tpu.memref_squeeze %dma_wait3A_340 : memref<1x128x64xi32, #tpu.memory_space<vmem>> -> memref<128x64xi32, #tpu.memory_space<vmem>>
      %dma_wait3A_342 = arith.constant 0 : i32
      %dma_wait3A_343 = arith.constant 0 : i32
      %dma_wait3A_344 = tpu.memref_slice %arg2[%dma_wait3A_342, %dma_wait3A_343] : memref<10240x64xi32, #tpu.memory_space<hbm>> -> memref<128x64xi32, #tpu.memory_space<hbm>>
      tpu.wait_dma2 semaphore(%arg15 : memref<!tpu.dma_semaphore, #tpu.memory_space<semaphore_mem>>) src(%dma_wait3A_344 : memref<128x64xi32, #tpu.memory_space<hbm>>) dst(%dma_wait3A_341 : memref<128x64xi32, #tpu.memory_space<vmem>>)
      %dma_wait3A_345 = arith.constant 0 : i32
      %dma_wait3A_346 = arith.constant 0 : i32
      %dma_wait3A_347 = arith.constant 0 : i32
      %dma_wait3A_348 = tpu.memref_slice %arg10[%dma_wait3A_345, %dma_wait3A_346, %dma_wait3A_347] : memref<2x128x64xi32, #tpu.memory_space<vmem>> -> memref<1x128x64xi32, #tpu.memory_space<vmem>>
      %dma_wait3A_349 = tpu.memref_squeeze %dma_wait3A_348 : memref<1x128x64xi32, #tpu.memory_space<vmem>> -> memref<128x64xi32, #tpu.memory_space<vmem>>
      %dma_wait3A_350 = arith.constant 0 : i32
      %dma_wait3A_351 = arith.constant 0 : i32
      %dma_wait3A_352 = tpu.memref_slice %arg3[%dma_wait3A_350, %dma_wait3A_351] : memref<10240x64xi32, #tpu.memory_space<hbm>> -> memref<128x64xi32, #tpu.memory_space<hbm>>
      %dma_wait3A_353 = arith.constant 0 : i32
      %dma_wait3A_354 = arith.constant 0 : i32
      %dma_wait3A_355 = tpu.memref_slice %arg10[%dma_wait3A_345, %dma_wait3A_353, %dma_wait3A_354] : memref<2x128x64xi32, #tpu.memory_space<vmem>> -> memref<1x128x64xi32, #tpu.memory_space<vmem>>
      %dma_wait3A_356 = tpu.memref_squeeze %dma_wait3A_355 : memref<1x128x64xi32, #tpu.memory_space<vmem>> -> memref<128x64xi32, #tpu.memory_space<vmem>>
      %dma_wait3A_357 = arith.constant 0 : i32
      %dma_wait3A_358 = arith.constant 0 : i32
      %dma_wait3A_359 = tpu.memref_slice %arg3[%dma_wait3A_357, %dma_wait3A_358] : memref<10240x64xi32, #tpu.memory_space<hbm>> -> memref<128x64xi32, #tpu.memory_space<hbm>>
      tpu.wait_dma2 semaphore(%arg17 : memref<!tpu.dma_semaphore, #tpu.memory_space<semaphore_mem>>) src(%dma_wait3A_359 : memref<128x64xi32, #tpu.memory_space<hbm>>) dst(%dma_wait3A_356 : memref<128x64xi32, #tpu.memory_space<vmem>>)
      %add3A_360 = arith.constant 2 : i32
      %add3A_361 = arith.addi %add3A_285, %add3A_360 : i32
      %add3A_362 = arith.addi %mul3A_2, %add3A_361 : i32
      %dma_start3A_363 = arith.constant 0 : i32
      %dma_start3A_364 = arith.constant 0 : i32
      %dma_start3A_365 = arith.constant 0 : i32
      %dma_start3A_366 = tpu.memref_slice %arg8[%dma_start3A_363, %dma_start3A_364, %dma_start3A_365] : memref<2x2x128xi32, #tpu.memory_space<vmem>> -> memref<1x2x128xi32, #tpu.memory_space<vmem>>
      %dma_start3A_367 = tpu.memref_squeeze %dma_start3A_366 : memref<1x2x128xi32, #tpu.memory_space<vmem>> -> memref<2x128xi32, #tpu.memory_space<vmem>>
      %dma_start3A_368 = arith.constant 0 : i32
      %dma_start3A_369 = arith.constant 0 : i32
      %dma_start3A_370 = tpu.memref_slice %arg4[%add3A_362, %dma_start3A_368, %dma_start3A_369] : memref<2562x2x128xi32, #tpu.memory_space<hbm>> -> memref<1x2x128xi32, #tpu.memory_space<hbm>>
      %dma_start3A_371 = tpu.memref_squeeze %dma_start3A_370 : memref<1x2x128xi32, #tpu.memory_space<hbm>> -> memref<2x128xi32, #tpu.memory_space<hbm>>
      %dma_start3A_372 = arith.constant 0 : i32
      %dma_start3A_373 = arith.constant 0 : i32
      %dma_start3A_374 = tpu.memref_slice %arg8[%dma_start3A_363, %dma_start3A_372, %dma_start3A_373] : memref<2x2x128xi32, #tpu.memory_space<vmem>> -> memref<1x2x128xi32, #tpu.memory_space<vmem>>
      %dma_start3A_375 = tpu.memref_squeeze %dma_start3A_374 : memref<1x2x128xi32, #tpu.memory_space<vmem>> -> memref<2x128xi32, #tpu.memory_space<vmem>>
      %dma_start3A_376 = arith.constant 0 : i32
      %dma_start3A_377 = arith.constant 0 : i32
      %dma_start3A_378 = tpu.memref_slice %arg4[%add3A_362, %dma_start3A_376, %dma_start3A_377] : memref<2562x2x128xi32, #tpu.memory_space<hbm>> -> memref<1x2x128xi32, #tpu.memory_space<hbm>>
      %dma_start3A_379 = tpu.memref_squeeze %dma_start3A_378 : memref<1x2x128xi32, #tpu.memory_space<hbm>> -> memref<2x128xi32, #tpu.memory_space<hbm>>
      tpu.enqueue_dma source(%dma_start3A_379 : memref<2x128xi32, #tpu.memory_space<hbm>>) target(%dma_start3A_375 : memref<2x128xi32, #tpu.memory_space<vmem>>) target_semaphore(%arg13 : memref<!tpu.dma_semaphore, #tpu.memory_space<semaphore_mem>>)
      %get3A = arith.constant 0 : i32
      %get3A_380 = arith.constant 0 : i32
      %get3A_381 = arith.constant 0 : i32
      %get3A_382 = arith.constant 0 : i32
      %get3A_383 = tpu.memref_slice %arg9[%get3A, %get3A_381, %get3A_382] : memref<2x128x64xi32, #tpu.memory_space<vmem>> -> memref<1x128x64xi32, #tpu.memory_space<vmem>>
      %get3A_384 = tpu.memref_squeeze %get3A_383 : memref<1x128x64xi32, #tpu.memory_space<vmem>> -> memref<128x64xi32, #tpu.memory_space<vmem>>
      %get3A_385 = arith.index_cast %get3A_380 : i32 to index
      %get3A_386 = arith.constant 0 : index
      %get3A_387 = tpu.vector_load %get3A_384[%get3A_385, %get3A_386] {strides = array<i32>} : memref<128x64xi32, #tpu.memory_space<vmem>>, vector<1x16xi32>,
      %get3A_388 = vector.shape_cast %get3A_387 : vector<1x16xi32> to vector<16xi32>
      %shift_left3A = arith.constant 16 : i32
      %shift_left3A_389 = vector.broadcast %shift_left3A : i32 to vector<16xi32>
      %shift_left3A_390 = arith.shli %get3A_388, %shift_left3A_389 : vector<16xi32>
      %bitcast_convert_type3A = tpu.bitcast %shift_left3A_390 : vector<16xi32> -> vector<16xf32>
      %and3A = arith.andi %get3A_388, %broadcast_in_dim3A_84 : vector<16xi32>
      %bitcast_convert_type3A_391 = tpu.bitcast %and3A : vector<16xi32> -> vector<16xf32>
      %get3A_392 = arith.constant 0 : i32
      %get3A_393 = arith.constant 0 : i32
      %get3A_394 = arith.constant 0 : i32
      %get3A_395 = arith.constant 0 : i32
      %get3A_396 = tpu.memref_slice %arg10[%get3A_392, %get3A_394, %get3A_395] : memref<2x128x64xi32, #tpu.memory_space<vmem>> -> memref<1x128x64xi32, #tpu.memory_space<vmem>>
      %get3A_397 = tpu.memref_squeeze %get3A_396 : memref<1x128x64xi32, #tpu.memory_space<vmem>> -> memref<128x64xi32, #tpu.memory_space<vmem>>
      %get3A_398 = arith.index_cast %get3A_393 : i32 to index
      %get3A_399 = arith.constant 0 : index
      %get3A_400 = tpu.vector_load %get3A_397[%get3A_398, %get3A_399] {strides = array<i32>} : memref<128x64xi32, #tpu.memory_space<vmem>>, vector<1x16xi32>,
      %get3A_401 = vector.shape_cast %get3A_400 : vector<1x16xi32> to vector<16xi32>
      %shift_left3A_402 = arith.constant 16 : i32
      %shift_left3A_403 = vector.broadcast %shift_left3A_402 : i32 to vector<16xi32>
      %shift_left3A_404 = arith.shli %get3A_401, %shift_left3A_403 : vector<16xi32>
      %bitcast_convert_type3A_405 = tpu.bitcast %shift_left3A_404 : vector<16xi32> -> vector<16xf32>
      %and3A_406 = arith.andi %get3A_401, %broadcast_in_dim3A_84 : vector<16xi32>
      %bitcast_convert_type3A_407 = tpu.bitcast %and3A_406 : vector<16xi32> -> vector<16xf32>
      %get3A_408 = arith.constant 0 : i32
      %get3A_409 = arith.constant 0 : i32
      %get3A_410 = arith.constant 0 : i32
      %get3A_411 = arith.constant 0 : i32
      %get3A_412 = tpu.memref_slice %arg9[%get3A_408, %get3A_410, %get3A_411] : memref<2x128x64xi32, #tpu.memory_space<vmem>> -> memref<1x128x64xi32, #tpu.memory_space<vmem>>
      %get3A_413 = tpu.memref_squeeze %get3A_412 : memref<1x128x64xi32, #tpu.memory_space<vmem>> -> memref<128x64xi32, #tpu.memory_space<vmem>>
      %get3A_414 = arith.index_cast %get3A_409 : i32 to index
      %get3A_415 = arith.constant 16 : index
      %get3A_416 = tpu.vector_load %get3A_413[%get3A_414, %get3A_415] {strides = array<i32>} : memref<128x64xi32, #tpu.memory_space<vmem>>, vector<1x16xi32>,
      %get3A_417 = vector.shape_cast %get3A_416 : vector<1x16xi32> to vector<16xi32>
      %shift_left3A_418 = arith.constant 16 : i32
      %shift_left3A_419 = vector.broadcast %shift_left3A_418 : i32 to vector<16xi32>
      %shift_left3A_420 = arith.shli %get3A_417, %shift_left3A_419 : vector<16xi32>
      %bitcast_convert_type3A_421 = tpu.bitcast %shift_left3A_420 : vector<16xi32> -> vector<16xf32>
      %and3A_422 = arith.andi %get3A_417, %broadcast_in_dim3A_84 : vector<16xi32>
      %bitcast_convert_type3A_423 = tpu.bitcast %and3A_422 : vector<16xi32> -> vector<16xf32>
      %get3A_424 = arith.constant 0 : i32
      %get3A_425 = arith.constant 0 : i32
      %get3A_426 = arith.constant 0 : i32
      %get3A_427 = arith.constant 0 : i32
      %get3A_428 = tpu.memref_slice %arg10[%get3A_424, %get3A_426, %get3A_427] : memref<2x128x64xi32, #tpu.memory_space<vmem>> -> memref<1x128x64xi32, #tpu.memory_space<vmem>>
      %get3A_429 = tpu.memref_squeeze %get3A_428 : memref<1x128x64xi32, #tpu.memory_space<vmem>> -> memref<128x64xi32, #tpu.memory_space<vmem>>
      %get3A_430 = arith.index_cast %get3A_425 : i32 to index
      %get3A_431 = arith.constant 16 : index
      %get3A_432 = tpu.vector_load %get3A_429[%get3A_430, %get3A_431] {strides = array<i32>} : memref<128x64xi32, #tpu.memory_space<vmem>>, vector<1x16xi32>,
      %get3A_433 = vector.shape_cast %get3A_432 : vector<1x16xi32> to vector<16xi32>
      %shift_left3A_434 = arith.constant 16 : i32
      %shift_left3A_435 = vector.broadcast %shift_left3A_434 : i32 to vector<16xi32>
      %shift_left3A_436 = arith.shli %get3A_433, %shift_left3A_435 : vector<16xi32>
      %bitcast_convert_type3A_437 = tpu.bitcast %shift_left3A_436 : vector<16xi32> -> vector<16xf32>
      %and3A_438 = arith.andi %get3A_433, %broadcast_in_dim3A_84 : vector<16xi32>
      %bitcast_convert_type3A_439 = tpu.bitcast %and3A_438 : vector<16xi32> -> vector<16xf32>
      %get3A_440 = arith.constant 0 : i32
      %get3A_441 = arith.constant 0 : i32
      %get3A_442 = arith.constant 0 : i32
      %get3A_443 = arith.constant 0 : i32
      %get3A_444 = tpu.memref_slice %arg9[%get3A_440, %get3A_442, %get3A_443] : memref<2x128x64xi32, #tpu.memory_space<vmem>> -> memref<1x128x64xi32, #tpu.memory_space<vmem>>
      %get3A_445 = tpu.memref_squeeze %get3A_444 : memref<1x128x64xi32, #tpu.memory_space<vmem>> -> memref<128x64xi32, #tpu.memory_space<vmem>>
      %get3A_446 = arith.index_cast %get3A_441 : i32 to index
      %get3A_447 = arith.constant 32 : index
      %get3A_448 = tpu.vector_load %get3A_445[%get3A_446, %get3A_447] {strides = array<i32>} : memref<128x64xi32, #tpu.memory_space<vmem>>, vector<1x16xi32>,
      %get3A_449 = vector.shape_cast %get3A_448 : vector<1x16xi32> to vector<16xi32>
      %shift_left3A_450 = arith.constant 16 : i32
      %shift_left3A_451 = vector.broadcast %shift_left3A_450 : i32 to vector<16xi32>
      %shift_left3A_452 = arith.shli %get3A_449, %shift_left3A_451 : vector<16xi32>
      %bitcast_convert_type3A_453 = tpu.bitcast %shift_left3A_452 : vector<16xi32> -> vector<16xf32>
      %and3A_454 = arith.andi %get3A_449, %broadcast_in_dim3A_84 : vector<16xi32>
      %bitcast_convert_type3A_455 = tpu.bitcast %and3A_454 : vector<16xi32> -> vector<16xf32>
      %get3A_456 = arith.constant 0 : i32
      %get3A_457 = arith.constant 0 : i32
      %get3A_458 = arith.constant 0 : i32
      %get3A_459 = arith.constant 0 : i32
      %get3A_460 = tpu.memref_slice %arg10[%get3A_456, %get3A_458, %get3A_459] : memref<2x128x64xi32, #tpu.memory_space<vmem>> -> memref<1x128x64xi32, #tpu.memory_space<vmem>>
      %get3A_461 = tpu.memref_squeeze %get3A_460 : memref<1x128x64xi32, #tpu.memory_space<vmem>> -> memref<128x64xi32, #tpu.memory_space<vmem>>
      %get3A_462 = arith.index_cast %get3A_457 : i32 to index
      %get3A_463 = arith.constant 32 : index
      %get3A_464 = tpu.vector_load %get3A_461[%get3A_462, %get3A_463] {strides = array<i32>} : memref<128x64xi32, #tpu.memory_space<vmem>>, vector<1x16xi32>,
      %get3A_465 = vector.shape_cast %get3A_464 : vector<1x16xi32> to vector<16xi32>
      %shift_left3A_466 = arith.constant 16 : i32
      %shift_left3A_467 = vector.broadcast %shift_left3A_466 : i32 to vector<16xi32>
      %shift_left3A_468 = arith.shli %get3A_465, %shift_left3A_467 : vector<16xi32>
      %bitcast_convert_type3A_469 = tpu.bitcast %shift_left3A_468 : vector<16xi32> -> vector<16xf32>
      %and3A_470 = arith.andi %get3A_465, %broadcast_in_dim3A_84 : vector<16xi32>
      %bitcast_convert_type3A_471 = tpu.bitcast %and3A_470 : vector<16xi32> -> vector<16xf32>
      %get3A_472 = arith.constant 0 : i32
      %get3A_473 = arith.constant 0 : i32
      %get3A_474 = arith.constant 0 : i32
      %get3A_475 = arith.constant 0 : i32
      %get3A_476 = tpu.memref_slice %arg9[%get3A_472, %get3A_474, %get3A_475] : memref<2x128x64xi32, #tpu.memory_space<vmem>> -> memref<1x128x64xi32, #tpu.memory_space<vmem>>
      %get3A_477 = tpu.memref_squeeze %get3A_476 : memref<1x128x64xi32, #tpu.memory_space<vmem>> -> memref<128x64xi32, #tpu.memory_space<vmem>>
      %get3A_478 = arith.index_cast %get3A_473 : i32 to index
      %get3A_479 = arith.constant 48 : index
      %get3A_480 = tpu.vector_load %get3A_477[%get3A_478, %get3A_479] {strides = array<i32>} : memref<128x64xi32, #tpu.memory_space<vmem>>, vector<1x16xi32>,
      %get3A_481 = vector.shape_cast %get3A_480 : vector<1x16xi32> to vector<16xi32>
      %shift_left3A_482 = arith.constant 16 : i32
      %shift_left3A_483 = vector.broadcast %shift_left3A_482 : i32 to vector<16xi32>
      %shift_left3A_484 = arith.shli %get3A_481, %shift_left3A_483 : vector<16xi32>
      %bitcast_convert_type3A_485 = tpu.bitcast %shift_left3A_484 : vector<16xi32> -> vector<16xf32>
      %and3A_486 = arith.andi %get3A_481, %broadcast_in_dim3A_84 : vector<16xi32>
      %bitcast_convert_type3A_487 = tpu.bitcast %and3A_486 : vector<16xi32> -> vector<16xf32>
      %get3A_488 = arith.constant 0 : i32
      %get3A_489 = arith.constant 0 : i32
      %get3A_490 = arith.constant 0 : i32
      %get3A_491 = arith.constant 0 : i32
      %get3A_492 = tpu.memref_slice %arg10[%get3A_488, %get3A_490, %get3A_491] : memref<2x128x64xi32, #tpu.memory_space<vmem>> -> memref<1x128x64xi32, #tpu.memory_space<vmem>>
      %get3A_493 = tpu.memref_squeeze %get3A_492 : memref<1x128x64xi32, #tpu.memory_space<vmem>> -> memref<128x64xi32, #tpu.memory_space<vmem>>
      %get3A_494 = arith.index_cast %get3A_489 : i32 to index
      %get3A_495 = arith.constant 48 : index
      %get3A_496 = tpu.vector_load %get3A_493[%get3A_494, %get3A_495] {strides = array<i32>} : memref<128x64xi32, #tpu.memory_space<vmem>>, vector<1x16xi32>,
      %get3A_497 = vector.shape_cast %get3A_496 : vector<1x16xi32> to vector<16xi32>
      %shift_left3A_498 = arith.constant 16 : i32
      %shift_left3A_499 = vector.broadcast %shift_left3A_498 : i32 to vector<16xi32>
      %shift_left3A_500 = arith.shli %get3A_497, %shift_left3A_499 : vector<16xi32>
      %bitcast_convert_type3A_501 = tpu.bitcast %shift_left3A_500 : vector<16xi32> -> vector<16xf32>
      %and3A_502 = arith.andi %get3A_497, %broadcast_in_dim3A_84 : vector<16xi32>
      %bitcast_convert_type3A_503 = tpu.bitcast %and3A_502 : vector<16xi32> -> vector<16xf32>
      %add3A_504 = arith.addf %bitcast_convert_type3A, %bitcast_convert_type3A_405 : vector<16xf32>
      %add3A_505 = arith.addf %scan3A_265, %add3A_504 : vector<16xf32>
      %mul3A_506 = arith.mulf %add3A_504, %add3A_504 : vector<16xf32>
      %add3A_507 = arith.addf %scan3A_273, %mul3A_506 : vector<16xf32>
      %add3A_508 = arith.addf %bitcast_convert_type3A_391, %bitcast_convert_type3A_407 : vector<16xf32>
      %add3A_509 = arith.addf %scan3A_266, %add3A_508 : vector<16xf32>
      %mul3A_510 = arith.mulf %add3A_508, %add3A_508 : vector<16xf32>
      %add3A_511 = arith.addf %scan3A_274, %mul3A_510 : vector<16xf32>
      %add3A_512 = arith.addf %bitcast_convert_type3A_421, %bitcast_convert_type3A_437 : vector<16xf32>
      %add3A_513 = arith.addf %scan3A_267, %add3A_512 : vector<16xf32>
      %mul3A_514 = arith.mulf %add3A_512, %add3A_512 : vector<16xf32>
      %add3A_515 = arith.addf %scan3A_275, %mul3A_514 : vector<16xf32>
      %add3A_516 = arith.addf %bitcast_convert_type3A_423, %bitcast_convert_type3A_439 : vector<16xf32>
      %add3A_517 = arith.addf %scan3A_268, %add3A_516 : vector<16xf32>
      %mul3A_518 = arith.mulf %add3A_516, %add3A_516 : vector<16xf32>
      %add3A_519 = arith.addf %scan3A_276, %mul3A_518 : vector<16xf32>
      %add3A_520 = arith.addf %bitcast_convert_type3A_453, %bitcast_convert_type3A_469 : vector<16xf32>
      %add3A_521 = arith.addf %scan3A_269, %add3A_520 : vector<16xf32>
      %mul3A_522 = arith.mulf %add3A_520, %add3A_520 : vector<16xf32>
      %add3A_523 = arith.addf %scan3A_277, %mul3A_522 : vector<16xf32>
      %add3A_524 = arith.addf %bitcast_convert_type3A_455, %bitcast_convert_type3A_471 : vector<16xf32>
      %add3A_525 = arith.addf %scan3A_270, %add3A_524 : vector<16xf32>
      %mul3A_526 = arith.mulf %add3A_524, %add3A_524 : vector<16xf32>
      %add3A_527 = arith.addf %scan3A_278, %mul3A_526 : vector<16xf32>
      %add3A_528 = arith.addf %bitcast_convert_type3A_485, %bitcast_convert_type3A_501 : vector<16xf32>
      %add3A_529 = arith.addf %scan3A_271, %add3A_528 : vector<16xf32>
      %mul3A_530 = arith.mulf %add3A_528, %add3A_528 : vector<16xf32>
      %add3A_531 = arith.addf %scan3A_279, %mul3A_530 : vector<16xf32>
      %add3A_532 = arith.addf %bitcast_convert_type3A_487, %bitcast_convert_type3A_503 : vector<16xf32>
      %add3A_533 = arith.addf %scan3A_272, %add3A_532 : vector<16xf32>
      %mul3A_534 = arith.mulf %add3A_532, %add3A_532 : vector<16xf32>
      %add3A_535 = arith.addf %scan3A_280, %mul3A_534 : vector<16xf32>
      %scan3A_536 = arith.constant 0 : i32
      %scan3A_537 = arith.constant 0 : i32
      %scan3A_538 = arith.constant 1 : i32
      %scan3A_539 = arith.constant 31 : i32
      %scan3A_540 = arith.addi %scan3A_538, %scan3A_539 : i32
      %scan3A_541 = arith.constant 1 : i32
      %scan3A_542:24 = scf.for %scan3A_2371 = %scan3A_538 to %scan3A_540 step %scan3A_541 iter_args(%scan3A_2372 = %add3A_504, %scan3A_2373 = %add3A_508, %scan3A_2374 = %add3A_512, %scan3A_2375 = %add3A_516, %scan3A_2376 = %add3A_520, %scan3A_2377 = %add3A_524, %scan3A_2378 = %add3A_528, %scan3A_2379 = %add3A_532, %scan3A_2380 = %add3A_505, %scan3A_2381 = %add3A_509, %scan3A_2382 = %add3A_513, %scan3A_2383 = %add3A_517, %scan3A_2384 = %add3A_521, %scan3A_2385 = %add3A_525, %scan3A_2386 = %add3A_529, %scan3A_2387 = %add3A_533, %scan3A_2388 = %add3A_507, %scan3A_2389 = %add3A_511, %scan3A_2390 = %add3A_515, %scan3A_2391 = %add3A_519, %scan3A_2392 = %add3A_523, %scan3A_2393 = %add3A_527, %scan3A_2394 = %add3A_531, %scan3A_2395 = %add3A_535) -> (vector<16xf32>, vector<16xf32>, vector<16xf32>, vector<16xf32>, vector<16xf32>, vector<16xf32>, vector<16xf32>, vector<16xf32>, vector<16xf32>, vector<16xf32>, vector<16xf32>, vector<16xf32>, vector<16xf32>, vector<16xf32>, vector<16xf32>, vector<16xf32>, vector<16xf32>, vector<16xf32>, vector<16xf32>, vector<16xf32>, vector<16xf32>, vector<16xf32>, vector<16xf32>, vector<16xf32>)  : i32 {
        %add3A_2396 = arith.constant 0 : i32
        %add3A_2397 = arith.addi %add3A_2396, %scan3A_2371 : i32
        %get3A_2398 = arith.constant 0 : i32
        %get3A_2399 = arith.constant 0 : i32
        %get3A_2400 = tpu.memref_slice %arg9[%scan3A_536, %get3A_2398, %get3A_2399] : memref<2x128x64xi32, #tpu.memory_space<vmem>> -> memref<1x128x64xi32, #tpu.memory_space<vmem>>
        %get3A_2401 = tpu.memref_squeeze %get3A_2400 : memref<1x128x64xi32, #tpu.memory_space<vmem>> -> memref<128x64xi32, #tpu.memory_space<vmem>>
        %get3A_2402 = arith.index_cast %add3A_2397 : i32 to index
        %get3A_2403 = arith.constant 0 : index
        %get3A_2404 = tpu.vector_load %get3A_2401[%get3A_2402, %get3A_2403] {strides = array<i32>} : memref<128x64xi32, #tpu.memory_space<vmem>>, vector<1x16xi32>,
        %get3A_2405 = vector.shape_cast %get3A_2404 : vector<1x16xi32> to vector<16xi32>
        %shift_left3A_2406 = arith.constant 16 : i32
        %shift_left3A_2407 = vector.broadcast %shift_left3A_2406 : i32 to vector<16xi32>
        %shift_left3A_2408 = arith.shli %get3A_2405, %shift_left3A_2407 : vector<16xi32>
        %bitcast_convert_type3A_2409 = tpu.bitcast %shift_left3A_2408 : vector<16xi32> -> vector<16xf32>
        %and3A_2410 = arith.andi %get3A_2405, %broadcast_in_dim3A_84 : vector<16xi32>
        %bitcast_convert_type3A_2411 = tpu.bitcast %and3A_2410 : vector<16xi32> -> vector<16xf32>
        %get3A_2412 = arith.constant 0 : i32
        %get3A_2413 = arith.constant 0 : i32
        %get3A_2414 = tpu.memref_slice %arg10[%scan3A_537, %get3A_2412, %get3A_2413] : memref<2x128x64xi32, #tpu.memory_space<vmem>> -> memref<1x128x64xi32, #tpu.memory_space<vmem>>
        %get3A_2415 = tpu.memref_squeeze %get3A_2414 : memref<1x128x64xi32, #tpu.memory_space<vmem>> -> memref<128x64xi32, #tpu.memory_space<vmem>>
        %get3A_2416 = arith.index_cast %add3A_2397 : i32 to index
        %get3A_2417 = arith.constant 0 : index
        %get3A_2418 = tpu.vector_load %get3A_2415[%get3A_2416, %get3A_2417] {strides = array<i32>} : memref<128x64xi32, #tpu.memory_space<vmem>>, vector<1x16xi32>,
        %get3A_2419 = vector.shape_cast %get3A_2418 : vector<1x16xi32> to vector<16xi32>
        %shift_left3A_2420 = arith.constant 16 : i32
        %shift_left3A_2421 = vector.broadcast %shift_left3A_2420 : i32 to vector<16xi32>
        %shift_left3A_2422 = arith.shli %get3A_2419, %shift_left3A_2421 : vector<16xi32>
        %bitcast_convert_type3A_2423 = tpu.bitcast %shift_left3A_2422 : vector<16xi32> -> vector<16xf32>
        %and3A_2424 = arith.andi %get3A_2419, %broadcast_in_dim3A_84 : vector<16xi32>
        %bitcast_convert_type3A_2425 = tpu.bitcast %and3A_2424 : vector<16xi32> -> vector<16xf32>
        %get3A_2426 = arith.constant 0 : i32
        %get3A_2427 = arith.constant 0 : i32
        %get3A_2428 = tpu.memref_slice %arg9[%scan3A_536, %get3A_2426, %get3A_2427] : memref<2x128x64xi32, #tpu.memory_space<vmem>> -> memref<1x128x64xi32, #tpu.memory_space<vmem>>
        %get3A_2429 = tpu.memref_squeeze %get3A_2428 : memref<1x128x64xi32, #tpu.memory_space<vmem>> -> memref<128x64xi32, #tpu.memory_space<vmem>>
        %get3A_2430 = arith.index_cast %add3A_2397 : i32 to index
        %get3A_2431 = arith.constant 16 : index
        %get3A_2432 = tpu.vector_load %get3A_2429[%get3A_2430, %get3A_2431] {strides = array<i32>} : memref<128x64xi32, #tpu.memory_space<vmem>>, vector<1x16xi32>,
        %get3A_2433 = vector.shape_cast %get3A_2432 : vector<1x16xi32> to vector<16xi32>
        %shift_left3A_2434 = arith.constant 16 : i32
        %shift_left3A_2435 = vector.broadcast %shift_left3A_2434 : i32 to vector<16xi32>
        %shift_left3A_2436 = arith.shli %get3A_2433, %shift_left3A_2435 : vector<16xi32>
        %bitcast_convert_type3A_2437 = tpu.bitcast %shift_left3A_2436 : vector<16xi32> -> vector<16xf32>
        %and3A_2438 = arith.andi %get3A_2433, %broadcast_in_dim3A_84 : vector<16xi32>
        %bitcast_convert_type3A_2439 = tpu.bitcast %and3A_2438 : vector<16xi32> -> vector<16xf32>
        %get3A_2440 = arith.constant 0 : i32
        %get3A_2441 = arith.constant 0 : i32
        %get3A_2442 = tpu.memref_slice %arg10[%scan3A_537, %get3A_2440, %get3A_2441] : memref<2x128x64xi32, #tpu.memory_space<vmem>> -> memref<1x128x64xi32, #tpu.memory_space<vmem>>
        %get3A_2443 = tpu.memref_squeeze %get3A_2442 : memref<1x128x64xi32, #tpu.memory_space<vmem>> -> memref<128x64xi32, #tpu.memory_space<vmem>>
        %get3A_2444 = arith.index_cast %add3A_2397 : i32 to index
        %get3A_2445 = arith.constant 16 : index
        %get3A_2446 = tpu.vector_load %get3A_2443[%get3A_2444, %get3A_2445] {strides = array<i32>} : memref<128x64xi32, #tpu.memory_space<vmem>>, vector<1x16xi32>,
        %get3A_2447 = vector.shape_cast %get3A_2446 : vector<1x16xi32> to vector<16xi32>
        %shift_left3A_2448 = arith.constant 16 : i32
        %shift_left3A_2449 = vector.broadcast %shift_left3A_2448 : i32 to vector<16xi32>
        %shift_left3A_2450 = arith.shli %get3A_2447, %shift_left3A_2449 : vector<16xi32>
        %bitcast_convert_type3A_2451 = tpu.bitcast %shift_left3A_2450 : vector<16xi32> -> vector<16xf32>
        %and3A_2452 = arith.andi %get3A_2447, %broadcast_in_dim3A_84 : vector<16xi32>
        %bitcast_convert_type3A_2453 = tpu.bitcast %and3A_2452 : vector<16xi32> -> vector<16xf32>
        %get3A_2454 = arith.constant 0 : i32
        %get3A_2455 = arith.constant 0 : i32
        %get3A_2456 = tpu.memref_slice %arg9[%scan3A_536, %get3A_2454, %get3A_2455] : memref<2x128x64xi32, #tpu.memory_space<vmem>> -> memref<1x128x64xi32, #tpu.memory_space<vmem>>
        %get3A_2457 = tpu.memref_squeeze %get3A_2456 : memref<1x128x64xi32, #tpu.memory_space<vmem>> -> memref<128x64xi32, #tpu.memory_space<vmem>>
        %get3A_2458 = arith.index_cast %add3A_2397 : i32 to index
        %get3A_2459 = arith.constant 32 : index
        %get3A_2460 = tpu.vector_load %get3A_2457[%get3A_2458, %get3A_2459] {strides = array<i32>} : memref<128x64xi32, #tpu.memory_space<vmem>>, vector<1x16xi32>,
        %get3A_2461 = vector.shape_cast %get3A_2460 : vector<1x16xi32> to vector<16xi32>
        %shift_left3A_2462 = arith.constant 16 : i32
        %shift_left3A_2463 = vector.broadcast %shift_left3A_2462 : i32 to vector<16xi32>
        %shift_left3A_2464 = arith.shli %get3A_2461, %shift_left3A_2463 : vector<16xi32>
        %bitcast_convert_type3A_2465 = tpu.bitcast %shift_left3A_2464 : vector<16xi32> -> vector<16xf32>
        %and3A_2466 = arith.andi %get3A_2461, %broadcast_in_dim3A_84 : vector<16xi32>
        %bitcast_convert_type3A_2467 = tpu.bitcast %and3A_2466 : vector<16xi32> -> vector<16xf32>
        %get3A_2468 = arith.constant 0 : i32
        %get3A_2469 = arith.constant 0 : i32
        %get3A_2470 = tpu.memref_slice %arg10[%scan3A_537, %get3A_2468, %get3A_2469] : memref<2x128x64xi32, #tpu.memory_space<vmem>> -> memref<1x128x64xi32, #tpu.memory_space<vmem>>
        %get3A_2471 = tpu.memref_squeeze %get3A_2470 : memref<1x128x64xi32, #tpu.memory_space<vmem>> -> memref<128x64xi32, #tpu.memory_space<vmem>>
        %get3A_2472 = arith.index_cast %add3A_2397 : i32 to index
        %get3A_2473 = arith.constant 32 : index
        %get3A_2474 = tpu.vector_load %get3A_2471[%get3A_2472, %get3A_2473] {strides = array<i32>} : memref<128x64xi32, #tpu.memory_space<vmem>>, vector<1x16xi32>,
        %get3A_2475 = vector.shape_cast %get3A_2474 : vector<1x16xi32> to vector<16xi32>
        %shift_left3A_2476 = arith.constant 16 : i32
        %shift_left3A_2477 = vector.broadcast %shift_left3A_2476 : i32 to vector<16xi32>
        %shift_left3A_2478 = arith.shli %get3A_2475, %shift_left3A_2477 : vector<16xi32>
        %bitcast_convert_type3A_2479 = tpu.bitcast %shift_left3A_2478 : vector<16xi32> -> vector<16xf32>
        %and3A_2480 = arith.andi %get3A_2475, %broadcast_in_dim3A_84 : vector<16xi32>
        %bitcast_convert_type3A_2481 = tpu.bitcast %and3A_2480 : vector<16xi32> -> vector<16xf32>
        %get3A_2482 = arith.constant 0 : i32
        %get3A_2483 = arith.constant 0 : i32
        %get3A_2484 = tpu.memref_slice %arg9[%scan3A_536, %get3A_2482, %get3A_2483] : memref<2x128x64xi32, #tpu.memory_space<vmem>> -> memref<1x128x64xi32, #tpu.memory_space<vmem>>
        %get3A_2485 = tpu.memref_squeeze %get3A_2484 : memref<1x128x64xi32, #tpu.memory_space<vmem>> -> memref<128x64xi32, #tpu.memory_space<vmem>>
        %get3A_2486 = arith.index_cast %add3A_2397 : i32 to index
        %get3A_2487 = arith.constant 48 : index
        %get3A_2488 = tpu.vector_load %get3A_2485[%get3A_2486, %get3A_2487] {strides = array<i32>} : memref<128x64xi32, #tpu.memory_space<vmem>>, vector<1x16xi32>,
        %get3A_2489 = vector.shape_cast %get3A_2488 : vector<1x16xi32> to vector<16xi32>
        %shift_left3A_2490 = arith.constant 16 : i32
        %shift_left3A_2491 = vector.broadcast %shift_left3A_2490 : i32 to vector<16xi32>
        %shift_left3A_2492 = arith.shli %get3A_2489, %shift_left3A_2491 : vector<16xi32>
        %bitcast_convert_type3A_2493 = tpu.bitcast %shift_left3A_2492 : vector<16xi32> -> vector<16xf32>
        %and3A_2494 = arith.andi %get3A_2489, %broadcast_in_dim3A_84 : vector<16xi32>
        %bitcast_convert_type3A_2495 = tpu.bitcast %and3A_2494 : vector<16xi32> -> vector<16xf32>
        %get3A_2496 = arith.constant 0 : i32
        %get3A_2497 = arith.constant 0 : i32
        %get3A_2498 = tpu.memref_slice %arg10[%scan3A_537, %get3A_2496, %get3A_2497] : memref<2x128x64xi32, #tpu.memory_space<vmem>> -> memref<1x128x64xi32, #tpu.memory_space<vmem>>
        %get3A_2499 = tpu.memref_squeeze %get3A_2498 : memref<1x128x64xi32, #tpu.memory_space<vmem>> -> memref<128x64xi32, #tpu.memory_space<vmem>>
        %get3A_2500 = arith.index_cast %add3A_2397 : i32 to index
        %get3A_2501 = arith.constant 48 : index
        %get3A_2502 = tpu.vector_load %get3A_2499[%get3A_2500, %get3A_2501] {strides = array<i32>} : memref<128x64xi32, #tpu.memory_space<vmem>>, vector<1x16xi32>,
        %get3A_2503 = vector.shape_cast %get3A_2502 : vector<1x16xi32> to vector<16xi32>
        %shift_left3A_2504 = arith.constant 16 : i32
        %shift_left3A_2505 = vector.broadcast %shift_left3A_2504 : i32 to vector<16xi32>
        %shift_left3A_2506 = arith.shli %get3A_2503, %shift_left3A_2505 : vector<16xi32>
        %bitcast_convert_type3A_2507 = tpu.bitcast %shift_left3A_2506 : vector<16xi32> -> vector<16xf32>
        %and3A_2508 = arith.andi %get3A_2503, %broadcast_in_dim3A_84 : vector<16xi32>
        %bitcast_convert_type3A_2509 = tpu.bitcast %and3A_2508 : vector<16xi32> -> vector<16xf32>
        %add3A_2510 = arith.addf %bitcast_convert_type3A_2409, %bitcast_convert_type3A_2423 : vector<16xf32>
        %max3A = arith.maximumf %scan3A_2372, %add3A_2510 : vector<16xf32>
        %add3A_2511 = arith.addf %scan3A_2380, %add3A_2510 : vector<16xf32>
        %mul3A_2512 = arith.mulf %add3A_2510, %add3A_2510 : vector<16xf32>
        %add3A_2513 = arith.addf %scan3A_2388, %mul3A_2512 : vector<16xf32>
        %add3A_2514 = arith.addf %bitcast_convert_type3A_2411, %bitcast_convert_type3A_2425 : vector<16xf32>
        %max3A_2515 = arith.maximumf %scan3A_2373, %add3A_2514 : vector<16xf32>
        %add3A_2516 = arith.addf %scan3A_2381, %add3A_2514 : vector<16xf32>
        %mul3A_2517 = arith.mulf %add3A_2514, %add3A_2514 : vector<16xf32>
        %add3A_2518 = arith.addf %scan3A_2389, %mul3A_2517 : vector<16xf32>
        %add3A_2519 = arith.addf %bitcast_convert_type3A_2437, %bitcast_convert_type3A_2451 : vector<16xf32>
        %max3A_2520 = arith.maximumf %scan3A_2374, %add3A_2519 : vector<16xf32>
        %add3A_2521 = arith.addf %scan3A_2382, %add3A_2519 : vector<16xf32>
        %mul3A_2522 = arith.mulf %add3A_2519, %add3A_2519 : vector<16xf32>
        %add3A_2523 = arith.addf %scan3A_2390, %mul3A_2522 : vector<16xf32>
        %add3A_2524 = arith.addf %bitcast_convert_type3A_2439, %bitcast_convert_type3A_2453 : vector<16xf32>
        %max3A_2525 = arith.maximumf %scan3A_2375, %add3A_2524 : vector<16xf32>
        %add3A_2526 = arith.addf %scan3A_2383, %add3A_2524 : vector<16xf32>
        %mul3A_2527 = arith.mulf %add3A_2524, %add3A_2524 : vector<16xf32>
        %add3A_2528 = arith.addf %scan3A_2391, %mul3A_2527 : vector<16xf32>
        %add3A_2529 = arith.addf %bitcast_convert_type3A_2465, %bitcast_convert_type3A_2479 : vector<16xf32>
        %max3A_2530 = arith.maximumf %scan3A_2376, %add3A_2529 : vector<16xf32>
        %add3A_2531 = arith.addf %scan3A_2384, %add3A_2529 : vector<16xf32>
        %mul3A_2532 = arith.mulf %add3A_2529, %add3A_2529 : vector<16xf32>
        %add3A_2533 = arith.addf %scan3A_2392, %mul3A_2532 : vector<16xf32>
        %add3A_2534 = arith.addf %bitcast_convert_type3A_2467, %bitcast_convert_type3A_2481 : vector<16xf32>
        %max3A_2535 = arith.maximumf %scan3A_2377, %add3A_2534 : vector<16xf32>
        %add3A_2536 = arith.addf %scan3A_2385, %add3A_2534 : vector<16xf32>
        %mul3A_2537 = arith.mulf %add3A_2534, %add3A_2534 : vector<16xf32>
        %add3A_2538 = arith.addf %scan3A_2393, %mul3A_2537 : vector<16xf32>
        %add3A_2539 = arith.addf %bitcast_convert_type3A_2493, %bitcast_convert_type3A_2507 : vector<16xf32>
        %max3A_2540 = arith.maximumf %scan3A_2378, %add3A_2539 : vector<16xf32>
        %add3A_2541 = arith.addf %scan3A_2386, %add3A_2539 : vector<16xf32>
        %mul3A_2542 = arith.mulf %add3A_2539, %add3A_2539 : vector<16xf32>
        %add3A_2543 = arith.addf %scan3A_2394, %mul3A_2542 : vector<16xf32>
        %add3A_2544 = arith.addf %bitcast_convert_type3A_2495, %bitcast_convert_type3A_2509 : vector<16xf32>
        %max3A_2545 = arith.maximumf %scan3A_2379, %add3A_2544 : vector<16xf32>
        %add3A_2546 = arith.addf %scan3A_2387, %add3A_2544 : vector<16xf32>
        %mul3A_2547 = arith.mulf %add3A_2544, %add3A_2544 : vector<16xf32>
        %add3A_2548 = arith.addf %scan3A_2395, %mul3A_2547 : vector<16xf32>
        scf.yield %max3A, %max3A_2515, %max3A_2520, %max3A_2525, %max3A_2530, %max3A_2535, %max3A_2540, %max3A_2545, %add3A_2511, %add3A_2516, %add3A_2521, %add3A_2526, %add3A_2531, %add3A_2536, %add3A_2541, %add3A_2546, %add3A_2513, %add3A_2518, %add3A_2523, %add3A_2528, %add3A_2533, %add3A_2538, %add3A_2543, %add3A_2548 : vector<16xf32>, vector<16xf32>, vector<16xf32>, vector<16xf32>, vector<16xf32>, vector<16xf32>, vector<16xf32>, vector<16xf32>, vector<16xf32>, vector<16xf32>, vector<16xf32>, vector<16xf32>, vector<16xf32>, vector<16xf32>, vector<16xf32>, vector<16xf32>, vector<16xf32>, vector<16xf32>, vector<16xf32>, vector<16xf32>, vector<16xf32>, vector<16xf32>, vector<16xf32>, vector<16xf32>
      }
      %scan3A_543 = arith.constant 31 : i32
      %not3A = arith.constant true
      %not3A_544 = arith.xori %eq3A_283, %not3A : i1
      %convert_element_type3A = arith.extui %not3A_544 : i1 to i32
      %cond3A = arith.constant 0 : i32
      %cond3A_545 = arith.cmpi ne, %convert_element_type3A, %cond3A : i32
      scf.if %cond3A_545 {
        %dma_wait3A_2371 = arith.constant 0 : i32
        %dma_wait3A_2372 = arith.constant 0 : i32
        %dma_wait3A_2373 = arith.constant 0 : i32
        %dma_wait3A_2374 = tpu.memref_slice %arg11[%dma_wait3A_2371, %dma_wait3A_2372, %dma_wait3A_2373] : memref<2x4x128xf32, #tpu.memory_space<vmem>> -> memref<1x4x128xf32, #tpu.memory_space<vmem>>
        %dma_wait3A_2375 = tpu.memref_squeeze %dma_wait3A_2374 : memref<1x4x128xf32, #tpu.memory_space<vmem>> -> memref<4x128xf32, #tpu.memory_space<vmem>>
        %dma_wait3A_2376 = arith.constant 0 : i32
        %dma_wait3A_2377 = arith.constant 0 : i32
        %dma_wait3A_2378 = tpu.memref_slice %arg5[%dma_wait3A_2376, %dma_wait3A_2377] : memref<10240x128xf32, #tpu.memory_space<hbm>> -> memref<4x128xf32, #tpu.memory_space<hbm>>
        %dma_wait3A_2379 = arith.constant 0 : i32
        %dma_wait3A_2380 = arith.constant 0 : i32
        %dma_wait3A_2381 = tpu.memref_slice %arg5[%dma_wait3A_2379, %dma_wait3A_2380] : memref<10240x128xf32, #tpu.memory_space<hbm>> -> memref<4x128xf32, #tpu.memory_space<hbm>>
        %dma_wait3A_2382 = arith.constant 0 : i32
        %dma_wait3A_2383 = arith.constant 0 : i32
        %dma_wait3A_2384 = tpu.memref_slice %arg11[%dma_wait3A_2371, %dma_wait3A_2382, %dma_wait3A_2383] : memref<2x4x128xf32, #tpu.memory_space<vmem>> -> memref<1x4x128xf32, #tpu.memory_space<vmem>>
        %dma_wait3A_2385 = tpu.memref_squeeze %dma_wait3A_2384 : memref<1x4x128xf32, #tpu.memory_space<vmem>> -> memref<4x128xf32, #tpu.memory_space<vmem>>
        tpu.wait_dma2 semaphore(%arg19 : memref<!tpu.dma_semaphore, #tpu.memory_space<semaphore_mem>>) src(%dma_wait3A_2385 : memref<4x128xf32, #tpu.memory_space<vmem>>) dst(%dma_wait3A_2381 : memref<4x128xf32, #tpu.memory_space<hbm>>)
      } else {
      }
      %swap3A_546 = arith.constant 0 : i32
      %swap3A_547 = arith.constant 0 : i32
      %swap3A_548 = arith.index_cast %swap3A_546 : i32 to index
      %swap3A_549 = arith.index_cast %swap3A_547 : i32 to index
      %swap3A_550 = arith.constant 0 : index
      %swap3A_551 = tpu.vector_load %arg11[%swap3A_548, %swap3A_549, %swap3A_550] {strides = array<i32>} : memref<2x4x128xf32, #tpu.memory_space<vmem>>, vector<1x1x16xf32>,
      %swap3A_552 = vector.shape_cast %swap3A_551 : vector<1x1x16xf32> to vector<16xf32>
      %swap3A_553 = vector.shape_cast %scan3A_542#0 : vector<16xf32> to vector<1x1x16xf32>
      tpu.vector_store %arg11[%swap3A_548, %swap3A_549, %swap3A_550], %swap3A_553 {strides = array<i32>} : memref<2x4x128xf32, #tpu.memory_space<vmem>>, vector<1x1x16xf32>,
      %swap3A_554 = arith.constant 0 : i32
      %swap3A_555 = arith.constant 0 : i32
      %swap3A_556 = arith.index_cast %swap3A_554 : i32 to index
      %swap3A_557 = arith.index_cast %swap3A_555 : i32 to index
      %swap3A_558 = arith.constant 16 : index
      %swap3A_559 = tpu.vector_load %arg11[%swap3A_556, %swap3A_557, %swap3A_558] {strides = array<i32>} : memref<2x4x128xf32, #tpu.memory_space<vmem>>, vector<1x1x16xf32>,
      %swap3A_560 = vector.shape_cast %swap3A_559 : vector<1x1x16xf32> to vector<16xf32>
      %swap3A_561 = vector.shape_cast %scan3A_542#1 : vector<16xf32> to vector<1x1x16xf32>
      tpu.vector_store %arg11[%swap3A_556, %swap3A_557, %swap3A_558], %swap3A_561 {strides = array<i32>} : memref<2x4x128xf32, #tpu.memory_space<vmem>>, vector<1x1x16xf32>,
      %swap3A_562 = arith.constant 0 : i32
      %swap3A_563 = arith.constant 0 : i32
      %swap3A_564 = arith.index_cast %swap3A_562 : i32 to index
      %swap3A_565 = arith.index_cast %swap3A_563 : i32 to index
      %swap3A_566 = arith.constant 32 : index
      %swap3A_567 = tpu.vector_load %arg11[%swap3A_564, %swap3A_565, %swap3A_566] {strides = array<i32>} : memref<2x4x128xf32, #tpu.memory_space<vmem>>, vector<1x1x16xf32>,
      %swap3A_568 = vector.shape_cast %swap3A_567 : vector<1x1x16xf32> to vector<16xf32>
      %swap3A_569 = vector.shape_cast %scan3A_542#2 : vector<16xf32> to vector<1x1x16xf32>
      tpu.vector_store %arg11[%swap3A_564, %swap3A_565, %swap3A_566], %swap3A_569 {strides = array<i32>} : memref<2x4x128xf32, #tpu.memory_space<vmem>>, vector<1x1x16xf32>,
      %swap3A_570 = arith.constant 0 : i32
      %swap3A_571 = arith.constant 0 : i32
      %swap3A_572 = arith.index_cast %swap3A_570 : i32 to index
      %swap3A_573 = arith.index_cast %swap3A_571 : i32 to index
      %swap3A_574 = arith.constant 48 : index
      %swap3A_575 = tpu.vector_load %arg11[%swap3A_572, %swap3A_573, %swap3A_574] {strides = array<i32>} : memref<2x4x128xf32, #tpu.memory_space<vmem>>, vector<1x1x16xf32>,
      %swap3A_576 = vector.shape_cast %swap3A_575 : vector<1x1x16xf32> to vector<16xf32>
      %swap3A_577 = vector.shape_cast %scan3A_542#3 : vector<16xf32> to vector<1x1x16xf32>
      tpu.vector_store %arg11[%swap3A_572, %swap3A_573, %swap3A_574], %swap3A_577 {strides = array<i32>} : memref<2x4x128xf32, #tpu.memory_space<vmem>>, vector<1x1x16xf32>,
      %swap3A_578 = arith.constant 0 : i32
      %swap3A_579 = arith.constant 0 : i32
      %swap3A_580 = arith.index_cast %swap3A_578 : i32 to index
      %swap3A_581 = arith.index_cast %swap3A_579 : i32 to index
      %swap3A_582 = arith.constant 64 : index
      %swap3A_583 = tpu.vector_load %arg11[%swap3A_580, %swap3A_581, %swap3A_582] {strides = array<i32>} : memref<2x4x128xf32, #tpu.memory_space<vmem>>, vector<1x1x16xf32>,
      %swap3A_584 = vector.shape_cast %swap3A_583 : vector<1x1x16xf32> to vector<16xf32>
      %swap3A_585 = vector.shape_cast %scan3A_542#4 : vector<16xf32> to vector<1x1x16xf32>
      tpu.vector_store %arg11[%swap3A_580, %swap3A_581, %swap3A_582], %swap3A_585 {strides = array<i32>} : memref<2x4x128xf32, #tpu.memory_space<vmem>>, vector<1x1x16xf32>,
      %swap3A_586 = arith.constant 0 : i32
      %swap3A_587 = arith.constant 0 : i32
      %swap3A_588 = arith.index_cast %swap3A_586 : i32 to index
      %swap3A_589 = arith.index_cast %swap3A_587 : i32 to index
      %swap3A_590 = arith.constant 80 : index
      %swap3A_591 = tpu.vector_load %arg11[%swap3A_588, %swap3A_589, %swap3A_590] {strides = array<i32>} : memref<2x4x128xf32, #tpu.memory_space<vmem>>, vector<1x1x16xf32>,
      %swap3A_592 = vector.shape_cast %swap3A_591 : vector<1x1x16xf32> to vector<16xf32>
      %swap3A_593 = vector.shape_cast %scan3A_542#5 : vector<16xf32> to vector<1x1x16xf32>
      tpu.vector_store %arg11[%swap3A_588, %swap3A_589, %swap3A_590], %swap3A_593 {strides = array<i32>} : memref<2x4x128xf32, #tpu.memory_space<vmem>>, vector<1x1x16xf32>,
      %swap3A_594 = arith.constant 0 : i32
      %swap3A_595 = arith.constant 0 : i32
      %swap3A_596 = arith.index_cast %swap3A_594 : i32 to index
      %swap3A_597 = arith.index_cast %swap3A_595 : i32 to index
      %swap3A_598 = arith.constant 96 : index
      %swap3A_599 = tpu.vector_load %arg11[%swap3A_596, %swap3A_597, %swap3A_598] {strides = array<i32>} : memref<2x4x128xf32, #tpu.memory_space<vmem>>, vector<1x1x16xf32>,
      %swap3A_600 = vector.shape_cast %swap3A_599 : vector<1x1x16xf32> to vector<16xf32>
      %swap3A_601 = vector.shape_cast %scan3A_542#6 : vector<16xf32> to vector<1x1x16xf32>
      tpu.vector_store %arg11[%swap3A_596, %swap3A_597, %swap3A_598], %swap3A_601 {strides = array<i32>} : memref<2x4x128xf32, #tpu.memory_space<vmem>>, vector<1x1x16xf32>,
      %swap3A_602 = arith.constant 0 : i32
      %swap3A_603 = arith.constant 0 : i32
      %swap3A_604 = arith.index_cast %swap3A_602 : i32 to index
      %swap3A_605 = arith.index_cast %swap3A_603 : i32 to index
      %swap3A_606 = arith.constant 112 : index
      %swap3A_607 = tpu.vector_load %arg11[%swap3A_604, %swap3A_605, %swap3A_606] {strides = array<i32>} : memref<2x4x128xf32, #tpu.memory_space<vmem>>, vector<1x1x16xf32>,
      %swap3A_608 = vector.shape_cast %swap3A_607 : vector<1x1x16xf32> to vector<16xf32>
      %swap3A_609 = vector.shape_cast %scan3A_542#7 : vector<16xf32> to vector<1x1x16xf32>
      tpu.vector_store %arg11[%swap3A_604, %swap3A_605, %swap3A_606], %swap3A_609 {strides = array<i32>} : memref<2x4x128xf32, #tpu.memory_space<vmem>>, vector<1x1x16xf32>,
      %get3A_610 = arith.constant 0 : i32
      %get3A_611 = arith.constant 32 : i32
      %get3A_612 = arith.constant 0 : i32
      %get3A_613 = arith.constant 0 : i32
      %get3A_614 = tpu.memref_slice %arg9[%get3A_610, %get3A_612, %get3A_613] : memref<2x128x64xi32, #tpu.memory_space<vmem>> -> memref<1x128x64xi32, #tpu.memory_space<vmem>>
      %get3A_615 = tpu.memref_squeeze %get3A_614 : memref<1x128x64xi32, #tpu.memory_space<vmem>> -> memref<128x64xi32, #tpu.memory_space<vmem>>
      %get3A_616 = arith.index_cast %get3A_611 : i32 to index
      %get3A_617 = arith.constant 0 : index
      %get3A_618 = tpu.vector_load %get3A_615[%get3A_616, %get3A_617] {strides = array<i32>} : memref<128x64xi32, #tpu.memory_space<vmem>>, vector<1x16xi32>,
      %get3A_619 = vector.shape_cast %get3A_618 : vector<1x16xi32> to vector<16xi32>
      %shift_left3A_620 = arith.constant 16 : i32
      %shift_left3A_621 = vector.broadcast %shift_left3A_620 : i32 to vector<16xi32>
      %shift_left3A_622 = arith.shli %get3A_619, %shift_left3A_621 : vector<16xi32>
      %bitcast_convert_type3A_623 = tpu.bitcast %shift_left3A_622 : vector<16xi32> -> vector<16xf32>
      %and3A_624 = arith.andi %get3A_619, %broadcast_in_dim3A_84 : vector<16xi32>
      %bitcast_convert_type3A_625 = tpu.bitcast %and3A_624 : vector<16xi32> -> vector<16xf32>
      %get3A_626 = arith.constant 0 : i32
      %get3A_627 = arith.constant 32 : i32
      %get3A_628 = arith.constant 0 : i32
      %get3A_629 = arith.constant 0 : i32
      %get3A_630 = tpu.memref_slice %arg10[%get3A_626, %get3A_628, %get3A_629] : memref<2x128x64xi32, #tpu.memory_space<vmem>> -> memref<1x128x64xi32, #tpu.memory_space<vmem>>
      %get3A_631 = tpu.memref_squeeze %get3A_630 : memref<1x128x64xi32, #tpu.memory_space<vmem>> -> memref<128x64xi32, #tpu.memory_space<vmem>>
      %get3A_632 = arith.index_cast %get3A_627 : i32 to index
      %get3A_633 = arith.constant 0 : index
      %get3A_634 = tpu.vector_load %get3A_631[%get3A_632, %get3A_633] {strides = array<i32>} : memref<128x64xi32, #tpu.memory_space<vmem>>, vector<1x16xi32>,
      %get3A_635 = vector.shape_cast %get3A_634 : vector<1x16xi32> to vector<16xi32>
      %shift_left3A_636 = arith.constant 16 : i32
      %shift_left3A_637 = vector.broadcast %shift_left3A_636 : i32 to vector<16xi32>
      %shift_left3A_638 = arith.shli %get3A_635, %shift_left3A_637 : vector<16xi32>
      %bitcast_convert_type3A_639 = tpu.bitcast %shift_left3A_638 : vector<16xi32> -> vector<16xf32>
      %and3A_640 = arith.andi %get3A_635, %broadcast_in_dim3A_84 : vector<16xi32>
      %bitcast_convert_type3A_641 = tpu.bitcast %and3A_640 : vector<16xi32> -> vector<16xf32>
      %get3A_642 = arith.constant 0 : i32
      %get3A_643 = arith.constant 32 : i32
      %get3A_644 = arith.constant 0 : i32
      %get3A_645 = arith.constant 0 : i32
      %get3A_646 = tpu.memref_slice %arg9[%get3A_642, %get3A_644, %get3A_645] : memref<2x128x64xi32, #tpu.memory_space<vmem>> -> memref<1x128x64xi32, #tpu.memory_space<vmem>>
      %get3A_647 = tpu.memref_squeeze %get3A_646 : memref<1x128x64xi32, #tpu.memory_space<vmem>> -> memref<128x64xi32, #tpu.memory_space<vmem>>
      %get3A_648 = arith.index_cast %get3A_643 : i32 to index
      %get3A_649 = arith.constant 16 : index
      %get3A_650 = tpu.vector_load %get3A_647[%get3A_648, %get3A_649] {strides = array<i32>} : memref<128x64xi32, #tpu.memory_space<vmem>>, vector<1x16xi32>,
      %get3A_651 = vector.shape_cast %get3A_650 : vector<1x16xi32> to vector<16xi32>
      %shift_left3A_652 = arith.constant 16 : i32
      %shift_left3A_653 = vector.broadcast %shift_left3A_652 : i32 to vector<16xi32>
      %shift_left3A_654 = arith.shli %get3A_651, %shift_left3A_653 : vector<16xi32>
      %bitcast_convert_type3A_655 = tpu.bitcast %shift_left3A_654 : vector<16xi32> -> vector<16xf32>
      %and3A_656 = arith.andi %get3A_651, %broadcast_in_dim3A_84 : vector<16xi32>
      %bitcast_convert_type3A_657 = tpu.bitcast %and3A_656 : vector<16xi32> -> vector<16xf32>
      %get3A_658 = arith.constant 0 : i32
      %get3A_659 = arith.constant 32 : i32
      %get3A_660 = arith.constant 0 : i32
      %get3A_661 = arith.constant 0 : i32
      %get3A_662 = tpu.memref_slice %arg10[%get3A_658, %get3A_660, %get3A_661] : memref<2x128x64xi32, #tpu.memory_space<vmem>> -> memref<1x128x64xi32, #tpu.memory_space<vmem>>
      %get3A_663 = tpu.memref_squeeze %get3A_662 : memref<1x128x64xi32, #tpu.memory_space<vmem>> -> memref<128x64xi32, #tpu.memory_space<vmem>>
      %get3A_664 = arith.index_cast %get3A_659 : i32 to index
      %get3A_665 = arith.constant 16 : index
      %get3A_666 = tpu.vector_load %get3A_663[%get3A_664, %get3A_665] {strides = array<i32>} : memref<128x64xi32, #tpu.memory_space<vmem>>, vector<1x16xi32>,
      %get3A_667 = vector.shape_cast %get3A_666 : vector<1x16xi32> to vector<16xi32>
      %shift_left3A_668 = arith.constant 16 : i32
      %shift_left3A_669 = vector.broadcast %shift_left3A_668 : i32 to vector<16xi32>
      %shift_left3A_670 = arith.shli %get3A_667, %shift_left3A_669 : vector<16xi32>
      %bitcast_convert_type3A_671 = tpu.bitcast %shift_left3A_670 : vector<16xi32> -> vector<16xf32>
      %and3A_672 = arith.andi %get3A_667, %broadcast_in_dim3A_84 : vector<16xi32>
      %bitcast_convert_type3A_673 = tpu.bitcast %and3A_672 : vector<16xi32> -> vector<16xf32>
      %get3A_674 = arith.constant 0 : i32
      %get3A_675 = arith.constant 32 : i32
      %get3A_676 = arith.constant 0 : i32
      %get3A_677 = arith.constant 0 : i32
      %get3A_678 = tpu.memref_slice %arg9[%get3A_674, %get3A_676, %get3A_677] : memref<2x128x64xi32, #tpu.memory_space<vmem>> -> memref<1x128x64xi32, #tpu.memory_space<vmem>>
      %get3A_679 = tpu.memref_squeeze %get3A_678 : memref<1x128x64xi32, #tpu.memory_space<vmem>> -> memref<128x64xi32, #tpu.memory_space<vmem>>
      %get3A_680 = arith.index_cast %get3A_675 : i32 to index
      %get3A_681 = arith.constant 32 : index
      %get3A_682 = tpu.vector_load %get3A_679[%get3A_680, %get3A_681] {strides = array<i32>} : memref<128x64xi32, #tpu.memory_space<vmem>>, vector<1x16xi32>,
      %get3A_683 = vector.shape_cast %get3A_682 : vector<1x16xi32> to vector<16xi32>
      %shift_left3A_684 = arith.constant 16 : i32
      %shift_left3A_685 = vector.broadcast %shift_left3A_684 : i32 to vector<16xi32>
      %shift_left3A_686 = arith.shli %get3A_683, %shift_left3A_685 : vector<16xi32>
      %bitcast_convert_type3A_687 = tpu.bitcast %shift_left3A_686 : vector<16xi32> -> vector<16xf32>
      %and3A_688 = arith.andi %get3A_683, %broadcast_in_dim3A_84 : vector<16xi32>
      %bitcast_convert_type3A_689 = tpu.bitcast %and3A_688 : vector<16xi32> -> vector<16xf32>
      %get3A_690 = arith.constant 0 : i32
      %get3A_691 = arith.constant 32 : i32
      %get3A_692 = arith.constant 0 : i32
      %get3A_693 = arith.constant 0 : i32
      %get3A_694 = tpu.memref_slice %arg10[%get3A_690, %get3A_692, %get3A_693] : memref<2x128x64xi32, #tpu.memory_space<vmem>> -> memref<1x128x64xi32, #tpu.memory_space<vmem>>
      %get3A_695 = tpu.memref_squeeze %get3A_694 : memref<1x128x64xi32, #tpu.memory_space<vmem>> -> memref<128x64xi32, #tpu.memory_space<vmem>>
      %get3A_696 = arith.index_cast %get3A_691 : i32 to index
      %get3A_697 = arith.constant 32 : index
      %get3A_698 = tpu.vector_load %get3A_695[%get3A_696, %get3A_697] {strides = array<i32>} : memref<128x64xi32, #tpu.memory_space<vmem>>, vector<1x16xi32>,
      %get3A_699 = vector.shape_cast %get3A_698 : vector<1x16xi32> to vector<16xi32>
      %shift_left3A_700 = arith.constant 16 : i32
      %shift_left3A_701 = vector.broadcast %shift_left3A_700 : i32 to vector<16xi32>
      %shift_left3A_702 = arith.shli %get3A_699, %shift_left3A_701 : vector<16xi32>
      %bitcast_convert_type3A_703 = tpu.bitcast %shift_left3A_702 : vector<16xi32> -> vector<16xf32>
      %and3A_704 = arith.andi %get3A_699, %broadcast_in_dim3A_84 : vector<16xi32>
      %bitcast_convert_type3A_705 = tpu.bitcast %and3A_704 : vector<16xi32> -> vector<16xf32>
      %get3A_706 = arith.constant 0 : i32
      %get3A_707 = arith.constant 32 : i32
      %get3A_708 = arith.constant 0 : i32
      %get3A_709 = arith.constant 0 : i32
      %get3A_710 = tpu.memref_slice %arg9[%get3A_706, %get3A_708, %get3A_709] : memref<2x128x64xi32, #tpu.memory_space<vmem>> -> memref<1x128x64xi32, #tpu.memory_space<vmem>>
      %get3A_711 = tpu.memref_squeeze %get3A_710 : memref<1x128x64xi32, #tpu.memory_space<vmem>> -> memref<128x64xi32, #tpu.memory_space<vmem>>
      %get3A_712 = arith.index_cast %get3A_707 : i32 to index
      %get3A_713 = arith.constant 48 : index
      %get3A_714 = tpu.vector_load %get3A_711[%get3A_712, %get3A_713] {strides = array<i32>} : memref<128x64xi32, #tpu.memory_space<vmem>>, vector<1x16xi32>,
      %get3A_715 = vector.shape_cast %get3A_714 : vector<1x16xi32> to vector<16xi32>
      %shift_left3A_716 = arith.constant 16 : i32
      %shift_left3A_717 = vector.broadcast %shift_left3A_716 : i32 to vector<16xi32>
      %shift_left3A_718 = arith.shli %get3A_715, %shift_left3A_717 : vector<16xi32>
      %bitcast_convert_type3A_719 = tpu.bitcast %shift_left3A_718 : vector<16xi32> -> vector<16xf32>
      %and3A_720 = arith.andi %get3A_715, %broadcast_in_dim3A_84 : vector<16xi32>
      %bitcast_convert_type3A_721 = tpu.bitcast %and3A_720 : vector<16xi32> -> vector<16xf32>
      %get3A_722 = arith.constant 0 : i32
      %get3A_723 = arith.constant 32 : i32
      %get3A_724 = arith.constant 0 : i32
      %get3A_725 = arith.constant 0 : i32
      %get3A_726 = tpu.memref_slice %arg10[%get3A_722, %get3A_724, %get3A_725] : memref<2x128x64xi32, #tpu.memory_space<vmem>> -> memref<1x128x64xi32, #tpu.memory_space<vmem>>
      %get3A_727 = tpu.memref_squeeze %get3A_726 : memref<1x128x64xi32, #tpu.memory_space<vmem>> -> memref<128x64xi32, #tpu.memory_space<vmem>>
      %get3A_728 = arith.index_cast %get3A_723 : i32 to index
      %get3A_729 = arith.constant 48 : index
      %get3A_730 = tpu.vector_load %get3A_727[%get3A_728, %get3A_729] {strides = array<i32>} : memref<128x64xi32, #tpu.memory_space<vmem>>, vector<1x16xi32>,
      %get3A_731 = vector.shape_cast %get3A_730 : vector<1x16xi32> to vector<16xi32>
      %shift_left3A_732 = arith.constant 16 : i32
      %shift_left3A_733 = vector.broadcast %shift_left3A_732 : i32 to vector<16xi32>
      %shift_left3A_734 = arith.shli %get3A_731, %shift_left3A_733 : vector<16xi32>
      %bitcast_convert_type3A_735 = tpu.bitcast %shift_left3A_734 : vector<16xi32> -> vector<16xf32>
      %and3A_736 = arith.andi %get3A_731, %broadcast_in_dim3A_84 : vector<16xi32>
      %bitcast_convert_type3A_737 = tpu.bitcast %and3A_736 : vector<16xi32> -> vector<16xf32>
      %add3A_738 = arith.addf %bitcast_convert_type3A_623, %bitcast_convert_type3A_639 : vector<16xf32>
      %add3A_739 = arith.addf %scan3A_542#8, %add3A_738 : vector<16xf32>
      %mul3A_740 = arith.mulf %add3A_738, %add3A_738 : vector<16xf32>
      %add3A_741 = arith.addf %scan3A_542#16, %mul3A_740 : vector<16xf32>
      %add3A_742 = arith.addf %bitcast_convert_type3A_625, %bitcast_convert_type3A_641 : vector<16xf32>
      %add3A_743 = arith.addf %scan3A_542#9, %add3A_742 : vector<16xf32>
      %mul3A_744 = arith.mulf %add3A_742, %add3A_742 : vector<16xf32>
      %add3A_745 = arith.addf %scan3A_542#17, %mul3A_744 : vector<16xf32>
      %add3A_746 = arith.addf %bitcast_convert_type3A_655, %bitcast_convert_type3A_671 : vector<16xf32>
      %add3A_747 = arith.addf %scan3A_542#10, %add3A_746 : vector<16xf32>
      %mul3A_748 = arith.mulf %add3A_746, %add3A_746 : vector<16xf32>
      %add3A_749 = arith.addf %scan3A_542#18, %mul3A_748 : vector<16xf32>
      %add3A_750 = arith.addf %bitcast_convert_type3A_657, %bitcast_convert_type3A_673 : vector<16xf32>
      %add3A_751 = arith.addf %scan3A_542#11, %add3A_750 : vector<16xf32>
      %mul3A_752 = arith.mulf %add3A_750, %add3A_750 : vector<16xf32>
      %add3A_753 = arith.addf %scan3A_542#19, %mul3A_752 : vector<16xf32>
      %add3A_754 = arith.addf %bitcast_convert_type3A_687, %bitcast_convert_type3A_703 : vector<16xf32>
      %add3A_755 = arith.addf %scan3A_542#12, %add3A_754 : vector<16xf32>
      %mul3A_756 = arith.mulf %add3A_754, %add3A_754 : vector<16xf32>
      %add3A_757 = arith.addf %scan3A_542#20, %mul3A_756 : vector<16xf32>
      %add3A_758 = arith.addf %bitcast_convert_type3A_689, %bitcast_convert_type3A_705 : vector<16xf32>
      %add3A_759 = arith.addf %scan3A_542#13, %add3A_758 : vector<16xf32>
      %mul3A_760 = arith.mulf %add3A_758, %add3A_758 : vector<16xf32>
      %add3A_761 = arith.addf %scan3A_542#21, %mul3A_760 : vector<16xf32>
      %add3A_762 = arith.addf %bitcast_convert_type3A_719, %bitcast_convert_type3A_735 : vector<16xf32>
      %add3A_763 = arith.addf %scan3A_542#14, %add3A_762 : vector<16xf32>
      %mul3A_764 = arith.mulf %add3A_762, %add3A_762 : vector<16xf32>
      %add3A_765 = arith.addf %scan3A_542#22, %mul3A_764 : vector<16xf32>
      %add3A_766 = arith.addf %bitcast_convert_type3A_721, %bitcast_convert_type3A_737 : vector<16xf32>
      %add3A_767 = arith.addf %scan3A_542#15, %add3A_766 : vector<16xf32>
      %mul3A_768 = arith.mulf %add3A_766, %add3A_766 : vector<16xf32>
      %add3A_769 = arith.addf %scan3A_542#23, %mul3A_768 : vector<16xf32>
      %scan3A_770 = arith.constant 0 : i32
      %scan3A_771 = arith.constant 0 : i32
      %scan3A_772 = arith.constant 1 : i32
      %scan3A_773 = arith.constant 31 : i32
      %scan3A_774 = arith.addi %scan3A_772, %scan3A_773 : i32
      %scan3A_775 = arith.constant 1 : i32
      %scan3A_776:24 = scf.for %scan3A_2371 = %scan3A_772 to %scan3A_774 step %scan3A_775 iter_args(%scan3A_2372 = %add3A_738, %scan3A_2373 = %add3A_742, %scan3A_2374 = %add3A_746, %scan3A_2375 = %add3A_750, %scan3A_2376 = %add3A_754, %scan3A_2377 = %add3A_758, %scan3A_2378 = %add3A_762, %scan3A_2379 = %add3A_766, %scan3A_2380 = %add3A_739, %scan3A_2381 = %add3A_743, %scan3A_2382 = %add3A_747, %scan3A_2383 = %add3A_751, %scan3A_2384 = %add3A_755, %scan3A_2385 = %add3A_759, %scan3A_2386 = %add3A_763, %scan3A_2387 = %add3A_767, %scan3A_2388 = %add3A_741, %scan3A_2389 = %add3A_745, %scan3A_2390 = %add3A_749, %scan3A_2391 = %add3A_753, %scan3A_2392 = %add3A_757, %scan3A_2393 = %add3A_761, %scan3A_2394 = %add3A_765, %scan3A_2395 = %add3A_769) -> (vector<16xf32>, vector<16xf32>, vector<16xf32>, vector<16xf32>, vector<16xf32>, vector<16xf32>, vector<16xf32>, vector<16xf32>, vector<16xf32>, vector<16xf32>, vector<16xf32>, vector<16xf32>, vector<16xf32>, vector<16xf32>, vector<16xf32>, vector<16xf32>, vector<16xf32>, vector<16xf32>, vector<16xf32>, vector<16xf32>, vector<16xf32>, vector<16xf32>, vector<16xf32>, vector<16xf32>)  : i32 {
        %add3A_2396 = arith.constant 32 : i32
        %add3A_2397 = arith.addi %add3A_2396, %scan3A_2371 : i32
        %get3A_2398 = arith.constant 0 : i32
        %get3A_2399 = arith.constant 0 : i32
        %get3A_2400 = tpu.memref_slice %arg9[%scan3A_770, %get3A_2398, %get3A_2399] : memref<2x128x64xi32, #tpu.memory_space<vmem>> -> memref<1x128x64xi32, #tpu.memory_space<vmem>>
        %get3A_2401 = tpu.memref_squeeze %get3A_2400 : memref<1x128x64xi32, #tpu.memory_space<vmem>> -> memref<128x64xi32, #tpu.memory_space<vmem>>
        %get3A_2402 = arith.index_cast %add3A_2397 : i32 to index
        %get3A_2403 = arith.constant 0 : index
        %get3A_2404 = tpu.vector_load %get3A_2401[%get3A_2402, %get3A_2403] {strides = array<i32>} : memref<128x64xi32, #tpu.memory_space<vmem>>, vector<1x16xi32>,
        %get3A_2405 = vector.shape_cast %get3A_2404 : vector<1x16xi32> to vector<16xi32>
        %shift_left3A_2406 = arith.constant 16 : i32
        %shift_left3A_2407 = vector.broadcast %shift_left3A_2406 : i32 to vector<16xi32>
        %shift_left3A_2408 = arith.shli %get3A_2405, %shift_left3A_2407 : vector<16xi32>
        %bitcast_convert_type3A_2409 = tpu.bitcast %shift_left3A_2408 : vector<16xi32> -> vector<16xf32>
        %and3A_2410 = arith.andi %get3A_2405, %broadcast_in_dim3A_84 : vector<16xi32>
        %bitcast_convert_type3A_2411 = tpu.bitcast %and3A_2410 : vector<16xi32> -> vector<16xf32>
        %get3A_2412 = arith.constant 0 : i32
        %get3A_2413 = arith.constant 0 : i32
        %get3A_2414 = tpu.memref_slice %arg10[%scan3A_771, %get3A_2412, %get3A_2413] : memref<2x128x64xi32, #tpu.memory_space<vmem>> -> memref<1x128x64xi32, #tpu.memory_space<vmem>>
        %get3A_2415 = tpu.memref_squeeze %get3A_2414 : memref<1x128x64xi32, #tpu.memory_space<vmem>> -> memref<128x64xi32, #tpu.memory_space<vmem>>
        %get3A_2416 = arith.index_cast %add3A_2397 : i32 to index
        %get3A_2417 = arith.constant 0 : index
        %get3A_2418 = tpu.vector_load %get3A_2415[%get3A_2416, %get3A_2417] {strides = array<i32>} : memref<128x64xi32, #tpu.memory_space<vmem>>, vector<1x16xi32>,
        %get3A_2419 = vector.shape_cast %get3A_2418 : vector<1x16xi32> to vector<16xi32>
        %shift_left3A_2420 = arith.constant 16 : i32
        %shift_left3A_2421 = vector.broadcast %shift_left3A_2420 : i32 to vector<16xi32>
        %shift_left3A_2422 = arith.shli %get3A_2419, %shift_left3A_2421 : vector<16xi32>
        %bitcast_convert_type3A_2423 = tpu.bitcast %shift_left3A_2422 : vector<16xi32> -> vector<16xf32>
        %and3A_2424 = arith.andi %get3A_2419, %broadcast_in_dim3A_84 : vector<16xi32>
        %bitcast_convert_type3A_2425 = tpu.bitcast %and3A_2424 : vector<16xi32> -> vector<16xf32>
        %get3A_2426 = arith.constant 0 : i32
        %get3A_2427 = arith.constant 0 : i32
        %get3A_2428 = tpu.memref_slice %arg9[%scan3A_770, %get3A_2426, %get3A_2427] : memref<2x128x64xi32, #tpu.memory_space<vmem>> -> memref<1x128x64xi32, #tpu.memory_space<vmem>>
        %get3A_2429 = tpu.memref_squeeze %get3A_2428 : memref<1x128x64xi32, #tpu.memory_space<vmem>> -> memref<128x64xi32, #tpu.memory_space<vmem>>
        %get3A_2430 = arith.index_cast %add3A_2397 : i32 to index
        %get3A_2431 = arith.constant 16 : index
        %get3A_2432 = tpu.vector_load %get3A_2429[%get3A_2430, %get3A_2431] {strides = array<i32>} : memref<128x64xi32, #tpu.memory_space<vmem>>, vector<1x16xi32>,
        %get3A_2433 = vector.shape_cast %get3A_2432 : vector<1x16xi32> to vector<16xi32>
        %shift_left3A_2434 = arith.constant 16 : i32
        %shift_left3A_2435 = vector.broadcast %shift_left3A_2434 : i32 to vector<16xi32>
        %shift_left3A_2436 = arith.shli %get3A_2433, %shift_left3A_2435 : vector<16xi32>
        %bitcast_convert_type3A_2437 = tpu.bitcast %shift_left3A_2436 : vector<16xi32> -> vector<16xf32>
        %and3A_2438 = arith.andi %get3A_2433, %broadcast_in_dim3A_84 : vector<16xi32>
        %bitcast_convert_type3A_2439 = tpu.bitcast %and3A_2438 : vector<16xi32> -> vector<16xf32>
        %get3A_2440 = arith.constant 0 : i32
        %get3A_2441 = arith.constant 0 : i32
        %get3A_2442 = tpu.memref_slice %arg10[%scan3A_771, %get3A_2440, %get3A_2441] : memref<2x128x64xi32, #tpu.memory_space<vmem>> -> memref<1x128x64xi32, #tpu.memory_space<vmem>>
        %get3A_2443 = tpu.memref_squeeze %get3A_2442 : memref<1x128x64xi32, #tpu.memory_space<vmem>> -> memref<128x64xi32, #tpu.memory_space<vmem>>
        %get3A_2444 = arith.index_cast %add3A_2397 : i32 to index
        %get3A_2445 = arith.constant 16 : index
        %get3A_2446 = tpu.vector_load %get3A_2443[%get3A_2444, %get3A_2445] {strides = array<i32>} : memref<128x64xi32, #tpu.memory_space<vmem>>, vector<1x16xi32>,
        %get3A_2447 = vector.shape_cast %get3A_2446 : vector<1x16xi32> to vector<16xi32>
        %shift_left3A_2448 = arith.constant 16 : i32
        %shift_left3A_2449 = vector.broadcast %shift_left3A_2448 : i32 to vector<16xi32>
        %shift_left3A_2450 = arith.shli %get3A_2447, %shift_left3A_2449 : vector<16xi32>
        %bitcast_convert_type3A_2451 = tpu.bitcast %shift_left3A_2450 : vector<16xi32> -> vector<16xf32>
        %and3A_2452 = arith.andi %get3A_2447, %broadcast_in_dim3A_84 : vector<16xi32>
        %bitcast_convert_type3A_2453 = tpu.bitcast %and3A_2452 : vector<16xi32> -> vector<16xf32>
        %get3A_2454 = arith.constant 0 : i32
        %get3A_2455 = arith.constant 0 : i32
        %get3A_2456 = tpu.memref_slice %arg9[%scan3A_770, %get3A_2454, %get3A_2455] : memref<2x128x64xi32, #tpu.memory_space<vmem>> -> memref<1x128x64xi32, #tpu.memory_space<vmem>>
        %get3A_2457 = tpu.memref_squeeze %get3A_2456 : memref<1x128x64xi32, #tpu.memory_space<vmem>> -> memref<128x64xi32, #tpu.memory_space<vmem>>
        %get3A_2458 = arith.index_cast %add3A_2397 : i32 to index
        %get3A_2459 = arith.constant 32 : index
        %get3A_2460 = tpu.vector_load %get3A_2457[%get3A_2458, %get3A_2459] {strides = array<i32>} : memref<128x64xi32, #tpu.memory_space<vmem>>, vector<1x16xi32>,
        %get3A_2461 = vector.shape_cast %get3A_2460 : vector<1x16xi32> to vector<16xi32>
        %shift_left3A_2462 = arith.constant 16 : i32
        %shift_left3A_2463 = vector.broadcast %shift_left3A_2462 : i32 to vector<16xi32>
        %shift_left3A_2464 = arith.shli %get3A_2461, %shift_left3A_2463 : vector<16xi32>
        %bitcast_convert_type3A_2465 = tpu.bitcast %shift_left3A_2464 : vector<16xi32> -> vector<16xf32>
        %and3A_2466 = arith.andi %get3A_2461, %broadcast_in_dim3A_84 : vector<16xi32>
        %bitcast_convert_type3A_2467 = tpu.bitcast %and3A_2466 : vector<16xi32> -> vector<16xf32>
        %get3A_2468 = arith.constant 0 : i32
        %get3A_2469 = arith.constant 0 : i32
        %get3A_2470 = tpu.memref_slice %arg10[%scan3A_771, %get3A_2468, %get3A_2469] : memref<2x128x64xi32, #tpu.memory_space<vmem>> -> memref<1x128x64xi32, #tpu.memory_space<vmem>>
        %get3A_2471 = tpu.memref_squeeze %get3A_2470 : memref<1x128x64xi32, #tpu.memory_space<vmem>> -> memref<128x64xi32, #tpu.memory_space<vmem>>
        %get3A_2472 = arith.index_cast %add3A_2397 : i32 to index
        %get3A_2473 = arith.constant 32 : index
        %get3A_2474 = tpu.vector_load %get3A_2471[%get3A_2472, %get3A_2473] {strides = array<i32>} : memref<128x64xi32, #tpu.memory_space<vmem>>, vector<1x16xi32>,
        %get3A_2475 = vector.shape_cast %get3A_2474 : vector<1x16xi32> to vector<16xi32>
        %shift_left3A_2476 = arith.constant 16 : i32
        %shift_left3A_2477 = vector.broadcast %shift_left3A_2476 : i32 to vector<16xi32>
        %shift_left3A_2478 = arith.shli %get3A_2475, %shift_left3A_2477 : vector<16xi32>
        %bitcast_convert_type3A_2479 = tpu.bitcast %shift_left3A_2478 : vector<16xi32> -> vector<16xf32>
        %and3A_2480 = arith.andi %get3A_2475, %broadcast_in_dim3A_84 : vector<16xi32>
        %bitcast_convert_type3A_2481 = tpu.bitcast %and3A_2480 : vector<16xi32> -> vector<16xf32>
        %get3A_2482 = arith.constant 0 : i32
        %get3A_2483 = arith.constant 0 : i32
        %get3A_2484 = tpu.memref_slice %arg9[%scan3A_770, %get3A_2482, %get3A_2483] : memref<2x128x64xi32, #tpu.memory_space<vmem>> -> memref<1x128x64xi32, #tpu.memory_space<vmem>>
        %get3A_2485 = tpu.memref_squeeze %get3A_2484 : memref<1x128x64xi32, #tpu.memory_space<vmem>> -> memref<128x64xi32, #tpu.memory_space<vmem>>
        %get3A_2486 = arith.index_cast %add3A_2397 : i32 to index
        %get3A_2487 = arith.constant 48 : index
        %get3A_2488 = tpu.vector_load %get3A_2485[%get3A_2486, %get3A_2487] {strides = array<i32>} : memref<128x64xi32, #tpu.memory_space<vmem>>, vector<1x16xi32>,
        %get3A_2489 = vector.shape_cast %get3A_2488 : vector<1x16xi32> to vector<16xi32>
        %shift_left3A_2490 = arith.constant 16 : i32
        %shift_left3A_2491 = vector.broadcast %shift_left3A_2490 : i32 to vector<16xi32>
        %shift_left3A_2492 = arith.shli %get3A_2489, %shift_left3A_2491 : vector<16xi32>
        %bitcast_convert_type3A_2493 = tpu.bitcast %shift_left3A_2492 : vector<16xi32> -> vector<16xf32>
        %and3A_2494 = arith.andi %get3A_2489, %broadcast_in_dim3A_84 : vector<16xi32>
        %bitcast_convert_type3A_2495 = tpu.bitcast %and3A_2494 : vector<16xi32> -> vector<16xf32>
        %get3A_2496 = arith.constant 0 : i32
        %get3A_2497 = arith.constant 0 : i32
        %get3A_2498 = tpu.memref_slice %arg10[%scan3A_771, %get3A_2496, %get3A_2497] : memref<2x128x64xi32, #tpu.memory_space<vmem>> -> memref<1x128x64xi32, #tpu.memory_space<vmem>>
        %get3A_2499 = tpu.memref_squeeze %get3A_2498 : memref<1x128x64xi32, #tpu.memory_space<vmem>> -> memref<128x64xi32, #tpu.memory_space<vmem>>
        %get3A_2500 = arith.index_cast %add3A_2397 : i32 to index
        %get3A_2501 = arith.constant 48 : index
        %get3A_2502 = tpu.vector_load %get3A_2499[%get3A_2500, %get3A_2501] {strides = array<i32>} : memref<128x64xi32, #tpu.memory_space<vmem>>, vector<1x16xi32>,
        %get3A_2503 = vector.shape_cast %get3A_2502 : vector<1x16xi32> to vector<16xi32>
        %shift_left3A_2504 = arith.constant 16 : i32
        %shift_left3A_2505 = vector.broadcast %shift_left3A_2504 : i32 to vector<16xi32>
        %shift_left3A_2506 = arith.shli %get3A_2503, %shift_left3A_2505 : vector<16xi32>
        %bitcast_convert_type3A_2507 = tpu.bitcast %shift_left3A_2506 : vector<16xi32> -> vector<16xf32>
        %and3A_2508 = arith.andi %get3A_2503, %broadcast_in_dim3A_84 : vector<16xi32>
        %bitcast_convert_type3A_2509 = tpu.bitcast %and3A_2508 : vector<16xi32> -> vector<16xf32>
        %add3A_2510 = arith.addf %bitcast_convert_type3A_2409, %bitcast_convert_type3A_2423 : vector<16xf32>
        %max3A = arith.maximumf %scan3A_2372, %add3A_2510 : vector<16xf32>
        %add3A_2511 = arith.addf %scan3A_2380, %add3A_2510 : vector<16xf32>
        %mul3A_2512 = arith.mulf %add3A_2510, %add3A_2510 : vector<16xf32>
        %add3A_2513 = arith.addf %scan3A_2388, %mul3A_2512 : vector<16xf32>
        %add3A_2514 = arith.addf %bitcast_convert_type3A_2411, %bitcast_convert_type3A_2425 : vector<16xf32>
        %max3A_2515 = arith.maximumf %scan3A_2373, %add3A_2514 : vector<16xf32>
        %add3A_2516 = arith.addf %scan3A_2381, %add3A_2514 : vector<16xf32>
        %mul3A_2517 = arith.mulf %add3A_2514, %add3A_2514 : vector<16xf32>
        %add3A_2518 = arith.addf %scan3A_2389, %mul3A_2517 : vector<16xf32>
        %add3A_2519 = arith.addf %bitcast_convert_type3A_2437, %bitcast_convert_type3A_2451 : vector<16xf32>
        %max3A_2520 = arith.maximumf %scan3A_2374, %add3A_2519 : vector<16xf32>
        %add3A_2521 = arith.addf %scan3A_2382, %add3A_2519 : vector<16xf32>
        %mul3A_2522 = arith.mulf %add3A_2519, %add3A_2519 : vector<16xf32>
        %add3A_2523 = arith.addf %scan3A_2390, %mul3A_2522 : vector<16xf32>
        %add3A_2524 = arith.addf %bitcast_convert_type3A_2439, %bitcast_convert_type3A_2453 : vector<16xf32>
        %max3A_2525 = arith.maximumf %scan3A_2375, %add3A_2524 : vector<16xf32>
        %add3A_2526 = arith.addf %scan3A_2383, %add3A_2524 : vector<16xf32>
        %mul3A_2527 = arith.mulf %add3A_2524, %add3A_2524 : vector<16xf32>
        %add3A_2528 = arith.addf %scan3A_2391, %mul3A_2527 : vector<16xf32>
        %add3A_2529 = arith.addf %bitcast_convert_type3A_2465, %bitcast_convert_type3A_2479 : vector<16xf32>
        %max3A_2530 = arith.maximumf %scan3A_2376, %add3A_2529 : vector<16xf32>
        %add3A_2531 = arith.addf %scan3A_2384, %add3A_2529 : vector<16xf32>
        %mul3A_2532 = arith.mulf %add3A_2529, %add3A_2529 : vector<16xf32>
        %add3A_2533 = arith.addf %scan3A_2392, %mul3A_2532 : vector<16xf32>
        %add3A_2534 = arith.addf %bitcast_convert_type3A_2467, %bitcast_convert_type3A_2481 : vector<16xf32>
        %max3A_2535 = arith.maximumf %scan3A_2377, %add3A_2534 : vector<16xf32>
        %add3A_2536 = arith.addf %scan3A_2385, %add3A_2534 : vector<16xf32>
        %mul3A_2537 = arith.mulf %add3A_2534, %add3A_2534 : vector<16xf32>
        %add3A_2538 = arith.addf %scan3A_2393, %mul3A_2537 : vector<16xf32>
        %add3A_2539 = arith.addf %bitcast_convert_type3A_2493, %bitcast_convert_type3A_2507 : vector<16xf32>
        %max3A_2540 = arith.maximumf %scan3A_2378, %add3A_2539 : vector<16xf32>
        %add3A_2541 = arith.addf %scan3A_2386, %add3A_2539 : vector<16xf32>
        %mul3A_2542 = arith.mulf %add3A_2539, %add3A_2539 : vector<16xf32>
        %add3A_2543 = arith.addf %scan3A_2394, %mul3A_2542 : vector<16xf32>
        %add3A_2544 = arith.addf %bitcast_convert_type3A_2495, %bitcast_convert_type3A_2509 : vector<16xf32>
        %max3A_2545 = arith.maximumf %scan3A_2379, %add3A_2544 : vector<16xf32>
        %add3A_2546 = arith.addf %scan3A_2387, %add3A_2544 : vector<16xf32>
        %mul3A_2547 = arith.mulf %add3A_2544, %add3A_2544 : vector<16xf32>
        %add3A_2548 = arith.addf %scan3A_2395, %mul3A_2547 : vector<16xf32>
        scf.yield %max3A, %max3A_2515, %max3A_2520, %max3A_2525, %max3A_2530, %max3A_2535, %max3A_2540, %max3A_2545, %add3A_2511, %add3A_2516, %add3A_2521, %add3A_2526, %add3A_2531, %add3A_2536, %add3A_2541, %add3A_2546, %add3A_2513, %add3A_2518, %add3A_2523, %add3A_2528, %add3A_2533, %add3A_2538, %add3A_2543, %add3A_2548 : vector<16xf32>, vector<16xf32>, vector<16xf32>, vector<16xf32>, vector<16xf32>, vector<16xf32>, vector<16xf32>, vector<16xf32>, vector<16xf32>, vector<16xf32>, vector<16xf32>, vector<16xf32>, vector<16xf32>, vector<16xf32>, vector<16xf32>, vector<16xf32>, vector<16xf32>, vector<16xf32>, vector<16xf32>, vector<16xf32>, vector<16xf32>, vector<16xf32>, vector<16xf32>, vector<16xf32>
      }
      %scan3A_777 = arith.constant 31 : i32
      %swap3A_778 = arith.constant 0 : i32
      %swap3A_779 = arith.constant 1 : i32
      %swap3A_780 = arith.index_cast %swap3A_778 : i32 to index
      %swap3A_781 = arith.index_cast %swap3A_779 : i32 to index
      %swap3A_782 = arith.constant 0 : index
      %swap3A_783 = tpu.vector_load %arg11[%swap3A_780, %swap3A_781, %swap3A_782] {strides = array<i32>} : memref<2x4x128xf32, #tpu.memory_space<vmem>>, vector<1x1x16xf32>,
      %swap3A_784 = vector.shape_cast %swap3A_783 : vector<1x1x16xf32> to vector<16xf32>
      %swap3A_785 = vector.shape_cast %scan3A_776#0 : vector<16xf32> to vector<1x1x16xf32>
      tpu.vector_store %arg11[%swap3A_780, %swap3A_781, %swap3A_782], %swap3A_785 {strides = array<i32>} : memref<2x4x128xf32, #tpu.memory_space<vmem>>, vector<1x1x16xf32>,
      %swap3A_786 = arith.constant 0 : i32
      %swap3A_787 = arith.constant 1 : i32
      %swap3A_788 = arith.index_cast %swap3A_786 : i32 to index
      %swap3A_789 = arith.index_cast %swap3A_787 : i32 to index
      %swap3A_790 = arith.constant 16 : index
      %swap3A_791 = tpu.vector_load %arg11[%swap3A_788, %swap3A_789, %swap3A_790] {strides = array<i32>} : memref<2x4x128xf32, #tpu.memory_space<vmem>>, vector<1x1x16xf32>,
      %swap3A_792 = vector.shape_cast %swap3A_791 : vector<1x1x16xf32> to vector<16xf32>
      %swap3A_793 = vector.shape_cast %scan3A_776#1 : vector<16xf32> to vector<1x1x16xf32>
      tpu.vector_store %arg11[%swap3A_788, %swap3A_789, %swap3A_790], %swap3A_793 {strides = array<i32>} : memref<2x4x128xf32, #tpu.memory_space<vmem>>, vector<1x1x16xf32>,
      %swap3A_794 = arith.constant 0 : i32
      %swap3A_795 = arith.constant 1 : i32
      %swap3A_796 = arith.index_cast %swap3A_794 : i32 to index
      %swap3A_797 = arith.index_cast %swap3A_795 : i32 to index
      %swap3A_798 = arith.constant 32 : index
      %swap3A_799 = tpu.vector_load %arg11[%swap3A_796, %swap3A_797, %swap3A_798] {strides = array<i32>} : memref<2x4x128xf32, #tpu.memory_space<vmem>>, vector<1x1x16xf32>,
      %swap3A_800 = vector.shape_cast %swap3A_799 : vector<1x1x16xf32> to vector<16xf32>
      %swap3A_801 = vector.shape_cast %scan3A_776#2 : vector<16xf32> to vector<1x1x16xf32>
      tpu.vector_store %arg11[%swap3A_796, %swap3A_797, %swap3A_798], %swap3A_801 {strides = array<i32>} : memref<2x4x128xf32, #tpu.memory_space<vmem>>, vector<1x1x16xf32>,
      %swap3A_802 = arith.constant 0 : i32
      %swap3A_803 = arith.constant 1 : i32
      %swap3A_804 = arith.index_cast %swap3A_802 : i32 to index
      %swap3A_805 = arith.index_cast %swap3A_803 : i32 to index
      %swap3A_806 = arith.constant 48 : index
      %swap3A_807 = tpu.vector_load %arg11[%swap3A_804, %swap3A_805, %swap3A_806] {strides = array<i32>} : memref<2x4x128xf32, #tpu.memory_space<vmem>>, vector<1x1x16xf32>,
      %swap3A_808 = vector.shape_cast %swap3A_807 : vector<1x1x16xf32> to vector<16xf32>
      %swap3A_809 = vector.shape_cast %scan3A_776#3 : vector<16xf32> to vector<1x1x16xf32>
      tpu.vector_store %arg11[%swap3A_804, %swap3A_805, %swap3A_806], %swap3A_809 {strides = array<i32>} : memref<2x4x128xf32, #tpu.memory_space<vmem>>, vector<1x1x16xf32>,
      %swap3A_810 = arith.constant 0 : i32
      %swap3A_811 = arith.constant 1 : i32
      %swap3A_812 = arith.index_cast %swap3A_810 : i32 to index
      %swap3A_813 = arith.index_cast %swap3A_811 : i32 to index
      %swap3A_814 = arith.constant 64 : index
      %swap3A_815 = tpu.vector_load %arg11[%swap3A_812, %swap3A_813, %swap3A_814] {strides = array<i32>} : memref<2x4x128xf32, #tpu.memory_space<vmem>>, vector<1x1x16xf32>,
      %swap3A_816 = vector.shape_cast %swap3A_815 : vector<1x1x16xf32> to vector<16xf32>
      %swap3A_817 = vector.shape_cast %scan3A_776#4 : vector<16xf32> to vector<1x1x16xf32>
      tpu.vector_store %arg11[%swap3A_812, %swap3A_813, %swap3A_814], %swap3A_817 {strides = array<i32>} : memref<2x4x128xf32, #tpu.memory_space<vmem>>, vector<1x1x16xf32>,
      %swap3A_818 = arith.constant 0 : i32
      %swap3A_819 = arith.constant 1 : i32
      %swap3A_820 = arith.index_cast %swap3A_818 : i32 to index
      %swap3A_821 = arith.index_cast %swap3A_819 : i32 to index
      %swap3A_822 = arith.constant 80 : index
      %swap3A_823 = tpu.vector_load %arg11[%swap3A_820, %swap3A_821, %swap3A_822] {strides = array<i32>} : memref<2x4x128xf32, #tpu.memory_space<vmem>>, vector<1x1x16xf32>,
      %swap3A_824 = vector.shape_cast %swap3A_823 : vector<1x1x16xf32> to vector<16xf32>
      %swap3A_825 = vector.shape_cast %scan3A_776#5 : vector<16xf32> to vector<1x1x16xf32>
      tpu.vector_store %arg11[%swap3A_820, %swap3A_821, %swap3A_822], %swap3A_825 {strides = array<i32>} : memref<2x4x128xf32, #tpu.memory_space<vmem>>, vector<1x1x16xf32>,
      %swap3A_826 = arith.constant 0 : i32
      %swap3A_827 = arith.constant 1 : i32
      %swap3A_828 = arith.index_cast %swap3A_826 : i32 to index
      %swap3A_829 = arith.index_cast %swap3A_827 : i32 to index
      %swap3A_830 = arith.constant 96 : index
      %swap3A_831 = tpu.vector_load %arg11[%swap3A_828, %swap3A_829, %swap3A_830] {strides = array<i32>} : memref<2x4x128xf32, #tpu.memory_space<vmem>>, vector<1x1x16xf32>,
      %swap3A_832 = vector.shape_cast %swap3A_831 : vector<1x1x16xf32> to vector<16xf32>
      %swap3A_833 = vector.shape_cast %scan3A_776#6 : vector<16xf32> to vector<1x1x16xf32>
      tpu.vector_store %arg11[%swap3A_828, %swap3A_829, %swap3A_830], %swap3A_833 {strides = array<i32>} : memref<2x4x128xf32, #tpu.memory_space<vmem>>, vector<1x1x16xf32>,
      %swap3A_834 = arith.constant 0 : i32
      %swap3A_835 = arith.constant 1 : i32
      %swap3A_836 = arith.index_cast %swap3A_834 : i32 to index
      %swap3A_837 = arith.index_cast %swap3A_835 : i32 to index
      %swap3A_838 = arith.constant 112 : index
      %swap3A_839 = tpu.vector_load %arg11[%swap3A_836, %swap3A_837, %swap3A_838] {strides = array<i32>} : memref<2x4x128xf32, #tpu.memory_space<vmem>>, vector<1x1x16xf32>,
      %swap3A_840 = vector.shape_cast %swap3A_839 : vector<1x1x16xf32> to vector<16xf32>
      %swap3A_841 = vector.shape_cast %scan3A_776#7 : vector<16xf32> to vector<1x1x16xf32>
      tpu.vector_store %arg11[%swap3A_836, %swap3A_837, %swap3A_838], %swap3A_841 {strides = array<i32>} : memref<2x4x128xf32, #tpu.memory_space<vmem>>, vector<1x1x16xf32>,
      %get3A_842 = arith.constant 0 : i32
      %get3A_843 = arith.constant 64 : i32
      %get3A_844 = arith.constant 0 : i32
      %get3A_845 = arith.constant 0 : i32
      %get3A_846 = tpu.memref_slice %arg9[%get3A_842, %get3A_844, %get3A_845] : memref<2x128x64xi32, #tpu.memory_space<vmem>> -> memref<1x128x64xi32, #tpu.memory_space<vmem>>
      %get3A_847 = tpu.memref_squeeze %get3A_846 : memref<1x128x64xi32, #tpu.memory_space<vmem>> -> memref<128x64xi32, #tpu.memory_space<vmem>>
      %get3A_848 = arith.index_cast %get3A_843 : i32 to index
      %get3A_849 = arith.constant 0 : index
      %get3A_850 = tpu.vector_load %get3A_847[%get3A_848, %get3A_849] {strides = array<i32>} : memref<128x64xi32, #tpu.memory_space<vmem>>, vector<1x16xi32>,
      %get3A_851 = vector.shape_cast %get3A_850 : vector<1x16xi32> to vector<16xi32>
      %shift_left3A_852 = arith.constant 16 : i32
      %shift_left3A_853 = vector.broadcast %shift_left3A_852 : i32 to vector<16xi32>
      %shift_left3A_854 = arith.shli %get3A_851, %shift_left3A_853 : vector<16xi32>
      %bitcast_convert_type3A_855 = tpu.bitcast %shift_left3A_854 : vector<16xi32> -> vector<16xf32>
      %and3A_856 = arith.andi %get3A_851, %broadcast_in_dim3A_84 : vector<16xi32>
      %bitcast_convert_type3A_857 = tpu.bitcast %and3A_856 : vector<16xi32> -> vector<16xf32>
      %get3A_858 = arith.constant 0 : i32
      %get3A_859 = arith.constant 64 : i32
      %get3A_860 = arith.constant 0 : i32
      %get3A_861 = arith.constant 0 : i32
      %get3A_862 = tpu.memref_slice %arg10[%get3A_858, %get3A_860, %get3A_861] : memref<2x128x64xi32, #tpu.memory_space<vmem>> -> memref<1x128x64xi32, #tpu.memory_space<vmem>>
      %get3A_863 = tpu.memref_squeeze %get3A_862 : memref<1x128x64xi32, #tpu.memory_space<vmem>> -> memref<128x64xi32, #tpu.memory_space<vmem>>
      %get3A_864 = arith.index_cast %get3A_859 : i32 to index
      %get3A_865 = arith.constant 0 : index
      %get3A_866 = tpu.vector_load %get3A_863[%get3A_864, %get3A_865] {strides = array<i32>} : memref<128x64xi32, #tpu.memory_space<vmem>>, vector<1x16xi32>,
      %get3A_867 = vector.shape_cast %get3A_866 : vector<1x16xi32> to vector<16xi32>
      %shift_left3A_868 = arith.constant 16 : i32
      %shift_left3A_869 = vector.broadcast %shift_left3A_868 : i32 to vector<16xi32>
      %shift_left3A_870 = arith.shli %get3A_867, %shift_left3A_869 : vector<16xi32>
      %bitcast_convert_type3A_871 = tpu.bitcast %shift_left3A_870 : vector<16xi32> -> vector<16xf32>
      %and3A_872 = arith.andi %get3A_867, %broadcast_in_dim3A_84 : vector<16xi32>
      %bitcast_convert_type3A_873 = tpu.bitcast %and3A_872 : vector<16xi32> -> vector<16xf32>
      %get3A_874 = arith.constant 0 : i32
      %get3A_875 = arith.constant 64 : i32
      %get3A_876 = arith.constant 0 : i32
      %get3A_877 = arith.constant 0 : i32
      %get3A_878 = tpu.memref_slice %arg9[%get3A_874, %get3A_876, %get3A_877] : memref<2x128x64xi32, #tpu.memory_space<vmem>> -> memref<1x128x64xi32, #tpu.memory_space<vmem>>
      %get3A_879 = tpu.memref_squeeze %get3A_878 : memref<1x128x64xi32, #tpu.memory_space<vmem>> -> memref<128x64xi32, #tpu.memory_space<vmem>>
      %get3A_880 = arith.index_cast %get3A_875 : i32 to index
      %get3A_881 = arith.constant 16 : index
      %get3A_882 = tpu.vector_load %get3A_879[%get3A_880, %get3A_881] {strides = array<i32>} : memref<128x64xi32, #tpu.memory_space<vmem>>, vector<1x16xi32>,
      %get3A_883 = vector.shape_cast %get3A_882 : vector<1x16xi32> to vector<16xi32>
      %shift_left3A_884 = arith.constant 16 : i32
      %shift_left3A_885 = vector.broadcast %shift_left3A_884 : i32 to vector<16xi32>
      %shift_left3A_886 = arith.shli %get3A_883, %shift_left3A_885 : vector<16xi32>
      %bitcast_convert_type3A_887 = tpu.bitcast %shift_left3A_886 : vector<16xi32> -> vector<16xf32>
      %and3A_888 = arith.andi %get3A_883, %broadcast_in_dim3A_84 : vector<16xi32>
      %bitcast_convert_type3A_889 = tpu.bitcast %and3A_888 : vector<16xi32> -> vector<16xf32>
      %get3A_890 = arith.constant 0 : i32
      %get3A_891 = arith.constant 64 : i32
      %get3A_892 = arith.constant 0 : i32
      %get3A_893 = arith.constant 0 : i32
      %get3A_894 = tpu.memref_slice %arg10[%get3A_890, %get3A_892, %get3A_893] : memref<2x128x64xi32, #tpu.memory_space<vmem>> -> memref<1x128x64xi32, #tpu.memory_space<vmem>>
      %get3A_895 = tpu.memref_squeeze %get3A_894 : memref<1x128x64xi32, #tpu.memory_space<vmem>> -> memref<128x64xi32, #tpu.memory_space<vmem>>
      %get3A_896 = arith.index_cast %get3A_891 : i32 to index
      %get3A_897 = arith.constant 16 : index
      %get3A_898 = tpu.vector_load %get3A_895[%get3A_896, %get3A_897] {strides = array<i32>} : memref<128x64xi32, #tpu.memory_space<vmem>>, vector<1x16xi32>,
      %get3A_899 = vector.shape_cast %get3A_898 : vector<1x16xi32> to vector<16xi32>
      %shift_left3A_900 = arith.constant 16 : i32
      %shift_left3A_901 = vector.broadcast %shift_left3A_900 : i32 to vector<16xi32>
      %shift_left3A_902 = arith.shli %get3A_899, %shift_left3A_901 : vector<16xi32>
      %bitcast_convert_type3A_903 = tpu.bitcast %shift_left3A_902 : vector<16xi32> -> vector<16xf32>
      %and3A_904 = arith.andi %get3A_899, %broadcast_in_dim3A_84 : vector<16xi32>
      %bitcast_convert_type3A_905 = tpu.bitcast %and3A_904 : vector<16xi32> -> vector<16xf32>
      %get3A_906 = arith.constant 0 : i32
      %get3A_907 = arith.constant 64 : i32
      %get3A_908 = arith.constant 0 : i32
      %get3A_909 = arith.constant 0 : i32
      %get3A_910 = tpu.memref_slice %arg9[%get3A_906, %get3A_908, %get3A_909] : memref<2x128x64xi32, #tpu.memory_space<vmem>> -> memref<1x128x64xi32, #tpu.memory_space<vmem>>
      %get3A_911 = tpu.memref_squeeze %get3A_910 : memref<1x128x64xi32, #tpu.memory_space<vmem>> -> memref<128x64xi32, #tpu.memory_space<vmem>>
      %get3A_912 = arith.index_cast %get3A_907 : i32 to index
      %get3A_913 = arith.constant 32 : index
      %get3A_914 = tpu.vector_load %get3A_911[%get3A_912, %get3A_913] {strides = array<i32>} : memref<128x64xi32, #tpu.memory_space<vmem>>, vector<1x16xi32>,
      %get3A_915 = vector.shape_cast %get3A_914 : vector<1x16xi32> to vector<16xi32>
      %shift_left3A_916 = arith.constant 16 : i32
      %shift_left3A_917 = vector.broadcast %shift_left3A_916 : i32 to vector<16xi32>
      %shift_left3A_918 = arith.shli %get3A_915, %shift_left3A_917 : vector<16xi32>
      %bitcast_convert_type3A_919 = tpu.bitcast %shift_left3A_918 : vector<16xi32> -> vector<16xf32>
      %and3A_920 = arith.andi %get3A_915, %broadcast_in_dim3A_84 : vector<16xi32>
      %bitcast_convert_type3A_921 = tpu.bitcast %and3A_920 : vector<16xi32> -> vector<16xf32>
      %get3A_922 = arith.constant 0 : i32
      %get3A_923 = arith.constant 64 : i32
      %get3A_924 = arith.constant 0 : i32
      %get3A_925 = arith.constant 0 : i32
      %get3A_926 = tpu.memref_slice %arg10[%get3A_922, %get3A_924, %get3A_925] : memref<2x128x64xi32, #tpu.memory_space<vmem>> -> memref<1x128x64xi32, #tpu.memory_space<vmem>>
      %get3A_927 = tpu.memref_squeeze %get3A_926 : memref<1x128x64xi32, #tpu.memory_space<vmem>> -> memref<128x64xi32, #tpu.memory_space<vmem>>
      %get3A_928 = arith.index_cast %get3A_923 : i32 to index
      %get3A_929 = arith.constant 32 : index
      %get3A_930 = tpu.vector_load %get3A_927[%get3A_928, %get3A_929] {strides = array<i32>} : memref<128x64xi32, #tpu.memory_space<vmem>>, vector<1x16xi32>,
      %get3A_931 = vector.shape_cast %get3A_930 : vector<1x16xi32> to vector<16xi32>
      %shift_left3A_932 = arith.constant 16 : i32
      %shift_left3A_933 = vector.broadcast %shift_left3A_932 : i32 to vector<16xi32>
      %shift_left3A_934 = arith.shli %get3A_931, %shift_left3A_933 : vector<16xi32>
      %bitcast_convert_type3A_935 = tpu.bitcast %shift_left3A_934 : vector<16xi32> -> vector<16xf32>
      %and3A_936 = arith.andi %get3A_931, %broadcast_in_dim3A_84 : vector<16xi32>
      %bitcast_convert_type3A_937 = tpu.bitcast %and3A_936 : vector<16xi32> -> vector<16xf32>
      %get3A_938 = arith.constant 0 : i32
      %get3A_939 = arith.constant 64 : i32
      %get3A_940 = arith.constant 0 : i32
      %get3A_941 = arith.constant 0 : i32
      %get3A_942 = tpu.memref_slice %arg9[%get3A_938, %get3A_940, %get3A_941] : memref<2x128x64xi32, #tpu.memory_space<vmem>> -> memref<1x128x64xi32, #tpu.memory_space<vmem>>
      %get3A_943 = tpu.memref_squeeze %get3A_942 : memref<1x128x64xi32, #tpu.memory_space<vmem>> -> memref<128x64xi32, #tpu.memory_space<vmem>>
      %get3A_944 = arith.index_cast %get3A_939 : i32 to index
      %get3A_945 = arith.constant 48 : index
      %get3A_946 = tpu.vector_load %get3A_943[%get3A_944, %get3A_945] {strides = array<i32>} : memref<128x64xi32, #tpu.memory_space<vmem>>, vector<1x16xi32>,
      %get3A_947 = vector.shape_cast %get3A_946 : vector<1x16xi32> to vector<16xi32>
      %shift_left3A_948 = arith.constant 16 : i32
      %shift_left3A_949 = vector.broadcast %shift_left3A_948 : i32 to vector<16xi32>
      %shift_left3A_950 = arith.shli %get3A_947, %shift_left3A_949 : vector<16xi32>
      %bitcast_convert_type3A_951 = tpu.bitcast %shift_left3A_950 : vector<16xi32> -> vector<16xf32>
      %and3A_952 = arith.andi %get3A_947, %broadcast_in_dim3A_84 : vector<16xi32>
      %bitcast_convert_type3A_953 = tpu.bitcast %and3A_952 : vector<16xi32> -> vector<16xf32>
      %get3A_954 = arith.constant 0 : i32
      %get3A_955 = arith.constant 64 : i32
      %get3A_956 = arith.constant 0 : i32
      %get3A_957 = arith.constant 0 : i32
      %get3A_958 = tpu.memref_slice %arg10[%get3A_954, %get3A_956, %get3A_957] : memref<2x128x64xi32, #tpu.memory_space<vmem>> -> memref<1x128x64xi32, #tpu.memory_space<vmem>>
      %get3A_959 = tpu.memref_squeeze %get3A_958 : memref<1x128x64xi32, #tpu.memory_space<vmem>> -> memref<128x64xi32, #tpu.memory_space<vmem>>
      %get3A_960 = arith.index_cast %get3A_955 : i32 to index
      %get3A_961 = arith.constant 48 : index
      %get3A_962 = tpu.vector_load %get3A_959[%get3A_960, %get3A_961] {strides = array<i32>} : memref<128x64xi32, #tpu.memory_space<vmem>>, vector<1x16xi32>,
      %get3A_963 = vector.shape_cast %get3A_962 : vector<1x16xi32> to vector<16xi32>
      %shift_left3A_964 = arith.constant 16 : i32
      %shift_left3A_965 = vector.broadcast %shift_left3A_964 : i32 to vector<16xi32>
      %shift_left3A_966 = arith.shli %get3A_963, %shift_left3A_965 : vector<16xi32>
      %bitcast_convert_type3A_967 = tpu.bitcast %shift_left3A_966 : vector<16xi32> -> vector<16xf32>
      %and3A_968 = arith.andi %get3A_963, %broadcast_in_dim3A_84 : vector<16xi32>
      %bitcast_convert_type3A_969 = tpu.bitcast %and3A_968 : vector<16xi32> -> vector<16xf32>
      %add3A_970 = arith.addf %bitcast_convert_type3A_855, %bitcast_convert_type3A_871 : vector<16xf32>
      %add3A_971 = arith.addf %scan3A_776#8, %add3A_970 : vector<16xf32>
      %mul3A_972 = arith.mulf %add3A_970, %add3A_970 : vector<16xf32>
      %add3A_973 = arith.addf %scan3A_776#16, %mul3A_972 : vector<16xf32>
      %add3A_974 = arith.addf %bitcast_convert_type3A_857, %bitcast_convert_type3A_873 : vector<16xf32>
      %add3A_975 = arith.addf %scan3A_776#9, %add3A_974 : vector<16xf32>
      %mul3A_976 = arith.mulf %add3A_974, %add3A_974 : vector<16xf32>
      %add3A_977 = arith.addf %scan3A_776#17, %mul3A_976 : vector<16xf32>
      %add3A_978 = arith.addf %bitcast_convert_type3A_887, %bitcast_convert_type3A_903 : vector<16xf32>
      %add3A_979 = arith.addf %scan3A_776#10, %add3A_978 : vector<16xf32>
      %mul3A_980 = arith.mulf %add3A_978, %add3A_978 : vector<16xf32>
      %add3A_981 = arith.addf %scan3A_776#18, %mul3A_980 : vector<16xf32>
      %add3A_982 = arith.addf %bitcast_convert_type3A_889, %bitcast_convert_type3A_905 : vector<16xf32>
      %add3A_983 = arith.addf %scan3A_776#11, %add3A_982 : vector<16xf32>
      %mul3A_984 = arith.mulf %add3A_982, %add3A_982 : vector<16xf32>
      %add3A_985 = arith.addf %scan3A_776#19, %mul3A_984 : vector<16xf32>
      %add3A_986 = arith.addf %bitcast_convert_type3A_919, %bitcast_convert_type3A_935 : vector<16xf32>
      %add3A_987 = arith.addf %scan3A_776#12, %add3A_986 : vector<16xf32>
      %mul3A_988 = arith.mulf %add3A_986, %add3A_986 : vector<16xf32>
      %add3A_989 = arith.addf %scan3A_776#20, %mul3A_988 : vector<16xf32>
      %add3A_990 = arith.addf %bitcast_convert_type3A_921, %bitcast_convert_type3A_937 : vector<16xf32>
      %add3A_991 = arith.addf %scan3A_776#13, %add3A_990 : vector<16xf32>
      %mul3A_992 = arith.mulf %add3A_990, %add3A_990 : vector<16xf32>
      %add3A_993 = arith.addf %scan3A_776#21, %mul3A_992 : vector<16xf32>
      %add3A_994 = arith.addf %bitcast_convert_type3A_951, %bitcast_convert_type3A_967 : vector<16xf32>
      %add3A_995 = arith.addf %scan3A_776#14, %add3A_994 : vector<16xf32>
      %mul3A_996 = arith.mulf %add3A_994, %add3A_994 : vector<16xf32>
      %add3A_997 = arith.addf %scan3A_776#22, %mul3A_996 : vector<16xf32>
      %add3A_998 = arith.addf %bitcast_convert_type3A_953, %bitcast_convert_type3A_969 : vector<16xf32>
      %add3A_999 = arith.addf %scan3A_776#15, %add3A_998 : vector<16xf32>
      %mul3A_1000 = arith.mulf %add3A_998, %add3A_998 : vector<16xf32>
      %add3A_1001 = arith.addf %scan3A_776#23, %mul3A_1000 : vector<16xf32>
      %scan3A_1002 = arith.constant 0 : i32
      %scan3A_1003 = arith.constant 0 : i32
      %scan3A_1004 = arith.constant 1 : i32
      %scan3A_1005 = arith.constant 31 : i32
      %scan3A_1006 = arith.addi %scan3A_1004, %scan3A_1005 : i32
      %scan3A_1007 = arith.constant 1 : i32
      %scan3A_1008:24 = scf.for %scan3A_2371 = %scan3A_1004 to %scan3A_1006 step %scan3A_1007 iter_args(%scan3A_2372 = %add3A_970, %scan3A_2373 = %add3A_974, %scan3A_2374 = %add3A_978, %scan3A_2375 = %add3A_982, %scan3A_2376 = %add3A_986, %scan3A_2377 = %add3A_990, %scan3A_2378 = %add3A_994, %scan3A_2379 = %add3A_998, %scan3A_2380 = %add3A_971, %scan3A_2381 = %add3A_975, %scan3A_2382 = %add3A_979, %scan3A_2383 = %add3A_983, %scan3A_2384 = %add3A_987, %scan3A_2385 = %add3A_991, %scan3A_2386 = %add3A_995, %scan3A_2387 = %add3A_999, %scan3A_2388 = %add3A_973, %scan3A_2389 = %add3A_977, %scan3A_2390 = %add3A_981, %scan3A_2391 = %add3A_985, %scan3A_2392 = %add3A_989, %scan3A_2393 = %add3A_993, %scan3A_2394 = %add3A_997, %scan3A_2395 = %add3A_1001) -> (vector<16xf32>, vector<16xf32>, vector<16xf32>, vector<16xf32>, vector<16xf32>, vector<16xf32>, vector<16xf32>, vector<16xf32>, vector<16xf32>, vector<16xf32>, vector<16xf32>, vector<16xf32>, vector<16xf32>, vector<16xf32>, vector<16xf32>, vector<16xf32>, vector<16xf32>, vector<16xf32>, vector<16xf32>, vector<16xf32>, vector<16xf32>, vector<16xf32>, vector<16xf32>, vector<16xf32>)  : i32 {
        %add3A_2396 = arith.constant 64 : i32
        %add3A_2397 = arith.addi %add3A_2396, %scan3A_2371 : i32
        %get3A_2398 = arith.constant 0 : i32
        %get3A_2399 = arith.constant 0 : i32
        %get3A_2400 = tpu.memref_slice %arg9[%scan3A_1002, %get3A_2398, %get3A_2399] : memref<2x128x64xi32, #tpu.memory_space<vmem>> -> memref<1x128x64xi32, #tpu.memory_space<vmem>>
        %get3A_2401 = tpu.memref_squeeze %get3A_2400 : memref<1x128x64xi32, #tpu.memory_space<vmem>> -> memref<128x64xi32, #tpu.memory_space<vmem>>
        %get3A_2402 = arith.index_cast %add3A_2397 : i32 to index
        %get3A_2403 = arith.constant 0 : index
        %get3A_2404 = tpu.vector_load %get3A_2401[%get3A_2402, %get3A_2403] {strides = array<i32>} : memref<128x64xi32, #tpu.memory_space<vmem>>, vector<1x16xi32>,
        %get3A_2405 = vector.shape_cast %get3A_2404 : vector<1x16xi32> to vector<16xi32>
        %shift_left3A_2406 = arith.constant 16 : i32
        %shift_left3A_2407 = vector.broadcast %shift_left3A_2406 : i32 to vector<16xi32>
        %shift_left3A_2408 = arith.shli %get3A_2405, %shift_left3A_2407 : vector<16xi32>
        %bitcast_convert_type3A_2409 = tpu.bitcast %shift_left3A_2408 : vector<16xi32> -> vector<16xf32>
        %and3A_2410 = arith.andi %get3A_2405, %broadcast_in_dim3A_84 : vector<16xi32>
        %bitcast_convert_type3A_2411 = tpu.bitcast %and3A_2410 : vector<16xi32> -> vector<16xf32>
        %get3A_2412 = arith.constant 0 : i32
        %get3A_2413 = arith.constant 0 : i32
        %get3A_2414 = tpu.memref_slice %arg10[%scan3A_1003, %get3A_2412, %get3A_2413] : memref<2x128x64xi32, #tpu.memory_space<vmem>> -> memref<1x128x64xi32, #tpu.memory_space<vmem>>
        %get3A_2415 = tpu.memref_squeeze %get3A_2414 : memref<1x128x64xi32, #tpu.memory_space<vmem>> -> memref<128x64xi32, #tpu.memory_space<vmem>>
        %get3A_2416 = arith.index_cast %add3A_2397 : i32 to index
        %get3A_2417 = arith.constant 0 : index
        %get3A_2418 = tpu.vector_load %get3A_2415[%get3A_2416, %get3A_2417] {strides = array<i32>} : memref<128x64xi32, #tpu.memory_space<vmem>>, vector<1x16xi32>,
        %get3A_2419 = vector.shape_cast %get3A_2418 : vector<1x16xi32> to vector<16xi32>
        %shift_left3A_2420 = arith.constant 16 : i32
        %shift_left3A_2421 = vector.broadcast %shift_left3A_2420 : i32 to vector<16xi32>
        %shift_left3A_2422 = arith.shli %get3A_2419, %shift_left3A_2421 : vector<16xi32>
        %bitcast_convert_type3A_2423 = tpu.bitcast %shift_left3A_2422 : vector<16xi32> -> vector<16xf32>
        %and3A_2424 = arith.andi %get3A_2419, %broadcast_in_dim3A_84 : vector<16xi32>
        %bitcast_convert_type3A_2425 = tpu.bitcast %and3A_2424 : vector<16xi32> -> vector<16xf32>
        %get3A_2426 = arith.constant 0 : i32
        %get3A_2427 = arith.constant 0 : i32
        %get3A_2428 = tpu.memref_slice %arg9[%scan3A_1002, %get3A_2426, %get3A_2427] : memref<2x128x64xi32, #tpu.memory_space<vmem>> -> memref<1x128x64xi32, #tpu.memory_space<vmem>>
        %get3A_2429 = tpu.memref_squeeze %get3A_2428 : memref<1x128x64xi32, #tpu.memory_space<vmem>> -> memref<128x64xi32, #tpu.memory_space<vmem>>
        %get3A_2430 = arith.index_cast %add3A_2397 : i32 to index
        %get3A_2431 = arith.constant 16 : index
        %get3A_2432 = tpu.vector_load %get3A_2429[%get3A_2430, %get3A_2431] {strides = array<i32>} : memref<128x64xi32, #tpu.memory_space<vmem>>, vector<1x16xi32>,
        %get3A_2433 = vector.shape_cast %get3A_2432 : vector<1x16xi32> to vector<16xi32>
        %shift_left3A_2434 = arith.constant 16 : i32
        %shift_left3A_2435 = vector.broadcast %shift_left3A_2434 : i32 to vector<16xi32>
        %shift_left3A_2436 = arith.shli %get3A_2433, %shift_left3A_2435 : vector<16xi32>
        %bitcast_convert_type3A_2437 = tpu.bitcast %shift_left3A_2436 : vector<16xi32> -> vector<16xf32>
        %and3A_2438 = arith.andi %get3A_2433, %broadcast_in_dim3A_84 : vector<16xi32>
        %bitcast_convert_type3A_2439 = tpu.bitcast %and3A_2438 : vector<16xi32> -> vector<16xf32>
        %get3A_2440 = arith.constant 0 : i32
        %get3A_2441 = arith.constant 0 : i32
        %get3A_2442 = tpu.memref_slice %arg10[%scan3A_1003, %get3A_2440, %get3A_2441] : memref<2x128x64xi32, #tpu.memory_space<vmem>> -> memref<1x128x64xi32, #tpu.memory_space<vmem>>
        %get3A_2443 = tpu.memref_squeeze %get3A_2442 : memref<1x128x64xi32, #tpu.memory_space<vmem>> -> memref<128x64xi32, #tpu.memory_space<vmem>>
        %get3A_2444 = arith.index_cast %add3A_2397 : i32 to index
        %get3A_2445 = arith.constant 16 : index
        %get3A_2446 = tpu.vector_load %get3A_2443[%get3A_2444, %get3A_2445] {strides = array<i32>} : memref<128x64xi32, #tpu.memory_space<vmem>>, vector<1x16xi32>,
        %get3A_2447 = vector.shape_cast %get3A_2446 : vector<1x16xi32> to vector<16xi32>
        %shift_left3A_2448 = arith.constant 16 : i32
        %shift_left3A_2449 = vector.broadcast %shift_left3A_2448 : i32 to vector<16xi32>
        %shift_left3A_2450 = arith.shli %get3A_2447, %shift_left3A_2449 : vector<16xi32>
        %bitcast_convert_type3A_2451 = tpu.bitcast %shift_left3A_2450 : vector<16xi32> -> vector<16xf32>
        %and3A_2452 = arith.andi %get3A_2447, %broadcast_in_dim3A_84 : vector<16xi32>
        %bitcast_convert_type3A_2453 = tpu.bitcast %and3A_2452 : vector<16xi32> -> vector<16xf32>
        %get3A_2454 = arith.constant 0 : i32
        %get3A_2455 = arith.constant 0 : i32
        %get3A_2456 = tpu.memref_slice %arg9[%scan3A_1002, %get3A_2454, %get3A_2455] : memref<2x128x64xi32, #tpu.memory_space<vmem>> -> memref<1x128x64xi32, #tpu.memory_space<vmem>>
        %get3A_2457 = tpu.memref_squeeze %get3A_2456 : memref<1x128x64xi32, #tpu.memory_space<vmem>> -> memref<128x64xi32, #tpu.memory_space<vmem>>
        %get3A_2458 = arith.index_cast %add3A_2397 : i32 to index
        %get3A_2459 = arith.constant 32 : index
        %get3A_2460 = tpu.vector_load %get3A_2457[%get3A_2458, %get3A_2459] {strides = array<i32>} : memref<128x64xi32, #tpu.memory_space<vmem>>, vector<1x16xi32>,
        %get3A_2461 = vector.shape_cast %get3A_2460 : vector<1x16xi32> to vector<16xi32>
        %shift_left3A_2462 = arith.constant 16 : i32
        %shift_left3A_2463 = vector.broadcast %shift_left3A_2462 : i32 to vector<16xi32>
        %shift_left3A_2464 = arith.shli %get3A_2461, %shift_left3A_2463 : vector<16xi32>
        %bitcast_convert_type3A_2465 = tpu.bitcast %shift_left3A_2464 : vector<16xi32> -> vector<16xf32>
        %and3A_2466 = arith.andi %get3A_2461, %broadcast_in_dim3A_84 : vector<16xi32>
        %bitcast_convert_type3A_2467 = tpu.bitcast %and3A_2466 : vector<16xi32> -> vector<16xf32>
        %get3A_2468 = arith.constant 0 : i32
        %get3A_2469 = arith.constant 0 : i32
        %get3A_2470 = tpu.memref_slice %arg10[%scan3A_1003, %get3A_2468, %get3A_2469] : memref<2x128x64xi32, #tpu.memory_space<vmem>> -> memref<1x128x64xi32, #tpu.memory_space<vmem>>
        %get3A_2471 = tpu.memref_squeeze %get3A_2470 : memref<1x128x64xi32, #tpu.memory_space<vmem>> -> memref<128x64xi32, #tpu.memory_space<vmem>>
        %get3A_2472 = arith.index_cast %add3A_2397 : i32 to index
        %get3A_2473 = arith.constant 32 : index
        %get3A_2474 = tpu.vector_load %get3A_2471[%get3A_2472, %get3A_2473] {strides = array<i32>} : memref<128x64xi32, #tpu.memory_space<vmem>>, vector<1x16xi32>,
        %get3A_2475 = vector.shape_cast %get3A_2474 : vector<1x16xi32> to vector<16xi32>
        %shift_left3A_2476 = arith.constant 16 : i32
        %shift_left3A_2477 = vector.broadcast %shift_left3A_2476 : i32 to vector<16xi32>
        %shift_left3A_2478 = arith.shli %get3A_2475, %shift_left3A_2477 : vector<16xi32>
        %bitcast_convert_type3A_2479 = tpu.bitcast %shift_left3A_2478 : vector<16xi32> -> vector<16xf32>
        %and3A_2480 = arith.andi %get3A_2475, %broadcast_in_dim3A_84 : vector<16xi32>
        %bitcast_convert_type3A_2481 = tpu.bitcast %and3A_2480 : vector<16xi32> -> vector<16xf32>
        %get3A_2482 = arith.constant 0 : i32
        %get3A_2483 = arith.constant 0 : i32
        %get3A_2484 = tpu.memref_slice %arg9[%scan3A_1002, %get3A_2482, %get3A_2483] : memref<2x128x64xi32, #tpu.memory_space<vmem>> -> memref<1x128x64xi32, #tpu.memory_space<vmem>>
        %get3A_2485 = tpu.memref_squeeze %get3A_2484 : memref<1x128x64xi32, #tpu.memory_space<vmem>> -> memref<128x64xi32, #tpu.memory_space<vmem>>
        %get3A_2486 = arith.index_cast %add3A_2397 : i32 to index
        %get3A_2487 = arith.constant 48 : index
        %get3A_2488 = tpu.vector_load %get3A_2485[%get3A_2486, %get3A_2487] {strides = array<i32>} : memref<128x64xi32, #tpu.memory_space<vmem>>, vector<1x16xi32>,
        %get3A_2489 = vector.shape_cast %get3A_2488 : vector<1x16xi32> to vector<16xi32>
        %shift_left3A_2490 = arith.constant 16 : i32
        %shift_left3A_2491 = vector.broadcast %shift_left3A_2490 : i32 to vector<16xi32>
        %shift_left3A_2492 = arith.shli %get3A_2489, %shift_left3A_2491 : vector<16xi32>
        %bitcast_convert_type3A_2493 = tpu.bitcast %shift_left3A_2492 : vector<16xi32> -> vector<16xf32>
        %and3A_2494 = arith.andi %get3A_2489, %broadcast_in_dim3A_84 : vector<16xi32>
        %bitcast_convert_type3A_2495 = tpu.bitcast %and3A_2494 : vector<16xi32> -> vector<16xf32>
        %get3A_2496 = arith.constant 0 : i32
        %get3A_2497 = arith.constant 0 : i32
        %get3A_2498 = tpu.memref_slice %arg10[%scan3A_1003, %get3A_2496, %get3A_2497] : memref<2x128x64xi32, #tpu.memory_space<vmem>> -> memref<1x128x64xi32, #tpu.memory_space<vmem>>
        %get3A_2499 = tpu.memref_squeeze %get3A_2498 : memref<1x128x64xi32, #tpu.memory_space<vmem>> -> memref<128x64xi32, #tpu.memory_space<vmem>>
        %get3A_2500 = arith.index_cast %add3A_2397 : i32 to index
        %get3A_2501 = arith.constant 48 : index
        %get3A_2502 = tpu.vector_load %get3A_2499[%get3A_2500, %get3A_2501] {strides = array<i32>} : memref<128x64xi32, #tpu.memory_space<vmem>>, vector<1x16xi32>,
        %get3A_2503 = vector.shape_cast %get3A_2502 : vector<1x16xi32> to vector<16xi32>
        %shift_left3A_2504 = arith.constant 16 : i32
        %shift_left3A_2505 = vector.broadcast %shift_left3A_2504 : i32 to vector<16xi32>
        %shift_left3A_2506 = arith.shli %get3A_2503, %shift_left3A_2505 : vector<16xi32>
        %bitcast_convert_type3A_2507 = tpu.bitcast %shift_left3A_2506 : vector<16xi32> -> vector<16xf32>
        %and3A_2508 = arith.andi %get3A_2503, %broadcast_in_dim3A_84 : vector<16xi32>
        %bitcast_convert_type3A_2509 = tpu.bitcast %and3A_2508 : vector<16xi32> -> vector<16xf32>
        %add3A_2510 = arith.addf %bitcast_convert_type3A_2409, %bitcast_convert_type3A_2423 : vector<16xf32>
        %max3A = arith.maximumf %scan3A_2372, %add3A_2510 : vector<16xf32>
        %add3A_2511 = arith.addf %scan3A_2380, %add3A_2510 : vector<16xf32>
        %mul3A_2512 = arith.mulf %add3A_2510, %add3A_2510 : vector<16xf32>
        %add3A_2513 = arith.addf %scan3A_2388, %mul3A_2512 : vector<16xf32>
        %add3A_2514 = arith.addf %bitcast_convert_type3A_2411, %bitcast_convert_type3A_2425 : vector<16xf32>
        %max3A_2515 = arith.maximumf %scan3A_2373, %add3A_2514 : vector<16xf32>
        %add3A_2516 = arith.addf %scan3A_2381, %add3A_2514 : vector<16xf32>
        %mul3A_2517 = arith.mulf %add3A_2514, %add3A_2514 : vector<16xf32>
        %add3A_2518 = arith.addf %scan3A_2389, %mul3A_2517 : vector<16xf32>
        %add3A_2519 = arith.addf %bitcast_convert_type3A_2437, %bitcast_convert_type3A_2451 : vector<16xf32>
        %max3A_2520 = arith.maximumf %scan3A_2374, %add3A_2519 : vector<16xf32>
        %add3A_2521 = arith.addf %scan3A_2382, %add3A_2519 : vector<16xf32>
        %mul3A_2522 = arith.mulf %add3A_2519, %add3A_2519 : vector<16xf32>
        %add3A_2523 = arith.addf %scan3A_2390, %mul3A_2522 : vector<16xf32>
        %add3A_2524 = arith.addf %bitcast_convert_type3A_2439, %bitcast_convert_type3A_2453 : vector<16xf32>
        %max3A_2525 = arith.maximumf %scan3A_2375, %add3A_2524 : vector<16xf32>
        %add3A_2526 = arith.addf %scan3A_2383, %add3A_2524 : vector<16xf32>
        %mul3A_2527 = arith.mulf %add3A_2524, %add3A_2524 : vector<16xf32>
        %add3A_2528 = arith.addf %scan3A_2391, %mul3A_2527 : vector<16xf32>
        %add3A_2529 = arith.addf %bitcast_convert_type3A_2465, %bitcast_convert_type3A_2479 : vector<16xf32>
        %max3A_2530 = arith.maximumf %scan3A_2376, %add3A_2529 : vector<16xf32>
        %add3A_2531 = arith.addf %scan3A_2384, %add3A_2529 : vector<16xf32>
        %mul3A_2532 = arith.mulf %add3A_2529, %add3A_2529 : vector<16xf32>
        %add3A_2533 = arith.addf %scan3A_2392, %mul3A_2532 : vector<16xf32>
        %add3A_2534 = arith.addf %bitcast_convert_type3A_2467, %bitcast_convert_type3A_2481 : vector<16xf32>
        %max3A_2535 = arith.maximumf %scan3A_2377, %add3A_2534 : vector<16xf32>
        %add3A_2536 = arith.addf %scan3A_2385, %add3A_2534 : vector<16xf32>
        %mul3A_2537 = arith.mulf %add3A_2534, %add3A_2534 : vector<16xf32>
        %add3A_2538 = arith.addf %scan3A_2393, %mul3A_2537 : vector<16xf32>
        %add3A_2539 = arith.addf %bitcast_convert_type3A_2493, %bitcast_convert_type3A_2507 : vector<16xf32>
        %max3A_2540 = arith.maximumf %scan3A_2378, %add3A_2539 : vector<16xf32>
        %add3A_2541 = arith.addf %scan3A_2386, %add3A_2539 : vector<16xf32>
        %mul3A_2542 = arith.mulf %add3A_2539, %add3A_2539 : vector<16xf32>
        %add3A_2543 = arith.addf %scan3A_2394, %mul3A_2542 : vector<16xf32>
        %add3A_2544 = arith.addf %bitcast_convert_type3A_2495, %bitcast_convert_type3A_2509 : vector<16xf32>
        %max3A_2545 = arith.maximumf %scan3A_2379, %add3A_2544 : vector<16xf32>
        %add3A_2546 = arith.addf %scan3A_2387, %add3A_2544 : vector<16xf32>
        %mul3A_2547 = arith.mulf %add3A_2544, %add3A_2544 : vector<16xf32>
        %add3A_2548 = arith.addf %scan3A_2395, %mul3A_2547 : vector<16xf32>
        scf.yield %max3A, %max3A_2515, %max3A_2520, %max3A_2525, %max3A_2530, %max3A_2535, %max3A_2540, %max3A_2545, %add3A_2511, %add3A_2516, %add3A_2521, %add3A_2526, %add3A_2531, %add3A_2536, %add3A_2541, %add3A_2546, %add3A_2513, %add3A_2518, %add3A_2523, %add3A_2528, %add3A_2533, %add3A_2538, %add3A_2543, %add3A_2548 : vector<16xf32>, vector<16xf32>, vector<16xf32>, vector<16xf32>, vector<16xf32>, vector<16xf32>, vector<16xf32>, vector<16xf32>, vector<16xf32>, vector<16xf32>, vector<16xf32>, vector<16xf32>, vector<16xf32>, vector<16xf32>, vector<16xf32>, vector<16xf32>, vector<16xf32>, vector<16xf32>, vector<16xf32>, vector<16xf32>, vector<16xf32>, vector<16xf32>, vector<16xf32>, vector<16xf32>
      }
      %scan3A_1009 = arith.constant 31 : i32
      %swap3A_1010 = arith.constant 0 : i32
      %swap3A_1011 = arith.constant 2 : i32
      %swap3A_1012 = arith.index_cast %swap3A_1010 : i32 to index
      %swap3A_1013 = arith.index_cast %swap3A_1011 : i32 to index
      %swap3A_1014 = arith.constant 0 : index
      %swap3A_1015 = tpu.vector_load %arg11[%swap3A_1012, %swap3A_1013, %swap3A_1014] {strides = array<i32>} : memref<2x4x128xf32, #tpu.memory_space<vmem>>, vector<1x1x16xf32>,
      %swap3A_1016 = vector.shape_cast %swap3A_1015 : vector<1x1x16xf32> to vector<16xf32>
      %swap3A_1017 = vector.shape_cast %scan3A_1008#0 : vector<16xf32> to vector<1x1x16xf32>
      tpu.vector_store %arg11[%swap3A_1012, %swap3A_1013, %swap3A_1014], %swap3A_1017 {strides = array<i32>} : memref<2x4x128xf32, #tpu.memory_space<vmem>>, vector<1x1x16xf32>,
      %swap3A_1018 = arith.constant 0 : i32
      %swap3A_1019 = arith.constant 2 : i32
      %swap3A_1020 = arith.index_cast %swap3A_1018 : i32 to index
      %swap3A_1021 = arith.index_cast %swap3A_1019 : i32 to index
      %swap3A_1022 = arith.constant 16 : index
      %swap3A_1023 = tpu.vector_load %arg11[%swap3A_1020, %swap3A_1021, %swap3A_1022] {strides = array<i32>} : memref<2x4x128xf32, #tpu.memory_space<vmem>>, vector<1x1x16xf32>,
      %swap3A_1024 = vector.shape_cast %swap3A_1023 : vector<1x1x16xf32> to vector<16xf32>
      %swap3A_1025 = vector.shape_cast %scan3A_1008#1 : vector<16xf32> to vector<1x1x16xf32>
      tpu.vector_store %arg11[%swap3A_1020, %swap3A_1021, %swap3A_1022], %swap3A_1025 {strides = array<i32>} : memref<2x4x128xf32, #tpu.memory_space<vmem>>, vector<1x1x16xf32>,
      %swap3A_1026 = arith.constant 0 : i32
      %swap3A_1027 = arith.constant 2 : i32
      %swap3A_1028 = arith.index_cast %swap3A_1026 : i32 to index
      %swap3A_1029 = arith.index_cast %swap3A_1027 : i32 to index
      %swap3A_1030 = arith.constant 32 : index
      %swap3A_1031 = tpu.vector_load %arg11[%swap3A_1028, %swap3A_1029, %swap3A_1030] {strides = array<i32>} : memref<2x4x128xf32, #tpu.memory_space<vmem>>, vector<1x1x16xf32>,
      %swap3A_1032 = vector.shape_cast %swap3A_1031 : vector<1x1x16xf32> to vector<16xf32>
      %swap3A_1033 = vector.shape_cast %scan3A_1008#2 : vector<16xf32> to vector<1x1x16xf32>
      tpu.vector_store %arg11[%swap3A_1028, %swap3A_1029, %swap3A_1030], %swap3A_1033 {strides = array<i32>} : memref<2x4x128xf32, #tpu.memory_space<vmem>>, vector<1x1x16xf32>,
      %swap3A_1034 = arith.constant 0 : i32
      %swap3A_1035 = arith.constant 2 : i32
      %swap3A_1036 = arith.index_cast %swap3A_1034 : i32 to index
      %swap3A_1037 = arith.index_cast %swap3A_1035 : i32 to index
      %swap3A_1038 = arith.constant 48 : index
      %swap3A_1039 = tpu.vector_load %arg11[%swap3A_1036, %swap3A_1037, %swap3A_1038] {strides = array<i32>} : memref<2x4x128xf32, #tpu.memory_space<vmem>>, vector<1x1x16xf32>,
      %swap3A_1040 = vector.shape_cast %swap3A_1039 : vector<1x1x16xf32> to vector<16xf32>
      %swap3A_1041 = vector.shape_cast %scan3A_1008#3 : vector<16xf32> to vector<1x1x16xf32>
      tpu.vector_store %arg11[%swap3A_1036, %swap3A_1037, %swap3A_1038], %swap3A_1041 {strides = array<i32>} : memref<2x4x128xf32, #tpu.memory_space<vmem>>, vector<1x1x16xf32>,
      %swap3A_1042 = arith.constant 0 : i32
      %swap3A_1043 = arith.constant 2 : i32
      %swap3A_1044 = arith.index_cast %swap3A_1042 : i32 to index
      %swap3A_1045 = arith.index_cast %swap3A_1043 : i32 to index
      %swap3A_1046 = arith.constant 64 : index
      %swap3A_1047 = tpu.vector_load %arg11[%swap3A_1044, %swap3A_1045, %swap3A_1046] {strides = array<i32>} : memref<2x4x128xf32, #tpu.memory_space<vmem>>, vector<1x1x16xf32>,
      %swap3A_1048 = vector.shape_cast %swap3A_1047 : vector<1x1x16xf32> to vector<16xf32>
      %swap3A_1049 = vector.shape_cast %scan3A_1008#4 : vector<16xf32> to vector<1x1x16xf32>
      tpu.vector_store %arg11[%swap3A_1044, %swap3A_1045, %swap3A_1046], %swap3A_1049 {strides = array<i32>} : memref<2x4x128xf32, #tpu.memory_space<vmem>>, vector<1x1x16xf32>,
      %swap3A_1050 = arith.constant 0 : i32
      %swap3A_1051 = arith.constant 2 : i32
      %swap3A_1052 = arith.index_cast %swap3A_1050 : i32 to index
      %swap3A_1053 = arith.index_cast %swap3A_1051 : i32 to index
      %swap3A_1054 = arith.constant 80 : index
      %swap3A_1055 = tpu.vector_load %arg11[%swap3A_1052, %swap3A_1053, %swap3A_1054] {strides = array<i32>} : memref<2x4x128xf32, #tpu.memory_space<vmem>>, vector<1x1x16xf32>,
      %swap3A_1056 = vector.shape_cast %swap3A_1055 : vector<1x1x16xf32> to vector<16xf32>
      %swap3A_1057 = vector.shape_cast %scan3A_1008#5 : vector<16xf32> to vector<1x1x16xf32>
      tpu.vector_store %arg11[%swap3A_1052, %swap3A_1053, %swap3A_1054], %swap3A_1057 {strides = array<i32>} : memref<2x4x128xf32, #tpu.memory_space<vmem>>, vector<1x1x16xf32>,
      %swap3A_1058 = arith.constant 0 : i32
      %swap3A_1059 = arith.constant 2 : i32
      %swap3A_1060 = arith.index_cast %swap3A_1058 : i32 to index
      %swap3A_1061 = arith.index_cast %swap3A_1059 : i32 to index
      %swap3A_1062 = arith.constant 96 : index
      %swap3A_1063 = tpu.vector_load %arg11[%swap3A_1060, %swap3A_1061, %swap3A_1062] {strides = array<i32>} : memref<2x4x128xf32, #tpu.memory_space<vmem>>, vector<1x1x16xf32>,
      %swap3A_1064 = vector.shape_cast %swap3A_1063 : vector<1x1x16xf32> to vector<16xf32>
      %swap3A_1065 = vector.shape_cast %scan3A_1008#6 : vector<16xf32> to vector<1x1x16xf32>
      tpu.vector_store %arg11[%swap3A_1060, %swap3A_1061, %swap3A_1062], %swap3A_1065 {strides = array<i32>} : memref<2x4x128xf32, #tpu.memory_space<vmem>>, vector<1x1x16xf32>,
      %swap3A_1066 = arith.constant 0 : i32
      %swap3A_1067 = arith.constant 2 : i32
      %swap3A_1068 = arith.index_cast %swap3A_1066 : i32 to index
      %swap3A_1069 = arith.index_cast %swap3A_1067 : i32 to index
      %swap3A_1070 = arith.constant 112 : index
      %swap3A_1071 = tpu.vector_load %arg11[%swap3A_1068, %swap3A_1069, %swap3A_1070] {strides = array<i32>} : memref<2x4x128xf32, #tpu.memory_space<vmem>>, vector<1x1x16xf32>,
      %swap3A_1072 = vector.shape_cast %swap3A_1071 : vector<1x1x16xf32> to vector<16xf32>
      %swap3A_1073 = vector.shape_cast %scan3A_1008#7 : vector<16xf32> to vector<1x1x16xf32>
      tpu.vector_store %arg11[%swap3A_1068, %swap3A_1069, %swap3A_1070], %swap3A_1073 {strides = array<i32>} : memref<2x4x128xf32, #tpu.memory_space<vmem>>, vector<1x1x16xf32>,
      %get3A_1074 = arith.constant 0 : i32
      %get3A_1075 = arith.constant 96 : i32
      %get3A_1076 = arith.constant 0 : i32
      %get3A_1077 = arith.constant 0 : i32
      %get3A_1078 = tpu.memref_slice %arg9[%get3A_1074, %get3A_1076, %get3A_1077] : memref<2x128x64xi32, #tpu.memory_space<vmem>> -> memref<1x128x64xi32, #tpu.memory_space<vmem>>
      %get3A_1079 = tpu.memref_squeeze %get3A_1078 : memref<1x128x64xi32, #tpu.memory_space<vmem>> -> memref<128x64xi32, #tpu.memory_space<vmem>>
      %get3A_1080 = arith.index_cast %get3A_1075 : i32 to index
      %get3A_1081 = arith.constant 0 : index
      %get3A_1082 = tpu.vector_load %get3A_1079[%get3A_1080, %get3A_1081] {strides = array<i32>} : memref<128x64xi32, #tpu.memory_space<vmem>>, vector<1x16xi32>,
      %get3A_1083 = vector.shape_cast %get3A_1082 : vector<1x16xi32> to vector<16xi32>
      %shift_left3A_1084 = arith.constant 16 : i32
      %shift_left3A_1085 = vector.broadcast %shift_left3A_1084 : i32 to vector<16xi32>
      %shift_left3A_1086 = arith.shli %get3A_1083, %shift_left3A_1085 : vector<16xi32>
      %bitcast_convert_type3A_1087 = tpu.bitcast %shift_left3A_1086 : vector<16xi32> -> vector<16xf32>
      %and3A_1088 = arith.andi %get3A_1083, %broadcast_in_dim3A_84 : vector<16xi32>
      %bitcast_convert_type3A_1089 = tpu.bitcast %and3A_1088 : vector<16xi32> -> vector<16xf32>
      %get3A_1090 = arith.constant 0 : i32
      %get3A_1091 = arith.constant 96 : i32
      %get3A_1092 = arith.constant 0 : i32
      %get3A_1093 = arith.constant 0 : i32
      %get3A_1094 = tpu.memref_slice %arg10[%get3A_1090, %get3A_1092, %get3A_1093] : memref<2x128x64xi32, #tpu.memory_space<vmem>> -> memref<1x128x64xi32, #tpu.memory_space<vmem>>
      %get3A_1095 = tpu.memref_squeeze %get3A_1094 : memref<1x128x64xi32, #tpu.memory_space<vmem>> -> memref<128x64xi32, #tpu.memory_space<vmem>>
      %get3A_1096 = arith.index_cast %get3A_1091 : i32 to index
      %get3A_1097 = arith.constant 0 : index
      %get3A_1098 = tpu.vector_load %get3A_1095[%get3A_1096, %get3A_1097] {strides = array<i32>} : memref<128x64xi32, #tpu.memory_space<vmem>>, vector<1x16xi32>,
      %get3A_1099 = vector.shape_cast %get3A_1098 : vector<1x16xi32> to vector<16xi32>
      %shift_left3A_1100 = arith.constant 16 : i32
      %shift_left3A_1101 = vector.broadcast %shift_left3A_1100 : i32 to vector<16xi32>
      %shift_left3A_1102 = arith.shli %get3A_1099, %shift_left3A_1101 : vector<16xi32>
      %bitcast_convert_type3A_1103 = tpu.bitcast %shift_left3A_1102 : vector<16xi32> -> vector<16xf32>
      %and3A_1104 = arith.andi %get3A_1099, %broadcast_in_dim3A_84 : vector<16xi32>
      %bitcast_convert_type3A_1105 = tpu.bitcast %and3A_1104 : vector<16xi32> -> vector<16xf32>
      %get3A_1106 = arith.constant 0 : i32
      %get3A_1107 = arith.constant 96 : i32
      %get3A_1108 = arith.constant 0 : i32
      %get3A_1109 = arith.constant 0 : i32
      %get3A_1110 = tpu.memref_slice %arg9[%get3A_1106, %get3A_1108, %get3A_1109] : memref<2x128x64xi32, #tpu.memory_space<vmem>> -> memref<1x128x64xi32, #tpu.memory_space<vmem>>
      %get3A_1111 = tpu.memref_squeeze %get3A_1110 : memref<1x128x64xi32, #tpu.memory_space<vmem>> -> memref<128x64xi32, #tpu.memory_space<vmem>>
      %get3A_1112 = arith.index_cast %get3A_1107 : i32 to index
      %get3A_1113 = arith.constant 16 : index
      %get3A_1114 = tpu.vector_load %get3A_1111[%get3A_1112, %get3A_1113] {strides = array<i32>} : memref<128x64xi32, #tpu.memory_space<vmem>>, vector<1x16xi32>,
      %get3A_1115 = vector.shape_cast %get3A_1114 : vector<1x16xi32> to vector<16xi32>
      %shift_left3A_1116 = arith.constant 16 : i32
      %shift_left3A_1117 = vector.broadcast %shift_left3A_1116 : i32 to vector<16xi32>
      %shift_left3A_1118 = arith.shli %get3A_1115, %shift_left3A_1117 : vector<16xi32>
      %bitcast_convert_type3A_1119 = tpu.bitcast %shift_left3A_1118 : vector<16xi32> -> vector<16xf32>
      %and3A_1120 = arith.andi %get3A_1115, %broadcast_in_dim3A_84 : vector<16xi32>
      %bitcast_convert_type3A_1121 = tpu.bitcast %and3A_1120 : vector<16xi32> -> vector<16xf32>
      %get3A_1122 = arith.constant 0 : i32
      %get3A_1123 = arith.constant 96 : i32
      %get3A_1124 = arith.constant 0 : i32
      %get3A_1125 = arith.constant 0 : i32
      %get3A_1126 = tpu.memref_slice %arg10[%get3A_1122, %get3A_1124, %get3A_1125] : memref<2x128x64xi32, #tpu.memory_space<vmem>> -> memref<1x128x64xi32, #tpu.memory_space<vmem>>
      %get3A_1127 = tpu.memref_squeeze %get3A_1126 : memref<1x128x64xi32, #tpu.memory_space<vmem>> -> memref<128x64xi32, #tpu.memory_space<vmem>>
      %get3A_1128 = arith.index_cast %get3A_1123 : i32 to index
      %get3A_1129 = arith.constant 16 : index
      %get3A_1130 = tpu.vector_load %get3A_1127[%get3A_1128, %get3A_1129] {strides = array<i32>} : memref<128x64xi32, #tpu.memory_space<vmem>>, vector<1x16xi32>,
      %get3A_1131 = vector.shape_cast %get3A_1130 : vector<1x16xi32> to vector<16xi32>
      %shift_left3A_1132 = arith.constant 16 : i32
      %shift_left3A_1133 = vector.broadcast %shift_left3A_1132 : i32 to vector<16xi32>
      %shift_left3A_1134 = arith.shli %get3A_1131, %shift_left3A_1133 : vector<16xi32>
      %bitcast_convert_type3A_1135 = tpu.bitcast %shift_left3A_1134 : vector<16xi32> -> vector<16xf32>
      %and3A_1136 = arith.andi %get3A_1131, %broadcast_in_dim3A_84 : vector<16xi32>
      %bitcast_convert_type3A_1137 = tpu.bitcast %and3A_1136 : vector<16xi32> -> vector<16xf32>
      %get3A_1138 = arith.constant 0 : i32
      %get3A_1139 = arith.constant 96 : i32
      %get3A_1140 = arith.constant 0 : i32
      %get3A_1141 = arith.constant 0 : i32
      %get3A_1142 = tpu.memref_slice %arg9[%get3A_1138, %get3A_1140, %get3A_1141] : memref<2x128x64xi32, #tpu.memory_space<vmem>> -> memref<1x128x64xi32, #tpu.memory_space<vmem>>
      %get3A_1143 = tpu.memref_squeeze %get3A_1142 : memref<1x128x64xi32, #tpu.memory_space<vmem>> -> memref<128x64xi32, #tpu.memory_space<vmem>>
      %get3A_1144 = arith.index_cast %get3A_1139 : i32 to index
      %get3A_1145 = arith.constant 32 : index
      %get3A_1146 = tpu.vector_load %get3A_1143[%get3A_1144, %get3A_1145] {strides = array<i32>} : memref<128x64xi32, #tpu.memory_space<vmem>>, vector<1x16xi32>,
      %get3A_1147 = vector.shape_cast %get3A_1146 : vector<1x16xi32> to vector<16xi32>
      %shift_left3A_1148 = arith.constant 16 : i32
      %shift_left3A_1149 = vector.broadcast %shift_left3A_1148 : i32 to vector<16xi32>
      %shift_left3A_1150 = arith.shli %get3A_1147, %shift_left3A_1149 : vector<16xi32>
      %bitcast_convert_type3A_1151 = tpu.bitcast %shift_left3A_1150 : vector<16xi32> -> vector<16xf32>
      %and3A_1152 = arith.andi %get3A_1147, %broadcast_in_dim3A_84 : vector<16xi32>
      %bitcast_convert_type3A_1153 = tpu.bitcast %and3A_1152 : vector<16xi32> -> vector<16xf32>
      %get3A_1154 = arith.constant 0 : i32
      %get3A_1155 = arith.constant 96 : i32
      %get3A_1156 = arith.constant 0 : i32
      %get3A_1157 = arith.constant 0 : i32
      %get3A_1158 = tpu.memref_slice %arg10[%get3A_1154, %get3A_1156, %get3A_1157] : memref<2x128x64xi32, #tpu.memory_space<vmem>> -> memref<1x128x64xi32, #tpu.memory_space<vmem>>
      %get3A_1159 = tpu.memref_squeeze %get3A_1158 : memref<1x128x64xi32, #tpu.memory_space<vmem>> -> memref<128x64xi32, #tpu.memory_space<vmem>>
      %get3A_1160 = arith.index_cast %get3A_1155 : i32 to index
      %get3A_1161 = arith.constant 32 : index
      %get3A_1162 = tpu.vector_load %get3A_1159[%get3A_1160, %get3A_1161] {strides = array<i32>} : memref<128x64xi32, #tpu.memory_space<vmem>>, vector<1x16xi32>,
      %get3A_1163 = vector.shape_cast %get3A_1162 : vector<1x16xi32> to vector<16xi32>
      %shift_left3A_1164 = arith.constant 16 : i32
      %shift_left3A_1165 = vector.broadcast %shift_left3A_1164 : i32 to vector<16xi32>
      %shift_left3A_1166 = arith.shli %get3A_1163, %shift_left3A_1165 : vector<16xi32>
      %bitcast_convert_type3A_1167 = tpu.bitcast %shift_left3A_1166 : vector<16xi32> -> vector<16xf32>
      %and3A_1168 = arith.andi %get3A_1163, %broadcast_in_dim3A_84 : vector<16xi32>
      %bitcast_convert_type3A_1169 = tpu.bitcast %and3A_1168 : vector<16xi32> -> vector<16xf32>
      %get3A_1170 = arith.constant 0 : i32
      %get3A_1171 = arith.constant 96 : i32
      %get3A_1172 = arith.constant 0 : i32
      %get3A_1173 = arith.constant 0 : i32
      %get3A_1174 = tpu.memref_slice %arg9[%get3A_1170, %get3A_1172, %get3A_1173] : memref<2x128x64xi32, #tpu.memory_space<vmem>> -> memref<1x128x64xi32, #tpu.memory_space<vmem>>
      %get3A_1175 = tpu.memref_squeeze %get3A_1174 : memref<1x128x64xi32, #tpu.memory_space<vmem>> -> memref<128x64xi32, #tpu.memory_space<vmem>>
      %get3A_1176 = arith.index_cast %get3A_1171 : i32 to index
      %get3A_1177 = arith.constant 48 : index
      %get3A_1178 = tpu.vector_load %get3A_1175[%get3A_1176, %get3A_1177] {strides = array<i32>} : memref<128x64xi32, #tpu.memory_space<vmem>>, vector<1x16xi32>,
      %get3A_1179 = vector.shape_cast %get3A_1178 : vector<1x16xi32> to vector<16xi32>
      %shift_left3A_1180 = arith.constant 16 : i32
      %shift_left3A_1181 = vector.broadcast %shift_left3A_1180 : i32 to vector<16xi32>
      %shift_left3A_1182 = arith.shli %get3A_1179, %shift_left3A_1181 : vector<16xi32>
      %bitcast_convert_type3A_1183 = tpu.bitcast %shift_left3A_1182 : vector<16xi32> -> vector<16xf32>
      %and3A_1184 = arith.andi %get3A_1179, %broadcast_in_dim3A_84 : vector<16xi32>
      %bitcast_convert_type3A_1185 = tpu.bitcast %and3A_1184 : vector<16xi32> -> vector<16xf32>
      %get3A_1186 = arith.constant 0 : i32
      %get3A_1187 = arith.constant 96 : i32
      %get3A_1188 = arith.constant 0 : i32
      %get3A_1189 = arith.constant 0 : i32
      %get3A_1190 = tpu.memref_slice %arg10[%get3A_1186, %get3A_1188, %get3A_1189] : memref<2x128x64xi32, #tpu.memory_space<vmem>> -> memref<1x128x64xi32, #tpu.memory_space<vmem>>
      %get3A_1191 = tpu.memref_squeeze %get3A_1190 : memref<1x128x64xi32, #tpu.memory_space<vmem>> -> memref<128x64xi32, #tpu.memory_space<vmem>>
      %get3A_1192 = arith.index_cast %get3A_1187 : i32 to index
      %get3A_1193 = arith.constant 48 : index
      %get3A_1194 = tpu.vector_load %get3A_1191[%get3A_1192, %get3A_1193] {strides = array<i32>} : memref<128x64xi32, #tpu.memory_space<vmem>>, vector<1x16xi32>,
      %get3A_1195 = vector.shape_cast %get3A_1194 : vector<1x16xi32> to vector<16xi32>
      %shift_left3A_1196 = arith.constant 16 : i32
      %shift_left3A_1197 = vector.broadcast %shift_left3A_1196 : i32 to vector<16xi32>
      %shift_left3A_1198 = arith.shli %get3A_1195, %shift_left3A_1197 : vector<16xi32>
      %bitcast_convert_type3A_1199 = tpu.bitcast %shift_left3A_1198 : vector<16xi32> -> vector<16xf32>
      %and3A_1200 = arith.andi %get3A_1195, %broadcast_in_dim3A_84 : vector<16xi32>
      %bitcast_convert_type3A_1201 = tpu.bitcast %and3A_1200 : vector<16xi32> -> vector<16xf32>
      %add3A_1202 = arith.addf %bitcast_convert_type3A_1087, %bitcast_convert_type3A_1103 : vector<16xf32>
      %add3A_1203 = arith.addf %scan3A_1008#8, %add3A_1202 : vector<16xf32>
      %mul3A_1204 = arith.mulf %add3A_1202, %add3A_1202 : vector<16xf32>
      %add3A_1205 = arith.addf %scan3A_1008#16, %mul3A_1204 : vector<16xf32>
      %add3A_1206 = arith.addf %bitcast_convert_type3A_1089, %bitcast_convert_type3A_1105 : vector<16xf32>
      %add3A_1207 = arith.addf %scan3A_1008#9, %add3A_1206 : vector<16xf32>
      %mul3A_1208 = arith.mulf %add3A_1206, %add3A_1206 : vector<16xf32>
      %add3A_1209 = arith.addf %scan3A_1008#17, %mul3A_1208 : vector<16xf32>
      %add3A_1210 = arith.addf %bitcast_convert_type3A_1119, %bitcast_convert_type3A_1135 : vector<16xf32>
      %add3A_1211 = arith.addf %scan3A_1008#10, %add3A_1210 : vector<16xf32>
      %mul3A_1212 = arith.mulf %add3A_1210, %add3A_1210 : vector<16xf32>
      %add3A_1213 = arith.addf %scan3A_1008#18, %mul3A_1212 : vector<16xf32>
      %add3A_1214 = arith.addf %bitcast_convert_type3A_1121, %bitcast_convert_type3A_1137 : vector<16xf32>
      %add3A_1215 = arith.addf %scan3A_1008#11, %add3A_1214 : vector<16xf32>
      %mul3A_1216 = arith.mulf %add3A_1214, %add3A_1214 : vector<16xf32>
      %add3A_1217 = arith.addf %scan3A_1008#19, %mul3A_1216 : vector<16xf32>
      %add3A_1218 = arith.addf %bitcast_convert_type3A_1151, %bitcast_convert_type3A_1167 : vector<16xf32>
      %add3A_1219 = arith.addf %scan3A_1008#12, %add3A_1218 : vector<16xf32>
      %mul3A_1220 = arith.mulf %add3A_1218, %add3A_1218 : vector<16xf32>
      %add3A_1221 = arith.addf %scan3A_1008#20, %mul3A_1220 : vector<16xf32>
      %add3A_1222 = arith.addf %bitcast_convert_type3A_1153, %bitcast_convert_type3A_1169 : vector<16xf32>
      %add3A_1223 = arith.addf %scan3A_1008#13, %add3A_1222 : vector<16xf32>
      %mul3A_1224 = arith.mulf %add3A_1222, %add3A_1222 : vector<16xf32>
      %add3A_1225 = arith.addf %scan3A_1008#21, %mul3A_1224 : vector<16xf32>
      %add3A_1226 = arith.addf %bitcast_convert_type3A_1183, %bitcast_convert_type3A_1199 : vector<16xf32>
      %add3A_1227 = arith.addf %scan3A_1008#14, %add3A_1226 : vector<16xf32>
      %mul3A_1228 = arith.mulf %add3A_1226, %add3A_1226 : vector<16xf32>
      %add3A_1229 = arith.addf %scan3A_1008#22, %mul3A_1228 : vector<16xf32>
      %add3A_1230 = arith.addf %bitcast_convert_type3A_1185, %bitcast_convert_type3A_1201 : vector<16xf32>
      %add3A_1231 = arith.addf %scan3A_1008#15, %add3A_1230 : vector<16xf32>
      %mul3A_1232 = arith.mulf %add3A_1230, %add3A_1230 : vector<16xf32>
      %add3A_1233 = arith.addf %scan3A_1008#23, %mul3A_1232 : vector<16xf32>
      %scan3A_1234 = arith.constant 0 : i32
      %scan3A_1235 = arith.constant 0 : i32
      %scan3A_1236 = arith.constant 1 : i32
      %scan3A_1237 = arith.constant 31 : i32
      %scan3A_1238 = arith.addi %scan3A_1236, %scan3A_1237 : i32
      %scan3A_1239 = arith.constant 1 : i32
      %scan3A_1240:24 = scf.for %scan3A_2371 = %scan3A_1236 to %scan3A_1238 step %scan3A_1239 iter_args(%scan3A_2372 = %add3A_1202, %scan3A_2373 = %add3A_1206, %scan3A_2374 = %add3A_1210, %scan3A_2375 = %add3A_1214, %scan3A_2376 = %add3A_1218, %scan3A_2377 = %add3A_1222, %scan3A_2378 = %add3A_1226, %scan3A_2379 = %add3A_1230, %scan3A_2380 = %add3A_1203, %scan3A_2381 = %add3A_1207, %scan3A_2382 = %add3A_1211, %scan3A_2383 = %add3A_1215, %scan3A_2384 = %add3A_1219, %scan3A_2385 = %add3A_1223, %scan3A_2386 = %add3A_1227, %scan3A_2387 = %add3A_1231, %scan3A_2388 = %add3A_1205, %scan3A_2389 = %add3A_1209, %scan3A_2390 = %add3A_1213, %scan3A_2391 = %add3A_1217, %scan3A_2392 = %add3A_1221, %scan3A_2393 = %add3A_1225, %scan3A_2394 = %add3A_1229, %scan3A_2395 = %add3A_1233) -> (vector<16xf32>, vector<16xf32>, vector<16xf32>, vector<16xf32>, vector<16xf32>, vector<16xf32>, vector<16xf32>, vector<16xf32>, vector<16xf32>, vector<16xf32>, vector<16xf32>, vector<16xf32>, vector<16xf32>, vector<16xf32>, vector<16xf32>, vector<16xf32>, vector<16xf32>, vector<16xf32>, vector<16xf32>, vector<16xf32>, vector<16xf32>, vector<16xf32>, vector<16xf32>, vector<16xf32>)  : i32 {
        %add3A_2396 = arith.constant 96 : i32
        %add3A_2397 = arith.addi %add3A_2396, %scan3A_2371 : i32
        %get3A_2398 = arith.constant 0 : i32
        %get3A_2399 = arith.constant 0 : i32
        %get3A_2400 = tpu.memref_slice %arg9[%scan3A_1234, %get3A_2398, %get3A_2399] : memref<2x128x64xi32, #tpu.memory_space<vmem>> -> memref<1x128x64xi32, #tpu.memory_space<vmem>>
        %get3A_2401 = tpu.memref_squeeze %get3A_2400 : memref<1x128x64xi32, #tpu.memory_space<vmem>> -> memref<128x64xi32, #tpu.memory_space<vmem>>
        %get3A_2402 = arith.index_cast %add3A_2397 : i32 to index
        %get3A_2403 = arith.constant 0 : index
        %get3A_2404 = tpu.vector_load %get3A_2401[%get3A_2402, %get3A_2403] {strides = array<i32>} : memref<128x64xi32, #tpu.memory_space<vmem>>, vector<1x16xi32>,
        %get3A_2405 = vector.shape_cast %get3A_2404 : vector<1x16xi32> to vector<16xi32>
        %shift_left3A_2406 = arith.constant 16 : i32
        %shift_left3A_2407 = vector.broadcast %shift_left3A_2406 : i32 to vector<16xi32>
        %shift_left3A_2408 = arith.shli %get3A_2405, %shift_left3A_2407 : vector<16xi32>
        %bitcast_convert_type3A_2409 = tpu.bitcast %shift_left3A_2408 : vector<16xi32> -> vector<16xf32>
        %and3A_2410 = arith.andi %get3A_2405, %broadcast_in_dim3A_84 : vector<16xi32>
        %bitcast_convert_type3A_2411 = tpu.bitcast %and3A_2410 : vector<16xi32> -> vector<16xf32>
        %get3A_2412 = arith.constant 0 : i32
        %get3A_2413 = arith.constant 0 : i32
        %get3A_2414 = tpu.memref_slice %arg10[%scan3A_1235, %get3A_2412, %get3A_2413] : memref<2x128x64xi32, #tpu.memory_space<vmem>> -> memref<1x128x64xi32, #tpu.memory_space<vmem>>
        %get3A_2415 = tpu.memref_squeeze %get3A_2414 : memref<1x128x64xi32, #tpu.memory_space<vmem>> -> memref<128x64xi32, #tpu.memory_space<vmem>>
        %get3A_2416 = arith.index_cast %add3A_2397 : i32 to index
        %get3A_2417 = arith.constant 0 : index
        %get3A_2418 = tpu.vector_load %get3A_2415[%get3A_2416, %get3A_2417] {strides = array<i32>} : memref<128x64xi32, #tpu.memory_space<vmem>>, vector<1x16xi32>,
        %get3A_2419 = vector.shape_cast %get3A_2418 : vector<1x16xi32> to vector<16xi32>
        %shift_left3A_2420 = arith.constant 16 : i32
        %shift_left3A_2421 = vector.broadcast %shift_left3A_2420 : i32 to vector<16xi32>
        %shift_left3A_2422 = arith.shli %get3A_2419, %shift_left3A_2421 : vector<16xi32>
        %bitcast_convert_type3A_2423 = tpu.bitcast %shift_left3A_2422 : vector<16xi32> -> vector<16xf32>
        %and3A_2424 = arith.andi %get3A_2419, %broadcast_in_dim3A_84 : vector<16xi32>
        %bitcast_convert_type3A_2425 = tpu.bitcast %and3A_2424 : vector<16xi32> -> vector<16xf32>
        %get3A_2426 = arith.constant 0 : i32
        %get3A_2427 = arith.constant 0 : i32
        %get3A_2428 = tpu.memref_slice %arg9[%scan3A_1234, %get3A_2426, %get3A_2427] : memref<2x128x64xi32, #tpu.memory_space<vmem>> -> memref<1x128x64xi32, #tpu.memory_space<vmem>>
        %get3A_2429 = tpu.memref_squeeze %get3A_2428 : memref<1x128x64xi32, #tpu.memory_space<vmem>> -> memref<128x64xi32, #tpu.memory_space<vmem>>
        %get3A_2430 = arith.index_cast %add3A_2397 : i32 to index
        %get3A_2431 = arith.constant 16 : index
        %get3A_2432 = tpu.vector_load %get3A_2429[%get3A_2430, %get3A_2431] {strides = array<i32>} : memref<128x64xi32, #tpu.memory_space<vmem>>, vector<1x16xi32>,
        %get3A_2433 = vector.shape_cast %get3A_2432 : vector<1x16xi32> to vector<16xi32>
        %shift_left3A_2434 = arith.constant 16 : i32
        %shift_left3A_2435 = vector.broadcast %shift_left3A_2434 : i32 to vector<16xi32>
        %shift_left3A_2436 = arith.shli %get3A_2433, %shift_left3A_2435 : vector<16xi32>
        %bitcast_convert_type3A_2437 = tpu.bitcast %shift_left3A_2436 : vector<16xi32> -> vector<16xf32>
        %and3A_2438 = arith.andi %get3A_2433, %broadcast_in_dim3A_84 : vector<16xi32>
        %bitcast_convert_type3A_2439 = tpu.bitcast %and3A_2438 : vector<16xi32> -> vector<16xf32>
        %get3A_2440 = arith.constant 0 : i32
        %get3A_2441 = arith.constant 0 : i32
        %get3A_2442 = tpu.memref_slice %arg10[%scan3A_1235, %get3A_2440, %get3A_2441] : memref<2x128x64xi32, #tpu.memory_space<vmem>> -> memref<1x128x64xi32, #tpu.memory_space<vmem>>
        %get3A_2443 = tpu.memref_squeeze %get3A_2442 : memref<1x128x64xi32, #tpu.memory_space<vmem>> -> memref<128x64xi32, #tpu.memory_space<vmem>>
        %get3A_2444 = arith.index_cast %add3A_2397 : i32 to index
        %get3A_2445 = arith.constant 16 : index
        %get3A_2446 = tpu.vector_load %get3A_2443[%get3A_2444, %get3A_2445] {strides = array<i32>} : memref<128x64xi32, #tpu.memory_space<vmem>>, vector<1x16xi32>,
        %get3A_2447 = vector.shape_cast %get3A_2446 : vector<1x16xi32> to vector<16xi32>
        %shift_left3A_2448 = arith.constant 16 : i32
        %shift_left3A_2449 = vector.broadcast %shift_left3A_2448 : i32 to vector<16xi32>
        %shift_left3A_2450 = arith.shli %get3A_2447, %shift_left3A_2449 : vector<16xi32>
        %bitcast_convert_type3A_2451 = tpu.bitcast %shift_left3A_2450 : vector<16xi32> -> vector<16xf32>
        %and3A_2452 = arith.andi %get3A_2447, %broadcast_in_dim3A_84 : vector<16xi32>
        %bitcast_convert_type3A_2453 = tpu.bitcast %and3A_2452 : vector<16xi32> -> vector<16xf32>
        %get3A_2454 = arith.constant 0 : i32
        %get3A_2455 = arith.constant 0 : i32
        %get3A_2456 = tpu.memref_slice %arg9[%scan3A_1234, %get3A_2454, %get3A_2455] : memref<2x128x64xi32, #tpu.memory_space<vmem>> -> memref<1x128x64xi32, #tpu.memory_space<vmem>>
        %get3A_2457 = tpu.memref_squeeze %get3A_2456 : memref<1x128x64xi32, #tpu.memory_space<vmem>> -> memref<128x64xi32, #tpu.memory_space<vmem>>
        %get3A_2458 = arith.index_cast %add3A_2397 : i32 to index
        %get3A_2459 = arith.constant 32 : index
        %get3A_2460 = tpu.vector_load %get3A_2457[%get3A_2458, %get3A_2459] {strides = array<i32>} : memref<128x64xi32, #tpu.memory_space<vmem>>, vector<1x16xi32>,
        %get3A_2461 = vector.shape_cast %get3A_2460 : vector<1x16xi32> to vector<16xi32>
        %shift_left3A_2462 = arith.constant 16 : i32
        %shift_left3A_2463 = vector.broadcast %shift_left3A_2462 : i32 to vector<16xi32>
        %shift_left3A_2464 = arith.shli %get3A_2461, %shift_left3A_2463 : vector<16xi32>
        %bitcast_convert_type3A_2465 = tpu.bitcast %shift_left3A_2464 : vector<16xi32> -> vector<16xf32>
        %and3A_2466 = arith.andi %get3A_2461, %broadcast_in_dim3A_84 : vector<16xi32>
        %bitcast_convert_type3A_2467 = tpu.bitcast %and3A_2466 : vector<16xi32> -> vector<16xf32>
        %get3A_2468 = arith.constant 0 : i32
        %get3A_2469 = arith.constant 0 : i32
        %get3A_2470 = tpu.memref_slice %arg10[%scan3A_1235, %get3A_2468, %get3A_2469] : memref<2x128x64xi32, #tpu.memory_space<vmem>> -> memref<1x128x64xi32, #tpu.memory_space<vmem>>
        %get3A_2471 = tpu.memref_squeeze %get3A_2470 : memref<1x128x64xi32, #tpu.memory_space<vmem>> -> memref<128x64xi32, #tpu.memory_space<vmem>>
        %get3A_2472 = arith.index_cast %add3A_2397 : i32 to index
        %get3A_2473 = arith.constant 32 : index
        %get3A_2474 = tpu.vector_load %get3A_2471[%get3A_2472, %get3A_2473] {strides = array<i32>} : memref<128x64xi32, #tpu.memory_space<vmem>>, vector<1x16xi32>,
        %get3A_2475 = vector.shape_cast %get3A_2474 : vector<1x16xi32> to vector<16xi32>
        %shift_left3A_2476 = arith.constant 16 : i32
        %shift_left3A_2477 = vector.broadcast %shift_left3A_2476 : i32 to vector<16xi32>
        %shift_left3A_2478 = arith.shli %get3A_2475, %shift_left3A_2477 : vector<16xi32>
        %bitcast_convert_type3A_2479 = tpu.bitcast %shift_left3A_2478 : vector<16xi32> -> vector<16xf32>
        %and3A_2480 = arith.andi %get3A_2475, %broadcast_in_dim3A_84 : vector<16xi32>
        %bitcast_convert_type3A_2481 = tpu.bitcast %and3A_2480 : vector<16xi32> -> vector<16xf32>
        %get3A_2482 = arith.constant 0 : i32
        %get3A_2483 = arith.constant 0 : i32
        %get3A_2484 = tpu.memref_slice %arg9[%scan3A_1234, %get3A_2482, %get3A_2483] : memref<2x128x64xi32, #tpu.memory_space<vmem>> -> memref<1x128x64xi32, #tpu.memory_space<vmem>>
        %get3A_2485 = tpu.memref_squeeze %get3A_2484 : memref<1x128x64xi32, #tpu.memory_space<vmem>> -> memref<128x64xi32, #tpu.memory_space<vmem>>
        %get3A_2486 = arith.index_cast %add3A_2397 : i32 to index
        %get3A_2487 = arith.constant 48 : index
        %get3A_2488 = tpu.vector_load %get3A_2485[%get3A_2486, %get3A_2487] {strides = array<i32>} : memref<128x64xi32, #tpu.memory_space<vmem>>, vector<1x16xi32>,
        %get3A_2489 = vector.shape_cast %get3A_2488 : vector<1x16xi32> to vector<16xi32>
        %shift_left3A_2490 = arith.constant 16 : i32
        %shift_left3A_2491 = vector.broadcast %shift_left3A_2490 : i32 to vector<16xi32>
        %shift_left3A_2492 = arith.shli %get3A_2489, %shift_left3A_2491 : vector<16xi32>
        %bitcast_convert_type3A_2493 = tpu.bitcast %shift_left3A_2492 : vector<16xi32> -> vector<16xf32>
        %and3A_2494 = arith.andi %get3A_2489, %broadcast_in_dim3A_84 : vector<16xi32>
        %bitcast_convert_type3A_2495 = tpu.bitcast %and3A_2494 : vector<16xi32> -> vector<16xf32>
        %get3A_2496 = arith.constant 0 : i32
        %get3A_2497 = arith.constant 0 : i32
        %get3A_2498 = tpu.memref_slice %arg10[%scan3A_1235, %get3A_2496, %get3A_2497] : memref<2x128x64xi32, #tpu.memory_space<vmem>> -> memref<1x128x64xi32, #tpu.memory_space<vmem>>
        %get3A_2499 = tpu.memref_squeeze %get3A_2498 : memref<1x128x64xi32, #tpu.memory_space<vmem>> -> memref<128x64xi32, #tpu.memory_space<vmem>>
        %get3A_2500 = arith.index_cast %add3A_2397 : i32 to index
        %get3A_2501 = arith.constant 48 : index
        %get3A_2502 = tpu.vector_load %get3A_2499[%get3A_2500, %get3A_2501] {strides = array<i32>} : memref<128x64xi32, #tpu.memory_space<vmem>>, vector<1x16xi32>,
        %get3A_2503 = vector.shape_cast %get3A_2502 : vector<1x16xi32> to vector<16xi32>
        %shift_left3A_2504 = arith.constant 16 : i32
        %shift_left3A_2505 = vector.broadcast %shift_left3A_2504 : i32 to vector<16xi32>
        %shift_left3A_2506 = arith.shli %get3A_2503, %shift_left3A_2505 : vector<16xi32>
        %bitcast_convert_type3A_2507 = tpu.bitcast %shift_left3A_2506 : vector<16xi32> -> vector<16xf32>
        %and3A_2508 = arith.andi %get3A_2503, %broadcast_in_dim3A_84 : vector<16xi32>
        %bitcast_convert_type3A_2509 = tpu.bitcast %and3A_2508 : vector<16xi32> -> vector<16xf32>
        %add3A_2510 = arith.addf %bitcast_convert_type3A_2409, %bitcast_convert_type3A_2423 : vector<16xf32>
        %max3A = arith.maximumf %scan3A_2372, %add3A_2510 : vector<16xf32>
        %add3A_2511 = arith.addf %scan3A_2380, %add3A_2510 : vector<16xf32>
        %mul3A_2512 = arith.mulf %add3A_2510, %add3A_2510 : vector<16xf32>
        %add3A_2513 = arith.addf %scan3A_2388, %mul3A_2512 : vector<16xf32>
        %add3A_2514 = arith.addf %bitcast_convert_type3A_2411, %bitcast_convert_type3A_2425 : vector<16xf32>
        %max3A_2515 = arith.maximumf %scan3A_2373, %add3A_2514 : vector<16xf32>
        %add3A_2516 = arith.addf %scan3A_2381, %add3A_2514 : vector<16xf32>
        %mul3A_2517 = arith.mulf %add3A_2514, %add3A_2514 : vector<16xf32>
        %add3A_2518 = arith.addf %scan3A_2389, %mul3A_2517 : vector<16xf32>
        %add3A_2519 = arith.addf %bitcast_convert_type3A_2437, %bitcast_convert_type3A_2451 : vector<16xf32>
        %max3A_2520 = arith.maximumf %scan3A_2374, %add3A_2519 : vector<16xf32>
        %add3A_2521 = arith.addf %scan3A_2382, %add3A_2519 : vector<16xf32>
        %mul3A_2522 = arith.mulf %add3A_2519, %add3A_2519 : vector<16xf32>
        %add3A_2523 = arith.addf %scan3A_2390, %mul3A_2522 : vector<16xf32>
        %add3A_2524 = arith.addf %bitcast_convert_type3A_2439, %bitcast_convert_type3A_2453 : vector<16xf32>
        %max3A_2525 = arith.maximumf %scan3A_2375, %add3A_2524 : vector<16xf32>
        %add3A_2526 = arith.addf %scan3A_2383, %add3A_2524 : vector<16xf32>
        %mul3A_2527 = arith.mulf %add3A_2524, %add3A_2524 : vector<16xf32>
        %add3A_2528 = arith.addf %scan3A_2391, %mul3A_2527 : vector<16xf32>
        %add3A_2529 = arith.addf %bitcast_convert_type3A_2465, %bitcast_convert_type3A_2479 : vector<16xf32>
        %max3A_2530 = arith.maximumf %scan3A_2376, %add3A_2529 : vector<16xf32>
        %add3A_2531 = arith.addf %scan3A_2384, %add3A_2529 : vector<16xf32>
        %mul3A_2532 = arith.mulf %add3A_2529, %add3A_2529 : vector<16xf32>
        %add3A_2533 = arith.addf %scan3A_2392, %mul3A_2532 : vector<16xf32>
        %add3A_2534 = arith.addf %bitcast_convert_type3A_2467, %bitcast_convert_type3A_2481 : vector<16xf32>
        %max3A_2535 = arith.maximumf %scan3A_2377, %add3A_2534 : vector<16xf32>
        %add3A_2536 = arith.addf %scan3A_2385, %add3A_2534 : vector<16xf32>
        %mul3A_2537 = arith.mulf %add3A_2534, %add3A_2534 : vector<16xf32>
        %add3A_2538 = arith.addf %scan3A_2393, %mul3A_2537 : vector<16xf32>
        %add3A_2539 = arith.addf %bitcast_convert_type3A_2493, %bitcast_convert_type3A_2507 : vector<16xf32>
        %max3A_2540 = arith.maximumf %scan3A_2378, %add3A_2539 : vector<16xf32>
        %add3A_2541 = arith.addf %scan3A_2386, %add3A_2539 : vector<16xf32>
        %mul3A_2542 = arith.mulf %add3A_2539, %add3A_2539 : vector<16xf32>
        %add3A_2543 = arith.addf %scan3A_2394, %mul3A_2542 : vector<16xf32>
        %add3A_2544 = arith.addf %bitcast_convert_type3A_2495, %bitcast_convert_type3A_2509 : vector<16xf32>
        %max3A_2545 = arith.maximumf %scan3A_2379, %add3A_2544 : vector<16xf32>
        %add3A_2546 = arith.addf %scan3A_2387, %add3A_2544 : vector<16xf32>
        %mul3A_2547 = arith.mulf %add3A_2544, %add3A_2544 : vector<16xf32>
        %add3A_2548 = arith.addf %scan3A_2395, %mul3A_2547 : vector<16xf32>
        scf.yield %max3A, %max3A_2515, %max3A_2520, %max3A_2525, %max3A_2530, %max3A_2535, %max3A_2540, %max3A_2545, %add3A_2511, %add3A_2516, %add3A_2521, %add3A_2526, %add3A_2531, %add3A_2536, %add3A_2541, %add3A_2546, %add3A_2513, %add3A_2518, %add3A_2523, %add3A_2528, %add3A_2533, %add3A_2538, %add3A_2543, %add3A_2548 : vector<16xf32>, vector<16xf32>, vector<16xf32>, vector<16xf32>, vector<16xf32>, vector<16xf32>, vector<16xf32>, vector<16xf32>, vector<16xf32>, vector<16xf32>, vector<16xf32>, vector<16xf32>, vector<16xf32>, vector<16xf32>, vector<16xf32>, vector<16xf32>, vector<16xf32>, vector<16xf32>, vector<16xf32>, vector<16xf32>, vector<16xf32>, vector<16xf32>, vector<16xf32>, vector<16xf32>
      }
      %scan3A_1241 = arith.constant 31 : i32
      %swap3A_1242 = arith.constant 0 : i32
      %swap3A_1243 = arith.constant 3 : i32
      %swap3A_1244 = arith.index_cast %swap3A_1242 : i32 to index
      %swap3A_1245 = arith.index_cast %swap3A_1243 : i32 to index
      %swap3A_1246 = arith.constant 0 : index
      %swap3A_1247 = tpu.vector_load %arg11[%swap3A_1244, %swap3A_1245, %swap3A_1246] {strides = array<i32>} : memref<2x4x128xf32, #tpu.memory_space<vmem>>, vector<1x1x16xf32>,
      %swap3A_1248 = vector.shape_cast %swap3A_1247 : vector<1x1x16xf32> to vector<16xf32>
      %swap3A_1249 = vector.shape_cast %scan3A_1240#0 : vector<16xf32> to vector<1x1x16xf32>
      tpu.vector_store %arg11[%swap3A_1244, %swap3A_1245, %swap3A_1246], %swap3A_1249 {strides = array<i32>} : memref<2x4x128xf32, #tpu.memory_space<vmem>>, vector<1x1x16xf32>,
      %swap3A_1250 = arith.constant 0 : i32
      %swap3A_1251 = arith.constant 3 : i32
      %swap3A_1252 = arith.index_cast %swap3A_1250 : i32 to index
      %swap3A_1253 = arith.index_cast %swap3A_1251 : i32 to index
      %swap3A_1254 = arith.constant 16 : index
      %swap3A_1255 = tpu.vector_load %arg11[%swap3A_1252, %swap3A_1253, %swap3A_1254] {strides = array<i32>} : memref<2x4x128xf32, #tpu.memory_space<vmem>>, vector<1x1x16xf32>,
      %swap3A_1256 = vector.shape_cast %swap3A_1255 : vector<1x1x16xf32> to vector<16xf32>
      %swap3A_1257 = vector.shape_cast %scan3A_1240#1 : vector<16xf32> to vector<1x1x16xf32>
      tpu.vector_store %arg11[%swap3A_1252, %swap3A_1253, %swap3A_1254], %swap3A_1257 {strides = array<i32>} : memref<2x4x128xf32, #tpu.memory_space<vmem>>, vector<1x1x16xf32>,
      %swap3A_1258 = arith.constant 0 : i32
      %swap3A_1259 = arith.constant 3 : i32
      %swap3A_1260 = arith.index_cast %swap3A_1258 : i32 to index
      %swap3A_1261 = arith.index_cast %swap3A_1259 : i32 to index
      %swap3A_1262 = arith.constant 32 : index
      %swap3A_1263 = tpu.vector_load %arg11[%swap3A_1260, %swap3A_1261, %swap3A_1262] {strides = array<i32>} : memref<2x4x128xf32, #tpu.memory_space<vmem>>, vector<1x1x16xf32>,
      %swap3A_1264 = vector.shape_cast %swap3A_1263 : vector<1x1x16xf32> to vector<16xf32>
      %swap3A_1265 = vector.shape_cast %scan3A_1240#2 : vector<16xf32> to vector<1x1x16xf32>
      tpu.vector_store %arg11[%swap3A_1260, %swap3A_1261, %swap3A_1262], %swap3A_1265 {strides = array<i32>} : memref<2x4x128xf32, #tpu.memory_space<vmem>>, vector<1x1x16xf32>,
      %swap3A_1266 = arith.constant 0 : i32
      %swap3A_1267 = arith.constant 3 : i32
      %swap3A_1268 = arith.index_cast %swap3A_1266 : i32 to index
      %swap3A_1269 = arith.index_cast %swap3A_1267 : i32 to index
      %swap3A_1270 = arith.constant 48 : index
      %swap3A_1271 = tpu.vector_load %arg11[%swap3A_1268, %swap3A_1269, %swap3A_1270] {strides = array<i32>} : memref<2x4x128xf32, #tpu.memory_space<vmem>>, vector<1x1x16xf32>,
      %swap3A_1272 = vector.shape_cast %swap3A_1271 : vector<1x1x16xf32> to vector<16xf32>
      %swap3A_1273 = vector.shape_cast %scan3A_1240#3 : vector<16xf32> to vector<1x1x16xf32>
      tpu.vector_store %arg11[%swap3A_1268, %swap3A_1269, %swap3A_1270], %swap3A_1273 {strides = array<i32>} : memref<2x4x128xf32, #tpu.memory_space<vmem>>, vector<1x1x16xf32>,
      %swap3A_1274 = arith.constant 0 : i32
      %swap3A_1275 = arith.constant 3 : i32
      %swap3A_1276 = arith.index_cast %swap3A_1274 : i32 to index
      %swap3A_1277 = arith.index_cast %swap3A_1275 : i32 to index
      %swap3A_1278 = arith.constant 64 : index
      %swap3A_1279 = tpu.vector_load %arg11[%swap3A_1276, %swap3A_1277, %swap3A_1278] {strides = array<i32>} : memref<2x4x128xf32, #tpu.memory_space<vmem>>, vector<1x1x16xf32>,
      %swap3A_1280 = vector.shape_cast %swap3A_1279 : vector<1x1x16xf32> to vector<16xf32>
      %swap3A_1281 = vector.shape_cast %scan3A_1240#4 : vector<16xf32> to vector<1x1x16xf32>
      tpu.vector_store %arg11[%swap3A_1276, %swap3A_1277, %swap3A_1278], %swap3A_1281 {strides = array<i32>} : memref<2x4x128xf32, #tpu.memory_space<vmem>>, vector<1x1x16xf32>,
      %swap3A_1282 = arith.constant 0 : i32
      %swap3A_1283 = arith.constant 3 : i32
      %swap3A_1284 = arith.index_cast %swap3A_1282 : i32 to index
      %swap3A_1285 = arith.index_cast %swap3A_1283 : i32 to index
      %swap3A_1286 = arith.constant 80 : index
      %swap3A_1287 = tpu.vector_load %arg11[%swap3A_1284, %swap3A_1285, %swap3A_1286] {strides = array<i32>} : memref<2x4x128xf32, #tpu.memory_space<vmem>>, vector<1x1x16xf32>,
      %swap3A_1288 = vector.shape_cast %swap3A_1287 : vector<1x1x16xf32> to vector<16xf32>
      %swap3A_1289 = vector.shape_cast %scan3A_1240#5 : vector<16xf32> to vector<1x1x16xf32>
      tpu.vector_store %arg11[%swap3A_1284, %swap3A_1285, %swap3A_1286], %swap3A_1289 {strides = array<i32>} : memref<2x4x128xf32, #tpu.memory_space<vmem>>, vector<1x1x16xf32>,
      %swap3A_1290 = arith.constant 0 : i32
      %swap3A_1291 = arith.constant 3 : i32
      %swap3A_1292 = arith.index_cast %swap3A_1290 : i32 to index
      %swap3A_1293 = arith.index_cast %swap3A_1291 : i32 to index
      %swap3A_1294 = arith.constant 96 : index
      %swap3A_1295 = tpu.vector_load %arg11[%swap3A_1292, %swap3A_1293, %swap3A_1294] {strides = array<i32>} : memref<2x4x128xf32, #tpu.memory_space<vmem>>, vector<1x1x16xf32>,
      %swap3A_1296 = vector.shape_cast %swap3A_1295 : vector<1x1x16xf32> to vector<16xf32>
      %swap3A_1297 = vector.shape_cast %scan3A_1240#6 : vector<16xf32> to vector<1x1x16xf32>
      tpu.vector_store %arg11[%swap3A_1292, %swap3A_1293, %swap3A_1294], %swap3A_1297 {strides = array<i32>} : memref<2x4x128xf32, #tpu.memory_space<vmem>>, vector<1x1x16xf32>,
      %swap3A_1298 = arith.constant 0 : i32
      %swap3A_1299 = arith.constant 3 : i32
      %swap3A_1300 = arith.index_cast %swap3A_1298 : i32 to index
      %swap3A_1301 = arith.index_cast %swap3A_1299 : i32 to index
      %swap3A_1302 = arith.constant 112 : index
      %swap3A_1303 = tpu.vector_load %arg11[%swap3A_1300, %swap3A_1301, %swap3A_1302] {strides = array<i32>} : memref<2x4x128xf32, #tpu.memory_space<vmem>>, vector<1x1x16xf32>,
      %swap3A_1304 = vector.shape_cast %swap3A_1303 : vector<1x1x16xf32> to vector<16xf32>
      %swap3A_1305 = vector.shape_cast %scan3A_1240#7 : vector<16xf32> to vector<1x1x16xf32>
      tpu.vector_store %arg11[%swap3A_1300, %swap3A_1301, %swap3A_1302], %swap3A_1305 {strides = array<i32>} : memref<2x4x128xf32, #tpu.memory_space<vmem>>, vector<1x1x16xf32>,
      %mul3A_1306 = arith.constant 320 : i32
      %mul3A_1307 = arith.muli %add3A, %mul3A_1306 : i32
      %mul3A_1308 = arith.constant 4 : i32
      %mul3A_1309 = arith.muli %add3A_285, %mul3A_1308 : i32
      %add3A_1310 = arith.addi %mul3A_1307, %mul3A_1309 : i32
      %dma_start3A_1311 = arith.constant 0 : i32
      %dma_start3A_1312 = arith.constant 0 : i32
      %dma_start3A_1313 = arith.constant 0 : i32
      %dma_start3A_1314 = tpu.memref_slice %arg11[%dma_start3A_1311, %dma_start3A_1312, %dma_start3A_1313] : memref<2x4x128xf32, #tpu.memory_space<vmem>> -> memref<1x4x128xf32, #tpu.memory_space<vmem>>
      %dma_start3A_1315 = tpu.memref_squeeze %dma_start3A_1314 : memref<1x4x128xf32, #tpu.memory_space<vmem>> -> memref<4x128xf32, #tpu.memory_space<vmem>>
      %dma_start3A_1316 = arith.constant 0 : i32
      %dma_start3A_1317 = tpu.memref_slice %arg5[%add3A_1310, %dma_start3A_1316] : memref<10240x128xf32, #tpu.memory_space<hbm>> -> memref<4x128xf32, #tpu.memory_space<hbm>>
      %dma_start3A_1318 = arith.constant 0 : i32
      %dma_start3A_1319 = tpu.memref_slice %arg5[%add3A_1310, %dma_start3A_1318] : memref<10240x128xf32, #tpu.memory_space<hbm>> -> memref<4x128xf32, #tpu.memory_space<hbm>>
      %dma_start3A_1320 = arith.constant 0 : i32
      %dma_start3A_1321 = arith.constant 0 : i32
      %dma_start3A_1322 = tpu.memref_slice %arg11[%dma_start3A_1311, %dma_start3A_1320, %dma_start3A_1321] : memref<2x4x128xf32, #tpu.memory_space<vmem>> -> memref<1x4x128xf32, #tpu.memory_space<vmem>>
      %dma_start3A_1323 = tpu.memref_squeeze %dma_start3A_1322 : memref<1x4x128xf32, #tpu.memory_space<vmem>> -> memref<4x128xf32, #tpu.memory_space<vmem>>
      tpu.enqueue_dma source(%dma_start3A_1323 : memref<4x128xf32, #tpu.memory_space<vmem>>) target(%dma_start3A_1319 : memref<4x128xf32, #tpu.memory_space<hbm>>) target_semaphore(%arg19 : memref<!tpu.dma_semaphore, #tpu.memory_space<semaphore_mem>>)
      %add3A_1324 = arith.constant 1 : i32
      %add3A_1325 = arith.addi %mul3A_282, %add3A_1324 : i32
      %dma_wait3A_1326 = arith.constant 0 : i32
      %dma_wait3A_1327 = arith.constant 0 : i32
      %dma_wait3A_1328 = arith.constant 0 : i32
      %dma_wait3A_1329 = arith.constant 0 : i32
      %dma_wait3A_1330 = tpu.memref_slice %arg8[%dma_wait3A_1327, %dma_wait3A_1328, %dma_wait3A_1329] : memref<2x2x128xi32, #tpu.memory_space<vmem>> -> memref<1x2x128xi32, #tpu.memory_space<vmem>>
      %dma_wait3A_1331 = tpu.memref_squeeze %dma_wait3A_1330 : memref<1x2x128xi32, #tpu.memory_space<vmem>> -> memref<2x128xi32, #tpu.memory_space<vmem>>
      %dma_wait3A_1332 = arith.constant 0 : i32
      %dma_wait3A_1333 = arith.constant 0 : i32
      %dma_wait3A_1334 = tpu.memref_slice %arg4[%dma_wait3A_1326, %dma_wait3A_1332, %dma_wait3A_1333] : memref<2562x2x128xi32, #tpu.memory_space<hbm>> -> memref<1x2x128xi32, #tpu.memory_space<hbm>>
      %dma_wait3A_1335 = tpu.memref_squeeze %dma_wait3A_1334 : memref<1x2x128xi32, #tpu.memory_space<hbm>> -> memref<2x128xi32, #tpu.memory_space<hbm>>
      %dma_wait3A_1336 = arith.constant 0 : i32
      %dma_wait3A_1337 = arith.constant 0 : i32
      %dma_wait3A_1338 = tpu.memref_slice %arg8[%dma_wait3A_1327, %dma_wait3A_1336, %dma_wait3A_1337] : memref<2x2x128xi32, #tpu.memory_space<vmem>> -> memref<1x2x128xi32, #tpu.memory_space<vmem>>
      %dma_wait3A_1339 = tpu.memref_squeeze %dma_wait3A_1338 : memref<1x2x128xi32, #tpu.memory_space<vmem>> -> memref<2x128xi32, #tpu.memory_space<vmem>>
      %dma_wait3A_1340 = arith.constant 0 : i32
      %dma_wait3A_1341 = arith.constant 0 : i32
      %dma_wait3A_1342 = tpu.memref_slice %arg4[%dma_wait3A_1326, %dma_wait3A_1340, %dma_wait3A_1341] : memref<2562x2x128xi32, #tpu.memory_space<hbm>> -> memref<1x2x128xi32, #tpu.memory_space<hbm>>
      %dma_wait3A_1343 = tpu.memref_squeeze %dma_wait3A_1342 : memref<1x2x128xi32, #tpu.memory_space<hbm>> -> memref<2x128xi32, #tpu.memory_space<hbm>>
      tpu.wait_dma2 semaphore(%arg13 : memref<!tpu.dma_semaphore, #tpu.memory_space<semaphore_mem>>) src(%dma_wait3A_1343 : memref<2x128xi32, #tpu.memory_space<hbm>>) dst(%dma_wait3A_1339 : memref<2x128xi32, #tpu.memory_space<vmem>>)
      %dma_start3A_1344 = arith.constant 0 : i32
      %dma_start3A_1345 = arith.constant 0 : i32
      %dma_start3A_1346 = arith.constant 0 : i32
      %dma_start3A_1347 = arith.constant 0 : i32
      %dma_start3A_1348 = arith.constant 0 : i32
      %dma_start3A_1349 = tpu.memref_slice %arg9[%dma_start3A_1346, %dma_start3A_1347, %dma_start3A_1348] : memref<2x128x64xi32, #tpu.memory_space<vmem>> -> memref<1x128x64xi32, #tpu.memory_space<vmem>>
      %dma_start3A_1350 = tpu.memref_squeeze %dma_start3A_1349 : memref<1x128x64xi32, #tpu.memory_space<vmem>> -> memref<128x64xi32, #tpu.memory_space<vmem>>
      %dma_start3A_1351 = arith.constant 0 : i32
      %dma_start3A_1352 = tpu.memref_slice %arg8[%dma_start3A_1344, %dma_start3A_1345, %dma_start3A_1351] : memref<2x2x128xi32, #tpu.memory_space<vmem>> -> memref<1x1x128xi32, #tpu.memory_space<vmem>>
      %dma_start3A_1353 = tpu.memref_squeeze %dma_start3A_1352 : memref<1x1x128xi32, #tpu.memory_space<vmem>> -> memref<128xi32, #tpu.memory_space<vmem>>
      %dma_start3A_1354 = arith.constant 0 : i32
      %dma_start3A_1355 = arith.constant 0 : i32
      %dma_start3A_1356 = tpu.memref_slice %arg2[%dma_start3A_1354, %dma_start3A_1355] : memref<10240x64xi32, #tpu.memory_space<hbm>> -> memref<10240x64xi32, #tpu.memory_space<hbm>>
      tpu.enqueue_indirect_dma source(%dma_start3A_1356 : memref<10240x64xi32, #tpu.memory_space<hbm>>) target(%dma_start3A_1350 : memref<128x64xi32, #tpu.memory_space<vmem>>) offsets(%dma_start3A_1353 : memref<128xi32, #tpu.memory_space<vmem>>) semaphore(%arg15 : memref<!tpu.dma_semaphore, #tpu.memory_space<semaphore_mem>>)
      %dma_start3A_1357 = arith.constant 0 : i32
      %dma_start3A_1358 = arith.constant 1 : i32
      %dma_start3A_1359 = arith.constant 0 : i32
      %dma_start3A_1360 = arith.constant 0 : i32
      %dma_start3A_1361 = arith.constant 0 : i32
      %dma_start3A_1362 = tpu.memref_slice %arg10[%dma_start3A_1359, %dma_start3A_1360, %dma_start3A_1361] : memref<2x128x64xi32, #tpu.memory_space<vmem>> -> memref<1x128x64xi32, #tpu.memory_space<vmem>>
      %dma_start3A_1363 = tpu.memref_squeeze %dma_start3A_1362 : memref<1x128x64xi32, #tpu.memory_space<vmem>> -> memref<128x64xi32, #tpu.memory_space<vmem>>
      %dma_start3A_1364 = arith.constant 0 : i32
      %dma_start3A_1365 = tpu.memref_slice %arg8[%dma_start3A_1357, %dma_start3A_1358, %dma_start3A_1364] : memref<2x2x128xi32, #tpu.memory_space<vmem>> -> memref<1x1x128xi32, #tpu.memory_space<vmem>>
      %dma_start3A_1366 = tpu.memref_squeeze %dma_start3A_1365 : memref<1x1x128xi32, #tpu.memory_space<vmem>> -> memref<128xi32, #tpu.memory_space<vmem>>
      %dma_start3A_1367 = arith.constant 0 : i32
      %dma_start3A_1368 = arith.constant 0 : i32
      %dma_start3A_1369 = tpu.memref_slice %arg3[%dma_start3A_1367, %dma_start3A_1368] : memref<10240x64xi32, #tpu.memory_space<hbm>> -> memref<10240x64xi32, #tpu.memory_space<hbm>>
      tpu.enqueue_indirect_dma source(%dma_start3A_1369 : memref<10240x64xi32, #tpu.memory_space<hbm>>) target(%dma_start3A_1363 : memref<128x64xi32, #tpu.memory_space<vmem>>) offsets(%dma_start3A_1366 : memref<128xi32, #tpu.memory_space<vmem>>) semaphore(%arg17 : memref<!tpu.dma_semaphore, #tpu.memory_space<semaphore_mem>>)
      %dma_wait3A_1370 = arith.constant 1 : i32
      %dma_wait3A_1371 = arith.constant 0 : i32
      %dma_wait3A_1372 = arith.constant 0 : i32
      %dma_wait3A_1373 = tpu.memref_slice %arg9[%dma_wait3A_1370, %dma_wait3A_1371, %dma_wait3A_1372] : memref<2x128x64xi32, #tpu.memory_space<vmem>> -> memref<1x128x64xi32, #tpu.memory_space<vmem>>
      %dma_wait3A_1374 = tpu.memref_squeeze %dma_wait3A_1373 : memref<1x128x64xi32, #tpu.memory_space<vmem>> -> memref<128x64xi32, #tpu.memory_space<vmem>>
      %dma_wait3A_1375 = arith.constant 0 : i32
      %dma_wait3A_1376 = arith.constant 0 : i32
      %dma_wait3A_1377 = tpu.memref_slice %arg2[%dma_wait3A_1375, %dma_wait3A_1376] : memref<10240x64xi32, #tpu.memory_space<hbm>> -> memref<128x64xi32, #tpu.memory_space<hbm>>
      %dma_wait3A_1378 = arith.constant 0 : i32
      %dma_wait3A_1379 = arith.constant 0 : i32
      %dma_wait3A_1380 = tpu.memref_slice %arg9[%dma_wait3A_1370, %dma_wait3A_1378, %dma_wait3A_1379] : memref<2x128x64xi32, #tpu.memory_space<vmem>> -> memref<1x128x64xi32, #tpu.memory_space<vmem>>
      %dma_wait3A_1381 = tpu.memref_squeeze %dma_wait3A_1380 : memref<1x128x64xi32, #tpu.memory_space<vmem>> -> memref<128x64xi32, #tpu.memory_space<vmem>>
      %dma_wait3A_1382 = arith.constant 0 : i32
      %dma_wait3A_1383 = arith.constant 0 : i32
      %dma_wait3A_1384 = tpu.memref_slice %arg2[%dma_wait3A_1382, %dma_wait3A_1383] : memref<10240x64xi32, #tpu.memory_space<hbm>> -> memref<128x64xi32, #tpu.memory_space<hbm>>
      tpu.wait_dma2 semaphore(%arg16 : memref<!tpu.dma_semaphore, #tpu.memory_space<semaphore_mem>>) src(%dma_wait3A_1384 : memref<128x64xi32, #tpu.memory_space<hbm>>) dst(%dma_wait3A_1381 : memref<128x64xi32, #tpu.memory_space<vmem>>)
      %dma_wait3A_1385 = arith.constant 1 : i32
      %dma_wait3A_1386 = arith.constant 0 : i32
      %dma_wait3A_1387 = arith.constant 0 : i32
      %dma_wait3A_1388 = tpu.memref_slice %arg10[%dma_wait3A_1385, %dma_wait3A_1386, %dma_wait3A_1387] : memref<2x128x64xi32, #tpu.memory_space<vmem>> -> memref<1x128x64xi32, #tpu.memory_space<vmem>>
      %dma_wait3A_1389 = tpu.memref_squeeze %dma_wait3A_1388 : memref<1x128x64xi32, #tpu.memory_space<vmem>> -> memref<128x64xi32, #tpu.memory_space<vmem>>
      %dma_wait3A_1390 = arith.constant 0 : i32
      %dma_wait3A_1391 = arith.constant 0 : i32
      %dma_wait3A_1392 = tpu.memref_slice %arg3[%dma_wait3A_1390, %dma_wait3A_1391] : memref<10240x64xi32, #tpu.memory_space<hbm>> -> memref<128x64xi32, #tpu.memory_space<hbm>>
      %dma_wait3A_1393 = arith.constant 0 : i32
      %dma_wait3A_1394 = arith.constant 0 : i32
      %dma_wait3A_1395 = tpu.memref_slice %arg10[%dma_wait3A_1385, %dma_wait3A_1393, %dma_wait3A_1394] : memref<2x128x64xi32, #tpu.memory_space<vmem>> -> memref<1x128x64xi32, #tpu.memory_space<vmem>>
      %dma_wait3A_1396 = tpu.memref_squeeze %dma_wait3A_1395 : memref<1x128x64xi32, #tpu.memory_space<vmem>> -> memref<128x64xi32, #tpu.memory_space<vmem>>
      %dma_wait3A_1397 = arith.constant 0 : i32
      %dma_wait3A_1398 = arith.constant 0 : i32
      %dma_wait3A_1399 = tpu.memref_slice %arg3[%dma_wait3A_1397, %dma_wait3A_1398] : memref<10240x64xi32, #tpu.memory_space<hbm>> -> memref<128x64xi32, #tpu.memory_space<hbm>>
      tpu.wait_dma2 semaphore(%arg18 : memref<!tpu.dma_semaphore, #tpu.memory_space<semaphore_mem>>) src(%dma_wait3A_1399 : memref<128x64xi32, #tpu.memory_space<hbm>>) dst(%dma_wait3A_1396 : memref<128x64xi32, #tpu.memory_space<vmem>>)
      %add3A_1400 = arith.constant 2 : i32
      %add3A_1401 = arith.addi %add3A_1325, %add3A_1400 : i32
      %add3A_1402 = arith.addi %mul3A_2, %add3A_1401 : i32
      %dma_start3A_1403 = arith.constant 1 : i32
      %dma_start3A_1404 = arith.constant 0 : i32
      %dma_start3A_1405 = arith.constant 0 : i32
      %dma_start3A_1406 = tpu.memref_slice %arg8[%dma_start3A_1403, %dma_start3A_1404, %dma_start3A_1405] : memref<2x2x128xi32, #tpu.memory_space<vmem>> -> memref<1x2x128xi32, #tpu.memory_space<vmem>>
      %dma_start3A_1407 = tpu.memref_squeeze %dma_start3A_1406 : memref<1x2x128xi32, #tpu.memory_space<vmem>> -> memref<2x128xi32, #tpu.memory_space<vmem>>
      %dma_start3A_1408 = arith.constant 0 : i32
      %dma_start3A_1409 = arith.constant 0 : i32
      %dma_start3A_1410 = tpu.memref_slice %arg4[%add3A_1402, %dma_start3A_1408, %dma_start3A_1409] : memref<2562x2x128xi32, #tpu.memory_space<hbm>> -> memref<1x2x128xi32, #tpu.memory_space<hbm>>
      %dma_start3A_1411 = tpu.memref_squeeze %dma_start3A_1410 : memref<1x2x128xi32, #tpu.memory_space<hbm>> -> memref<2x128xi32, #tpu.memory_space<hbm>>
      %dma_start3A_1412 = arith.constant 0 : i32
      %dma_start3A_1413 = arith.constant 0 : i32
      %dma_start3A_1414 = tpu.memref_slice %arg8[%dma_start3A_1403, %dma_start3A_1412, %dma_start3A_1413] : memref<2x2x128xi32, #tpu.memory_space<vmem>> -> memref<1x2x128xi32, #tpu.memory_space<vmem>>
      %dma_start3A_1415 = tpu.memref_squeeze %dma_start3A_1414 : memref<1x2x128xi32, #tpu.memory_space<vmem>> -> memref<2x128xi32, #tpu.memory_space<vmem>>
      %dma_start3A_1416 = arith.constant 0 : i32
      %dma_start3A_1417 = arith.constant 0 : i32
      %dma_start3A_1418 = tpu.memref_slice %arg4[%add3A_1402, %dma_start3A_1416, %dma_start3A_1417] : memref<2562x2x128xi32, #tpu.memory_space<hbm>> -> memref<1x2x128xi32, #tpu.memory_space<hbm>>
      %dma_start3A_1419 = tpu.memref_squeeze %dma_start3A_1418 : memref<1x2x128xi32, #tpu.memory_space<hbm>> -> memref<2x128xi32, #tpu.memory_space<hbm>>
      tpu.enqueue_dma source(%dma_start3A_1419 : memref<2x128xi32, #tpu.memory_space<hbm>>) target(%dma_start3A_1415 : memref<2x128xi32, #tpu.memory_space<vmem>>) target_semaphore(%arg14 : memref<!tpu.dma_semaphore, #tpu.memory_space<semaphore_mem>>)
      %get3A_1420 = arith.constant 1 : i32
      %get3A_1421 = arith.constant 0 : i32
      %get3A_1422 = arith.constant 0 : i32
      %get3A_1423 = arith.constant 0 : i32
      %get3A_1424 = tpu.memref_slice %arg9[%get3A_1420, %get3A_1422, %get3A_1423] : memref<2x128x64xi32, #tpu.memory_space<vmem>> -> memref<1x128x64xi32, #tpu.memory_space<vmem>>
      %get3A_1425 = tpu.memref_squeeze %get3A_1424 : memref<1x128x64xi32, #tpu.memory_space<vmem>> -> memref<128x64xi32, #tpu.memory_space<vmem>>
      %get3A_1426 = arith.index_cast %get3A_1421 : i32 to index
      %get3A_1427 = arith.constant 0 : index
      %get3A_1428 = tpu.vector_load %get3A_1425[%get3A_1426, %get3A_1427] {strides = array<i32>} : memref<128x64xi32, #tpu.memory_space<vmem>>, vector<1x16xi32>,
      %get3A_1429 = vector.shape_cast %get3A_1428 : vector<1x16xi32> to vector<16xi32>
      %shift_left3A_1430 = arith.constant 16 : i32
      %shift_left3A_1431 = vector.broadcast %shift_left3A_1430 : i32 to vector<16xi32>
      %shift_left3A_1432 = arith.shli %get3A_1429, %shift_left3A_1431 : vector<16xi32>
      %bitcast_convert_type3A_1433 = tpu.bitcast %shift_left3A_1432 : vector<16xi32> -> vector<16xf32>
      %and3A_1434 = arith.andi %get3A_1429, %broadcast_in_dim3A_84 : vector<16xi32>
      %bitcast_convert_type3A_1435 = tpu.bitcast %and3A_1434 : vector<16xi32> -> vector<16xf32>
      %get3A_1436 = arith.constant 1 : i32
      %get3A_1437 = arith.constant 0 : i32
      %get3A_1438 = arith.constant 0 : i32
      %get3A_1439 = arith.constant 0 : i32
      %get3A_1440 = tpu.memref_slice %arg10[%get3A_1436, %get3A_1438, %get3A_1439] : memref<2x128x64xi32, #tpu.memory_space<vmem>> -> memref<1x128x64xi32, #tpu.memory_space<vmem>>
      %get3A_1441 = tpu.memref_squeeze %get3A_1440 : memref<1x128x64xi32, #tpu.memory_space<vmem>> -> memref<128x64xi32, #tpu.memory_space<vmem>>
      %get3A_1442 = arith.index_cast %get3A_1437 : i32 to index
      %get3A_1443 = arith.constant 0 : index
      %get3A_1444 = tpu.vector_load %get3A_1441[%get3A_1442, %get3A_1443] {strides = array<i32>} : memref<128x64xi32, #tpu.memory_space<vmem>>, vector<1x16xi32>,
      %get3A_1445 = vector.shape_cast %get3A_1444 : vector<1x16xi32> to vector<16xi32>
      %shift_left3A_1446 = arith.constant 16 : i32
      %shift_left3A_1447 = vector.broadcast %shift_left3A_1446 : i32 to vector<16xi32>
      %shift_left3A_1448 = arith.shli %get3A_1445, %shift_left3A_1447 : vector<16xi32>
      %bitcast_convert_type3A_1449 = tpu.bitcast %shift_left3A_1448 : vector<16xi32> -> vector<16xf32>
      %and3A_1450 = arith.andi %get3A_1445, %broadcast_in_dim3A_84 : vector<16xi32>
      %bitcast_convert_type3A_1451 = tpu.bitcast %and3A_1450 : vector<16xi32> -> vector<16xf32>
      %get3A_1452 = arith.constant 1 : i32
      %get3A_1453 = arith.constant 0 : i32
      %get3A_1454 = arith.constant 0 : i32
      %get3A_1455 = arith.constant 0 : i32
      %get3A_1456 = tpu.memref_slice %arg9[%get3A_1452, %get3A_1454, %get3A_1455] : memref<2x128x64xi32, #tpu.memory_space<vmem>> -> memref<1x128x64xi32, #tpu.memory_space<vmem>>
      %get3A_1457 = tpu.memref_squeeze %get3A_1456 : memref<1x128x64xi32, #tpu.memory_space<vmem>> -> memref<128x64xi32, #tpu.memory_space<vmem>>
      %get3A_1458 = arith.index_cast %get3A_1453 : i32 to index
      %get3A_1459 = arith.constant 16 : index
      %get3A_1460 = tpu.vector_load %get3A_1457[%get3A_1458, %get3A_1459] {strides = array<i32>} : memref<128x64xi32, #tpu.memory_space<vmem>>, vector<1x16xi32>,
      %get3A_1461 = vector.shape_cast %get3A_1460 : vector<1x16xi32> to vector<16xi32>
      %shift_left3A_1462 = arith.constant 16 : i32
      %shift_left3A_1463 = vector.broadcast %shift_left3A_1462 : i32 to vector<16xi32>
      %shift_left3A_1464 = arith.shli %get3A_1461, %shift_left3A_1463 : vector<16xi32>
      %bitcast_convert_type3A_1465 = tpu.bitcast %shift_left3A_1464 : vector<16xi32> -> vector<16xf32>
      %and3A_1466 = arith.andi %get3A_1461, %broadcast_in_dim3A_84 : vector<16xi32>
      %bitcast_convert_type3A_1467 = tpu.bitcast %and3A_1466 : vector<16xi32> -> vector<16xf32>
      %get3A_1468 = arith.constant 1 : i32
      %get3A_1469 = arith.constant 0 : i32
      %get3A_1470 = arith.constant 0 : i32
      %get3A_1471 = arith.constant 0 : i32
      %get3A_1472 = tpu.memref_slice %arg10[%get3A_1468, %get3A_1470, %get3A_1471] : memref<2x128x64xi32, #tpu.memory_space<vmem>> -> memref<1x128x64xi32, #tpu.memory_space<vmem>>
      %get3A_1473 = tpu.memref_squeeze %get3A_1472 : memref<1x128x64xi32, #tpu.memory_space<vmem>> -> memref<128x64xi32, #tpu.memory_space<vmem>>
      %get3A_1474 = arith.index_cast %get3A_1469 : i32 to index
      %get3A_1475 = arith.constant 16 : index
      %get3A_1476 = tpu.vector_load %get3A_1473[%get3A_1474, %get3A_1475] {strides = array<i32>} : memref<128x64xi32, #tpu.memory_space<vmem>>, vector<1x16xi32>,
      %get3A_1477 = vector.shape_cast %get3A_1476 : vector<1x16xi32> to vector<16xi32>
      %shift_left3A_1478 = arith.constant 16 : i32
      %shift_left3A_1479 = vector.broadcast %shift_left3A_1478 : i32 to vector<16xi32>
      %shift_left3A_1480 = arith.shli %get3A_1477, %shift_left3A_1479 : vector<16xi32>
      %bitcast_convert_type3A_1481 = tpu.bitcast %shift_left3A_1480 : vector<16xi32> -> vector<16xf32>
      %and3A_1482 = arith.andi %get3A_1477, %broadcast_in_dim3A_84 : vector<16xi32>
      %bitcast_convert_type3A_1483 = tpu.bitcast %and3A_1482 : vector<16xi32> -> vector<16xf32>
      %get3A_1484 = arith.constant 1 : i32
      %get3A_1485 = arith.constant 0 : i32
      %get3A_1486 = arith.constant 0 : i32
      %get3A_1487 = arith.constant 0 : i32
      %get3A_1488 = tpu.memref_slice %arg9[%get3A_1484, %get3A_1486, %get3A_1487] : memref<2x128x64xi32, #tpu.memory_space<vmem>> -> memref<1x128x64xi32, #tpu.memory_space<vmem>>
      %get3A_1489 = tpu.memref_squeeze %get3A_1488 : memref<1x128x64xi32, #tpu.memory_space<vmem>> -> memref<128x64xi32, #tpu.memory_space<vmem>>
      %get3A_1490 = arith.index_cast %get3A_1485 : i32 to index
      %get3A_1491 = arith.constant 32 : index
      %get3A_1492 = tpu.vector_load %get3A_1489[%get3A_1490, %get3A_1491] {strides = array<i32>} : memref<128x64xi32, #tpu.memory_space<vmem>>, vector<1x16xi32>,
      %get3A_1493 = vector.shape_cast %get3A_1492 : vector<1x16xi32> to vector<16xi32>
      %shift_left3A_1494 = arith.constant 16 : i32
      %shift_left3A_1495 = vector.broadcast %shift_left3A_1494 : i32 to vector<16xi32>
      %shift_left3A_1496 = arith.shli %get3A_1493, %shift_left3A_1495 : vector<16xi32>
      %bitcast_convert_type3A_1497 = tpu.bitcast %shift_left3A_1496 : vector<16xi32> -> vector<16xf32>
      %and3A_1498 = arith.andi %get3A_1493, %broadcast_in_dim3A_84 : vector<16xi32>
      %bitcast_convert_type3A_1499 = tpu.bitcast %and3A_1498 : vector<16xi32> -> vector<16xf32>
      %get3A_1500 = arith.constant 1 : i32
      %get3A_1501 = arith.constant 0 : i32
      %get3A_1502 = arith.constant 0 : i32
      %get3A_1503 = arith.constant 0 : i32
      %get3A_1504 = tpu.memref_slice %arg10[%get3A_1500, %get3A_1502, %get3A_1503] : memref<2x128x64xi32, #tpu.memory_space<vmem>> -> memref<1x128x64xi32, #tpu.memory_space<vmem>>
      %get3A_1505 = tpu.memref_squeeze %get3A_1504 : memref<1x128x64xi32, #tpu.memory_space<vmem>> -> memref<128x64xi32, #tpu.memory_space<vmem>>
      %get3A_1506 = arith.index_cast %get3A_1501 : i32 to index
      %get3A_1507 = arith.constant 32 : index
      %get3A_1508 = tpu.vector_load %get3A_1505[%get3A_1506, %get3A_1507] {strides = array<i32>} : memref<128x64xi32, #tpu.memory_space<vmem>>, vector<1x16xi32>,
      %get3A_1509 = vector.shape_cast %get3A_1508 : vector<1x16xi32> to vector<16xi32>
      %shift_left3A_1510 = arith.constant 16 : i32
      %shift_left3A_1511 = vector.broadcast %shift_left3A_1510 : i32 to vector<16xi32>
      %shift_left3A_1512 = arith.shli %get3A_1509, %shift_left3A_1511 : vector<16xi32>
      %bitcast_convert_type3A_1513 = tpu.bitcast %shift_left3A_1512 : vector<16xi32> -> vector<16xf32>
      %and3A_1514 = arith.andi %get3A_1509, %broadcast_in_dim3A_84 : vector<16xi32>
      %bitcast_convert_type3A_1515 = tpu.bitcast %and3A_1514 : vector<16xi32> -> vector<16xf32>
      %get3A_1516 = arith.constant 1 : i32
      %get3A_1517 = arith.constant 0 : i32
      %get3A_1518 = arith.constant 0 : i32
      %get3A_1519 = arith.constant 0 : i32
      %get3A_1520 = tpu.memref_slice %arg9[%get3A_1516, %get3A_1518, %get3A_1519] : memref<2x128x64xi32, #tpu.memory_space<vmem>> -> memref<1x128x64xi32, #tpu.memory_space<vmem>>
      %get3A_1521 = tpu.memref_squeeze %get3A_1520 : memref<1x128x64xi32, #tpu.memory_space<vmem>> -> memref<128x64xi32, #tpu.memory_space<vmem>>
      %get3A_1522 = arith.index_cast %get3A_1517 : i32 to index
      %get3A_1523 = arith.constant 48 : index
      %get3A_1524 = tpu.vector_load %get3A_1521[%get3A_1522, %get3A_1523] {strides = array<i32>} : memref<128x64xi32, #tpu.memory_space<vmem>>, vector<1x16xi32>,
      %get3A_1525 = vector.shape_cast %get3A_1524 : vector<1x16xi32> to vector<16xi32>
      %shift_left3A_1526 = arith.constant 16 : i32
      %shift_left3A_1527 = vector.broadcast %shift_left3A_1526 : i32 to vector<16xi32>
      %shift_left3A_1528 = arith.shli %get3A_1525, %shift_left3A_1527 : vector<16xi32>
      %bitcast_convert_type3A_1529 = tpu.bitcast %shift_left3A_1528 : vector<16xi32> -> vector<16xf32>
      %and3A_1530 = arith.andi %get3A_1525, %broadcast_in_dim3A_84 : vector<16xi32>
      %bitcast_convert_type3A_1531 = tpu.bitcast %and3A_1530 : vector<16xi32> -> vector<16xf32>
      %get3A_1532 = arith.constant 1 : i32
      %get3A_1533 = arith.constant 0 : i32
      %get3A_1534 = arith.constant 0 : i32
      %get3A_1535 = arith.constant 0 : i32
      %get3A_1536 = tpu.memref_slice %arg10[%get3A_1532, %get3A_1534, %get3A_1535] : memref<2x128x64xi32, #tpu.memory_space<vmem>> -> memref<1x128x64xi32, #tpu.memory_space<vmem>>
      %get3A_1537 = tpu.memref_squeeze %get3A_1536 : memref<1x128x64xi32, #tpu.memory_space<vmem>> -> memref<128x64xi32, #tpu.memory_space<vmem>>
      %get3A_1538 = arith.index_cast %get3A_1533 : i32 to index
      %get3A_1539 = arith.constant 48 : index
      %get3A_1540 = tpu.vector_load %get3A_1537[%get3A_1538, %get3A_1539] {strides = array<i32>} : memref<128x64xi32, #tpu.memory_space<vmem>>, vector<1x16xi32>,
      %get3A_1541 = vector.shape_cast %get3A_1540 : vector<1x16xi32> to vector<16xi32>
      %shift_left3A_1542 = arith.constant 16 : i32
      %shift_left3A_1543 = vector.broadcast %shift_left3A_1542 : i32 to vector<16xi32>
      %shift_left3A_1544 = arith.shli %get3A_1541, %shift_left3A_1543 : vector<16xi32>
      %bitcast_convert_type3A_1545 = tpu.bitcast %shift_left3A_1544 : vector<16xi32> -> vector<16xf32>
      %and3A_1546 = arith.andi %get3A_1541, %broadcast_in_dim3A_84 : vector<16xi32>
      %bitcast_convert_type3A_1547 = tpu.bitcast %and3A_1546 : vector<16xi32> -> vector<16xf32>
      %add3A_1548 = arith.addf %bitcast_convert_type3A_1433, %bitcast_convert_type3A_1449 : vector<16xf32>
      %add3A_1549 = arith.addf %scan3A_1240#8, %add3A_1548 : vector<16xf32>
      %mul3A_1550 = arith.mulf %add3A_1548, %add3A_1548 : vector<16xf32>
      %add3A_1551 = arith.addf %scan3A_1240#16, %mul3A_1550 : vector<16xf32>
      %add3A_1552 = arith.addf %bitcast_convert_type3A_1435, %bitcast_convert_type3A_1451 : vector<16xf32>
      %add3A_1553 = arith.addf %scan3A_1240#9, %add3A_1552 : vector<16xf32>
      %mul3A_1554 = arith.mulf %add3A_1552, %add3A_1552 : vector<16xf32>
      %add3A_1555 = arith.addf %scan3A_1240#17, %mul3A_1554 : vector<16xf32>
      %add3A_1556 = arith.addf %bitcast_convert_type3A_1465, %bitcast_convert_type3A_1481 : vector<16xf32>
      %add3A_1557 = arith.addf %scan3A_1240#10, %add3A_1556 : vector<16xf32>
      %mul3A_1558 = arith.mulf %add3A_1556, %add3A_1556 : vector<16xf32>
      %add3A_1559 = arith.addf %scan3A_1240#18, %mul3A_1558 : vector<16xf32>
      %add3A_1560 = arith.addf %bitcast_convert_type3A_1467, %bitcast_convert_type3A_1483 : vector<16xf32>
      %add3A_1561 = arith.addf %scan3A_1240#11, %add3A_1560 : vector<16xf32>
      %mul3A_1562 = arith.mulf %add3A_1560, %add3A_1560 : vector<16xf32>
      %add3A_1563 = arith.addf %scan3A_1240#19, %mul3A_1562 : vector<16xf32>
      %add3A_1564 = arith.addf %bitcast_convert_type3A_1497, %bitcast_convert_type3A_1513 : vector<16xf32>
      %add3A_1565 = arith.addf %scan3A_1240#12, %add3A_1564 : vector<16xf32>
      %mul3A_1566 = arith.mulf %add3A_1564, %add3A_1564 : vector<16xf32>
      %add3A_1567 = arith.addf %scan3A_1240#20, %mul3A_1566 : vector<16xf32>
      %add3A_1568 = arith.addf %bitcast_convert_type3A_1499, %bitcast_convert_type3A_1515 : vector<16xf32>
      %add3A_1569 = arith.addf %scan3A_1240#13, %add3A_1568 : vector<16xf32>
      %mul3A_1570 = arith.mulf %add3A_1568, %add3A_1568 : vector<16xf32>
      %add3A_1571 = arith.addf %scan3A_1240#21, %mul3A_1570 : vector<16xf32>
      %add3A_1572 = arith.addf %bitcast_convert_type3A_1529, %bitcast_convert_type3A_1545 : vector<16xf32>
      %add3A_1573 = arith.addf %scan3A_1240#14, %add3A_1572 : vector<16xf32>
      %mul3A_1574 = arith.mulf %add3A_1572, %add3A_1572 : vector<16xf32>
      %add3A_1575 = arith.addf %scan3A_1240#22, %mul3A_1574 : vector<16xf32>
      %add3A_1576 = arith.addf %bitcast_convert_type3A_1531, %bitcast_convert_type3A_1547 : vector<16xf32>
      %add3A_1577 = arith.addf %scan3A_1240#15, %add3A_1576 : vector<16xf32>
      %mul3A_1578 = arith.mulf %add3A_1576, %add3A_1576 : vector<16xf32>
      %add3A_1579 = arith.addf %scan3A_1240#23, %mul3A_1578 : vector<16xf32>
      %scan3A_1580 = arith.constant 1 : i32
      %scan3A_1581 = arith.constant 1 : i32
      %scan3A_1582 = arith.constant 1 : i32
      %scan3A_1583 = arith.constant 31 : i32
      %scan3A_1584 = arith.addi %scan3A_1582, %scan3A_1583 : i32
      %scan3A_1585 = arith.constant 1 : i32
      %scan3A_1586:24 = scf.for %scan3A_2371 = %scan3A_1582 to %scan3A_1584 step %scan3A_1585 iter_args(%scan3A_2372 = %add3A_1548, %scan3A_2373 = %add3A_1552, %scan3A_2374 = %add3A_1556, %scan3A_2375 = %add3A_1560, %scan3A_2376 = %add3A_1564, %scan3A_2377 = %add3A_1568, %scan3A_2378 = %add3A_1572, %scan3A_2379 = %add3A_1576, %scan3A_2380 = %add3A_1549, %scan3A_2381 = %add3A_1553, %scan3A_2382 = %add3A_1557, %scan3A_2383 = %add3A_1561, %scan3A_2384 = %add3A_1565, %scan3A_2385 = %add3A_1569, %scan3A_2386 = %add3A_1573, %scan3A_2387 = %add3A_1577, %scan3A_2388 = %add3A_1551, %scan3A_2389 = %add3A_1555, %scan3A_2390 = %add3A_1559, %scan3A_2391 = %add3A_1563, %scan3A_2392 = %add3A_1567, %scan3A_2393 = %add3A_1571, %scan3A_2394 = %add3A_1575, %scan3A_2395 = %add3A_1579) -> (vector<16xf32>, vector<16xf32>, vector<16xf32>, vector<16xf32>, vector<16xf32>, vector<16xf32>, vector<16xf32>, vector<16xf32>, vector<16xf32>, vector<16xf32>, vector<16xf32>, vector<16xf32>, vector<16xf32>, vector<16xf32>, vector<16xf32>, vector<16xf32>, vector<16xf32>, vector<16xf32>, vector<16xf32>, vector<16xf32>, vector<16xf32>, vector<16xf32>, vector<16xf32>, vector<16xf32>)  : i32 {
        %add3A_2396 = arith.constant 0 : i32
        %add3A_2397 = arith.addi %add3A_2396, %scan3A_2371 : i32
        %get3A_2398 = arith.constant 0 : i32
        %get3A_2399 = arith.constant 0 : i32
        %get3A_2400 = tpu.memref_slice %arg9[%scan3A_1580, %get3A_2398, %get3A_2399] : memref<2x128x64xi32, #tpu.memory_space<vmem>> -> memref<1x128x64xi32, #tpu.memory_space<vmem>>
        %get3A_2401 = tpu.memref_squeeze %get3A_2400 : memref<1x128x64xi32, #tpu.memory_space<vmem>> -> memref<128x64xi32, #tpu.memory_space<vmem>>
        %get3A_2402 = arith.index_cast %add3A_2397 : i32 to index
        %get3A_2403 = arith.constant 0 : index
        %get3A_2404 = tpu.vector_load %get3A_2401[%get3A_2402, %get3A_2403] {strides = array<i32>} : memref<128x64xi32, #tpu.memory_space<vmem>>, vector<1x16xi32>,
        %get3A_2405 = vector.shape_cast %get3A_2404 : vector<1x16xi32> to vector<16xi32>
        %shift_left3A_2406 = arith.constant 16 : i32
        %shift_left3A_2407 = vector.broadcast %shift_left3A_2406 : i32 to vector<16xi32>
        %shift_left3A_2408 = arith.shli %get3A_2405, %shift_left3A_2407 : vector<16xi32>
        %bitcast_convert_type3A_2409 = tpu.bitcast %shift_left3A_2408 : vector<16xi32> -> vector<16xf32>
        %and3A_2410 = arith.andi %get3A_2405, %broadcast_in_dim3A_84 : vector<16xi32>
        %bitcast_convert_type3A_2411 = tpu.bitcast %and3A_2410 : vector<16xi32> -> vector<16xf32>
        %get3A_2412 = arith.constant 0 : i32
        %get3A_2413 = arith.constant 0 : i32
        %get3A_2414 = tpu.memref_slice %arg10[%scan3A_1581, %get3A_2412, %get3A_2413] : memref<2x128x64xi32, #tpu.memory_space<vmem>> -> memref<1x128x64xi32, #tpu.memory_space<vmem>>
        %get3A_2415 = tpu.memref_squeeze %get3A_2414 : memref<1x128x64xi32, #tpu.memory_space<vmem>> -> memref<128x64xi32, #tpu.memory_space<vmem>>
        %get3A_2416 = arith.index_cast %add3A_2397 : i32 to index
        %get3A_2417 = arith.constant 0 : index
        %get3A_2418 = tpu.vector_load %get3A_2415[%get3A_2416, %get3A_2417] {strides = array<i32>} : memref<128x64xi32, #tpu.memory_space<vmem>>, vector<1x16xi32>,
        %get3A_2419 = vector.shape_cast %get3A_2418 : vector<1x16xi32> to vector<16xi32>
        %shift_left3A_2420 = arith.constant 16 : i32
        %shift_left3A_2421 = vector.broadcast %shift_left3A_2420 : i32 to vector<16xi32>
        %shift_left3A_2422 = arith.shli %get3A_2419, %shift_left3A_2421 : vector<16xi32>
        %bitcast_convert_type3A_2423 = tpu.bitcast %shift_left3A_2422 : vector<16xi32> -> vector<16xf32>
        %and3A_2424 = arith.andi %get3A_2419, %broadcast_in_dim3A_84 : vector<16xi32>
        %bitcast_convert_type3A_2425 = tpu.bitcast %and3A_2424 : vector<16xi32> -> vector<16xf32>
        %get3A_2426 = arith.constant 0 : i32
        %get3A_2427 = arith.constant 0 : i32
        %get3A_2428 = tpu.memref_slice %arg9[%scan3A_1580, %get3A_2426, %get3A_2427] : memref<2x128x64xi32, #tpu.memory_space<vmem>> -> memref<1x128x64xi32, #tpu.memory_space<vmem>>
        %get3A_2429 = tpu.memref_squeeze %get3A_2428 : memref<1x128x64xi32, #tpu.memory_space<vmem>> -> memref<128x64xi32, #tpu.memory_space<vmem>>
        %get3A_2430 = arith.index_cast %add3A_2397 : i32 to index
        %get3A_2431 = arith.constant 16 : index
        %get3A_2432 = tpu.vector_load %get3A_2429[%get3A_2430, %get3A_2431] {strides = array<i32>} : memref<128x64xi32, #tpu.memory_space<vmem>>, vector<1x16xi32>,
        %get3A_2433 = vector.shape_cast %get3A_2432 : vector<1x16xi32> to vector<16xi32>
        %shift_left3A_2434 = arith.constant 16 : i32
        %shift_left3A_2435 = vector.broadcast %shift_left3A_2434 : i32 to vector<16xi32>
        %shift_left3A_2436 = arith.shli %get3A_2433, %shift_left3A_2435 : vector<16xi32>
        %bitcast_convert_type3A_2437 = tpu.bitcast %shift_left3A_2436 : vector<16xi32> -> vector<16xf32>
        %and3A_2438 = arith.andi %get3A_2433, %broadcast_in_dim3A_84 : vector<16xi32>
        %bitcast_convert_type3A_2439 = tpu.bitcast %and3A_2438 : vector<16xi32> -> vector<16xf32>
        %get3A_2440 = arith.constant 0 : i32
        %get3A_2441 = arith.constant 0 : i32
        %get3A_2442 = tpu.memref_slice %arg10[%scan3A_1581, %get3A_2440, %get3A_2441] : memref<2x128x64xi32, #tpu.memory_space<vmem>> -> memref<1x128x64xi32, #tpu.memory_space<vmem>>
        %get3A_2443 = tpu.memref_squeeze %get3A_2442 : memref<1x128x64xi32, #tpu.memory_space<vmem>> -> memref<128x64xi32, #tpu.memory_space<vmem>>
        %get3A_2444 = arith.index_cast %add3A_2397 : i32 to index
        %get3A_2445 = arith.constant 16 : index
        %get3A_2446 = tpu.vector_load %get3A_2443[%get3A_2444, %get3A_2445] {strides = array<i32>} : memref<128x64xi32, #tpu.memory_space<vmem>>, vector<1x16xi32>,
        %get3A_2447 = vector.shape_cast %get3A_2446 : vector<1x16xi32> to vector<16xi32>
        %shift_left3A_2448 = arith.constant 16 : i32
        %shift_left3A_2449 = vector.broadcast %shift_left3A_2448 : i32 to vector<16xi32>
        %shift_left3A_2450 = arith.shli %get3A_2447, %shift_left3A_2449 : vector<16xi32>
        %bitcast_convert_type3A_2451 = tpu.bitcast %shift_left3A_2450 : vector<16xi32> -> vector<16xf32>
        %and3A_2452 = arith.andi %get3A_2447, %broadcast_in_dim3A_84 : vector<16xi32>
        %bitcast_convert_type3A_2453 = tpu.bitcast %and3A_2452 : vector<16xi32> -> vector<16xf32>
        %get3A_2454 = arith.constant 0 : i32
        %get3A_2455 = arith.constant 0 : i32
        %get3A_2456 = tpu.memref_slice %arg9[%scan3A_1580, %get3A_2454, %get3A_2455] : memref<2x128x64xi32, #tpu.memory_space<vmem>> -> memref<1x128x64xi32, #tpu.memory_space<vmem>>
        %get3A_2457 = tpu.memref_squeeze %get3A_2456 : memref<1x128x64xi32, #tpu.memory_space<vmem>> -> memref<128x64xi32, #tpu.memory_space<vmem>>
        %get3A_2458 = arith.index_cast %add3A_2397 : i32 to index
        %get3A_2459 = arith.constant 32 : index
        %get3A_2460 = tpu.vector_load %get3A_2457[%get3A_2458, %get3A_2459] {strides = array<i32>} : memref<128x64xi32, #tpu.memory_space<vmem>>, vector<1x16xi32>,
        %get3A_2461 = vector.shape_cast %get3A_2460 : vector<1x16xi32> to vector<16xi32>
        %shift_left3A_2462 = arith.constant 16 : i32
        %shift_left3A_2463 = vector.broadcast %shift_left3A_2462 : i32 to vector<16xi32>
        %shift_left3A_2464 = arith.shli %get3A_2461, %shift_left3A_2463 : vector<16xi32>
        %bitcast_convert_type3A_2465 = tpu.bitcast %shift_left3A_2464 : vector<16xi32> -> vector<16xf32>
        %and3A_2466 = arith.andi %get3A_2461, %broadcast_in_dim3A_84 : vector<16xi32>
        %bitcast_convert_type3A_2467 = tpu.bitcast %and3A_2466 : vector<16xi32> -> vector<16xf32>
        %get3A_2468 = arith.constant 0 : i32
        %get3A_2469 = arith.constant 0 : i32
        %get3A_2470 = tpu.memref_slice %arg10[%scan3A_1581, %get3A_2468, %get3A_2469] : memref<2x128x64xi32, #tpu.memory_space<vmem>> -> memref<1x128x64xi32, #tpu.memory_space<vmem>>
        %get3A_2471 = tpu.memref_squeeze %get3A_2470 : memref<1x128x64xi32, #tpu.memory_space<vmem>> -> memref<128x64xi32, #tpu.memory_space<vmem>>
        %get3A_2472 = arith.index_cast %add3A_2397 : i32 to index
        %get3A_2473 = arith.constant 32 : index
        %get3A_2474 = tpu.vector_load %get3A_2471[%get3A_2472, %get3A_2473] {strides = array<i32>} : memref<128x64xi32, #tpu.memory_space<vmem>>, vector<1x16xi32>,
        %get3A_2475 = vector.shape_cast %get3A_2474 : vector<1x16xi32> to vector<16xi32>
        %shift_left3A_2476 = arith.constant 16 : i32
        %shift_left3A_2477 = vector.broadcast %shift_left3A_2476 : i32 to vector<16xi32>
        %shift_left3A_2478 = arith.shli %get3A_2475, %shift_left3A_2477 : vector<16xi32>
        %bitcast_convert_type3A_2479 = tpu.bitcast %shift_left3A_2478 : vector<16xi32> -> vector<16xf32>
        %and3A_2480 = arith.andi %get3A_2475, %broadcast_in_dim3A_84 : vector<16xi32>
        %bitcast_convert_type3A_2481 = tpu.bitcast %and3A_2480 : vector<16xi32> -> vector<16xf32>
        %get3A_2482 = arith.constant 0 : i32
        %get3A_2483 = arith.constant 0 : i32
        %get3A_2484 = tpu.memref_slice %arg9[%scan3A_1580, %get3A_2482, %get3A_2483] : memref<2x128x64xi32, #tpu.memory_space<vmem>> -> memref<1x128x64xi32, #tpu.memory_space<vmem>>
        %get3A_2485 = tpu.memref_squeeze %get3A_2484 : memref<1x128x64xi32, #tpu.memory_space<vmem>> -> memref<128x64xi32, #tpu.memory_space<vmem>>
        %get3A_2486 = arith.index_cast %add3A_2397 : i32 to index
        %get3A_2487 = arith.constant 48 : index
        %get3A_2488 = tpu.vector_load %get3A_2485[%get3A_2486, %get3A_2487] {strides = array<i32>} : memref<128x64xi32, #tpu.memory_space<vmem>>, vector<1x16xi32>,
        %get3A_2489 = vector.shape_cast %get3A_2488 : vector<1x16xi32> to vector<16xi32>
        %shift_left3A_2490 = arith.constant 16 : i32
        %shift_left3A_2491 = vector.broadcast %shift_left3A_2490 : i32 to vector<16xi32>
        %shift_left3A_2492 = arith.shli %get3A_2489, %shift_left3A_2491 : vector<16xi32>
        %bitcast_convert_type3A_2493 = tpu.bitcast %shift_left3A_2492 : vector<16xi32> -> vector<16xf32>
        %and3A_2494 = arith.andi %get3A_2489, %broadcast_in_dim3A_84 : vector<16xi32>
        %bitcast_convert_type3A_2495 = tpu.bitcast %and3A_2494 : vector<16xi32> -> vector<16xf32>
        %get3A_2496 = arith.constant 0 : i32
        %get3A_2497 = arith.constant 0 : i32
        %get3A_2498 = tpu.memref_slice %arg10[%scan3A_1581, %get3A_2496, %get3A_2497] : memref<2x128x64xi32, #tpu.memory_space<vmem>> -> memref<1x128x64xi32, #tpu.memory_space<vmem>>
        %get3A_2499 = tpu.memref_squeeze %get3A_2498 : memref<1x128x64xi32, #tpu.memory_space<vmem>> -> memref<128x64xi32, #tpu.memory_space<vmem>>
        %get3A_2500 = arith.index_cast %add3A_2397 : i32 to index
        %get3A_2501 = arith.constant 48 : index
        %get3A_2502 = tpu.vector_load %get3A_2499[%get3A_2500, %get3A_2501] {strides = array<i32>} : memref<128x64xi32, #tpu.memory_space<vmem>>, vector<1x16xi32>,
        %get3A_2503 = vector.shape_cast %get3A_2502 : vector<1x16xi32> to vector<16xi32>
        %shift_left3A_2504 = arith.constant 16 : i32
        %shift_left3A_2505 = vector.broadcast %shift_left3A_2504 : i32 to vector<16xi32>
        %shift_left3A_2506 = arith.shli %get3A_2503, %shift_left3A_2505 : vector<16xi32>
        %bitcast_convert_type3A_2507 = tpu.bitcast %shift_left3A_2506 : vector<16xi32> -> vector<16xf32>
        %and3A_2508 = arith.andi %get3A_2503, %broadcast_in_dim3A_84 : vector<16xi32>
        %bitcast_convert_type3A_2509 = tpu.bitcast %and3A_2508 : vector<16xi32> -> vector<16xf32>
        %add3A_2510 = arith.addf %bitcast_convert_type3A_2409, %bitcast_convert_type3A_2423 : vector<16xf32>
        %max3A = arith.maximumf %scan3A_2372, %add3A_2510 : vector<16xf32>
        %add3A_2511 = arith.addf %scan3A_2380, %add3A_2510 : vector<16xf32>
        %mul3A_2512 = arith.mulf %add3A_2510, %add3A_2510 : vector<16xf32>
        %add3A_2513 = arith.addf %scan3A_2388, %mul3A_2512 : vector<16xf32>
        %add3A_2514 = arith.addf %bitcast_convert_type3A_2411, %bitcast_convert_type3A_2425 : vector<16xf32>
        %max3A_2515 = arith.maximumf %scan3A_2373, %add3A_2514 : vector<16xf32>
        %add3A_2516 = arith.addf %scan3A_2381, %add3A_2514 : vector<16xf32>
        %mul3A_2517 = arith.mulf %add3A_2514, %add3A_2514 : vector<16xf32>
        %add3A_2518 = arith.addf %scan3A_2389, %mul3A_2517 : vector<16xf32>
        %add3A_2519 = arith.addf %bitcast_convert_type3A_2437, %bitcast_convert_type3A_2451 : vector<16xf32>
        %max3A_2520 = arith.maximumf %scan3A_2374, %add3A_2519 : vector<16xf32>
        %add3A_2521 = arith.addf %scan3A_2382, %add3A_2519 : vector<16xf32>
        %mul3A_2522 = arith.mulf %add3A_2519, %add3A_2519 : vector<16xf32>
        %add3A_2523 = arith.addf %scan3A_2390, %mul3A_2522 : vector<16xf32>
        %add3A_2524 = arith.addf %bitcast_convert_type3A_2439, %bitcast_convert_type3A_2453 : vector<16xf32>
        %max3A_2525 = arith.maximumf %scan3A_2375, %add3A_2524 : vector<16xf32>
        %add3A_2526 = arith.addf %scan3A_2383, %add3A_2524 : vector<16xf32>
        %mul3A_2527 = arith.mulf %add3A_2524, %add3A_2524 : vector<16xf32>
        %add3A_2528 = arith.addf %scan3A_2391, %mul3A_2527 : vector<16xf32>
        %add3A_2529 = arith.addf %bitcast_convert_type3A_2465, %bitcast_convert_type3A_2479 : vector<16xf32>
        %max3A_2530 = arith.maximumf %scan3A_2376, %add3A_2529 : vector<16xf32>
        %add3A_2531 = arith.addf %scan3A_2384, %add3A_2529 : vector<16xf32>
        %mul3A_2532 = arith.mulf %add3A_2529, %add3A_2529 : vector<16xf32>
        %add3A_2533 = arith.addf %scan3A_2392, %mul3A_2532 : vector<16xf32>
        %add3A_2534 = arith.addf %bitcast_convert_type3A_2467, %bitcast_convert_type3A_2481 : vector<16xf32>
        %max3A_2535 = arith.maximumf %scan3A_2377, %add3A_2534 : vector<16xf32>
        %add3A_2536 = arith.addf %scan3A_2385, %add3A_2534 : vector<16xf32>
        %mul3A_2537 = arith.mulf %add3A_2534, %add3A_2534 : vector<16xf32>
        %add3A_2538 = arith.addf %scan3A_2393, %mul3A_2537 : vector<16xf32>
        %add3A_2539 = arith.addf %bitcast_convert_type3A_2493, %bitcast_convert_type3A_2507 : vector<16xf32>
        %max3A_2540 = arith.maximumf %scan3A_2378, %add3A_2539 : vector<16xf32>
        %add3A_2541 = arith.addf %scan3A_2386, %add3A_2539 : vector<16xf32>
        %mul3A_2542 = arith.mulf %add3A_2539, %add3A_2539 : vector<16xf32>
        %add3A_2543 = arith.addf %scan3A_2394, %mul3A_2542 : vector<16xf32>
        %add3A_2544 = arith.addf %bitcast_convert_type3A_2495, %bitcast_convert_type3A_2509 : vector<16xf32>
        %max3A_2545 = arith.maximumf %scan3A_2379, %add3A_2544 : vector<16xf32>
        %add3A_2546 = arith.addf %scan3A_2387, %add3A_2544 : vector<16xf32>
        %mul3A_2547 = arith.mulf %add3A_2544, %add3A_2544 : vector<16xf32>
        %add3A_2548 = arith.addf %scan3A_2395, %mul3A_2547 : vector<16xf32>
        scf.yield %max3A, %max3A_2515, %max3A_2520, %max3A_2525, %max3A_2530, %max3A_2535, %max3A_2540, %max3A_2545, %add3A_2511, %add3A_2516, %add3A_2521, %add3A_2526, %add3A_2531, %add3A_2536, %add3A_2541, %add3A_2546, %add3A_2513, %add3A_2518, %add3A_2523, %add3A_2528, %add3A_2533, %add3A_2538, %add3A_2543, %add3A_2548 : vector<16xf32>, vector<16xf32>, vector<16xf32>, vector<16xf32>, vector<16xf32>, vector<16xf32>, vector<16xf32>, vector<16xf32>, vector<16xf32>, vector<16xf32>, vector<16xf32>, vector<16xf32>, vector<16xf32>, vector<16xf32>, vector<16xf32>, vector<16xf32>, vector<16xf32>, vector<16xf32>, vector<16xf32>, vector<16xf32>, vector<16xf32>, vector<16xf32>, vector<16xf32>, vector<16xf32>
      }
      %scan3A_1587 = arith.constant 31 : i32
      %not3A_1588 = arith.constant true
      %not3A_1589 = arith.xori %eq3A_283, %not3A_1588 : i1
      %convert_element_type3A_1590 = arith.extui %not3A_1589 : i1 to i32
      %cond3A_1591 = arith.constant 0 : i32
      %cond3A_1592 = arith.cmpi ne, %convert_element_type3A_1590, %cond3A_1591 : i32
      scf.if %cond3A_1592 {
        %dma_wait3A_2371 = arith.constant 1 : i32
        %dma_wait3A_2372 = arith.constant 0 : i32
        %dma_wait3A_2373 = arith.constant 0 : i32
        %dma_wait3A_2374 = tpu.memref_slice %arg11[%dma_wait3A_2371, %dma_wait3A_2372, %dma_wait3A_2373] : memref<2x4x128xf32, #tpu.memory_space<vmem>> -> memref<1x4x128xf32, #tpu.memory_space<vmem>>
        %dma_wait3A_2375 = tpu.memref_squeeze %dma_wait3A_2374 : memref<1x4x128xf32, #tpu.memory_space<vmem>> -> memref<4x128xf32, #tpu.memory_space<vmem>>
        %dma_wait3A_2376 = arith.constant 0 : i32
        %dma_wait3A_2377 = arith.constant 0 : i32
        %dma_wait3A_2378 = tpu.memref_slice %arg5[%dma_wait3A_2376, %dma_wait3A_2377] : memref<10240x128xf32, #tpu.memory_space<hbm>> -> memref<4x128xf32, #tpu.memory_space<hbm>>
        %dma_wait3A_2379 = arith.constant 0 : i32
        %dma_wait3A_2380 = arith.constant 0 : i32
        %dma_wait3A_2381 = tpu.memref_slice %arg5[%dma_wait3A_2379, %dma_wait3A_2380] : memref<10240x128xf32, #tpu.memory_space<hbm>> -> memref<4x128xf32, #tpu.memory_space<hbm>>
        %dma_wait3A_2382 = arith.constant 0 : i32
        %dma_wait3A_2383 = arith.constant 0 : i32
        %dma_wait3A_2384 = tpu.memref_slice %arg11[%dma_wait3A_2371, %dma_wait3A_2382, %dma_wait3A_2383] : memref<2x4x128xf32, #tpu.memory_space<vmem>> -> memref<1x4x128xf32, #tpu.memory_space<vmem>>
        %dma_wait3A_2385 = tpu.memref_squeeze %dma_wait3A_2384 : memref<1x4x128xf32, #tpu.memory_space<vmem>> -> memref<4x128xf32, #tpu.memory_space<vmem>>
        tpu.wait_dma2 semaphore(%arg20 : memref<!tpu.dma_semaphore, #tpu.memory_space<semaphore_mem>>) src(%dma_wait3A_2385 : memref<4x128xf32, #tpu.memory_space<vmem>>) dst(%dma_wait3A_2381 : memref<4x128xf32, #tpu.memory_space<hbm>>)
      } else {
      }
      %swap3A_1593 = arith.constant 1 : i32
      %swap3A_1594 = arith.constant 0 : i32
      %swap3A_1595 = arith.index_cast %swap3A_1593 : i32 to index
      %swap3A_1596 = arith.index_cast %swap3A_1594 : i32 to index
      %swap3A_1597 = arith.constant 0 : index
      %swap3A_1598 = tpu.vector_load %arg11[%swap3A_1595, %swap3A_1596, %swap3A_1597] {strides = array<i32>} : memref<2x4x128xf32, #tpu.memory_space<vmem>>, vector<1x1x16xf32>,
      %swap3A_1599 = vector.shape_cast %swap3A_1598 : vector<1x1x16xf32> to vector<16xf32>
      %swap3A_1600 = vector.shape_cast %scan3A_1586#0 : vector<16xf32> to vector<1x1x16xf32>
      tpu.vector_store %arg11[%swap3A_1595, %swap3A_1596, %swap3A_1597], %swap3A_1600 {strides = array<i32>} : memref<2x4x128xf32, #tpu.memory_space<vmem>>, vector<1x1x16xf32>,
      %swap3A_1601 = arith.constant 1 : i32
      %swap3A_1602 = arith.constant 0 : i32
      %swap3A_1603 = arith.index_cast %swap3A_1601 : i32 to index
      %swap3A_1604 = arith.index_cast %swap3A_1602 : i32 to index
      %swap3A_1605 = arith.constant 16 : index
      %swap3A_1606 = tpu.vector_load %arg11[%swap3A_1603, %swap3A_1604, %swap3A_1605] {strides = array<i32>} : memref<2x4x128xf32, #tpu.memory_space<vmem>>, vector<1x1x16xf32>,
      %swap3A_1607 = vector.shape_cast %swap3A_1606 : vector<1x1x16xf32> to vector<16xf32>
      %swap3A_1608 = vector.shape_cast %scan3A_1586#1 : vector<16xf32> to vector<1x1x16xf32>
      tpu.vector_store %arg11[%swap3A_1603, %swap3A_1604, %swap3A_1605], %swap3A_1608 {strides = array<i32>} : memref<2x4x128xf32, #tpu.memory_space<vmem>>, vector<1x1x16xf32>,
      %swap3A_1609 = arith.constant 1 : i32
      %swap3A_1610 = arith.constant 0 : i32
      %swap3A_1611 = arith.index_cast %swap3A_1609 : i32 to index
      %swap3A_1612 = arith.index_cast %swap3A_1610 : i32 to index
      %swap3A_1613 = arith.constant 32 : index
      %swap3A_1614 = tpu.vector_load %arg11[%swap3A_1611, %swap3A_1612, %swap3A_1613] {strides = array<i32>} : memref<2x4x128xf32, #tpu.memory_space<vmem>>, vector<1x1x16xf32>,
      %swap3A_1615 = vector.shape_cast %swap3A_1614 : vector<1x1x16xf32> to vector<16xf32>
      %swap3A_1616 = vector.shape_cast %scan3A_1586#2 : vector<16xf32> to vector<1x1x16xf32>
      tpu.vector_store %arg11[%swap3A_1611, %swap3A_1612, %swap3A_1613], %swap3A_1616 {strides = array<i32>} : memref<2x4x128xf32, #tpu.memory_space<vmem>>, vector<1x1x16xf32>,
      %swap3A_1617 = arith.constant 1 : i32
      %swap3A_1618 = arith.constant 0 : i32
      %swap3A_1619 = arith.index_cast %swap3A_1617 : i32 to index
      %swap3A_1620 = arith.index_cast %swap3A_1618 : i32 to index
      %swap3A_1621 = arith.constant 48 : index
      %swap3A_1622 = tpu.vector_load %arg11[%swap3A_1619, %swap3A_1620, %swap3A_1621] {strides = array<i32>} : memref<2x4x128xf32, #tpu.memory_space<vmem>>, vector<1x1x16xf32>,
      %swap3A_1623 = vector.shape_cast %swap3A_1622 : vector<1x1x16xf32> to vector<16xf32>
      %swap3A_1624 = vector.shape_cast %scan3A_1586#3 : vector<16xf32> to vector<1x1x16xf32>
      tpu.vector_store %arg11[%swap3A_1619, %swap3A_1620, %swap3A_1621], %swap3A_1624 {strides = array<i32>} : memref<2x4x128xf32, #tpu.memory_space<vmem>>, vector<1x1x16xf32>,
      %swap3A_1625 = arith.constant 1 : i32
      %swap3A_1626 = arith.constant 0 : i32
      %swap3A_1627 = arith.index_cast %swap3A_1625 : i32 to index
      %swap3A_1628 = arith.index_cast %swap3A_1626 : i32 to index
      %swap3A_1629 = arith.constant 64 : index
      %swap3A_1630 = tpu.vector_load %arg11[%swap3A_1627, %swap3A_1628, %swap3A_1629] {strides = array<i32>} : memref<2x4x128xf32, #tpu.memory_space<vmem>>, vector<1x1x16xf32>,
      %swap3A_1631 = vector.shape_cast %swap3A_1630 : vector<1x1x16xf32> to vector<16xf32>
      %swap3A_1632 = vector.shape_cast %scan3A_1586#4 : vector<16xf32> to vector<1x1x16xf32>
      tpu.vector_store %arg11[%swap3A_1627, %swap3A_1628, %swap3A_1629], %swap3A_1632 {strides = array<i32>} : memref<2x4x128xf32, #tpu.memory_space<vmem>>, vector<1x1x16xf32>,
      %swap3A_1633 = arith.constant 1 : i32
      %swap3A_1634 = arith.constant 0 : i32
      %swap3A_1635 = arith.index_cast %swap3A_1633 : i32 to index
      %swap3A_1636 = arith.index_cast %swap3A_1634 : i32 to index
      %swap3A_1637 = arith.constant 80 : index
      %swap3A_1638 = tpu.vector_load %arg11[%swap3A_1635, %swap3A_1636, %swap3A_1637] {strides = array<i32>} : memref<2x4x128xf32, #tpu.memory_space<vmem>>, vector<1x1x16xf32>,
      %swap3A_1639 = vector.shape_cast %swap3A_1638 : vector<1x1x16xf32> to vector<16xf32>
      %swap3A_1640 = vector.shape_cast %scan3A_1586#5 : vector<16xf32> to vector<1x1x16xf32>
      tpu.vector_store %arg11[%swap3A_1635, %swap3A_1636, %swap3A_1637], %swap3A_1640 {strides = array<i32>} : memref<2x4x128xf32, #tpu.memory_space<vmem>>, vector<1x1x16xf32>,
      %swap3A_1641 = arith.constant 1 : i32
      %swap3A_1642 = arith.constant 0 : i32
      %swap3A_1643 = arith.index_cast %swap3A_1641 : i32 to index
      %swap3A_1644 = arith.index_cast %swap3A_1642 : i32 to index
      %swap3A_1645 = arith.constant 96 : index
      %swap3A_1646 = tpu.vector_load %arg11[%swap3A_1643, %swap3A_1644, %swap3A_1645] {strides = array<i32>} : memref<2x4x128xf32, #tpu.memory_space<vmem>>, vector<1x1x16xf32>,
      %swap3A_1647 = vector.shape_cast %swap3A_1646 : vector<1x1x16xf32> to vector<16xf32>
      %swap3A_1648 = vector.shape_cast %scan3A_1586#6 : vector<16xf32> to vector<1x1x16xf32>
      tpu.vector_store %arg11[%swap3A_1643, %swap3A_1644, %swap3A_1645], %swap3A_1648 {strides = array<i32>} : memref<2x4x128xf32, #tpu.memory_space<vmem>>, vector<1x1x16xf32>,
      %swap3A_1649 = arith.constant 1 : i32
      %swap3A_1650 = arith.constant 0 : i32
      %swap3A_1651 = arith.index_cast %swap3A_1649 : i32 to index
      %swap3A_1652 = arith.index_cast %swap3A_1650 : i32 to index
      %swap3A_1653 = arith.constant 112 : index
      %swap3A_1654 = tpu.vector_load %arg11[%swap3A_1651, %swap3A_1652, %swap3A_1653] {strides = array<i32>} : memref<2x4x128xf32, #tpu.memory_space<vmem>>, vector<1x1x16xf32>,
      %swap3A_1655 = vector.shape_cast %swap3A_1654 : vector<1x1x16xf32> to vector<16xf32>
      %swap3A_1656 = vector.shape_cast %scan3A_1586#7 : vector<16xf32> to vector<1x1x16xf32>
      tpu.vector_store %arg11[%swap3A_1651, %swap3A_1652, %swap3A_1653], %swap3A_1656 {strides = array<i32>} : memref<2x4x128xf32, #tpu.memory_space<vmem>>, vector<1x1x16xf32>,
      %get3A_1657 = arith.constant 1 : i32
      %get3A_1658 = arith.constant 32 : i32
      %get3A_1659 = arith.constant 0 : i32
      %get3A_1660 = arith.constant 0 : i32
      %get3A_1661 = tpu.memref_slice %arg9[%get3A_1657, %get3A_1659, %get3A_1660] : memref<2x128x64xi32, #tpu.memory_space<vmem>> -> memref<1x128x64xi32, #tpu.memory_space<vmem>>
      %get3A_1662 = tpu.memref_squeeze %get3A_1661 : memref<1x128x64xi32, #tpu.memory_space<vmem>> -> memref<128x64xi32, #tpu.memory_space<vmem>>
      %get3A_1663 = arith.index_cast %get3A_1658 : i32 to index
      %get3A_1664 = arith.constant 0 : index
      %get3A_1665 = tpu.vector_load %get3A_1662[%get3A_1663, %get3A_1664] {strides = array<i32>} : memref<128x64xi32, #tpu.memory_space<vmem>>, vector<1x16xi32>,
      %get3A_1666 = vector.shape_cast %get3A_1665 : vector<1x16xi32> to vector<16xi32>
      %shift_left3A_1667 = arith.constant 16 : i32
      %shift_left3A_1668 = vector.broadcast %shift_left3A_1667 : i32 to vector<16xi32>
      %shift_left3A_1669 = arith.shli %get3A_1666, %shift_left3A_1668 : vector<16xi32>
      %bitcast_convert_type3A_1670 = tpu.bitcast %shift_left3A_1669 : vector<16xi32> -> vector<16xf32>
      %and3A_1671 = arith.andi %get3A_1666, %broadcast_in_dim3A_84 : vector<16xi32>
      %bitcast_convert_type3A_1672 = tpu.bitcast %and3A_1671 : vector<16xi32> -> vector<16xf32>
      %get3A_1673 = arith.constant 1 : i32
      %get3A_1674 = arith.constant 32 : i32
      %get3A_1675 = arith.constant 0 : i32
      %get3A_1676 = arith.constant 0 : i32
      %get3A_1677 = tpu.memref_slice %arg10[%get3A_1673, %get3A_1675, %get3A_1676] : memref<2x128x64xi32, #tpu.memory_space<vmem>> -> memref<1x128x64xi32, #tpu.memory_space<vmem>>
      %get3A_1678 = tpu.memref_squeeze %get3A_1677 : memref<1x128x64xi32, #tpu.memory_space<vmem>> -> memref<128x64xi32, #tpu.memory_space<vmem>>
      %get3A_1679 = arith.index_cast %get3A_1674 : i32 to index
      %get3A_1680 = arith.constant 0 : index
      %get3A_1681 = tpu.vector_load %get3A_1678[%get3A_1679, %get3A_1680] {strides = array<i32>} : memref<128x64xi32, #tpu.memory_space<vmem>>, vector<1x16xi32>,
      %get3A_1682 = vector.shape_cast %get3A_1681 : vector<1x16xi32> to vector<16xi32>
      %shift_left3A_1683 = arith.constant 16 : i32
      %shift_left3A_1684 = vector.broadcast %shift_left3A_1683 : i32 to vector<16xi32>
      %shift_left3A_1685 = arith.shli %get3A_1682, %shift_left3A_1684 : vector<16xi32>
      %bitcast_convert_type3A_1686 = tpu.bitcast %shift_left3A_1685 : vector<16xi32> -> vector<16xf32>
      %and3A_1687 = arith.andi %get3A_1682, %broadcast_in_dim3A_84 : vector<16xi32>
      %bitcast_convert_type3A_1688 = tpu.bitcast %and3A_1687 : vector<16xi32> -> vector<16xf32>
      %get3A_1689 = arith.constant 1 : i32
      %get3A_1690 = arith.constant 32 : i32
      %get3A_1691 = arith.constant 0 : i32
      %get3A_1692 = arith.constant 0 : i32
      %get3A_1693 = tpu.memref_slice %arg9[%get3A_1689, %get3A_1691, %get3A_1692] : memref<2x128x64xi32, #tpu.memory_space<vmem>> -> memref<1x128x64xi32, #tpu.memory_space<vmem>>
      %get3A_1694 = tpu.memref_squeeze %get3A_1693 : memref<1x128x64xi32, #tpu.memory_space<vmem>> -> memref<128x64xi32, #tpu.memory_space<vmem>>
      %get3A_1695 = arith.index_cast %get3A_1690 : i32 to index
      %get3A_1696 = arith.constant 16 : index
      %get3A_1697 = tpu.vector_load %get3A_1694[%get3A_1695, %get3A_1696] {strides = array<i32>} : memref<128x64xi32, #tpu.memory_space<vmem>>, vector<1x16xi32>,
      %get3A_1698 = vector.shape_cast %get3A_1697 : vector<1x16xi32> to vector<16xi32>
      %shift_left3A_1699 = arith.constant 16 : i32
      %shift_left3A_1700 = vector.broadcast %shift_left3A_1699 : i32 to vector<16xi32>
      %shift_left3A_1701 = arith.shli %get3A_1698, %shift_left3A_1700 : vector<16xi32>
      %bitcast_convert_type3A_1702 = tpu.bitcast %shift_left3A_1701 : vector<16xi32> -> vector<16xf32>
      %and3A_1703 = arith.andi %get3A_1698, %broadcast_in_dim3A_84 : vector<16xi32>
      %bitcast_convert_type3A_1704 = tpu.bitcast %and3A_1703 : vector<16xi32> -> vector<16xf32>
      %get3A_1705 = arith.constant 1 : i32
      %get3A_1706 = arith.constant 32 : i32
      %get3A_1707 = arith.constant 0 : i32
      %get3A_1708 = arith.constant 0 : i32
      %get3A_1709 = tpu.memref_slice %arg10[%get3A_1705, %get3A_1707, %get3A_1708] : memref<2x128x64xi32, #tpu.memory_space<vmem>> -> memref<1x128x64xi32, #tpu.memory_space<vmem>>
      %get3A_1710 = tpu.memref_squeeze %get3A_1709 : memref<1x128x64xi32, #tpu.memory_space<vmem>> -> memref<128x64xi32, #tpu.memory_space<vmem>>
      %get3A_1711 = arith.index_cast %get3A_1706 : i32 to index
      %get3A_1712 = arith.constant 16 : index
      %get3A_1713 = tpu.vector_load %get3A_1710[%get3A_1711, %get3A_1712] {strides = array<i32>} : memref<128x64xi32, #tpu.memory_space<vmem>>, vector<1x16xi32>,
      %get3A_1714 = vector.shape_cast %get3A_1713 : vector<1x16xi32> to vector<16xi32>
      %shift_left3A_1715 = arith.constant 16 : i32
      %shift_left3A_1716 = vector.broadcast %shift_left3A_1715 : i32 to vector<16xi32>
      %shift_left3A_1717 = arith.shli %get3A_1714, %shift_left3A_1716 : vector<16xi32>
      %bitcast_convert_type3A_1718 = tpu.bitcast %shift_left3A_1717 : vector<16xi32> -> vector<16xf32>
      %and3A_1719 = arith.andi %get3A_1714, %broadcast_in_dim3A_84 : vector<16xi32>
      %bitcast_convert_type3A_1720 = tpu.bitcast %and3A_1719 : vector<16xi32> -> vector<16xf32>
      %get3A_1721 = arith.constant 1 : i32
      %get3A_1722 = arith.constant 32 : i32
      %get3A_1723 = arith.constant 0 : i32
      %get3A_1724 = arith.constant 0 : i32
      %get3A_1725 = tpu.memref_slice %arg9[%get3A_1721, %get3A_1723, %get3A_1724] : memref<2x128x64xi32, #tpu.memory_space<vmem>> -> memref<1x128x64xi32, #tpu.memory_space<vmem>>
      %get3A_1726 = tpu.memref_squeeze %get3A_1725 : memref<1x128x64xi32, #tpu.memory_space<vmem>> -> memref<128x64xi32, #tpu.memory_space<vmem>>
      %get3A_1727 = arith.index_cast %get3A_1722 : i32 to index
      %get3A_1728 = arith.constant 32 : index
      %get3A_1729 = tpu.vector_load %get3A_1726[%get3A_1727, %get3A_1728] {strides = array<i32>} : memref<128x64xi32, #tpu.memory_space<vmem>>, vector<1x16xi32>,
      %get3A_1730 = vector.shape_cast %get3A_1729 : vector<1x16xi32> to vector<16xi32>
      %shift_left3A_1731 = arith.constant 16 : i32
      %shift_left3A_1732 = vector.broadcast %shift_left3A_1731 : i32 to vector<16xi32>
      %shift_left3A_1733 = arith.shli %get3A_1730, %shift_left3A_1732 : vector<16xi32>
      %bitcast_convert_type3A_1734 = tpu.bitcast %shift_left3A_1733 : vector<16xi32> -> vector<16xf32>
      %and3A_1735 = arith.andi %get3A_1730, %broadcast_in_dim3A_84 : vector<16xi32>
      %bitcast_convert_type3A_1736 = tpu.bitcast %and3A_1735 : vector<16xi32> -> vector<16xf32>
      %get3A_1737 = arith.constant 1 : i32
      %get3A_1738 = arith.constant 32 : i32
      %get3A_1739 = arith.constant 0 : i32
      %get3A_1740 = arith.constant 0 : i32
      %get3A_1741 = tpu.memref_slice %arg10[%get3A_1737, %get3A_1739, %get3A_1740] : memref<2x128x64xi32, #tpu.memory_space<vmem>> -> memref<1x128x64xi32, #tpu.memory_space<vmem>>
      %get3A_1742 = tpu.memref_squeeze %get3A_1741 : memref<1x128x64xi32, #tpu.memory_space<vmem>> -> memref<128x64xi32, #tpu.memory_space<vmem>>
      %get3A_1743 = arith.index_cast %get3A_1738 : i32 to index
      %get3A_1744 = arith.constant 32 : index
      %get3A_1745 = tpu.vector_load %get3A_1742[%get3A_1743, %get3A_1744] {strides = array<i32>} : memref<128x64xi32, #tpu.memory_space<vmem>>, vector<1x16xi32>,
      %get3A_1746 = vector.shape_cast %get3A_1745 : vector<1x16xi32> to vector<16xi32>
      %shift_left3A_1747 = arith.constant 16 : i32
      %shift_left3A_1748 = vector.broadcast %shift_left3A_1747 : i32 to vector<16xi32>
      %shift_left3A_1749 = arith.shli %get3A_1746, %shift_left3A_1748 : vector<16xi32>
      %bitcast_convert_type3A_1750 = tpu.bitcast %shift_left3A_1749 : vector<16xi32> -> vector<16xf32>
      %and3A_1751 = arith.andi %get3A_1746, %broadcast_in_dim3A_84 : vector<16xi32>
      %bitcast_convert_type3A_1752 = tpu.bitcast %and3A_1751 : vector<16xi32> -> vector<16xf32>
      %get3A_1753 = arith.constant 1 : i32
      %get3A_1754 = arith.constant 32 : i32
      %get3A_1755 = arith.constant 0 : i32
      %get3A_1756 = arith.constant 0 : i32
      %get3A_1757 = tpu.memref_slice %arg9[%get3A_1753, %get3A_1755, %get3A_1756] : memref<2x128x64xi32, #tpu.memory_space<vmem>> -> memref<1x128x64xi32, #tpu.memory_space<vmem>>
      %get3A_1758 = tpu.memref_squeeze %get3A_1757 : memref<1x128x64xi32, #tpu.memory_space<vmem>> -> memref<128x64xi32, #tpu.memory_space<vmem>>
      %get3A_1759 = arith.index_cast %get3A_1754 : i32 to index
      %get3A_1760 = arith.constant 48 : index
      %get3A_1761 = tpu.vector_load %get3A_1758[%get3A_1759, %get3A_1760] {strides = array<i32>} : memref<128x64xi32, #tpu.memory_space<vmem>>, vector<1x16xi32>,
      %get3A_1762 = vector.shape_cast %get3A_1761 : vector<1x16xi32> to vector<16xi32>
      %shift_left3A_1763 = arith.constant 16 : i32
      %shift_left3A_1764 = vector.broadcast %shift_left3A_1763 : i32 to vector<16xi32>
      %shift_left3A_1765 = arith.shli %get3A_1762, %shift_left3A_1764 : vector<16xi32>
      %bitcast_convert_type3A_1766 = tpu.bitcast %shift_left3A_1765 : vector<16xi32> -> vector<16xf32>
      %and3A_1767 = arith.andi %get3A_1762, %broadcast_in_dim3A_84 : vector<16xi32>
      %bitcast_convert_type3A_1768 = tpu.bitcast %and3A_1767 : vector<16xi32> -> vector<16xf32>
      %get3A_1769 = arith.constant 1 : i32
      %get3A_1770 = arith.constant 32 : i32
      %get3A_1771 = arith.constant 0 : i32
      %get3A_1772 = arith.constant 0 : i32
      %get3A_1773 = tpu.memref_slice %arg10[%get3A_1769, %get3A_1771, %get3A_1772] : memref<2x128x64xi32, #tpu.memory_space<vmem>> -> memref<1x128x64xi32, #tpu.memory_space<vmem>>
      %get3A_1774 = tpu.memref_squeeze %get3A_1773 : memref<1x128x64xi32, #tpu.memory_space<vmem>> -> memref<128x64xi32, #tpu.memory_space<vmem>>
      %get3A_1775 = arith.index_cast %get3A_1770 : i32 to index
      %get3A_1776 = arith.constant 48 : index
      %get3A_1777 = tpu.vector_load %get3A_1774[%get3A_1775, %get3A_1776] {strides = array<i32>} : memref<128x64xi32, #tpu.memory_space<vmem>>, vector<1x16xi32>,
      %get3A_1778 = vector.shape_cast %get3A_1777 : vector<1x16xi32> to vector<16xi32>
      %shift_left3A_1779 = arith.constant 16 : i32
      %shift_left3A_1780 = vector.broadcast %shift_left3A_1779 : i32 to vector<16xi32>
      %shift_left3A_1781 = arith.shli %get3A_1778, %shift_left3A_1780 : vector<16xi32>
      %bitcast_convert_type3A_1782 = tpu.bitcast %shift_left3A_1781 : vector<16xi32> -> vector<16xf32>
      %and3A_1783 = arith.andi %get3A_1778, %broadcast_in_dim3A_84 : vector<16xi32>
      %bitcast_convert_type3A_1784 = tpu.bitcast %and3A_1783 : vector<16xi32> -> vector<16xf32>
      %add3A_1785 = arith.addf %bitcast_convert_type3A_1670, %bitcast_convert_type3A_1686 : vector<16xf32>
      %add3A_1786 = arith.addf %scan3A_1586#8, %add3A_1785 : vector<16xf32>
      %mul3A_1787 = arith.mulf %add3A_1785, %add3A_1785 : vector<16xf32>
      %add3A_1788 = arith.addf %scan3A_1586#16, %mul3A_1787 : vector<16xf32>
      %add3A_1789 = arith.addf %bitcast_convert_type3A_1672, %bitcast_convert_type3A_1688 : vector<16xf32>
      %add3A_1790 = arith.addf %scan3A_1586#9, %add3A_1789 : vector<16xf32>
      %mul3A_1791 = arith.mulf %add3A_1789, %add3A_1789 : vector<16xf32>
      %add3A_1792 = arith.addf %scan3A_1586#17, %mul3A_1791 : vector<16xf32>
      %add3A_1793 = arith.addf %bitcast_convert_type3A_1702, %bitcast_convert_type3A_1718 : vector<16xf32>
      %add3A_1794 = arith.addf %scan3A_1586#10, %add3A_1793 : vector<16xf32>
      %mul3A_1795 = arith.mulf %add3A_1793, %add3A_1793 : vector<16xf32>
      %add3A_1796 = arith.addf %scan3A_1586#18, %mul3A_1795 : vector<16xf32>
      %add3A_1797 = arith.addf %bitcast_convert_type3A_1704, %bitcast_convert_type3A_1720 : vector<16xf32>
      %add3A_1798 = arith.addf %scan3A_1586#11, %add3A_1797 : vector<16xf32>
      %mul3A_1799 = arith.mulf %add3A_1797, %add3A_1797 : vector<16xf32>
      %add3A_1800 = arith.addf %scan3A_1586#19, %mul3A_1799 : vector<16xf32>
      %add3A_1801 = arith.addf %bitcast_convert_type3A_1734, %bitcast_convert_type3A_1750 : vector<16xf32>
      %add3A_1802 = arith.addf %scan3A_1586#12, %add3A_1801 : vector<16xf32>
      %mul3A_1803 = arith.mulf %add3A_1801, %add3A_1801 : vector<16xf32>
      %add3A_1804 = arith.addf %scan3A_1586#20, %mul3A_1803 : vector<16xf32>
      %add3A_1805 = arith.addf %bitcast_convert_type3A_1736, %bitcast_convert_type3A_1752 : vector<16xf32>
      %add3A_1806 = arith.addf %scan3A_1586#13, %add3A_1805 : vector<16xf32>
      %mul3A_1807 = arith.mulf %add3A_1805, %add3A_1805 : vector<16xf32>
      %add3A_1808 = arith.addf %scan3A_1586#21, %mul3A_1807 : vector<16xf32>
      %add3A_1809 = arith.addf %bitcast_convert_type3A_1766, %bitcast_convert_type3A_1782 : vector<16xf32>
      %add3A_1810 = arith.addf %scan3A_1586#14, %add3A_1809 : vector<16xf32>
      %mul3A_1811 = arith.mulf %add3A_1809, %add3A_1809 : vector<16xf32>
      %add3A_1812 = arith.addf %scan3A_1586#22, %mul3A_1811 : vector<16xf32>
      %add3A_1813 = arith.addf %bitcast_convert_type3A_1768, %bitcast_convert_type3A_1784 : vector<16xf32>
      %add3A_1814 = arith.addf %scan3A_1586#15, %add3A_1813 : vector<16xf32>
      %mul3A_1815 = arith.mulf %add3A_1813, %add3A_1813 : vector<16xf32>
      %add3A_1816 = arith.addf %scan3A_1586#23, %mul3A_1815 : vector<16xf32>
      %scan3A_1817 = arith.constant 1 : i32
      %scan3A_1818 = arith.constant 1 : i32
      %scan3A_1819 = arith.constant 1 : i32
      %scan3A_1820 = arith.constant 31 : i32
      %scan3A_1821 = arith.addi %scan3A_1819, %scan3A_1820 : i32
      %scan3A_1822 = arith.constant 1 : i32
      %scan3A_1823:24 = scf.for %scan3A_2371 = %scan3A_1819 to %scan3A_1821 step %scan3A_1822 iter_args(%scan3A_2372 = %add3A_1785, %scan3A_2373 = %add3A_1789, %scan3A_2374 = %add3A_1793, %scan3A_2375 = %add3A_1797, %scan3A_2376 = %add3A_1801, %scan3A_2377 = %add3A_1805, %scan3A_2378 = %add3A_1809, %scan3A_2379 = %add3A_1813, %scan3A_2380 = %add3A_1786, %scan3A_2381 = %add3A_1790, %scan3A_2382 = %add3A_1794, %scan3A_2383 = %add3A_1798, %scan3A_2384 = %add3A_1802, %scan3A_2385 = %add3A_1806, %scan3A_2386 = %add3A_1810, %scan3A_2387 = %add3A_1814, %scan3A_2388 = %add3A_1788, %scan3A_2389 = %add3A_1792, %scan3A_2390 = %add3A_1796, %scan3A_2391 = %add3A_1800, %scan3A_2392 = %add3A_1804, %scan3A_2393 = %add3A_1808, %scan3A_2394 = %add3A_1812, %scan3A_2395 = %add3A_1816) -> (vector<16xf32>, vector<16xf32>, vector<16xf32>, vector<16xf32>, vector<16xf32>, vector<16xf32>, vector<16xf32>, vector<16xf32>, vector<16xf32>, vector<16xf32>, vector<16xf32>, vector<16xf32>, vector<16xf32>, vector<16xf32>, vector<16xf32>, vector<16xf32>, vector<16xf32>, vector<16xf32>, vector<16xf32>, vector<16xf32>, vector<16xf32>, vector<16xf32>, vector<16xf32>, vector<16xf32>)  : i32 {
        %add3A_2396 = arith.constant 32 : i32
        %add3A_2397 = arith.addi %add3A_2396, %scan3A_2371 : i32
        %get3A_2398 = arith.constant 0 : i32
        %get3A_2399 = arith.constant 0 : i32
        %get3A_2400 = tpu.memref_slice %arg9[%scan3A_1817, %get3A_2398, %get3A_2399] : memref<2x128x64xi32, #tpu.memory_space<vmem>> -> memref<1x128x64xi32, #tpu.memory_space<vmem>>
        %get3A_2401 = tpu.memref_squeeze %get3A_2400 : memref<1x128x64xi32, #tpu.memory_space<vmem>> -> memref<128x64xi32, #tpu.memory_space<vmem>>
        %get3A_2402 = arith.index_cast %add3A_2397 : i32 to index
        %get3A_2403 = arith.constant 0 : index
        %get3A_2404 = tpu.vector_load %get3A_2401[%get3A_2402, %get3A_2403] {strides = array<i32>} : memref<128x64xi32, #tpu.memory_space<vmem>>, vector<1x16xi32>,
        %get3A_2405 = vector.shape_cast %get3A_2404 : vector<1x16xi32> to vector<16xi32>
        %shift_left3A_2406 = arith.constant 16 : i32
        %shift_left3A_2407 = vector.broadcast %shift_left3A_2406 : i32 to vector<16xi32>
        %shift_left3A_2408 = arith.shli %get3A_2405, %shift_left3A_2407 : vector<16xi32>
        %bitcast_convert_type3A_2409 = tpu.bitcast %shift_left3A_2408 : vector<16xi32> -> vector<16xf32>
        %and3A_2410 = arith.andi %get3A_2405, %broadcast_in_dim3A_84 : vector<16xi32>
        %bitcast_convert_type3A_2411 = tpu.bitcast %and3A_2410 : vector<16xi32> -> vector<16xf32>
        %get3A_2412 = arith.constant 0 : i32
        %get3A_2413 = arith.constant 0 : i32
        %get3A_2414 = tpu.memref_slice %arg10[%scan3A_1818, %get3A_2412, %get3A_2413] : memref<2x128x64xi32, #tpu.memory_space<vmem>> -> memref<1x128x64xi32, #tpu.memory_space<vmem>>
        %get3A_2415 = tpu.memref_squeeze %get3A_2414 : memref<1x128x64xi32, #tpu.memory_space<vmem>> -> memref<128x64xi32, #tpu.memory_space<vmem>>
        %get3A_2416 = arith.index_cast %add3A_2397 : i32 to index
        %get3A_2417 = arith.constant 0 : index
        %get3A_2418 = tpu.vector_load %get3A_2415[%get3A_2416, %get3A_2417] {strides = array<i32>} : memref<128x64xi32, #tpu.memory_space<vmem>>, vector<1x16xi32>,
        %get3A_2419 = vector.shape_cast %get3A_2418 : vector<1x16xi32> to vector<16xi32>
        %shift_left3A_2420 = arith.constant 16 : i32
        %shift_left3A_2421 = vector.broadcast %shift_left3A_2420 : i32 to vector<16xi32>
        %shift_left3A_2422 = arith.shli %get3A_2419, %shift_left3A_2421 : vector<16xi32>
        %bitcast_convert_type3A_2423 = tpu.bitcast %shift_left3A_2422 : vector<16xi32> -> vector<16xf32>
        %and3A_2424 = arith.andi %get3A_2419, %broadcast_in_dim3A_84 : vector<16xi32>
        %bitcast_convert_type3A_2425 = tpu.bitcast %and3A_2424 : vector<16xi32> -> vector<16xf32>
        %get3A_2426 = arith.constant 0 : i32
        %get3A_2427 = arith.constant 0 : i32
        %get3A_2428 = tpu.memref_slice %arg9[%scan3A_1817, %get3A_2426, %get3A_2427] : memref<2x128x64xi32, #tpu.memory_space<vmem>> -> memref<1x128x64xi32, #tpu.memory_space<vmem>>
        %get3A_2429 = tpu.memref_squeeze %get3A_2428 : memref<1x128x64xi32, #tpu.memory_space<vmem>> -> memref<128x64xi32, #tpu.memory_space<vmem>>
        %get3A_2430 = arith.index_cast %add3A_2397 : i32 to index
        %get3A_2431 = arith.constant 16 : index
        %get3A_2432 = tpu.vector_load %get3A_2429[%get3A_2430, %get3A_2431] {strides = array<i32>} : memref<128x64xi32, #tpu.memory_space<vmem>>, vector<1x16xi32>,
        %get3A_2433 = vector.shape_cast %get3A_2432 : vector<1x16xi32> to vector<16xi32>
        %shift_left3A_2434 = arith.constant 16 : i32
        %shift_left3A_2435 = vector.broadcast %shift_left3A_2434 : i32 to vector<16xi32>
        %shift_left3A_2436 = arith.shli %get3A_2433, %shift_left3A_2435 : vector<16xi32>
        %bitcast_convert_type3A_2437 = tpu.bitcast %shift_left3A_2436 : vector<16xi32> -> vector<16xf32>
        %and3A_2438 = arith.andi %get3A_2433, %broadcast_in_dim3A_84 : vector<16xi32>
        %bitcast_convert_type3A_2439 = tpu.bitcast %and3A_2438 : vector<16xi32> -> vector<16xf32>
        %get3A_2440 = arith.constant 0 : i32
        %get3A_2441 = arith.constant 0 : i32
        %get3A_2442 = tpu.memref_slice %arg10[%scan3A_1818, %get3A_2440, %get3A_2441] : memref<2x128x64xi32, #tpu.memory_space<vmem>> -> memref<1x128x64xi32, #tpu.memory_space<vmem>>
        %get3A_2443 = tpu.memref_squeeze %get3A_2442 : memref<1x128x64xi32, #tpu.memory_space<vmem>> -> memref<128x64xi32, #tpu.memory_space<vmem>>
        %get3A_2444 = arith.index_cast %add3A_2397 : i32 to index
        %get3A_2445 = arith.constant 16 : index
        %get3A_2446 = tpu.vector_load %get3A_2443[%get3A_2444, %get3A_2445] {strides = array<i32>} : memref<128x64xi32, #tpu.memory_space<vmem>>, vector<1x16xi32>,
        %get3A_2447 = vector.shape_cast %get3A_2446 : vector<1x16xi32> to vector<16xi32>
        %shift_left3A_2448 = arith.constant 16 : i32
        %shift_left3A_2449 = vector.broadcast %shift_left3A_2448 : i32 to vector<16xi32>
        %shift_left3A_2450 = arith.shli %get3A_2447, %shift_left3A_2449 : vector<16xi32>
        %bitcast_convert_type3A_2451 = tpu.bitcast %shift_left3A_2450 : vector<16xi32> -> vector<16xf32>
        %and3A_2452 = arith.andi %get3A_2447, %broadcast_in_dim3A_84 : vector<16xi32>
        %bitcast_convert_type3A_2453 = tpu.bitcast %and3A_2452 : vector<16xi32> -> vector<16xf32>
        %get3A_2454 = arith.constant 0 : i32
        %get3A_2455 = arith.constant 0 : i32
        %get3A_2456 = tpu.memref_slice %arg9[%scan3A_1817, %get3A_2454, %get3A_2455] : memref<2x128x64xi32, #tpu.memory_space<vmem>> -> memref<1x128x64xi32, #tpu.memory_space<vmem>>
        %get3A_2457 = tpu.memref_squeeze %get3A_2456 : memref<1x128x64xi32, #tpu.memory_space<vmem>> -> memref<128x64xi32, #tpu.memory_space<vmem>>
        %get3A_2458 = arith.index_cast %add3A_2397 : i32 to index
        %get3A_2459 = arith.constant 32 : index
        %get3A_2460 = tpu.vector_load %get3A_2457[%get3A_2458, %get3A_2459] {strides = array<i32>} : memref<128x64xi32, #tpu.memory_space<vmem>>, vector<1x16xi32>,
        %get3A_2461 = vector.shape_cast %get3A_2460 : vector<1x16xi32> to vector<16xi32>
        %shift_left3A_2462 = arith.constant 16 : i32
        %shift_left3A_2463 = vector.broadcast %shift_left3A_2462 : i32 to vector<16xi32>
        %shift_left3A_2464 = arith.shli %get3A_2461, %shift_left3A_2463 : vector<16xi32>
        %bitcast_convert_type3A_2465 = tpu.bitcast %shift_left3A_2464 : vector<16xi32> -> vector<16xf32>
        %and3A_2466 = arith.andi %get3A_2461, %broadcast_in_dim3A_84 : vector<16xi32>
        %bitcast_convert_type3A_2467 = tpu.bitcast %and3A_2466 : vector<16xi32> -> vector<16xf32>
        %get3A_2468 = arith.constant 0 : i32
        %get3A_2469 = arith.constant 0 : i32
        %get3A_2470 = tpu.memref_slice %arg10[%scan3A_1818, %get3A_2468, %get3A_2469] : memref<2x128x64xi32, #tpu.memory_space<vmem>> -> memref<1x128x64xi32, #tpu.memory_space<vmem>>
        %get3A_2471 = tpu.memref_squeeze %get3A_2470 : memref<1x128x64xi32, #tpu.memory_space<vmem>> -> memref<128x64xi32, #tpu.memory_space<vmem>>
        %get3A_2472 = arith.index_cast %add3A_2397 : i32 to index
        %get3A_2473 = arith.constant 32 : index
        %get3A_2474 = tpu.vector_load %get3A_2471[%get3A_2472, %get3A_2473] {strides = array<i32>} : memref<128x64xi32, #tpu.memory_space<vmem>>, vector<1x16xi32>,
        %get3A_2475 = vector.shape_cast %get3A_2474 : vector<1x16xi32> to vector<16xi32>
        %shift_left3A_2476 = arith.constant 16 : i32
        %shift_left3A_2477 = vector.broadcast %shift_left3A_2476 : i32 to vector<16xi32>
        %shift_left3A_2478 = arith.shli %get3A_2475, %shift_left3A_2477 : vector<16xi32>
        %bitcast_convert_type3A_2479 = tpu.bitcast %shift_left3A_2478 : vector<16xi32> -> vector<16xf32>
        %and3A_2480 = arith.andi %get3A_2475, %broadcast_in_dim3A_84 : vector<16xi32>
        %bitcast_convert_type3A_2481 = tpu.bitcast %and3A_2480 : vector<16xi32> -> vector<16xf32>
        %get3A_2482 = arith.constant 0 : i32
        %get3A_2483 = arith.constant 0 : i32
        %get3A_2484 = tpu.memref_slice %arg9[%scan3A_1817, %get3A_2482, %get3A_2483] : memref<2x128x64xi32, #tpu.memory_space<vmem>> -> memref<1x128x64xi32, #tpu.memory_space<vmem>>
        %get3A_2485 = tpu.memref_squeeze %get3A_2484 : memref<1x128x64xi32, #tpu.memory_space<vmem>> -> memref<128x64xi32, #tpu.memory_space<vmem>>
        %get3A_2486 = arith.index_cast %add3A_2397 : i32 to index
        %get3A_2487 = arith.constant 48 : index
        %get3A_2488 = tpu.vector_load %get3A_2485[%get3A_2486, %get3A_2487] {strides = array<i32>} : memref<128x64xi32, #tpu.memory_space<vmem>>, vector<1x16xi32>,
        %get3A_2489 = vector.shape_cast %get3A_2488 : vector<1x16xi32> to vector<16xi32>
        %shift_left3A_2490 = arith.constant 16 : i32
        %shift_left3A_2491 = vector.broadcast %shift_left3A_2490 : i32 to vector<16xi32>
        %shift_left3A_2492 = arith.shli %get3A_2489, %shift_left3A_2491 : vector<16xi32>
        %bitcast_convert_type3A_2493 = tpu.bitcast %shift_left3A_2492 : vector<16xi32> -> vector<16xf32>
        %and3A_2494 = arith.andi %get3A_2489, %broadcast_in_dim3A_84 : vector<16xi32>
        %bitcast_convert_type3A_2495 = tpu.bitcast %and3A_2494 : vector<16xi32> -> vector<16xf32>
        %get3A_2496 = arith.constant 0 : i32
        %get3A_2497 = arith.constant 0 : i32
        %get3A_2498 = tpu.memref_slice %arg10[%scan3A_1818, %get3A_2496, %get3A_2497] : memref<2x128x64xi32, #tpu.memory_space<vmem>> -> memref<1x128x64xi32, #tpu.memory_space<vmem>>
        %get3A_2499 = tpu.memref_squeeze %get3A_2498 : memref<1x128x64xi32, #tpu.memory_space<vmem>> -> memref<128x64xi32, #tpu.memory_space<vmem>>
        %get3A_2500 = arith.index_cast %add3A_2397 : i32 to index
        %get3A_2501 = arith.constant 48 : index
        %get3A_2502 = tpu.vector_load %get3A_2499[%get3A_2500, %get3A_2501] {strides = array<i32>} : memref<128x64xi32, #tpu.memory_space<vmem>>, vector<1x16xi32>,
        %get3A_2503 = vector.shape_cast %get3A_2502 : vector<1x16xi32> to vector<16xi32>
        %shift_left3A_2504 = arith.constant 16 : i32
        %shift_left3A_2505 = vector.broadcast %shift_left3A_2504 : i32 to vector<16xi32>
        %shift_left3A_2506 = arith.shli %get3A_2503, %shift_left3A_2505 : vector<16xi32>
        %bitcast_convert_type3A_2507 = tpu.bitcast %shift_left3A_2506 : vector<16xi32> -> vector<16xf32>
        %and3A_2508 = arith.andi %get3A_2503, %broadcast_in_dim3A_84 : vector<16xi32>
        %bitcast_convert_type3A_2509 = tpu.bitcast %and3A_2508 : vector<16xi32> -> vector<16xf32>
        %add3A_2510 = arith.addf %bitcast_convert_type3A_2409, %bitcast_convert_type3A_2423 : vector<16xf32>
        %max3A = arith.maximumf %scan3A_2372, %add3A_2510 : vector<16xf32>
        %add3A_2511 = arith.addf %scan3A_2380, %add3A_2510 : vector<16xf32>
        %mul3A_2512 = arith.mulf %add3A_2510, %add3A_2510 : vector<16xf32>
        %add3A_2513 = arith.addf %scan3A_2388, %mul3A_2512 : vector<16xf32>
        %add3A_2514 = arith.addf %bitcast_convert_type3A_2411, %bitcast_convert_type3A_2425 : vector<16xf32>
        %max3A_2515 = arith.maximumf %scan3A_2373, %add3A_2514 : vector<16xf32>
        %add3A_2516 = arith.addf %scan3A_2381, %add3A_2514 : vector<16xf32>
        %mul3A_2517 = arith.mulf %add3A_2514, %add3A_2514 : vector<16xf32>
        %add3A_2518 = arith.addf %scan3A_2389, %mul3A_2517 : vector<16xf32>
        %add3A_2519 = arith.addf %bitcast_convert_type3A_2437, %bitcast_convert_type3A_2451 : vector<16xf32>
        %max3A_2520 = arith.maximumf %scan3A_2374, %add3A_2519 : vector<16xf32>
        %add3A_2521 = arith.addf %scan3A_2382, %add3A_2519 : vector<16xf32>
        %mul3A_2522 = arith.mulf %add3A_2519, %add3A_2519 : vector<16xf32>
        %add3A_2523 = arith.addf %scan3A_2390, %mul3A_2522 : vector<16xf32>
        %add3A_2524 = arith.addf %bitcast_convert_type3A_2439, %bitcast_convert_type3A_2453 : vector<16xf32>
        %max3A_2525 = arith.maximumf %scan3A_2375, %add3A_2524 : vector<16xf32>
        %add3A_2526 = arith.addf %scan3A_2383, %add3A_2524 : vector<16xf32>
        %mul3A_2527 = arith.mulf %add3A_2524, %add3A_2524 : vector<16xf32>
        %add3A_2528 = arith.addf %scan3A_2391, %mul3A_2527 : vector<16xf32>
        %add3A_2529 = arith.addf %bitcast_convert_type3A_2465, %bitcast_convert_type3A_2479 : vector<16xf32>
        %max3A_2530 = arith.maximumf %scan3A_2376, %add3A_2529 : vector<16xf32>
        %add3A_2531 = arith.addf %scan3A_2384, %add3A_2529 : vector<16xf32>
        %mul3A_2532 = arith.mulf %add3A_2529, %add3A_2529 : vector<16xf32>
        %add3A_2533 = arith.addf %scan3A_2392, %mul3A_2532 : vector<16xf32>
        %add3A_2534 = arith.addf %bitcast_convert_type3A_2467, %bitcast_convert_type3A_2481 : vector<16xf32>
        %max3A_2535 = arith.maximumf %scan3A_2377, %add3A_2534 : vector<16xf32>
        %add3A_2536 = arith.addf %scan3A_2385, %add3A_2534 : vector<16xf32>
        %mul3A_2537 = arith.mulf %add3A_2534, %add3A_2534 : vector<16xf32>
        %add3A_2538 = arith.addf %scan3A_2393, %mul3A_2537 : vector<16xf32>
        %add3A_2539 = arith.addf %bitcast_convert_type3A_2493, %bitcast_convert_type3A_2507 : vector<16xf32>
        %max3A_2540 = arith.maximumf %scan3A_2378, %add3A_2539 : vector<16xf32>
        %add3A_2541 = arith.addf %scan3A_2386, %add3A_2539 : vector<16xf32>
        %mul3A_2542 = arith.mulf %add3A_2539, %add3A_2539 : vector<16xf32>
        %add3A_2543 = arith.addf %scan3A_2394, %mul3A_2542 : vector<16xf32>
        %add3A_2544 = arith.addf %bitcast_convert_type3A_2495, %bitcast_convert_type3A_2509 : vector<16xf32>
        %max3A_2545 = arith.maximumf %scan3A_2379, %add3A_2544 : vector<16xf32>
        %add3A_2546 = arith.addf %scan3A_2387, %add3A_2544 : vector<16xf32>
        %mul3A_2547 = arith.mulf %add3A_2544, %add3A_2544 : vector<16xf32>
        %add3A_2548 = arith.addf %scan3A_2395, %mul3A_2547 : vector<16xf32>
        scf.yield %max3A, %max3A_2515, %max3A_2520, %max3A_2525, %max3A_2530, %max3A_2535, %max3A_2540, %max3A_2545, %add3A_2511, %add3A_2516, %add3A_2521, %add3A_2526, %add3A_2531, %add3A_2536, %add3A_2541, %add3A_2546, %add3A_2513, %add3A_2518, %add3A_2523, %add3A_2528, %add3A_2533, %add3A_2538, %add3A_2543, %add3A_2548 : vector<16xf32>, vector<16xf32>, vector<16xf32>, vector<16xf32>, vector<16xf32>, vector<16xf32>, vector<16xf32>, vector<16xf32>, vector<16xf32>, vector<16xf32>, vector<16xf32>, vector<16xf32>, vector<16xf32>, vector<16xf32>, vector<16xf32>, vector<16xf32>, vector<16xf32>, vector<16xf32>, vector<16xf32>, vector<16xf32>, vector<16xf32>, vector<16xf32>, vector<16xf32>, vector<16xf32>
      }
      %scan3A_1824 = arith.constant 31 : i32
      %swap3A_1825 = arith.constant 1 : i32
      %swap3A_1826 = arith.constant 1 : i32
      %swap3A_1827 = arith.index_cast %swap3A_1825 : i32 to index
      %swap3A_1828 = arith.index_cast %swap3A_1826 : i32 to index
      %swap3A_1829 = arith.constant 0 : index
      %swap3A_1830 = tpu.vector_load %arg11[%swap3A_1827, %swap3A_1828, %swap3A_1829] {strides = array<i32>} : memref<2x4x128xf32, #tpu.memory_space<vmem>>, vector<1x1x16xf32>,
      %swap3A_1831 = vector.shape_cast %swap3A_1830 : vector<1x1x16xf32> to vector<16xf32>
      %swap3A_1832 = vector.shape_cast %scan3A_1823#0 : vector<16xf32> to vector<1x1x16xf32>
      tpu.vector_store %arg11[%swap3A_1827, %swap3A_1828, %swap3A_1829], %swap3A_1832 {strides = array<i32>} : memref<2x4x128xf32, #tpu.memory_space<vmem>>, vector<1x1x16xf32>,
      %swap3A_1833 = arith.constant 1 : i32
      %swap3A_1834 = arith.constant 1 : i32
      %swap3A_1835 = arith.index_cast %swap3A_1833 : i32 to index
      %swap3A_1836 = arith.index_cast %swap3A_1834 : i32 to index
      %swap3A_1837 = arith.constant 16 : index
      %swap3A_1838 = tpu.vector_load %arg11[%swap3A_1835, %swap3A_1836, %swap3A_1837] {strides = array<i32>} : memref<2x4x128xf32, #tpu.memory_space<vmem>>, vector<1x1x16xf32>,
      %swap3A_1839 = vector.shape_cast %swap3A_1838 : vector<1x1x16xf32> to vector<16xf32>
      %swap3A_1840 = vector.shape_cast %scan3A_1823#1 : vector<16xf32> to vector<1x1x16xf32>
      tpu.vector_store %arg11[%swap3A_1835, %swap3A_1836, %swap3A_1837], %swap3A_1840 {strides = array<i32>} : memref<2x4x128xf32, #tpu.memory_space<vmem>>, vector<1x1x16xf32>,
      %swap3A_1841 = arith.constant 1 : i32
      %swap3A_1842 = arith.constant 1 : i32
      %swap3A_1843 = arith.index_cast %swap3A_1841 : i32 to index
      %swap3A_1844 = arith.index_cast %swap3A_1842 : i32 to index
      %swap3A_1845 = arith.constant 32 : index
      %swap3A_1846 = tpu.vector_load %arg11[%swap3A_1843, %swap3A_1844, %swap3A_1845] {strides = array<i32>} : memref<2x4x128xf32, #tpu.memory_space<vmem>>, vector<1x1x16xf32>,
      %swap3A_1847 = vector.shape_cast %swap3A_1846 : vector<1x1x16xf32> to vector<16xf32>
      %swap3A_1848 = vector.shape_cast %scan3A_1823#2 : vector<16xf32> to vector<1x1x16xf32>
      tpu.vector_store %arg11[%swap3A_1843, %swap3A_1844, %swap3A_1845], %swap3A_1848 {strides = array<i32>} : memref<2x4x128xf32, #tpu.memory_space<vmem>>, vector<1x1x16xf32>,
      %swap3A_1849 = arith.constant 1 : i32
      %swap3A_1850 = arith.constant 1 : i32
      %swap3A_1851 = arith.index_cast %swap3A_1849 : i32 to index
      %swap3A_1852 = arith.index_cast %swap3A_1850 : i32 to index
      %swap3A_1853 = arith.constant 48 : index
      %swap3A_1854 = tpu.vector_load %arg11[%swap3A_1851, %swap3A_1852, %swap3A_1853] {strides = array<i32>} : memref<2x4x128xf32, #tpu.memory_space<vmem>>, vector<1x1x16xf32>,
      %swap3A_1855 = vector.shape_cast %swap3A_1854 : vector<1x1x16xf32> to vector<16xf32>
      %swap3A_1856 = vector.shape_cast %scan3A_1823#3 : vector<16xf32> to vector<1x1x16xf32>
      tpu.vector_store %arg11[%swap3A_1851, %swap3A_1852, %swap3A_1853], %swap3A_1856 {strides = array<i32>} : memref<2x4x128xf32, #tpu.memory_space<vmem>>, vector<1x1x16xf32>,
      %swap3A_1857 = arith.constant 1 : i32
      %swap3A_1858 = arith.constant 1 : i32
      %swap3A_1859 = arith.index_cast %swap3A_1857 : i32 to index
      %swap3A_1860 = arith.index_cast %swap3A_1858 : i32 to index
      %swap3A_1861 = arith.constant 64 : index
      %swap3A_1862 = tpu.vector_load %arg11[%swap3A_1859, %swap3A_1860, %swap3A_1861] {strides = array<i32>} : memref<2x4x128xf32, #tpu.memory_space<vmem>>, vector<1x1x16xf32>,
      %swap3A_1863 = vector.shape_cast %swap3A_1862 : vector<1x1x16xf32> to vector<16xf32>
      %swap3A_1864 = vector.shape_cast %scan3A_1823#4 : vector<16xf32> to vector<1x1x16xf32>
      tpu.vector_store %arg11[%swap3A_1859, %swap3A_1860, %swap3A_1861], %swap3A_1864 {strides = array<i32>} : memref<2x4x128xf32, #tpu.memory_space<vmem>>, vector<1x1x16xf32>,
      %swap3A_1865 = arith.constant 1 : i32
      %swap3A_1866 = arith.constant 1 : i32
      %swap3A_1867 = arith.index_cast %swap3A_1865 : i32 to index
      %swap3A_1868 = arith.index_cast %swap3A_1866 : i32 to index
      %swap3A_1869 = arith.constant 80 : index
      %swap3A_1870 = tpu.vector_load %arg11[%swap3A_1867, %swap3A_1868, %swap3A_1869] {strides = array<i32>} : memref<2x4x128xf32, #tpu.memory_space<vmem>>, vector<1x1x16xf32>,
      %swap3A_1871 = vector.shape_cast %swap3A_1870 : vector<1x1x16xf32> to vector<16xf32>
      %swap3A_1872 = vector.shape_cast %scan3A_1823#5 : vector<16xf32> to vector<1x1x16xf32>
      tpu.vector_store %arg11[%swap3A_1867, %swap3A_1868, %swap3A_1869], %swap3A_1872 {strides = array<i32>} : memref<2x4x128xf32, #tpu.memory_space<vmem>>, vector<1x1x16xf32>,
      %swap3A_1873 = arith.constant 1 : i32
      %swap3A_1874 = arith.constant 1 : i32
      %swap3A_1875 = arith.index_cast %swap3A_1873 : i32 to index
      %swap3A_1876 = arith.index_cast %swap3A_1874 : i32 to index
      %swap3A_1877 = arith.constant 96 : index
      %swap3A_1878 = tpu.vector_load %arg11[%swap3A_1875, %swap3A_1876, %swap3A_1877] {strides = array<i32>} : memref<2x4x128xf32, #tpu.memory_space<vmem>>, vector<1x1x16xf32>,
      %swap3A_1879 = vector.shape_cast %swap3A_1878 : vector<1x1x16xf32> to vector<16xf32>
      %swap3A_1880 = vector.shape_cast %scan3A_1823#6 : vector<16xf32> to vector<1x1x16xf32>
      tpu.vector_store %arg11[%swap3A_1875, %swap3A_1876, %swap3A_1877], %swap3A_1880 {strides = array<i32>} : memref<2x4x128xf32, #tpu.memory_space<vmem>>, vector<1x1x16xf32>,
      %swap3A_1881 = arith.constant 1 : i32
      %swap3A_1882 = arith.constant 1 : i32
      %swap3A_1883 = arith.index_cast %swap3A_1881 : i32 to index
      %swap3A_1884 = arith.index_cast %swap3A_1882 : i32 to index
      %swap3A_1885 = arith.constant 112 : index
      %swap3A_1886 = tpu.vector_load %arg11[%swap3A_1883, %swap3A_1884, %swap3A_1885] {strides = array<i32>} : memref<2x4x128xf32, #tpu.memory_space<vmem>>, vector<1x1x16xf32>,
      %swap3A_1887 = vector.shape_cast %swap3A_1886 : vector<1x1x16xf32> to vector<16xf32>
      %swap3A_1888 = vector.shape_cast %scan3A_1823#7 : vector<16xf32> to vector<1x1x16xf32>
      tpu.vector_store %arg11[%swap3A_1883, %swap3A_1884, %swap3A_1885], %swap3A_1888 {strides = array<i32>} : memref<2x4x128xf32, #tpu.memory_space<vmem>>, vector<1x1x16xf32>,
      %get3A_1889 = arith.constant 1 : i32
      %get3A_1890 = arith.constant 64 : i32
      %get3A_1891 = arith.constant 0 : i32
      %get3A_1892 = arith.constant 0 : i32
      %get3A_1893 = tpu.memref_slice %arg9[%get3A_1889, %get3A_1891, %get3A_1892] : memref<2x128x64xi32, #tpu.memory_space<vmem>> -> memref<1x128x64xi32, #tpu.memory_space<vmem>>
      %get3A_1894 = tpu.memref_squeeze %get3A_1893 : memref<1x128x64xi32, #tpu.memory_space<vmem>> -> memref<128x64xi32, #tpu.memory_space<vmem>>
      %get3A_1895 = arith.index_cast %get3A_1890 : i32 to index
      %get3A_1896 = arith.constant 0 : index
      %get3A_1897 = tpu.vector_load %get3A_1894[%get3A_1895, %get3A_1896] {strides = array<i32>} : memref<128x64xi32, #tpu.memory_space<vmem>>, vector<1x16xi32>,
      %get3A_1898 = vector.shape_cast %get3A_1897 : vector<1x16xi32> to vector<16xi32>
      %shift_left3A_1899 = arith.constant 16 : i32
      %shift_left3A_1900 = vector.broadcast %shift_left3A_1899 : i32 to vector<16xi32>
      %shift_left3A_1901 = arith.shli %get3A_1898, %shift_left3A_1900 : vector<16xi32>
      %bitcast_convert_type3A_1902 = tpu.bitcast %shift_left3A_1901 : vector<16xi32> -> vector<16xf32>
      %and3A_1903 = arith.andi %get3A_1898, %broadcast_in_dim3A_84 : vector<16xi32>
      %bitcast_convert_type3A_1904 = tpu.bitcast %and3A_1903 : vector<16xi32> -> vector<16xf32>
      %get3A_1905 = arith.constant 1 : i32
      %get3A_1906 = arith.constant 64 : i32
      %get3A_1907 = arith.constant 0 : i32
      %get3A_1908 = arith.constant 0 : i32
      %get3A_1909 = tpu.memref_slice %arg10[%get3A_1905, %get3A_1907, %get3A_1908] : memref<2x128x64xi32, #tpu.memory_space<vmem>> -> memref<1x128x64xi32, #tpu.memory_space<vmem>>
      %get3A_1910 = tpu.memref_squeeze %get3A_1909 : memref<1x128x64xi32, #tpu.memory_space<vmem>> -> memref<128x64xi32, #tpu.memory_space<vmem>>
      %get3A_1911 = arith.index_cast %get3A_1906 : i32 to index
      %get3A_1912 = arith.constant 0 : index
      %get3A_1913 = tpu.vector_load %get3A_1910[%get3A_1911, %get3A_1912] {strides = array<i32>} : memref<128x64xi32, #tpu.memory_space<vmem>>, vector<1x16xi32>,
      %get3A_1914 = vector.shape_cast %get3A_1913 : vector<1x16xi32> to vector<16xi32>
      %shift_left3A_1915 = arith.constant 16 : i32
      %shift_left3A_1916 = vector.broadcast %shift_left3A_1915 : i32 to vector<16xi32>
      %shift_left3A_1917 = arith.shli %get3A_1914, %shift_left3A_1916 : vector<16xi32>
      %bitcast_convert_type3A_1918 = tpu.bitcast %shift_left3A_1917 : vector<16xi32> -> vector<16xf32>
      %and3A_1919 = arith.andi %get3A_1914, %broadcast_in_dim3A_84 : vector<16xi32>
      %bitcast_convert_type3A_1920 = tpu.bitcast %and3A_1919 : vector<16xi32> -> vector<16xf32>
      %get3A_1921 = arith.constant 1 : i32
      %get3A_1922 = arith.constant 64 : i32
      %get3A_1923 = arith.constant 0 : i32
      %get3A_1924 = arith.constant 0 : i32
      %get3A_1925 = tpu.memref_slice %arg9[%get3A_1921, %get3A_1923, %get3A_1924] : memref<2x128x64xi32, #tpu.memory_space<vmem>> -> memref<1x128x64xi32, #tpu.memory_space<vmem>>
      %get3A_1926 = tpu.memref_squeeze %get3A_1925 : memref<1x128x64xi32, #tpu.memory_space<vmem>> -> memref<128x64xi32, #tpu.memory_space<vmem>>
      %get3A_1927 = arith.index_cast %get3A_1922 : i32 to index
      %get3A_1928 = arith.constant 16 : index
      %get3A_1929 = tpu.vector_load %get3A_1926[%get3A_1927, %get3A_1928] {strides = array<i32>} : memref<128x64xi32, #tpu.memory_space<vmem>>, vector<1x16xi32>,
      %get3A_1930 = vector.shape_cast %get3A_1929 : vector<1x16xi32> to vector<16xi32>
      %shift_left3A_1931 = arith.constant 16 : i32
      %shift_left3A_1932 = vector.broadcast %shift_left3A_1931 : i32 to vector<16xi32>
      %shift_left3A_1933 = arith.shli %get3A_1930, %shift_left3A_1932 : vector<16xi32>
      %bitcast_convert_type3A_1934 = tpu.bitcast %shift_left3A_1933 : vector<16xi32> -> vector<16xf32>
      %and3A_1935 = arith.andi %get3A_1930, %broadcast_in_dim3A_84 : vector<16xi32>
      %bitcast_convert_type3A_1936 = tpu.bitcast %and3A_1935 : vector<16xi32> -> vector<16xf32>
      %get3A_1937 = arith.constant 1 : i32
      %get3A_1938 = arith.constant 64 : i32
      %get3A_1939 = arith.constant 0 : i32
      %get3A_1940 = arith.constant 0 : i32
      %get3A_1941 = tpu.memref_slice %arg10[%get3A_1937, %get3A_1939, %get3A_1940] : memref<2x128x64xi32, #tpu.memory_space<vmem>> -> memref<1x128x64xi32, #tpu.memory_space<vmem>>
      %get3A_1942 = tpu.memref_squeeze %get3A_1941 : memref<1x128x64xi32, #tpu.memory_space<vmem>> -> memref<128x64xi32, #tpu.memory_space<vmem>>
      %get3A_1943 = arith.index_cast %get3A_1938 : i32 to index
      %get3A_1944 = arith.constant 16 : index
      %get3A_1945 = tpu.vector_load %get3A_1942[%get3A_1943, %get3A_1944] {strides = array<i32>} : memref<128x64xi32, #tpu.memory_space<vmem>>, vector<1x16xi32>,
      %get3A_1946 = vector.shape_cast %get3A_1945 : vector<1x16xi32> to vector<16xi32>
      %shift_left3A_1947 = arith.constant 16 : i32
      %shift_left3A_1948 = vector.broadcast %shift_left3A_1947 : i32 to vector<16xi32>
      %shift_left3A_1949 = arith.shli %get3A_1946, %shift_left3A_1948 : vector<16xi32>
      %bitcast_convert_type3A_1950 = tpu.bitcast %shift_left3A_1949 : vector<16xi32> -> vector<16xf32>
      %and3A_1951 = arith.andi %get3A_1946, %broadcast_in_dim3A_84 : vector<16xi32>
      %bitcast_convert_type3A_1952 = tpu.bitcast %and3A_1951 : vector<16xi32> -> vector<16xf32>
      %get3A_1953 = arith.constant 1 : i32
      %get3A_1954 = arith.constant 64 : i32
      %get3A_1955 = arith.constant 0 : i32
      %get3A_1956 = arith.constant 0 : i32
      %get3A_1957 = tpu.memref_slice %arg9[%get3A_1953, %get3A_1955, %get3A_1956] : memref<2x128x64xi32, #tpu.memory_space<vmem>> -> memref<1x128x64xi32, #tpu.memory_space<vmem>>
      %get3A_1958 = tpu.memref_squeeze %get3A_1957 : memref<1x128x64xi32, #tpu.memory_space<vmem>> -> memref<128x64xi32, #tpu.memory_space<vmem>>
      %get3A_1959 = arith.index_cast %get3A_1954 : i32 to index
      %get3A_1960 = arith.constant 32 : index
      %get3A_1961 = tpu.vector_load %get3A_1958[%get3A_1959, %get3A_1960] {strides = array<i32>} : memref<128x64xi32, #tpu.memory_space<vmem>>, vector<1x16xi32>,
      %get3A_1962 = vector.shape_cast %get3A_1961 : vector<1x16xi32> to vector<16xi32>
      %shift_left3A_1963 = arith.constant 16 : i32
      %shift_left3A_1964 = vector.broadcast %shift_left3A_1963 : i32 to vector<16xi32>
      %shift_left3A_1965 = arith.shli %get3A_1962, %shift_left3A_1964 : vector<16xi32>
      %bitcast_convert_type3A_1966 = tpu.bitcast %shift_left3A_1965 : vector<16xi32> -> vector<16xf32>
      %and3A_1967 = arith.andi %get3A_1962, %broadcast_in_dim3A_84 : vector<16xi32>
      %bitcast_convert_type3A_1968 = tpu.bitcast %and3A_1967 : vector<16xi32> -> vector<16xf32>
      %get3A_1969 = arith.constant 1 : i32
      %get3A_1970 = arith.constant 64 : i32
      %get3A_1971 = arith.constant 0 : i32
      %get3A_1972 = arith.constant 0 : i32
      %get3A_1973 = tpu.memref_slice %arg10[%get3A_1969, %get3A_1971, %get3A_1972] : memref<2x128x64xi32, #tpu.memory_space<vmem>> -> memref<1x128x64xi32, #tpu.memory_space<vmem>>
      %get3A_1974 = tpu.memref_squeeze %get3A_1973 : memref<1x128x64xi32, #tpu.memory_space<vmem>> -> memref<128x64xi32, #tpu.memory_space<vmem>>
      %get3A_1975 = arith.index_cast %get3A_1970 : i32 to index
      %get3A_1976 = arith.constant 32 : index
      %get3A_1977 = tpu.vector_load %get3A_1974[%get3A_1975, %get3A_1976] {strides = array<i32>} : memref<128x64xi32, #tpu.memory_space<vmem>>, vector<1x16xi32>,
      %get3A_1978 = vector.shape_cast %get3A_1977 : vector<1x16xi32> to vector<16xi32>
      %shift_left3A_1979 = arith.constant 16 : i32
      %shift_left3A_1980 = vector.broadcast %shift_left3A_1979 : i32 to vector<16xi32>
      %shift_left3A_1981 = arith.shli %get3A_1978, %shift_left3A_1980 : vector<16xi32>
      %bitcast_convert_type3A_1982 = tpu.bitcast %shift_left3A_1981 : vector<16xi32> -> vector<16xf32>
      %and3A_1983 = arith.andi %get3A_1978, %broadcast_in_dim3A_84 : vector<16xi32>
      %bitcast_convert_type3A_1984 = tpu.bitcast %and3A_1983 : vector<16xi32> -> vector<16xf32>
      %get3A_1985 = arith.constant 1 : i32
      %get3A_1986 = arith.constant 64 : i32
      %get3A_1987 = arith.constant 0 : i32
      %get3A_1988 = arith.constant 0 : i32
      %get3A_1989 = tpu.memref_slice %arg9[%get3A_1985, %get3A_1987, %get3A_1988] : memref<2x128x64xi32, #tpu.memory_space<vmem>> -> memref<1x128x64xi32, #tpu.memory_space<vmem>>
      %get3A_1990 = tpu.memref_squeeze %get3A_1989 : memref<1x128x64xi32, #tpu.memory_space<vmem>> -> memref<128x64xi32, #tpu.memory_space<vmem>>
      %get3A_1991 = arith.index_cast %get3A_1986 : i32 to index
      %get3A_1992 = arith.constant 48 : index
      %get3A_1993 = tpu.vector_load %get3A_1990[%get3A_1991, %get3A_1992] {strides = array<i32>} : memref<128x64xi32, #tpu.memory_space<vmem>>, vector<1x16xi32>,
      %get3A_1994 = vector.shape_cast %get3A_1993 : vector<1x16xi32> to vector<16xi32>
      %shift_left3A_1995 = arith.constant 16 : i32
      %shift_left3A_1996 = vector.broadcast %shift_left3A_1995 : i32 to vector<16xi32>
      %shift_left3A_1997 = arith.shli %get3A_1994, %shift_left3A_1996 : vector<16xi32>
      %bitcast_convert_type3A_1998 = tpu.bitcast %shift_left3A_1997 : vector<16xi32> -> vector<16xf32>
      %and3A_1999 = arith.andi %get3A_1994, %broadcast_in_dim3A_84 : vector<16xi32>
      %bitcast_convert_type3A_2000 = tpu.bitcast %and3A_1999 : vector<16xi32> -> vector<16xf32>
      %get3A_2001 = arith.constant 1 : i32
      %get3A_2002 = arith.constant 64 : i32
      %get3A_2003 = arith.constant 0 : i32
      %get3A_2004 = arith.constant 0 : i32
      %get3A_2005 = tpu.memref_slice %arg10[%get3A_2001, %get3A_2003, %get3A_2004] : memref<2x128x64xi32, #tpu.memory_space<vmem>> -> memref<1x128x64xi32, #tpu.memory_space<vmem>>
      %get3A_2006 = tpu.memref_squeeze %get3A_2005 : memref<1x128x64xi32, #tpu.memory_space<vmem>> -> memref<128x64xi32, #tpu.memory_space<vmem>>
      %get3A_2007 = arith.index_cast %get3A_2002 : i32 to index
      %get3A_2008 = arith.constant 48 : index
      %get3A_2009 = tpu.vector_load %get3A_2006[%get3A_2007, %get3A_2008] {strides = array<i32>} : memref<128x64xi32, #tpu.memory_space<vmem>>, vector<1x16xi32>,
      %get3A_2010 = vector.shape_cast %get3A_2009 : vector<1x16xi32> to vector<16xi32>
      %shift_left3A_2011 = arith.constant 16 : i32
      %shift_left3A_2012 = vector.broadcast %shift_left3A_2011 : i32 to vector<16xi32>
      %shift_left3A_2013 = arith.shli %get3A_2010, %shift_left3A_2012 : vector<16xi32>
      %bitcast_convert_type3A_2014 = tpu.bitcast %shift_left3A_2013 : vector<16xi32> -> vector<16xf32>
      %and3A_2015 = arith.andi %get3A_2010, %broadcast_in_dim3A_84 : vector<16xi32>
      %bitcast_convert_type3A_2016 = tpu.bitcast %and3A_2015 : vector<16xi32> -> vector<16xf32>
      %add3A_2017 = arith.addf %bitcast_convert_type3A_1902, %bitcast_convert_type3A_1918 : vector<16xf32>
      %add3A_2018 = arith.addf %scan3A_1823#8, %add3A_2017 : vector<16xf32>
      %mul3A_2019 = arith.mulf %add3A_2017, %add3A_2017 : vector<16xf32>
      %add3A_2020 = arith.addf %scan3A_1823#16, %mul3A_2019 : vector<16xf32>
      %add3A_2021 = arith.addf %bitcast_convert_type3A_1904, %bitcast_convert_type3A_1920 : vector<16xf32>
      %add3A_2022 = arith.addf %scan3A_1823#9, %add3A_2021 : vector<16xf32>
      %mul3A_2023 = arith.mulf %add3A_2021, %add3A_2021 : vector<16xf32>
      %add3A_2024 = arith.addf %scan3A_1823#17, %mul3A_2023 : vector<16xf32>
      %add3A_2025 = arith.addf %bitcast_convert_type3A_1934, %bitcast_convert_type3A_1950 : vector<16xf32>
      %add3A_2026 = arith.addf %scan3A_1823#10, %add3A_2025 : vector<16xf32>
      %mul3A_2027 = arith.mulf %add3A_2025, %add3A_2025 : vector<16xf32>
      %add3A_2028 = arith.addf %scan3A_1823#18, %mul3A_2027 : vector<16xf32>
      %add3A_2029 = arith.addf %bitcast_convert_type3A_1936, %bitcast_convert_type3A_1952 : vector<16xf32>
      %add3A_2030 = arith.addf %scan3A_1823#11, %add3A_2029 : vector<16xf32>
      %mul3A_2031 = arith.mulf %add3A_2029, %add3A_2029 : vector<16xf32>
      %add3A_2032 = arith.addf %scan3A_1823#19, %mul3A_2031 : vector<16xf32>
      %add3A_2033 = arith.addf %bitcast_convert_type3A_1966, %bitcast_convert_type3A_1982 : vector<16xf32>
      %add3A_2034 = arith.addf %scan3A_1823#12, %add3A_2033 : vector<16xf32>
      %mul3A_2035 = arith.mulf %add3A_2033, %add3A_2033 : vector<16xf32>
      %add3A_2036 = arith.addf %scan3A_1823#20, %mul3A_2035 : vector<16xf32>
      %add3A_2037 = arith.addf %bitcast_convert_type3A_1968, %bitcast_convert_type3A_1984 : vector<16xf32>
      %add3A_2038 = arith.addf %scan3A_1823#13, %add3A_2037 : vector<16xf32>
      %mul3A_2039 = arith.mulf %add3A_2037, %add3A_2037 : vector<16xf32>
      %add3A_2040 = arith.addf %scan3A_1823#21, %mul3A_2039 : vector<16xf32>
      %add3A_2041 = arith.addf %bitcast_convert_type3A_1998, %bitcast_convert_type3A_2014 : vector<16xf32>
      %add3A_2042 = arith.addf %scan3A_1823#14, %add3A_2041 : vector<16xf32>
      %mul3A_2043 = arith.mulf %add3A_2041, %add3A_2041 : vector<16xf32>
      %add3A_2044 = arith.addf %scan3A_1823#22, %mul3A_2043 : vector<16xf32>
      %add3A_2045 = arith.addf %bitcast_convert_type3A_2000, %bitcast_convert_type3A_2016 : vector<16xf32>
      %add3A_2046 = arith.addf %scan3A_1823#15, %add3A_2045 : vector<16xf32>
      %mul3A_2047 = arith.mulf %add3A_2045, %add3A_2045 : vector<16xf32>
      %add3A_2048 = arith.addf %scan3A_1823#23, %mul3A_2047 : vector<16xf32>
      %scan3A_2049 = arith.constant 1 : i32
      %scan3A_2050 = arith.constant 1 : i32
      %scan3A_2051 = arith.constant 1 : i32
      %scan3A_2052 = arith.constant 31 : i32
      %scan3A_2053 = arith.addi %scan3A_2051, %scan3A_2052 : i32
      %scan3A_2054 = arith.constant 1 : i32
      %scan3A_2055:24 = scf.for %scan3A_2371 = %scan3A_2051 to %scan3A_2053 step %scan3A_2054 iter_args(%scan3A_2372 = %add3A_2017, %scan3A_2373 = %add3A_2021, %scan3A_2374 = %add3A_2025, %scan3A_2375 = %add3A_2029, %scan3A_2376 = %add3A_2033, %scan3A_2377 = %add3A_2037, %scan3A_2378 = %add3A_2041, %scan3A_2379 = %add3A_2045, %scan3A_2380 = %add3A_2018, %scan3A_2381 = %add3A_2022, %scan3A_2382 = %add3A_2026, %scan3A_2383 = %add3A_2030, %scan3A_2384 = %add3A_2034, %scan3A_2385 = %add3A_2038, %scan3A_2386 = %add3A_2042, %scan3A_2387 = %add3A_2046, %scan3A_2388 = %add3A_2020, %scan3A_2389 = %add3A_2024, %scan3A_2390 = %add3A_2028, %scan3A_2391 = %add3A_2032, %scan3A_2392 = %add3A_2036, %scan3A_2393 = %add3A_2040, %scan3A_2394 = %add3A_2044, %scan3A_2395 = %add3A_2048) -> (vector<16xf32>, vector<16xf32>, vector<16xf32>, vector<16xf32>, vector<16xf32>, vector<16xf32>, vector<16xf32>, vector<16xf32>, vector<16xf32>, vector<16xf32>, vector<16xf32>, vector<16xf32>, vector<16xf32>, vector<16xf32>, vector<16xf32>, vector<16xf32>, vector<16xf32>, vector<16xf32>, vector<16xf32>, vector<16xf32>, vector<16xf32>, vector<16xf32>, vector<16xf32>, vector<16xf32>)  : i32 {
        %add3A_2396 = arith.constant 64 : i32
        %add3A_2397 = arith.addi %add3A_2396, %scan3A_2371 : i32
        %get3A_2398 = arith.constant 0 : i32
        %get3A_2399 = arith.constant 0 : i32
        %get3A_2400 = tpu.memref_slice %arg9[%scan3A_2049, %get3A_2398, %get3A_2399] : memref<2x128x64xi32, #tpu.memory_space<vmem>> -> memref<1x128x64xi32, #tpu.memory_space<vmem>>
        %get3A_2401 = tpu.memref_squeeze %get3A_2400 : memref<1x128x64xi32, #tpu.memory_space<vmem>> -> memref<128x64xi32, #tpu.memory_space<vmem>>
        %get3A_2402 = arith.index_cast %add3A_2397 : i32 to index
        %get3A_2403 = arith.constant 0 : index
        %get3A_2404 = tpu.vector_load %get3A_2401[%get3A_2402, %get3A_2403] {strides = array<i32>} : memref<128x64xi32, #tpu.memory_space<vmem>>, vector<1x16xi32>,
        %get3A_2405 = vector.shape_cast %get3A_2404 : vector<1x16xi32> to vector<16xi32>
        %shift_left3A_2406 = arith.constant 16 : i32
        %shift_left3A_2407 = vector.broadcast %shift_left3A_2406 : i32 to vector<16xi32>
        %shift_left3A_2408 = arith.shli %get3A_2405, %shift_left3A_2407 : vector<16xi32>
        %bitcast_convert_type3A_2409 = tpu.bitcast %shift_left3A_2408 : vector<16xi32> -> vector<16xf32>
        %and3A_2410 = arith.andi %get3A_2405, %broadcast_in_dim3A_84 : vector<16xi32>
        %bitcast_convert_type3A_2411 = tpu.bitcast %and3A_2410 : vector<16xi32> -> vector<16xf32>
        %get3A_2412 = arith.constant 0 : i32
        %get3A_2413 = arith.constant 0 : i32
        %get3A_2414 = tpu.memref_slice %arg10[%scan3A_2050, %get3A_2412, %get3A_2413] : memref<2x128x64xi32, #tpu.memory_space<vmem>> -> memref<1x128x64xi32, #tpu.memory_space<vmem>>
        %get3A_2415 = tpu.memref_squeeze %get3A_2414 : memref<1x128x64xi32, #tpu.memory_space<vmem>> -> memref<128x64xi32, #tpu.memory_space<vmem>>
        %get3A_2416 = arith.index_cast %add3A_2397 : i32 to index
        %get3A_2417 = arith.constant 0 : index
        %get3A_2418 = tpu.vector_load %get3A_2415[%get3A_2416, %get3A_2417] {strides = array<i32>} : memref<128x64xi32, #tpu.memory_space<vmem>>, vector<1x16xi32>,
        %get3A_2419 = vector.shape_cast %get3A_2418 : vector<1x16xi32> to vector<16xi32>
        %shift_left3A_2420 = arith.constant 16 : i32
        %shift_left3A_2421 = vector.broadcast %shift_left3A_2420 : i32 to vector<16xi32>
        %shift_left3A_2422 = arith.shli %get3A_2419, %shift_left3A_2421 : vector<16xi32>
        %bitcast_convert_type3A_2423 = tpu.bitcast %shift_left3A_2422 : vector<16xi32> -> vector<16xf32>
        %and3A_2424 = arith.andi %get3A_2419, %broadcast_in_dim3A_84 : vector<16xi32>
        %bitcast_convert_type3A_2425 = tpu.bitcast %and3A_2424 : vector<16xi32> -> vector<16xf32>
        %get3A_2426 = arith.constant 0 : i32
        %get3A_2427 = arith.constant 0 : i32
        %get3A_2428 = tpu.memref_slice %arg9[%scan3A_2049, %get3A_2426, %get3A_2427] : memref<2x128x64xi32, #tpu.memory_space<vmem>> -> memref<1x128x64xi32, #tpu.memory_space<vmem>>
        %get3A_2429 = tpu.memref_squeeze %get3A_2428 : memref<1x128x64xi32, #tpu.memory_space<vmem>> -> memref<128x64xi32, #tpu.memory_space<vmem>>
        %get3A_2430 = arith.index_cast %add3A_2397 : i32 to index
        %get3A_2431 = arith.constant 16 : index
        %get3A_2432 = tpu.vector_load %get3A_2429[%get3A_2430, %get3A_2431] {strides = array<i32>} : memref<128x64xi32, #tpu.memory_space<vmem>>, vector<1x16xi32>,
        %get3A_2433 = vector.shape_cast %get3A_2432 : vector<1x16xi32> to vector<16xi32>
        %shift_left3A_2434 = arith.constant 16 : i32
        %shift_left3A_2435 = vector.broadcast %shift_left3A_2434 : i32 to vector<16xi32>
        %shift_left3A_2436 = arith.shli %get3A_2433, %shift_left3A_2435 : vector<16xi32>
        %bitcast_convert_type3A_2437 = tpu.bitcast %shift_left3A_2436 : vector<16xi32> -> vector<16xf32>
        %and3A_2438 = arith.andi %get3A_2433, %broadcast_in_dim3A_84 : vector<16xi32>
        %bitcast_convert_type3A_2439 = tpu.bitcast %and3A_2438 : vector<16xi32> -> vector<16xf32>
        %get3A_2440 = arith.constant 0 : i32
        %get3A_2441 = arith.constant 0 : i32
        %get3A_2442 = tpu.memref_slice %arg10[%scan3A_2050, %get3A_2440, %get3A_2441] : memref<2x128x64xi32, #tpu.memory_space<vmem>> -> memref<1x128x64xi32, #tpu.memory_space<vmem>>
        %get3A_2443 = tpu.memref_squeeze %get3A_2442 : memref<1x128x64xi32, #tpu.memory_space<vmem>> -> memref<128x64xi32, #tpu.memory_space<vmem>>
        %get3A_2444 = arith.index_cast %add3A_2397 : i32 to index
        %get3A_2445 = arith.constant 16 : index
        %get3A_2446 = tpu.vector_load %get3A_2443[%get3A_2444, %get3A_2445] {strides = array<i32>} : memref<128x64xi32, #tpu.memory_space<vmem>>, vector<1x16xi32>,
        %get3A_2447 = vector.shape_cast %get3A_2446 : vector<1x16xi32> to vector<16xi32>
        %shift_left3A_2448 = arith.constant 16 : i32
        %shift_left3A_2449 = vector.broadcast %shift_left3A_2448 : i32 to vector<16xi32>
        %shift_left3A_2450 = arith.shli %get3A_2447, %shift_left3A_2449 : vector<16xi32>
        %bitcast_convert_type3A_2451 = tpu.bitcast %shift_left3A_2450 : vector<16xi32> -> vector<16xf32>
        %and3A_2452 = arith.andi %get3A_2447, %broadcast_in_dim3A_84 : vector<16xi32>
        %bitcast_convert_type3A_2453 = tpu.bitcast %and3A_2452 : vector<16xi32> -> vector<16xf32>
        %get3A_2454 = arith.constant 0 : i32
        %get3A_2455 = arith.constant 0 : i32
        %get3A_2456 = tpu.memref_slice %arg9[%scan3A_2049, %get3A_2454, %get3A_2455] : memref<2x128x64xi32, #tpu.memory_space<vmem>> -> memref<1x128x64xi32, #tpu.memory_space<vmem>>
        %get3A_2457 = tpu.memref_squeeze %get3A_2456 : memref<1x128x64xi32, #tpu.memory_space<vmem>> -> memref<128x64xi32, #tpu.memory_space<vmem>>
        %get3A_2458 = arith.index_cast %add3A_2397 : i32 to index
        %get3A_2459 = arith.constant 32 : index
        %get3A_2460 = tpu.vector_load %get3A_2457[%get3A_2458, %get3A_2459] {strides = array<i32>} : memref<128x64xi32, #tpu.memory_space<vmem>>, vector<1x16xi32>,
        %get3A_2461 = vector.shape_cast %get3A_2460 : vector<1x16xi32> to vector<16xi32>
        %shift_left3A_2462 = arith.constant 16 : i32
        %shift_left3A_2463 = vector.broadcast %shift_left3A_2462 : i32 to vector<16xi32>
        %shift_left3A_2464 = arith.shli %get3A_2461, %shift_left3A_2463 : vector<16xi32>
        %bitcast_convert_type3A_2465 = tpu.bitcast %shift_left3A_2464 : vector<16xi32> -> vector<16xf32>
        %and3A_2466 = arith.andi %get3A_2461, %broadcast_in_dim3A_84 : vector<16xi32>
        %bitcast_convert_type3A_2467 = tpu.bitcast %and3A_2466 : vector<16xi32> -> vector<16xf32>
        %get3A_2468 = arith.constant 0 : i32
        %get3A_2469 = arith.constant 0 : i32
        %get3A_2470 = tpu.memref_slice %arg10[%scan3A_2050, %get3A_2468, %get3A_2469] : memref<2x128x64xi32, #tpu.memory_space<vmem>> -> memref<1x128x64xi32, #tpu.memory_space<vmem>>
        %get3A_2471 = tpu.memref_squeeze %get3A_2470 : memref<1x128x64xi32, #tpu.memory_space<vmem>> -> memref<128x64xi32, #tpu.memory_space<vmem>>
        %get3A_2472 = arith.index_cast %add3A_2397 : i32 to index
        %get3A_2473 = arith.constant 32 : index
        %get3A_2474 = tpu.vector_load %get3A_2471[%get3A_2472, %get3A_2473] {strides = array<i32>} : memref<128x64xi32, #tpu.memory_space<vmem>>, vector<1x16xi32>,
        %get3A_2475 = vector.shape_cast %get3A_2474 : vector<1x16xi32> to vector<16xi32>
        %shift_left3A_2476 = arith.constant 16 : i32
        %shift_left3A_2477 = vector.broadcast %shift_left3A_2476 : i32 to vector<16xi32>
        %shift_left3A_2478 = arith.shli %get3A_2475, %shift_left3A_2477 : vector<16xi32>
        %bitcast_convert_type3A_2479 = tpu.bitcast %shift_left3A_2478 : vector<16xi32> -> vector<16xf32>
        %and3A_2480 = arith.andi %get3A_2475, %broadcast_in_dim3A_84 : vector<16xi32>
        %bitcast_convert_type3A_2481 = tpu.bitcast %and3A_2480 : vector<16xi32> -> vector<16xf32>
        %get3A_2482 = arith.constant 0 : i32
        %get3A_2483 = arith.constant 0 : i32
        %get3A_2484 = tpu.memref_slice %arg9[%scan3A_2049, %get3A_2482, %get3A_2483] : memref<2x128x64xi32, #tpu.memory_space<vmem>> -> memref<1x128x64xi32, #tpu.memory_space<vmem>>
        %get3A_2485 = tpu.memref_squeeze %get3A_2484 : memref<1x128x64xi32, #tpu.memory_space<vmem>> -> memref<128x64xi32, #tpu.memory_space<vmem>>
        %get3A_2486 = arith.index_cast %add3A_2397 : i32 to index
        %get3A_2487 = arith.constant 48 : index
        %get3A_2488 = tpu.vector_load %get3A_2485[%get3A_2486, %get3A_2487] {strides = array<i32>} : memref<128x64xi32, #tpu.memory_space<vmem>>, vector<1x16xi32>,
        %get3A_2489 = vector.shape_cast %get3A_2488 : vector<1x16xi32> to vector<16xi32>
        %shift_left3A_2490 = arith.constant 16 : i32
        %shift_left3A_2491 = vector.broadcast %shift_left3A_2490 : i32 to vector<16xi32>
        %shift_left3A_2492 = arith.shli %get3A_2489, %shift_left3A_2491 : vector<16xi32>
        %bitcast_convert_type3A_2493 = tpu.bitcast %shift_left3A_2492 : vector<16xi32> -> vector<16xf32>
        %and3A_2494 = arith.andi %get3A_2489, %broadcast_in_dim3A_84 : vector<16xi32>
        %bitcast_convert_type3A_2495 = tpu.bitcast %and3A_2494 : vector<16xi32> -> vector<16xf32>
        %get3A_2496 = arith.constant 0 : i32
        %get3A_2497 = arith.constant 0 : i32
        %get3A_2498 = tpu.memref_slice %arg10[%scan3A_2050, %get3A_2496, %get3A_2497] : memref<2x128x64xi32, #tpu.memory_space<vmem>> -> memref<1x128x64xi32, #tpu.memory_space<vmem>>
        %get3A_2499 = tpu.memref_squeeze %get3A_2498 : memref<1x128x64xi32, #tpu.memory_space<vmem>> -> memref<128x64xi32, #tpu.memory_space<vmem>>
        %get3A_2500 = arith.index_cast %add3A_2397 : i32 to index
        %get3A_2501 = arith.constant 48 : index
        %get3A_2502 = tpu.vector_load %get3A_2499[%get3A_2500, %get3A_2501] {strides = array<i32>} : memref<128x64xi32, #tpu.memory_space<vmem>>, vector<1x16xi32>,
        %get3A_2503 = vector.shape_cast %get3A_2502 : vector<1x16xi32> to vector<16xi32>
        %shift_left3A_2504 = arith.constant 16 : i32
        %shift_left3A_2505 = vector.broadcast %shift_left3A_2504 : i32 to vector<16xi32>
        %shift_left3A_2506 = arith.shli %get3A_2503, %shift_left3A_2505 : vector<16xi32>
        %bitcast_convert_type3A_2507 = tpu.bitcast %shift_left3A_2506 : vector<16xi32> -> vector<16xf32>
        %and3A_2508 = arith.andi %get3A_2503, %broadcast_in_dim3A_84 : vector<16xi32>
        %bitcast_convert_type3A_2509 = tpu.bitcast %and3A_2508 : vector<16xi32> -> vector<16xf32>
        %add3A_2510 = arith.addf %bitcast_convert_type3A_2409, %bitcast_convert_type3A_2423 : vector<16xf32>
        %max3A = arith.maximumf %scan3A_2372, %add3A_2510 : vector<16xf32>
        %add3A_2511 = arith.addf %scan3A_2380, %add3A_2510 : vector<16xf32>
        %mul3A_2512 = arith.mulf %add3A_2510, %add3A_2510 : vector<16xf32>
        %add3A_2513 = arith.addf %scan3A_2388, %mul3A_2512 : vector<16xf32>
        %add3A_2514 = arith.addf %bitcast_convert_type3A_2411, %bitcast_convert_type3A_2425 : vector<16xf32>
        %max3A_2515 = arith.maximumf %scan3A_2373, %add3A_2514 : vector<16xf32>
        %add3A_2516 = arith.addf %scan3A_2381, %add3A_2514 : vector<16xf32>
        %mul3A_2517 = arith.mulf %add3A_2514, %add3A_2514 : vector<16xf32>
        %add3A_2518 = arith.addf %scan3A_2389, %mul3A_2517 : vector<16xf32>
        %add3A_2519 = arith.addf %bitcast_convert_type3A_2437, %bitcast_convert_type3A_2451 : vector<16xf32>
        %max3A_2520 = arith.maximumf %scan3A_2374, %add3A_2519 : vector<16xf32>
        %add3A_2521 = arith.addf %scan3A_2382, %add3A_2519 : vector<16xf32>
        %mul3A_2522 = arith.mulf %add3A_2519, %add3A_2519 : vector<16xf32>
        %add3A_2523 = arith.addf %scan3A_2390, %mul3A_2522 : vector<16xf32>
        %add3A_2524 = arith.addf %bitcast_convert_type3A_2439, %bitcast_convert_type3A_2453 : vector<16xf32>
        %max3A_2525 = arith.maximumf %scan3A_2375, %add3A_2524 : vector<16xf32>
        %add3A_2526 = arith.addf %scan3A_2383, %add3A_2524 : vector<16xf32>
        %mul3A_2527 = arith.mulf %add3A_2524, %add3A_2524 : vector<16xf32>
        %add3A_2528 = arith.addf %scan3A_2391, %mul3A_2527 : vector<16xf32>
        %add3A_2529 = arith.addf %bitcast_convert_type3A_2465, %bitcast_convert_type3A_2479 : vector<16xf32>
        %max3A_2530 = arith.maximumf %scan3A_2376, %add3A_2529 : vector<16xf32>
        %add3A_2531 = arith.addf %scan3A_2384, %add3A_2529 : vector<16xf32>
        %mul3A_2532 = arith.mulf %add3A_2529, %add3A_2529 : vector<16xf32>
        %add3A_2533 = arith.addf %scan3A_2392, %mul3A_2532 : vector<16xf32>
        %add3A_2534 = arith.addf %bitcast_convert_type3A_2467, %bitcast_convert_type3A_2481 : vector<16xf32>
        %max3A_2535 = arith.maximumf %scan3A_2377, %add3A_2534 : vector<16xf32>
        %add3A_2536 = arith.addf %scan3A_2385, %add3A_2534 : vector<16xf32>
        %mul3A_2537 = arith.mulf %add3A_2534, %add3A_2534 : vector<16xf32>
        %add3A_2538 = arith.addf %scan3A_2393, %mul3A_2537 : vector<16xf32>
        %add3A_2539 = arith.addf %bitcast_convert_type3A_2493, %bitcast_convert_type3A_2507 : vector<16xf32>
        %max3A_2540 = arith.maximumf %scan3A_2378, %add3A_2539 : vector<16xf32>
        %add3A_2541 = arith.addf %scan3A_2386, %add3A_2539 : vector<16xf32>
        %mul3A_2542 = arith.mulf %add3A_2539, %add3A_2539 : vector<16xf32>
        %add3A_2543 = arith.addf %scan3A_2394, %mul3A_2542 : vector<16xf32>
        %add3A_2544 = arith.addf %bitcast_convert_type3A_2495, %bitcast_convert_type3A_2509 : vector<16xf32>
        %max3A_2545 = arith.maximumf %scan3A_2379, %add3A_2544 : vector<16xf32>
        %add3A_2546 = arith.addf %scan3A_2387, %add3A_2544 : vector<16xf32>
        %mul3A_2547 = arith.mulf %add3A_2544, %add3A_2544 : vector<16xf32>
        %add3A_2548 = arith.addf %scan3A_2395, %mul3A_2547 : vector<16xf32>
        scf.yield %max3A, %max3A_2515, %max3A_2520, %max3A_2525, %max3A_2530, %max3A_2535, %max3A_2540, %max3A_2545, %add3A_2511, %add3A_2516, %add3A_2521, %add3A_2526, %add3A_2531, %add3A_2536, %add3A_2541, %add3A_2546, %add3A_2513, %add3A_2518, %add3A_2523, %add3A_2528, %add3A_2533, %add3A_2538, %add3A_2543, %add3A_2548 : vector<16xf32>, vector<16xf32>, vector<16xf32>, vector<16xf32>, vector<16xf32>, vector<16xf32>, vector<16xf32>, vector<16xf32>, vector<16xf32>, vector<16xf32>, vector<16xf32>, vector<16xf32>, vector<16xf32>, vector<16xf32>, vector<16xf32>, vector<16xf32>, vector<16xf32>, vector<16xf32>, vector<16xf32>, vector<16xf32>, vector<16xf32>, vector<16xf32>, vector<16xf32>, vector<16xf32>
      }
      %scan3A_2056 = arith.constant 31 : i32
      %swap3A_2057 = arith.constant 1 : i32
      %swap3A_2058 = arith.constant 2 : i32
      %swap3A_2059 = arith.index_cast %swap3A_2057 : i32 to index
      %swap3A_2060 = arith.index_cast %swap3A_2058 : i32 to index
      %swap3A_2061 = arith.constant 0 : index
      %swap3A_2062 = tpu.vector_load %arg11[%swap3A_2059, %swap3A_2060, %swap3A_2061] {strides = array<i32>} : memref<2x4x128xf32, #tpu.memory_space<vmem>>, vector<1x1x16xf32>,
      %swap3A_2063 = vector.shape_cast %swap3A_2062 : vector<1x1x16xf32> to vector<16xf32>
      %swap3A_2064 = vector.shape_cast %scan3A_2055#0 : vector<16xf32> to vector<1x1x16xf32>
      tpu.vector_store %arg11[%swap3A_2059, %swap3A_2060, %swap3A_2061], %swap3A_2064 {strides = array<i32>} : memref<2x4x128xf32, #tpu.memory_space<vmem>>, vector<1x1x16xf32>,
      %swap3A_2065 = arith.constant 1 : i32
      %swap3A_2066 = arith.constant 2 : i32
      %swap3A_2067 = arith.index_cast %swap3A_2065 : i32 to index
      %swap3A_2068 = arith.index_cast %swap3A_2066 : i32 to index
      %swap3A_2069 = arith.constant 16 : index
      %swap3A_2070 = tpu.vector_load %arg11[%swap3A_2067, %swap3A_2068, %swap3A_2069] {strides = array<i32>} : memref<2x4x128xf32, #tpu.memory_space<vmem>>, vector<1x1x16xf32>,
      %swap3A_2071 = vector.shape_cast %swap3A_2070 : vector<1x1x16xf32> to vector<16xf32>
      %swap3A_2072 = vector.shape_cast %scan3A_2055#1 : vector<16xf32> to vector<1x1x16xf32>
      tpu.vector_store %arg11[%swap3A_2067, %swap3A_2068, %swap3A_2069], %swap3A_2072 {strides = array<i32>} : memref<2x4x128xf32, #tpu.memory_space<vmem>>, vector<1x1x16xf32>,
      %swap3A_2073 = arith.constant 1 : i32
      %swap3A_2074 = arith.constant 2 : i32
      %swap3A_2075 = arith.index_cast %swap3A_2073 : i32 to index
      %swap3A_2076 = arith.index_cast %swap3A_2074 : i32 to index
      %swap3A_2077 = arith.constant 32 : index
      %swap3A_2078 = tpu.vector_load %arg11[%swap3A_2075, %swap3A_2076, %swap3A_2077] {strides = array<i32>} : memref<2x4x128xf32, #tpu.memory_space<vmem>>, vector<1x1x16xf32>,
      %swap3A_2079 = vector.shape_cast %swap3A_2078 : vector<1x1x16xf32> to vector<16xf32>
      %swap3A_2080 = vector.shape_cast %scan3A_2055#2 : vector<16xf32> to vector<1x1x16xf32>
      tpu.vector_store %arg11[%swap3A_2075, %swap3A_2076, %swap3A_2077], %swap3A_2080 {strides = array<i32>} : memref<2x4x128xf32, #tpu.memory_space<vmem>>, vector<1x1x16xf32>,
      %swap3A_2081 = arith.constant 1 : i32
      %swap3A_2082 = arith.constant 2 : i32
      %swap3A_2083 = arith.index_cast %swap3A_2081 : i32 to index
      %swap3A_2084 = arith.index_cast %swap3A_2082 : i32 to index
      %swap3A_2085 = arith.constant 48 : index
      %swap3A_2086 = tpu.vector_load %arg11[%swap3A_2083, %swap3A_2084, %swap3A_2085] {strides = array<i32>} : memref<2x4x128xf32, #tpu.memory_space<vmem>>, vector<1x1x16xf32>,
      %swap3A_2087 = vector.shape_cast %swap3A_2086 : vector<1x1x16xf32> to vector<16xf32>
      %swap3A_2088 = vector.shape_cast %scan3A_2055#3 : vector<16xf32> to vector<1x1x16xf32>
      tpu.vector_store %arg11[%swap3A_2083, %swap3A_2084, %swap3A_2085], %swap3A_2088 {strides = array<i32>} : memref<2x4x128xf32, #tpu.memory_space<vmem>>, vector<1x1x16xf32>,
      %swap3A_2089 = arith.constant 1 : i32
      %swap3A_2090 = arith.constant 2 : i32
      %swap3A_2091 = arith.index_cast %swap3A_2089 : i32 to index
      %swap3A_2092 = arith.index_cast %swap3A_2090 : i32 to index
      %swap3A_2093 = arith.constant 64 : index
      %swap3A_2094 = tpu.vector_load %arg11[%swap3A_2091, %swap3A_2092, %swap3A_2093] {strides = array<i32>} : memref<2x4x128xf32, #tpu.memory_space<vmem>>, vector<1x1x16xf32>,
      %swap3A_2095 = vector.shape_cast %swap3A_2094 : vector<1x1x16xf32> to vector<16xf32>
      %swap3A_2096 = vector.shape_cast %scan3A_2055#4 : vector<16xf32> to vector<1x1x16xf32>
      tpu.vector_store %arg11[%swap3A_2091, %swap3A_2092, %swap3A_2093], %swap3A_2096 {strides = array<i32>} : memref<2x4x128xf32, #tpu.memory_space<vmem>>, vector<1x1x16xf32>,
      %swap3A_2097 = arith.constant 1 : i32
      %swap3A_2098 = arith.constant 2 : i32
      %swap3A_2099 = arith.index_cast %swap3A_2097 : i32 to index
      %swap3A_2100 = arith.index_cast %swap3A_2098 : i32 to index
      %swap3A_2101 = arith.constant 80 : index
      %swap3A_2102 = tpu.vector_load %arg11[%swap3A_2099, %swap3A_2100, %swap3A_2101] {strides = array<i32>} : memref<2x4x128xf32, #tpu.memory_space<vmem>>, vector<1x1x16xf32>,
      %swap3A_2103 = vector.shape_cast %swap3A_2102 : vector<1x1x16xf32> to vector<16xf32>
      %swap3A_2104 = vector.shape_cast %scan3A_2055#5 : vector<16xf32> to vector<1x1x16xf32>
      tpu.vector_store %arg11[%swap3A_2099, %swap3A_2100, %swap3A_2101], %swap3A_2104 {strides = array<i32>} : memref<2x4x128xf32, #tpu.memory_space<vmem>>, vector<1x1x16xf32>,
      %swap3A_2105 = arith.constant 1 : i32
      %swap3A_2106 = arith.constant 2 : i32
      %swap3A_2107 = arith.index_cast %swap3A_2105 : i32 to index
      %swap3A_2108 = arith.index_cast %swap3A_2106 : i32 to index
      %swap3A_2109 = arith.constant 96 : index
      %swap3A_2110 = tpu.vector_load %arg11[%swap3A_2107, %swap3A_2108, %swap3A_2109] {strides = array<i32>} : memref<2x4x128xf32, #tpu.memory_space<vmem>>, vector<1x1x16xf32>,
      %swap3A_2111 = vector.shape_cast %swap3A_2110 : vector<1x1x16xf32> to vector<16xf32>
      %swap3A_2112 = vector.shape_cast %scan3A_2055#6 : vector<16xf32> to vector<1x1x16xf32>
      tpu.vector_store %arg11[%swap3A_2107, %swap3A_2108, %swap3A_2109], %swap3A_2112 {strides = array<i32>} : memref<2x4x128xf32, #tpu.memory_space<vmem>>, vector<1x1x16xf32>,
      %swap3A_2113 = arith.constant 1 : i32
      %swap3A_2114 = arith.constant 2 : i32
      %swap3A_2115 = arith.index_cast %swap3A_2113 : i32 to index
      %swap3A_2116 = arith.index_cast %swap3A_2114 : i32 to index
      %swap3A_2117 = arith.constant 112 : index
      %swap3A_2118 = tpu.vector_load %arg11[%swap3A_2115, %swap3A_2116, %swap3A_2117] {strides = array<i32>} : memref<2x4x128xf32, #tpu.memory_space<vmem>>, vector<1x1x16xf32>,
      %swap3A_2119 = vector.shape_cast %swap3A_2118 : vector<1x1x16xf32> to vector<16xf32>
      %swap3A_2120 = vector.shape_cast %scan3A_2055#7 : vector<16xf32> to vector<1x1x16xf32>
      tpu.vector_store %arg11[%swap3A_2115, %swap3A_2116, %swap3A_2117], %swap3A_2120 {strides = array<i32>} : memref<2x4x128xf32, #tpu.memory_space<vmem>>, vector<1x1x16xf32>,
      %get3A_2121 = arith.constant 1 : i32
      %get3A_2122 = arith.constant 96 : i32
      %get3A_2123 = arith.constant 0 : i32
      %get3A_2124 = arith.constant 0 : i32
      %get3A_2125 = tpu.memref_slice %arg9[%get3A_2121, %get3A_2123, %get3A_2124] : memref<2x128x64xi32, #tpu.memory_space<vmem>> -> memref<1x128x64xi32, #tpu.memory_space<vmem>>
      %get3A_2126 = tpu.memref_squeeze %get3A_2125 : memref<1x128x64xi32, #tpu.memory_space<vmem>> -> memref<128x64xi32, #tpu.memory_space<vmem>>
      %get3A_2127 = arith.index_cast %get3A_2122 : i32 to index
      %get3A_2128 = arith.constant 0 : index
      %get3A_2129 = tpu.vector_load %get3A_2126[%get3A_2127, %get3A_2128] {strides = array<i32>} : memref<128x64xi32, #tpu.memory_space<vmem>>, vector<1x16xi32>,
      %get3A_2130 = vector.shape_cast %get3A_2129 : vector<1x16xi32> to vector<16xi32>
      %shift_left3A_2131 = arith.constant 16 : i32
      %shift_left3A_2132 = vector.broadcast %shift_left3A_2131 : i32 to vector<16xi32>
      %shift_left3A_2133 = arith.shli %get3A_2130, %shift_left3A_2132 : vector<16xi32>
      %bitcast_convert_type3A_2134 = tpu.bitcast %shift_left3A_2133 : vector<16xi32> -> vector<16xf32>
      %and3A_2135 = arith.andi %get3A_2130, %broadcast_in_dim3A_84 : vector<16xi32>
      %bitcast_convert_type3A_2136 = tpu.bitcast %and3A_2135 : vector<16xi32> -> vector<16xf32>
      %get3A_2137 = arith.constant 1 : i32
      %get3A_2138 = arith.constant 96 : i32
      %get3A_2139 = arith.constant 0 : i32
      %get3A_2140 = arith.constant 0 : i32
      %get3A_2141 = tpu.memref_slice %arg10[%get3A_2137, %get3A_2139, %get3A_2140] : memref<2x128x64xi32, #tpu.memory_space<vmem>> -> memref<1x128x64xi32, #tpu.memory_space<vmem>>
      %get3A_2142 = tpu.memref_squeeze %get3A_2141 : memref<1x128x64xi32, #tpu.memory_space<vmem>> -> memref<128x64xi32, #tpu.memory_space<vmem>>
      %get3A_2143 = arith.index_cast %get3A_2138 : i32 to index
      %get3A_2144 = arith.constant 0 : index
      %get3A_2145 = tpu.vector_load %get3A_2142[%get3A_2143, %get3A_2144] {strides = array<i32>} : memref<128x64xi32, #tpu.memory_space<vmem>>, vector<1x16xi32>,
      %get3A_2146 = vector.shape_cast %get3A_2145 : vector<1x16xi32> to vector<16xi32>
      %shift_left3A_2147 = arith.constant 16 : i32
      %shift_left3A_2148 = vector.broadcast %shift_left3A_2147 : i32 to vector<16xi32>
      %shift_left3A_2149 = arith.shli %get3A_2146, %shift_left3A_2148 : vector<16xi32>
      %bitcast_convert_type3A_2150 = tpu.bitcast %shift_left3A_2149 : vector<16xi32> -> vector<16xf32>
      %and3A_2151 = arith.andi %get3A_2146, %broadcast_in_dim3A_84 : vector<16xi32>
      %bitcast_convert_type3A_2152 = tpu.bitcast %and3A_2151 : vector<16xi32> -> vector<16xf32>
      %get3A_2153 = arith.constant 1 : i32
      %get3A_2154 = arith.constant 96 : i32
      %get3A_2155 = arith.constant 0 : i32
      %get3A_2156 = arith.constant 0 : i32
      %get3A_2157 = tpu.memref_slice %arg9[%get3A_2153, %get3A_2155, %get3A_2156] : memref<2x128x64xi32, #tpu.memory_space<vmem>> -> memref<1x128x64xi32, #tpu.memory_space<vmem>>
      %get3A_2158 = tpu.memref_squeeze %get3A_2157 : memref<1x128x64xi32, #tpu.memory_space<vmem>> -> memref<128x64xi32, #tpu.memory_space<vmem>>
      %get3A_2159 = arith.index_cast %get3A_2154 : i32 to index
      %get3A_2160 = arith.constant 16 : index
      %get3A_2161 = tpu.vector_load %get3A_2158[%get3A_2159, %get3A_2160] {strides = array<i32>} : memref<128x64xi32, #tpu.memory_space<vmem>>, vector<1x16xi32>,
      %get3A_2162 = vector.shape_cast %get3A_2161 : vector<1x16xi32> to vector<16xi32>
      %shift_left3A_2163 = arith.constant 16 : i32
      %shift_left3A_2164 = vector.broadcast %shift_left3A_2163 : i32 to vector<16xi32>
      %shift_left3A_2165 = arith.shli %get3A_2162, %shift_left3A_2164 : vector<16xi32>
      %bitcast_convert_type3A_2166 = tpu.bitcast %shift_left3A_2165 : vector<16xi32> -> vector<16xf32>
      %and3A_2167 = arith.andi %get3A_2162, %broadcast_in_dim3A_84 : vector<16xi32>
      %bitcast_convert_type3A_2168 = tpu.bitcast %and3A_2167 : vector<16xi32> -> vector<16xf32>
      %get3A_2169 = arith.constant 1 : i32
      %get3A_2170 = arith.constant 96 : i32
      %get3A_2171 = arith.constant 0 : i32
      %get3A_2172 = arith.constant 0 : i32
      %get3A_2173 = tpu.memref_slice %arg10[%get3A_2169, %get3A_2171, %get3A_2172] : memref<2x128x64xi32, #tpu.memory_space<vmem>> -> memref<1x128x64xi32, #tpu.memory_space<vmem>>
      %get3A_2174 = tpu.memref_squeeze %get3A_2173 : memref<1x128x64xi32, #tpu.memory_space<vmem>> -> memref<128x64xi32, #tpu.memory_space<vmem>>
      %get3A_2175 = arith.index_cast %get3A_2170 : i32 to index
      %get3A_2176 = arith.constant 16 : index
      %get3A_2177 = tpu.vector_load %get3A_2174[%get3A_2175, %get3A_2176] {strides = array<i32>} : memref<128x64xi32, #tpu.memory_space<vmem>>, vector<1x16xi32>,
      %get3A_2178 = vector.shape_cast %get3A_2177 : vector<1x16xi32> to vector<16xi32>
      %shift_left3A_2179 = arith.constant 16 : i32
      %shift_left3A_2180 = vector.broadcast %shift_left3A_2179 : i32 to vector<16xi32>
      %shift_left3A_2181 = arith.shli %get3A_2178, %shift_left3A_2180 : vector<16xi32>
      %bitcast_convert_type3A_2182 = tpu.bitcast %shift_left3A_2181 : vector<16xi32> -> vector<16xf32>
      %and3A_2183 = arith.andi %get3A_2178, %broadcast_in_dim3A_84 : vector<16xi32>
      %bitcast_convert_type3A_2184 = tpu.bitcast %and3A_2183 : vector<16xi32> -> vector<16xf32>
      %get3A_2185 = arith.constant 1 : i32
      %get3A_2186 = arith.constant 96 : i32
      %get3A_2187 = arith.constant 0 : i32
      %get3A_2188 = arith.constant 0 : i32
      %get3A_2189 = tpu.memref_slice %arg9[%get3A_2185, %get3A_2187, %get3A_2188] : memref<2x128x64xi32, #tpu.memory_space<vmem>> -> memref<1x128x64xi32, #tpu.memory_space<vmem>>
      %get3A_2190 = tpu.memref_squeeze %get3A_2189 : memref<1x128x64xi32, #tpu.memory_space<vmem>> -> memref<128x64xi32, #tpu.memory_space<vmem>>
      %get3A_2191 = arith.index_cast %get3A_2186 : i32 to index
      %get3A_2192 = arith.constant 32 : index
      %get3A_2193 = tpu.vector_load %get3A_2190[%get3A_2191, %get3A_2192] {strides = array<i32>} : memref<128x64xi32, #tpu.memory_space<vmem>>, vector<1x16xi32>,
      %get3A_2194 = vector.shape_cast %get3A_2193 : vector<1x16xi32> to vector<16xi32>
      %shift_left3A_2195 = arith.constant 16 : i32
      %shift_left3A_2196 = vector.broadcast %shift_left3A_2195 : i32 to vector<16xi32>
      %shift_left3A_2197 = arith.shli %get3A_2194, %shift_left3A_2196 : vector<16xi32>
      %bitcast_convert_type3A_2198 = tpu.bitcast %shift_left3A_2197 : vector<16xi32> -> vector<16xf32>
      %and3A_2199 = arith.andi %get3A_2194, %broadcast_in_dim3A_84 : vector<16xi32>
      %bitcast_convert_type3A_2200 = tpu.bitcast %and3A_2199 : vector<16xi32> -> vector<16xf32>
      %get3A_2201 = arith.constant 1 : i32
      %get3A_2202 = arith.constant 96 : i32
      %get3A_2203 = arith.constant 0 : i32
      %get3A_2204 = arith.constant 0 : i32
      %get3A_2205 = tpu.memref_slice %arg10[%get3A_2201, %get3A_2203, %get3A_2204] : memref<2x128x64xi32, #tpu.memory_space<vmem>> -> memref<1x128x64xi32, #tpu.memory_space<vmem>>
      %get3A_2206 = tpu.memref_squeeze %get3A_2205 : memref<1x128x64xi32, #tpu.memory_space<vmem>> -> memref<128x64xi32, #tpu.memory_space<vmem>>
      %get3A_2207 = arith.index_cast %get3A_2202 : i32 to index
      %get3A_2208 = arith.constant 32 : index
      %get3A_2209 = tpu.vector_load %get3A_2206[%get3A_2207, %get3A_2208] {strides = array<i32>} : memref<128x64xi32, #tpu.memory_space<vmem>>, vector<1x16xi32>,
      %get3A_2210 = vector.shape_cast %get3A_2209 : vector<1x16xi32> to vector<16xi32>
      %shift_left3A_2211 = arith.constant 16 : i32
      %shift_left3A_2212 = vector.broadcast %shift_left3A_2211 : i32 to vector<16xi32>
      %shift_left3A_2213 = arith.shli %get3A_2210, %shift_left3A_2212 : vector<16xi32>
      %bitcast_convert_type3A_2214 = tpu.bitcast %shift_left3A_2213 : vector<16xi32> -> vector<16xf32>
      %and3A_2215 = arith.andi %get3A_2210, %broadcast_in_dim3A_84 : vector<16xi32>
      %bitcast_convert_type3A_2216 = tpu.bitcast %and3A_2215 : vector<16xi32> -> vector<16xf32>
      %get3A_2217 = arith.constant 1 : i32
      %get3A_2218 = arith.constant 96 : i32
      %get3A_2219 = arith.constant 0 : i32
      %get3A_2220 = arith.constant 0 : i32
      %get3A_2221 = tpu.memref_slice %arg9[%get3A_2217, %get3A_2219, %get3A_2220] : memref<2x128x64xi32, #tpu.memory_space<vmem>> -> memref<1x128x64xi32, #tpu.memory_space<vmem>>
      %get3A_2222 = tpu.memref_squeeze %get3A_2221 : memref<1x128x64xi32, #tpu.memory_space<vmem>> -> memref<128x64xi32, #tpu.memory_space<vmem>>
      %get3A_2223 = arith.index_cast %get3A_2218 : i32 to index
      %get3A_2224 = arith.constant 48 : index
      %get3A_2225 = tpu.vector_load %get3A_2222[%get3A_2223, %get3A_2224] {strides = array<i32>} : memref<128x64xi32, #tpu.memory_space<vmem>>, vector<1x16xi32>,
      %get3A_2226 = vector.shape_cast %get3A_2225 : vector<1x16xi32> to vector<16xi32>
      %shift_left3A_2227 = arith.constant 16 : i32
      %shift_left3A_2228 = vector.broadcast %shift_left3A_2227 : i32 to vector<16xi32>
      %shift_left3A_2229 = arith.shli %get3A_2226, %shift_left3A_2228 : vector<16xi32>
      %bitcast_convert_type3A_2230 = tpu.bitcast %shift_left3A_2229 : vector<16xi32> -> vector<16xf32>
      %and3A_2231 = arith.andi %get3A_2226, %broadcast_in_dim3A_84 : vector<16xi32>
      %bitcast_convert_type3A_2232 = tpu.bitcast %and3A_2231 : vector<16xi32> -> vector<16xf32>
      %get3A_2233 = arith.constant 1 : i32
      %get3A_2234 = arith.constant 96 : i32
      %get3A_2235 = arith.constant 0 : i32
      %get3A_2236 = arith.constant 0 : i32
      %get3A_2237 = tpu.memref_slice %arg10[%get3A_2233, %get3A_2235, %get3A_2236] : memref<2x128x64xi32, #tpu.memory_space<vmem>> -> memref<1x128x64xi32, #tpu.memory_space<vmem>>
      %get3A_2238 = tpu.memref_squeeze %get3A_2237 : memref<1x128x64xi32, #tpu.memory_space<vmem>> -> memref<128x64xi32, #tpu.memory_space<vmem>>
      %get3A_2239 = arith.index_cast %get3A_2234 : i32 to index
      %get3A_2240 = arith.constant 48 : index
      %get3A_2241 = tpu.vector_load %get3A_2238[%get3A_2239, %get3A_2240] {strides = array<i32>} : memref<128x64xi32, #tpu.memory_space<vmem>>, vector<1x16xi32>,
      %get3A_2242 = vector.shape_cast %get3A_2241 : vector<1x16xi32> to vector<16xi32>
      %shift_left3A_2243 = arith.constant 16 : i32
      %shift_left3A_2244 = vector.broadcast %shift_left3A_2243 : i32 to vector<16xi32>
      %shift_left3A_2245 = arith.shli %get3A_2242, %shift_left3A_2244 : vector<16xi32>
      %bitcast_convert_type3A_2246 = tpu.bitcast %shift_left3A_2245 : vector<16xi32> -> vector<16xf32>
      %and3A_2247 = arith.andi %get3A_2242, %broadcast_in_dim3A_84 : vector<16xi32>
      %bitcast_convert_type3A_2248 = tpu.bitcast %and3A_2247 : vector<16xi32> -> vector<16xf32>
      %add3A_2249 = arith.addf %bitcast_convert_type3A_2134, %bitcast_convert_type3A_2150 : vector<16xf32>
      %add3A_2250 = arith.addf %scan3A_2055#8, %add3A_2249 : vector<16xf32>
      %mul3A_2251 = arith.mulf %add3A_2249, %add3A_2249 : vector<16xf32>
      %add3A_2252 = arith.addf %scan3A_2055#16, %mul3A_2251 : vector<16xf32>
      %add3A_2253 = arith.addf %bitcast_convert_type3A_2136, %bitcast_convert_type3A_2152 : vector<16xf32>
      %add3A_2254 = arith.addf %scan3A_2055#9, %add3A_2253 : vector<16xf32>
      %mul3A_2255 = arith.mulf %add3A_2253, %add3A_2253 : vector<16xf32>
      %add3A_2256 = arith.addf %scan3A_2055#17, %mul3A_2255 : vector<16xf32>
      %add3A_2257 = arith.addf %bitcast_convert_type3A_2166, %bitcast_convert_type3A_2182 : vector<16xf32>
      %add3A_2258 = arith.addf %scan3A_2055#10, %add3A_2257 : vector<16xf32>
      %mul3A_2259 = arith.mulf %add3A_2257, %add3A_2257 : vector<16xf32>
      %add3A_2260 = arith.addf %scan3A_2055#18, %mul3A_2259 : vector<16xf32>
      %add3A_2261 = arith.addf %bitcast_convert_type3A_2168, %bitcast_convert_type3A_2184 : vector<16xf32>
      %add3A_2262 = arith.addf %scan3A_2055#11, %add3A_2261 : vector<16xf32>
      %mul3A_2263 = arith.mulf %add3A_2261, %add3A_2261 : vector<16xf32>
      %add3A_2264 = arith.addf %scan3A_2055#19, %mul3A_2263 : vector<16xf32>
      %add3A_2265 = arith.addf %bitcast_convert_type3A_2198, %bitcast_convert_type3A_2214 : vector<16xf32>
      %add3A_2266 = arith.addf %scan3A_2055#12, %add3A_2265 : vector<16xf32>
      %mul3A_2267 = arith.mulf %add3A_2265, %add3A_2265 : vector<16xf32>
      %add3A_2268 = arith.addf %scan3A_2055#20, %mul3A_2267 : vector<16xf32>
      %add3A_2269 = arith.addf %bitcast_convert_type3A_2200, %bitcast_convert_type3A_2216 : vector<16xf32>
      %add3A_2270 = arith.addf %scan3A_2055#13, %add3A_2269 : vector<16xf32>
      %mul3A_2271 = arith.mulf %add3A_2269, %add3A_2269 : vector<16xf32>
      %add3A_2272 = arith.addf %scan3A_2055#21, %mul3A_2271 : vector<16xf32>
      %add3A_2273 = arith.addf %bitcast_convert_type3A_2230, %bitcast_convert_type3A_2246 : vector<16xf32>
      %add3A_2274 = arith.addf %scan3A_2055#14, %add3A_2273 : vector<16xf32>
      %mul3A_2275 = arith.mulf %add3A_2273, %add3A_2273 : vector<16xf32>
      %add3A_2276 = arith.addf %scan3A_2055#22, %mul3A_2275 : vector<16xf32>
      %add3A_2277 = arith.addf %bitcast_convert_type3A_2232, %bitcast_convert_type3A_2248 : vector<16xf32>
      %add3A_2278 = arith.addf %scan3A_2055#15, %add3A_2277 : vector<16xf32>
      %mul3A_2279 = arith.mulf %add3A_2277, %add3A_2277 : vector<16xf32>
      %add3A_2280 = arith.addf %scan3A_2055#23, %mul3A_2279 : vector<16xf32>
      %scan3A_2281 = arith.constant 1 : i32
      %scan3A_2282 = arith.constant 1 : i32
      %scan3A_2283 = arith.constant 1 : i32
      %scan3A_2284 = arith.constant 31 : i32
      %scan3A_2285 = arith.addi %scan3A_2283, %scan3A_2284 : i32
      %scan3A_2286 = arith.constant 1 : i32
      %scan3A_2287:24 = scf.for %scan3A_2371 = %scan3A_2283 to %scan3A_2285 step %scan3A_2286 iter_args(%scan3A_2372 = %add3A_2249, %scan3A_2373 = %add3A_2253, %scan3A_2374 = %add3A_2257, %scan3A_2375 = %add3A_2261, %scan3A_2376 = %add3A_2265, %scan3A_2377 = %add3A_2269, %scan3A_2378 = %add3A_2273, %scan3A_2379 = %add3A_2277, %scan3A_2380 = %add3A_2250, %scan3A_2381 = %add3A_2254, %scan3A_2382 = %add3A_2258, %scan3A_2383 = %add3A_2262, %scan3A_2384 = %add3A_2266, %scan3A_2385 = %add3A_2270, %scan3A_2386 = %add3A_2274, %scan3A_2387 = %add3A_2278, %scan3A_2388 = %add3A_2252, %scan3A_2389 = %add3A_2256, %scan3A_2390 = %add3A_2260, %scan3A_2391 = %add3A_2264, %scan3A_2392 = %add3A_2268, %scan3A_2393 = %add3A_2272, %scan3A_2394 = %add3A_2276, %scan3A_2395 = %add3A_2280) -> (vector<16xf32>, vector<16xf32>, vector<16xf32>, vector<16xf32>, vector<16xf32>, vector<16xf32>, vector<16xf32>, vector<16xf32>, vector<16xf32>, vector<16xf32>, vector<16xf32>, vector<16xf32>, vector<16xf32>, vector<16xf32>, vector<16xf32>, vector<16xf32>, vector<16xf32>, vector<16xf32>, vector<16xf32>, vector<16xf32>, vector<16xf32>, vector<16xf32>, vector<16xf32>, vector<16xf32>)  : i32 {
        %add3A_2396 = arith.constant 96 : i32
        %add3A_2397 = arith.addi %add3A_2396, %scan3A_2371 : i32
        %get3A_2398 = arith.constant 0 : i32
        %get3A_2399 = arith.constant 0 : i32
        %get3A_2400 = tpu.memref_slice %arg9[%scan3A_2281, %get3A_2398, %get3A_2399] : memref<2x128x64xi32, #tpu.memory_space<vmem>> -> memref<1x128x64xi32, #tpu.memory_space<vmem>>
        %get3A_2401 = tpu.memref_squeeze %get3A_2400 : memref<1x128x64xi32, #tpu.memory_space<vmem>> -> memref<128x64xi32, #tpu.memory_space<vmem>>
        %get3A_2402 = arith.index_cast %add3A_2397 : i32 to index
        %get3A_2403 = arith.constant 0 : index
        %get3A_2404 = tpu.vector_load %get3A_2401[%get3A_2402, %get3A_2403] {strides = array<i32>} : memref<128x64xi32, #tpu.memory_space<vmem>>, vector<1x16xi32>,
        %get3A_2405 = vector.shape_cast %get3A_2404 : vector<1x16xi32> to vector<16xi32>
        %shift_left3A_2406 = arith.constant 16 : i32
        %shift_left3A_2407 = vector.broadcast %shift_left3A_2406 : i32 to vector<16xi32>
        %shift_left3A_2408 = arith.shli %get3A_2405, %shift_left3A_2407 : vector<16xi32>
        %bitcast_convert_type3A_2409 = tpu.bitcast %shift_left3A_2408 : vector<16xi32> -> vector<16xf32>
        %and3A_2410 = arith.andi %get3A_2405, %broadcast_in_dim3A_84 : vector<16xi32>
        %bitcast_convert_type3A_2411 = tpu.bitcast %and3A_2410 : vector<16xi32> -> vector<16xf32>
        %get3A_2412 = arith.constant 0 : i32
        %get3A_2413 = arith.constant 0 : i32
        %get3A_2414 = tpu.memref_slice %arg10[%scan3A_2282, %get3A_2412, %get3A_2413] : memref<2x128x64xi32, #tpu.memory_space<vmem>> -> memref<1x128x64xi32, #tpu.memory_space<vmem>>
        %get3A_2415 = tpu.memref_squeeze %get3A_2414 : memref<1x128x64xi32, #tpu.memory_space<vmem>> -> memref<128x64xi32, #tpu.memory_space<vmem>>
        %get3A_2416 = arith.index_cast %add3A_2397 : i32 to index
        %get3A_2417 = arith.constant 0 : index
        %get3A_2418 = tpu.vector_load %get3A_2415[%get3A_2416, %get3A_2417] {strides = array<i32>} : memref<128x64xi32, #tpu.memory_space<vmem>>, vector<1x16xi32>,
        %get3A_2419 = vector.shape_cast %get3A_2418 : vector<1x16xi32> to vector<16xi32>
        %shift_left3A_2420 = arith.constant 16 : i32
        %shift_left3A_2421 = vector.broadcast %shift_left3A_2420 : i32 to vector<16xi32>
        %shift_left3A_2422 = arith.shli %get3A_2419, %shift_left3A_2421 : vector<16xi32>
        %bitcast_convert_type3A_2423 = tpu.bitcast %shift_left3A_2422 : vector<16xi32> -> vector<16xf32>
        %and3A_2424 = arith.andi %get3A_2419, %broadcast_in_dim3A_84 : vector<16xi32>
        %bitcast_convert_type3A_2425 = tpu.bitcast %and3A_2424 : vector<16xi32> -> vector<16xf32>
        %get3A_2426 = arith.constant 0 : i32
        %get3A_2427 = arith.constant 0 : i32
        %get3A_2428 = tpu.memref_slice %arg9[%scan3A_2281, %get3A_2426, %get3A_2427] : memref<2x128x64xi32, #tpu.memory_space<vmem>> -> memref<1x128x64xi32, #tpu.memory_space<vmem>>
        %get3A_2429 = tpu.memref_squeeze %get3A_2428 : memref<1x128x64xi32, #tpu.memory_space<vmem>> -> memref<128x64xi32, #tpu.memory_space<vmem>>
        %get3A_2430 = arith.index_cast %add3A_2397 : i32 to index
        %get3A_2431 = arith.constant 16 : index
        %get3A_2432 = tpu.vector_load %get3A_2429[%get3A_2430, %get3A_2431] {strides = array<i32>} : memref<128x64xi32, #tpu.memory_space<vmem>>, vector<1x16xi32>,
        %get3A_2433 = vector.shape_cast %get3A_2432 : vector<1x16xi32> to vector<16xi32>
        %shift_left3A_2434 = arith.constant 16 : i32
        %shift_left3A_2435 = vector.broadcast %shift_left3A_2434 : i32 to vector<16xi32>
        %shift_left3A_2436 = arith.shli %get3A_2433, %shift_left3A_2435 : vector<16xi32>
        %bitcast_convert_type3A_2437 = tpu.bitcast %shift_left3A_2436 : vector<16xi32> -> vector<16xf32>
        %and3A_2438 = arith.andi %get3A_2433, %broadcast_in_dim3A_84 : vector<16xi32>
        %bitcast_convert_type3A_2439 = tpu.bitcast %and3A_2438 : vector<16xi32> -> vector<16xf32>
        %get3A_2440 = arith.constant 0 : i32
        %get3A_2441 = arith.constant 0 : i32
        %get3A_2442 = tpu.memref_slice %arg10[%scan3A_2282, %get3A_2440, %get3A_2441] : memref<2x128x64xi32, #tpu.memory_space<vmem>> -> memref<1x128x64xi32, #tpu.memory_space<vmem>>
        %get3A_2443 = tpu.memref_squeeze %get3A_2442 : memref<1x128x64xi32, #tpu.memory_space<vmem>> -> memref<128x64xi32, #tpu.memory_space<vmem>>
        %get3A_2444 = arith.index_cast %add3A_2397 : i32 to index
        %get3A_2445 = arith.constant 16 : index
        %get3A_2446 = tpu.vector_load %get3A_2443[%get3A_2444, %get3A_2445] {strides = array<i32>} : memref<128x64xi32, #tpu.memory_space<vmem>>, vector<1x16xi32>,
        %get3A_2447 = vector.shape_cast %get3A_2446 : vector<1x16xi32> to vector<16xi32>
        %shift_left3A_2448 = arith.constant 16 : i32
        %shift_left3A_2449 = vector.broadcast %shift_left3A_2448 : i32 to vector<16xi32>
        %shift_left3A_2450 = arith.shli %get3A_2447, %shift_left3A_2449 : vector<16xi32>
        %bitcast_convert_type3A_2451 = tpu.bitcast %shift_left3A_2450 : vector<16xi32> -> vector<16xf32>
        %and3A_2452 = arith.andi %get3A_2447, %broadcast_in_dim3A_84 : vector<16xi32>
        %bitcast_convert_type3A_2453 = tpu.bitcast %and3A_2452 : vector<16xi32> -> vector<16xf32>
        %get3A_2454 = arith.constant 0 : i32
        %get3A_2455 = arith.constant 0 : i32
        %get3A_2456 = tpu.memref_slice %arg9[%scan3A_2281, %get3A_2454, %get3A_2455] : memref<2x128x64xi32, #tpu.memory_space<vmem>> -> memref<1x128x64xi32, #tpu.memory_space<vmem>>
        %get3A_2457 = tpu.memref_squeeze %get3A_2456 : memref<1x128x64xi32, #tpu.memory_space<vmem>> -> memref<128x64xi32, #tpu.memory_space<vmem>>
        %get3A_2458 = arith.index_cast %add3A_2397 : i32 to index
        %get3A_2459 = arith.constant 32 : index
        %get3A_2460 = tpu.vector_load %get3A_2457[%get3A_2458, %get3A_2459] {strides = array<i32>} : memref<128x64xi32, #tpu.memory_space<vmem>>, vector<1x16xi32>,
        %get3A_2461 = vector.shape_cast %get3A_2460 : vector<1x16xi32> to vector<16xi32>
        %shift_left3A_2462 = arith.constant 16 : i32
        %shift_left3A_2463 = vector.broadcast %shift_left3A_2462 : i32 to vector<16xi32>
        %shift_left3A_2464 = arith.shli %get3A_2461, %shift_left3A_2463 : vector<16xi32>
        %bitcast_convert_type3A_2465 = tpu.bitcast %shift_left3A_2464 : vector<16xi32> -> vector<16xf32>
        %and3A_2466 = arith.andi %get3A_2461, %broadcast_in_dim3A_84 : vector<16xi32>
        %bitcast_convert_type3A_2467 = tpu.bitcast %and3A_2466 : vector<16xi32> -> vector<16xf32>
        %get3A_2468 = arith.constant 0 : i32
        %get3A_2469 = arith.constant 0 : i32
        %get3A_2470 = tpu.memref_slice %arg10[%scan3A_2282, %get3A_2468, %get3A_2469] : memref<2x128x64xi32, #tpu.memory_space<vmem>> -> memref<1x128x64xi32, #tpu.memory_space<vmem>>
        %get3A_2471 = tpu.memref_squeeze %get3A_2470 : memref<1x128x64xi32, #tpu.memory_space<vmem>> -> memref<128x64xi32, #tpu.memory_space<vmem>>
        %get3A_2472 = arith.index_cast %add3A_2397 : i32 to index
        %get3A_2473 = arith.constant 32 : index
        %get3A_2474 = tpu.vector_load %get3A_2471[%get3A_2472, %get3A_2473] {strides = array<i32>} : memref<128x64xi32, #tpu.memory_space<vmem>>, vector<1x16xi32>,
        %get3A_2475 = vector.shape_cast %get3A_2474 : vector<1x16xi32> to vector<16xi32>
        %shift_left3A_2476 = arith.constant 16 : i32
        %shift_left3A_2477 = vector.broadcast %shift_left3A_2476 : i32 to vector<16xi32>
        %shift_left3A_2478 = arith.shli %get3A_2475, %shift_left3A_2477 : vector<16xi32>
        %bitcast_convert_type3A_2479 = tpu.bitcast %shift_left3A_2478 : vector<16xi32> -> vector<16xf32>
        %and3A_2480 = arith.andi %get3A_2475, %broadcast_in_dim3A_84 : vector<16xi32>
        %bitcast_convert_type3A_2481 = tpu.bitcast %and3A_2480 : vector<16xi32> -> vector<16xf32>
        %get3A_2482 = arith.constant 0 : i32
        %get3A_2483 = arith.constant 0 : i32
        %get3A_2484 = tpu.memref_slice %arg9[%scan3A_2281, %get3A_2482, %get3A_2483] : memref<2x128x64xi32, #tpu.memory_space<vmem>> -> memref<1x128x64xi32, #tpu.memory_space<vmem>>
        %get3A_2485 = tpu.memref_squeeze %get3A_2484 : memref<1x128x64xi32, #tpu.memory_space<vmem>> -> memref<128x64xi32, #tpu.memory_space<vmem>>
        %get3A_2486 = arith.index_cast %add3A_2397 : i32 to index
        %get3A_2487 = arith.constant 48 : index
        %get3A_2488 = tpu.vector_load %get3A_2485[%get3A_2486, %get3A_2487] {strides = array<i32>} : memref<128x64xi32, #tpu.memory_space<vmem>>, vector<1x16xi32>,
        %get3A_2489 = vector.shape_cast %get3A_2488 : vector<1x16xi32> to vector<16xi32>
        %shift_left3A_2490 = arith.constant 16 : i32
        %shift_left3A_2491 = vector.broadcast %shift_left3A_2490 : i32 to vector<16xi32>
        %shift_left3A_2492 = arith.shli %get3A_2489, %shift_left3A_2491 : vector<16xi32>
        %bitcast_convert_type3A_2493 = tpu.bitcast %shift_left3A_2492 : vector<16xi32> -> vector<16xf32>
        %and3A_2494 = arith.andi %get3A_2489, %broadcast_in_dim3A_84 : vector<16xi32>
        %bitcast_convert_type3A_2495 = tpu.bitcast %and3A_2494 : vector<16xi32> -> vector<16xf32>
        %get3A_2496 = arith.constant 0 : i32
        %get3A_2497 = arith.constant 0 : i32
        %get3A_2498 = tpu.memref_slice %arg10[%scan3A_2282, %get3A_2496, %get3A_2497] : memref<2x128x64xi32, #tpu.memory_space<vmem>> -> memref<1x128x64xi32, #tpu.memory_space<vmem>>
        %get3A_2499 = tpu.memref_squeeze %get3A_2498 : memref<1x128x64xi32, #tpu.memory_space<vmem>> -> memref<128x64xi32, #tpu.memory_space<vmem>>
        %get3A_2500 = arith.index_cast %add3A_2397 : i32 to index
        %get3A_2501 = arith.constant 48 : index
        %get3A_2502 = tpu.vector_load %get3A_2499[%get3A_2500, %get3A_2501] {strides = array<i32>} : memref<128x64xi32, #tpu.memory_space<vmem>>, vector<1x16xi32>,
        %get3A_2503 = vector.shape_cast %get3A_2502 : vector<1x16xi32> to vector<16xi32>
        %shift_left3A_2504 = arith.constant 16 : i32
        %shift_left3A_2505 = vector.broadcast %shift_left3A_2504 : i32 to vector<16xi32>
        %shift_left3A_2506 = arith.shli %get3A_2503, %shift_left3A_2505 : vector<16xi32>
        %bitcast_convert_type3A_2507 = tpu.bitcast %shift_left3A_2506 : vector<16xi32> -> vector<16xf32>
        %and3A_2508 = arith.andi %get3A_2503, %broadcast_in_dim3A_84 : vector<16xi32>
        %bitcast_convert_type3A_2509 = tpu.bitcast %and3A_2508 : vector<16xi32> -> vector<16xf32>
        %add3A_2510 = arith.addf %bitcast_convert_type3A_2409, %bitcast_convert_type3A_2423 : vector<16xf32>
        %max3A = arith.maximumf %scan3A_2372, %add3A_2510 : vector<16xf32>
        %add3A_2511 = arith.addf %scan3A_2380, %add3A_2510 : vector<16xf32>
        %mul3A_2512 = arith.mulf %add3A_2510, %add3A_2510 : vector<16xf32>
        %add3A_2513 = arith.addf %scan3A_2388, %mul3A_2512 : vector<16xf32>
        %add3A_2514 = arith.addf %bitcast_convert_type3A_2411, %bitcast_convert_type3A_2425 : vector<16xf32>
        %max3A_2515 = arith.maximumf %scan3A_2373, %add3A_2514 : vector<16xf32>
        %add3A_2516 = arith.addf %scan3A_2381, %add3A_2514 : vector<16xf32>
        %mul3A_2517 = arith.mulf %add3A_2514, %add3A_2514 : vector<16xf32>
        %add3A_2518 = arith.addf %scan3A_2389, %mul3A_2517 : vector<16xf32>
        %add3A_2519 = arith.addf %bitcast_convert_type3A_2437, %bitcast_convert_type3A_2451 : vector<16xf32>
        %max3A_2520 = arith.maximumf %scan3A_2374, %add3A_2519 : vector<16xf32>
        %add3A_2521 = arith.addf %scan3A_2382, %add3A_2519 : vector<16xf32>
        %mul3A_2522 = arith.mulf %add3A_2519, %add3A_2519 : vector<16xf32>
        %add3A_2523 = arith.addf %scan3A_2390, %mul3A_2522 : vector<16xf32>
        %add3A_2524 = arith.addf %bitcast_convert_type3A_2439, %bitcast_convert_type3A_2453 : vector<16xf32>
        %max3A_2525 = arith.maximumf %scan3A_2375, %add3A_2524 : vector<16xf32>
        %add3A_2526 = arith.addf %scan3A_2383, %add3A_2524 : vector<16xf32>
        %mul3A_2527 = arith.mulf %add3A_2524, %add3A_2524 : vector<16xf32>
        %add3A_2528 = arith.addf %scan3A_2391, %mul3A_2527 : vector<16xf32>
        %add3A_2529 = arith.addf %bitcast_convert_type3A_2465, %bitcast_convert_type3A_2479 : vector<16xf32>
        %max3A_2530 = arith.maximumf %scan3A_2376, %add3A_2529 : vector<16xf32>
        %add3A_2531 = arith.addf %scan3A_2384, %add3A_2529 : vector<16xf32>
        %mul3A_2532 = arith.mulf %add3A_2529, %add3A_2529 : vector<16xf32>
        %add3A_2533 = arith.addf %scan3A_2392, %mul3A_2532 : vector<16xf32>
        %add3A_2534 = arith.addf %bitcast_convert_type3A_2467, %bitcast_convert_type3A_2481 : vector<16xf32>
        %max3A_2535 = arith.maximumf %scan3A_2377, %add3A_2534 : vector<16xf32>
        %add3A_2536 = arith.addf %scan3A_2385, %add3A_2534 : vector<16xf32>
        %mul3A_2537 = arith.mulf %add3A_2534, %add3A_2534 : vector<16xf32>
        %add3A_2538 = arith.addf %scan3A_2393, %mul3A_2537 : vector<16xf32>
        %add3A_2539 = arith.addf %bitcast_convert_type3A_2493, %bitcast_convert_type3A_2507 : vector<16xf32>
        %max3A_2540 = arith.maximumf %scan3A_2378, %add3A_2539 : vector<16xf32>
        %add3A_2541 = arith.addf %scan3A_2386, %add3A_2539 : vector<16xf32>
        %mul3A_2542 = arith.mulf %add3A_2539, %add3A_2539 : vector<16xf32>
        %add3A_2543 = arith.addf %scan3A_2394, %mul3A_2542 : vector<16xf32>
        %add3A_2544 = arith.addf %bitcast_convert_type3A_2495, %bitcast_convert_type3A_2509 : vector<16xf32>
        %max3A_2545 = arith.maximumf %scan3A_2379, %add3A_2544 : vector<16xf32>
        %add3A_2546 = arith.addf %scan3A_2387, %add3A_2544 : vector<16xf32>
        %mul3A_2547 = arith.mulf %add3A_2544, %add3A_2544 : vector<16xf32>
        %add3A_2548 = arith.addf %scan3A_2395, %mul3A_2547 : vector<16xf32>
        scf.yield %max3A, %max3A_2515, %max3A_2520, %max3A_2525, %max3A_2530, %max3A_2535, %max3A_2540, %max3A_2545, %add3A_2511, %add3A_2516, %add3A_2521, %add3A_2526, %add3A_2531, %add3A_2536, %add3A_2541, %add3A_2546, %add3A_2513, %add3A_2518, %add3A_2523, %add3A_2528, %add3A_2533, %add3A_2538, %add3A_2543, %add3A_2548 : vector<16xf32>, vector<16xf32>, vector<16xf32>, vector<16xf32>, vector<16xf32>, vector<16xf32>, vector<16xf32>, vector<16xf32>, vector<16xf32>, vector<16xf32>, vector<16xf32>, vector<16xf32>, vector<16xf32>, vector<16xf32>, vector<16xf32>, vector<16xf32>, vector<16xf32>, vector<16xf32>, vector<16xf32>, vector<16xf32>, vector<16xf32>, vector<16xf32>, vector<16xf32>, vector<16xf32>
      }
      %scan3A_2288 = arith.constant 31 : i32
      %swap3A_2289 = arith.constant 1 : i32
      %swap3A_2290 = arith.constant 3 : i32
      %swap3A_2291 = arith.index_cast %swap3A_2289 : i32 to index
      %swap3A_2292 = arith.index_cast %swap3A_2290 : i32 to index
      %swap3A_2293 = arith.constant 0 : index
      %swap3A_2294 = tpu.vector_load %arg11[%swap3A_2291, %swap3A_2292, %swap3A_2293] {strides = array<i32>} : memref<2x4x128xf32, #tpu.memory_space<vmem>>, vector<1x1x16xf32>,
      %swap3A_2295 = vector.shape_cast %swap3A_2294 : vector<1x1x16xf32> to vector<16xf32>
      %swap3A_2296 = vector.shape_cast %scan3A_2287#0 : vector<16xf32> to vector<1x1x16xf32>
      tpu.vector_store %arg11[%swap3A_2291, %swap3A_2292, %swap3A_2293], %swap3A_2296 {strides = array<i32>} : memref<2x4x128xf32, #tpu.memory_space<vmem>>, vector<1x1x16xf32>,
      %swap3A_2297 = arith.constant 1 : i32
      %swap3A_2298 = arith.constant 3 : i32
      %swap3A_2299 = arith.index_cast %swap3A_2297 : i32 to index
      %swap3A_2300 = arith.index_cast %swap3A_2298 : i32 to index
      %swap3A_2301 = arith.constant 16 : index
      %swap3A_2302 = tpu.vector_load %arg11[%swap3A_2299, %swap3A_2300, %swap3A_2301] {strides = array<i32>} : memref<2x4x128xf32, #tpu.memory_space<vmem>>, vector<1x1x16xf32>,
      %swap3A_2303 = vector.shape_cast %swap3A_2302 : vector<1x1x16xf32> to vector<16xf32>
      %swap3A_2304 = vector.shape_cast %scan3A_2287#1 : vector<16xf32> to vector<1x1x16xf32>
      tpu.vector_store %arg11[%swap3A_2299, %swap3A_2300, %swap3A_2301], %swap3A_2304 {strides = array<i32>} : memref<2x4x128xf32, #tpu.memory_space<vmem>>, vector<1x1x16xf32>,
      %swap3A_2305 = arith.constant 1 : i32
      %swap3A_2306 = arith.constant 3 : i32
      %swap3A_2307 = arith.index_cast %swap3A_2305 : i32 to index
      %swap3A_2308 = arith.index_cast %swap3A_2306 : i32 to index
      %swap3A_2309 = arith.constant 32 : index
      %swap3A_2310 = tpu.vector_load %arg11[%swap3A_2307, %swap3A_2308, %swap3A_2309] {strides = array<i32>} : memref<2x4x128xf32, #tpu.memory_space<vmem>>, vector<1x1x16xf32>,
      %swap3A_2311 = vector.shape_cast %swap3A_2310 : vector<1x1x16xf32> to vector<16xf32>
      %swap3A_2312 = vector.shape_cast %scan3A_2287#2 : vector<16xf32> to vector<1x1x16xf32>
      tpu.vector_store %arg11[%swap3A_2307, %swap3A_2308, %swap3A_2309], %swap3A_2312 {strides = array<i32>} : memref<2x4x128xf32, #tpu.memory_space<vmem>>, vector<1x1x16xf32>,
      %swap3A_2313 = arith.constant 1 : i32
      %swap3A_2314 = arith.constant 3 : i32
      %swap3A_2315 = arith.index_cast %swap3A_2313 : i32 to index
      %swap3A_2316 = arith.index_cast %swap3A_2314 : i32 to index
      %swap3A_2317 = arith.constant 48 : index
      %swap3A_2318 = tpu.vector_load %arg11[%swap3A_2315, %swap3A_2316, %swap3A_2317] {strides = array<i32>} : memref<2x4x128xf32, #tpu.memory_space<vmem>>, vector<1x1x16xf32>,
      %swap3A_2319 = vector.shape_cast %swap3A_2318 : vector<1x1x16xf32> to vector<16xf32>
      %swap3A_2320 = vector.shape_cast %scan3A_2287#3 : vector<16xf32> to vector<1x1x16xf32>
      tpu.vector_store %arg11[%swap3A_2315, %swap3A_2316, %swap3A_2317], %swap3A_2320 {strides = array<i32>} : memref<2x4x128xf32, #tpu.memory_space<vmem>>, vector<1x1x16xf32>,
      %swap3A_2321 = arith.constant 1 : i32
      %swap3A_2322 = arith.constant 3 : i32
      %swap3A_2323 = arith.index_cast %swap3A_2321 : i32 to index
      %swap3A_2324 = arith.index_cast %swap3A_2322 : i32 to index
      %swap3A_2325 = arith.constant 64 : index
      %swap3A_2326 = tpu.vector_load %arg11[%swap3A_2323, %swap3A_2324, %swap3A_2325] {strides = array<i32>} : memref<2x4x128xf32, #tpu.memory_space<vmem>>, vector<1x1x16xf32>,
      %swap3A_2327 = vector.shape_cast %swap3A_2326 : vector<1x1x16xf32> to vector<16xf32>
      %swap3A_2328 = vector.shape_cast %scan3A_2287#4 : vector<16xf32> to vector<1x1x16xf32>
      tpu.vector_store %arg11[%swap3A_2323, %swap3A_2324, %swap3A_2325], %swap3A_2328 {strides = array<i32>} : memref<2x4x128xf32, #tpu.memory_space<vmem>>, vector<1x1x16xf32>,
      %swap3A_2329 = arith.constant 1 : i32
      %swap3A_2330 = arith.constant 3 : i32
      %swap3A_2331 = arith.index_cast %swap3A_2329 : i32 to index
      %swap3A_2332 = arith.index_cast %swap3A_2330 : i32 to index
      %swap3A_2333 = arith.constant 80 : index
      %swap3A_2334 = tpu.vector_load %arg11[%swap3A_2331, %swap3A_2332, %swap3A_2333] {strides = array<i32>} : memref<2x4x128xf32, #tpu.memory_space<vmem>>, vector<1x1x16xf32>,
      %swap3A_2335 = vector.shape_cast %swap3A_2334 : vector<1x1x16xf32> to vector<16xf32>
      %swap3A_2336 = vector.shape_cast %scan3A_2287#5 : vector<16xf32> to vector<1x1x16xf32>
      tpu.vector_store %arg11[%swap3A_2331, %swap3A_2332, %swap3A_2333], %swap3A_2336 {strides = array<i32>} : memref<2x4x128xf32, #tpu.memory_space<vmem>>, vector<1x1x16xf32>,
      %swap3A_2337 = arith.constant 1 : i32
      %swap3A_2338 = arith.constant 3 : i32
      %swap3A_2339 = arith.index_cast %swap3A_2337 : i32 to index
      %swap3A_2340 = arith.index_cast %swap3A_2338 : i32 to index
      %swap3A_2341 = arith.constant 96 : index
      %swap3A_2342 = tpu.vector_load %arg11[%swap3A_2339, %swap3A_2340, %swap3A_2341] {strides = array<i32>} : memref<2x4x128xf32, #tpu.memory_space<vmem>>, vector<1x1x16xf32>,
      %swap3A_2343 = vector.shape_cast %swap3A_2342 : vector<1x1x16xf32> to vector<16xf32>
      %swap3A_2344 = vector.shape_cast %scan3A_2287#6 : vector<16xf32> to vector<1x1x16xf32>
      tpu.vector_store %arg11[%swap3A_2339, %swap3A_2340, %swap3A_2341], %swap3A_2344 {strides = array<i32>} : memref<2x4x128xf32, #tpu.memory_space<vmem>>, vector<1x1x16xf32>,
      %swap3A_2345 = arith.constant 1 : i32
      %swap3A_2346 = arith.constant 3 : i32
      %swap3A_2347 = arith.index_cast %swap3A_2345 : i32 to index
      %swap3A_2348 = arith.index_cast %swap3A_2346 : i32 to index
      %swap3A_2349 = arith.constant 112 : index
      %swap3A_2350 = tpu.vector_load %arg11[%swap3A_2347, %swap3A_2348, %swap3A_2349] {strides = array<i32>} : memref<2x4x128xf32, #tpu.memory_space<vmem>>, vector<1x1x16xf32>,
      %swap3A_2351 = vector.shape_cast %swap3A_2350 : vector<1x1x16xf32> to vector<16xf32>
      %swap3A_2352 = vector.shape_cast %scan3A_2287#7 : vector<16xf32> to vector<1x1x16xf32>
      tpu.vector_store %arg11[%swap3A_2347, %swap3A_2348, %swap3A_2349], %swap3A_2352 {strides = array<i32>} : memref<2x4x128xf32, #tpu.memory_space<vmem>>, vector<1x1x16xf32>,
      %mul3A_2353 = arith.constant 320 : i32
      %mul3A_2354 = arith.muli %add3A, %mul3A_2353 : i32
      %mul3A_2355 = arith.constant 4 : i32
      %mul3A_2356 = arith.muli %add3A_1325, %mul3A_2355 : i32
      %add3A_2357 = arith.addi %mul3A_2354, %mul3A_2356 : i32
      %dma_start3A_2358 = arith.constant 1 : i32
      %dma_start3A_2359 = arith.constant 0 : i32
      %dma_start3A_2360 = arith.constant 0 : i32
      %dma_start3A_2361 = tpu.memref_slice %arg11[%dma_start3A_2358, %dma_start3A_2359, %dma_start3A_2360] : memref<2x4x128xf32, #tpu.memory_space<vmem>> -> memref<1x4x128xf32, #tpu.memory_space<vmem>>
      %dma_start3A_2362 = tpu.memref_squeeze %dma_start3A_2361 : memref<1x4x128xf32, #tpu.memory_space<vmem>> -> memref<4x128xf32, #tpu.memory_space<vmem>>
      %dma_start3A_2363 = arith.constant 0 : i32
      %dma_start3A_2364 = tpu.memref_slice %arg5[%add3A_2357, %dma_start3A_2363] : memref<10240x128xf32, #tpu.memory_space<hbm>> -> memref<4x128xf32, #tpu.memory_space<hbm>>
      %dma_start3A_2365 = arith.constant 0 : i32
      %dma_start3A_2366 = tpu.memref_slice %arg5[%add3A_2357, %dma_start3A_2365] : memref<10240x128xf32, #tpu.memory_space<hbm>> -> memref<4x128xf32, #tpu.memory_space<hbm>>
      %dma_start3A_2367 = arith.constant 0 : i32
      %dma_start3A_2368 = arith.constant 0 : i32
      %dma_start3A_2369 = tpu.memref_slice %arg11[%dma_start3A_2358, %dma_start3A_2367, %dma_start3A_2368] : memref<2x4x128xf32, #tpu.memory_space<vmem>> -> memref<1x4x128xf32, #tpu.memory_space<vmem>>
      %dma_start3A_2370 = tpu.memref_squeeze %dma_start3A_2369 : memref<1x4x128xf32, #tpu.memory_space<vmem>> -> memref<4x128xf32, #tpu.memory_space<vmem>>
      tpu.enqueue_dma source(%dma_start3A_2370 : memref<4x128xf32, #tpu.memory_space<vmem>>) target(%dma_start3A_2366 : memref<4x128xf32, #tpu.memory_space<hbm>>) target_semaphore(%arg20 : memref<!tpu.dma_semaphore, #tpu.memory_space<semaphore_mem>>)
      scf.yield %scan3A_2287#8, %scan3A_2287#9, %scan3A_2287#10, %scan3A_2287#11, %scan3A_2287#12, %scan3A_2287#13, %scan3A_2287#14, %scan3A_2287#15, %scan3A_2287#16, %scan3A_2287#17, %scan3A_2287#18, %scan3A_2287#19, %scan3A_2287#20, %scan3A_2287#21, %scan3A_2287#22, %scan3A_2287#23 : vector<16xf32>, vector<16xf32>, vector<16xf32>, vector<16xf32>, vector<16xf32>, vector<16xf32>, vector<16xf32>, vector<16xf32>, vector<16xf32>, vector<16xf32>, vector<16xf32>, vector<16xf32>, vector<16xf32>, vector<16xf32>, vector<16xf32>, vector<16xf32>
    }
    %scan3A_89 = arith.constant 40 : i32
    %dma_wait3A_90 = arith.constant 0 : i32
    %dma_wait3A_91 = arith.constant 0 : i32
    %dma_wait3A_92 = arith.constant 0 : i32
    %dma_wait3A_93 = tpu.memref_slice %arg9[%dma_wait3A_90, %dma_wait3A_91, %dma_wait3A_92] : memref<2x128x64xi32, #tpu.memory_space<vmem>> -> memref<1x128x64xi32, #tpu.memory_space<vmem>>
    %dma_wait3A_94 = tpu.memref_squeeze %dma_wait3A_93 : memref<1x128x64xi32, #tpu.memory_space<vmem>> -> memref<128x64xi32, #tpu.memory_space<vmem>>
    %dma_wait3A_95 = arith.constant 0 : i32
    %dma_wait3A_96 = arith.constant 0 : i32
    %dma_wait3A_97 = tpu.memref_slice %arg2[%dma_wait3A_95, %dma_wait3A_96] : memref<10240x64xi32, #tpu.memory_space<hbm>> -> memref<128x64xi32, #tpu.memory_space<hbm>>
    %dma_wait3A_98 = arith.constant 0 : i32
    %dma_wait3A_99 = arith.constant 0 : i32
    %dma_wait3A_100 = tpu.memref_slice %arg9[%dma_wait3A_90, %dma_wait3A_98, %dma_wait3A_99] : memref<2x128x64xi32, #tpu.memory_space<vmem>> -> memref<1x128x64xi32, #tpu.memory_space<vmem>>
    %dma_wait3A_101 = tpu.memref_squeeze %dma_wait3A_100 : memref<1x128x64xi32, #tpu.memory_space<vmem>> -> memref<128x64xi32, #tpu.memory_space<vmem>>
    %dma_wait3A_102 = arith.constant 0 : i32
    %dma_wait3A_103 = arith.constant 0 : i32
    %dma_wait3A_104 = tpu.memref_slice %arg2[%dma_wait3A_102, %dma_wait3A_103] : memref<10240x64xi32, #tpu.memory_space<hbm>> -> memref<128x64xi32, #tpu.memory_space<hbm>>
    tpu.wait_dma2 semaphore(%arg15 : memref<!tpu.dma_semaphore, #tpu.memory_space<semaphore_mem>>) src(%dma_wait3A_104 : memref<128x64xi32, #tpu.memory_space<hbm>>) dst(%dma_wait3A_101 : memref<128x64xi32, #tpu.memory_space<vmem>>)
    %dma_wait3A_105 = arith.constant 0 : i32
    %dma_wait3A_106 = arith.constant 0 : i32
    %dma_wait3A_107 = arith.constant 0 : i32
    %dma_wait3A_108 = tpu.memref_slice %arg10[%dma_wait3A_105, %dma_wait3A_106, %dma_wait3A_107] : memref<2x128x64xi32, #tpu.memory_space<vmem>> -> memref<1x128x64xi32, #tpu.memory_space<vmem>>
    %dma_wait3A_109 = tpu.memref_squeeze %dma_wait3A_108 : memref<1x128x64xi32, #tpu.memory_space<vmem>> -> memref<128x64xi32, #tpu.memory_space<vmem>>
    %dma_wait3A_110 = arith.constant 0 : i32
    %dma_wait3A_111 = arith.constant 0 : i32
    %dma_wait3A_112 = tpu.memref_slice %arg3[%dma_wait3A_110, %dma_wait3A_111] : memref<10240x64xi32, #tpu.memory_space<hbm>> -> memref<128x64xi32, #tpu.memory_space<hbm>>
    %dma_wait3A_113 = arith.constant 0 : i32
    %dma_wait3A_114 = arith.constant 0 : i32
    %dma_wait3A_115 = tpu.memref_slice %arg10[%dma_wait3A_105, %dma_wait3A_113, %dma_wait3A_114] : memref<2x128x64xi32, #tpu.memory_space<vmem>> -> memref<1x128x64xi32, #tpu.memory_space<vmem>>
    %dma_wait3A_116 = tpu.memref_squeeze %dma_wait3A_115 : memref<1x128x64xi32, #tpu.memory_space<vmem>> -> memref<128x64xi32, #tpu.memory_space<vmem>>
    %dma_wait3A_117 = arith.constant 0 : i32
    %dma_wait3A_118 = arith.constant 0 : i32
    %dma_wait3A_119 = tpu.memref_slice %arg3[%dma_wait3A_117, %dma_wait3A_118] : memref<10240x64xi32, #tpu.memory_space<hbm>> -> memref<128x64xi32, #tpu.memory_space<hbm>>
    tpu.wait_dma2 semaphore(%arg17 : memref<!tpu.dma_semaphore, #tpu.memory_space<semaphore_mem>>) src(%dma_wait3A_119 : memref<128x64xi32, #tpu.memory_space<hbm>>) dst(%dma_wait3A_116 : memref<128x64xi32, #tpu.memory_space<vmem>>)
    %dma_wait3A_120 = arith.constant 0 : i32
    %dma_wait3A_121 = arith.constant 1 : i32
    %dma_wait3A_122 = arith.constant 0 : i32
    %dma_wait3A_123 = arith.constant 0 : i32
    %dma_wait3A_124 = tpu.memref_slice %arg8[%dma_wait3A_121, %dma_wait3A_122, %dma_wait3A_123] : memref<2x2x128xi32, #tpu.memory_space<vmem>> -> memref<1x2x128xi32, #tpu.memory_space<vmem>>
    %dma_wait3A_125 = tpu.memref_squeeze %dma_wait3A_124 : memref<1x2x128xi32, #tpu.memory_space<vmem>> -> memref<2x128xi32, #tpu.memory_space<vmem>>
    %dma_wait3A_126 = arith.constant 0 : i32
    %dma_wait3A_127 = arith.constant 0 : i32
    %dma_wait3A_128 = tpu.memref_slice %arg4[%dma_wait3A_120, %dma_wait3A_126, %dma_wait3A_127] : memref<2562x2x128xi32, #tpu.memory_space<hbm>> -> memref<1x2x128xi32, #tpu.memory_space<hbm>>
    %dma_wait3A_129 = tpu.memref_squeeze %dma_wait3A_128 : memref<1x2x128xi32, #tpu.memory_space<hbm>> -> memref<2x128xi32, #tpu.memory_space<hbm>>
    %dma_wait3A_130 = arith.constant 0 : i32
    %dma_wait3A_131 = arith.constant 0 : i32
    %dma_wait3A_132 = tpu.memref_slice %arg8[%dma_wait3A_121, %dma_wait3A_130, %dma_wait3A_131] : memref<2x2x128xi32, #tpu.memory_space<vmem>> -> memref<1x2x128xi32, #tpu.memory_space<vmem>>
    %dma_wait3A_133 = tpu.memref_squeeze %dma_wait3A_132 : memref<1x2x128xi32, #tpu.memory_space<vmem>> -> memref<2x128xi32, #tpu.memory_space<vmem>>
    %dma_wait3A_134 = arith.constant 0 : i32
    %dma_wait3A_135 = arith.constant 0 : i32
    %dma_wait3A_136 = tpu.memref_slice %arg4[%dma_wait3A_120, %dma_wait3A_134, %dma_wait3A_135] : memref<2562x2x128xi32, #tpu.memory_space<hbm>> -> memref<1x2x128xi32, #tpu.memory_space<hbm>>
    %dma_wait3A_137 = tpu.memref_squeeze %dma_wait3A_136 : memref<1x2x128xi32, #tpu.memory_space<hbm>> -> memref<2x128xi32, #tpu.memory_space<hbm>>
    tpu.wait_dma2 semaphore(%arg14 : memref<!tpu.dma_semaphore, #tpu.memory_space<semaphore_mem>>) src(%dma_wait3A_137 : memref<2x128xi32, #tpu.memory_space<hbm>>) dst(%dma_wait3A_133 : memref<2x128xi32, #tpu.memory_space<vmem>>)
    %dma_wait3A_138 = arith.constant 0 : i32
    %dma_wait3A_139 = arith.constant 0 : i32
    %dma_wait3A_140 = arith.constant 0 : i32
    %dma_wait3A_141 = tpu.memref_slice %arg11[%dma_wait3A_138, %dma_wait3A_139, %dma_wait3A_140] : memref<2x4x128xf32, #tpu.memory_space<vmem>> -> memref<1x4x128xf32, #tpu.memory_space<vmem>>
    %dma_wait3A_142 = tpu.memref_squeeze %dma_wait3A_141 : memref<1x4x128xf32, #tpu.memory_space<vmem>> -> memref<4x128xf32, #tpu.memory_space<vmem>>
    %dma_wait3A_143 = arith.constant 0 : i32
    %dma_wait3A_144 = arith.constant 0 : i32
    %dma_wait3A_145 = tpu.memref_slice %arg5[%dma_wait3A_143, %dma_wait3A_144] : memref<10240x128xf32, #tpu.memory_space<hbm>> -> memref<4x128xf32, #tpu.memory_space<hbm>>
    %dma_wait3A_146 = arith.constant 0 : i32
    %dma_wait3A_147 = arith.constant 0 : i32
    %dma_wait3A_148 = tpu.memref_slice %arg5[%dma_wait3A_146, %dma_wait3A_147] : memref<10240x128xf32, #tpu.memory_space<hbm>> -> memref<4x128xf32, #tpu.memory_space<hbm>>
    %dma_wait3A_149 = arith.constant 0 : i32
    %dma_wait3A_150 = arith.constant 0 : i32
    %dma_wait3A_151 = tpu.memref_slice %arg11[%dma_wait3A_138, %dma_wait3A_149, %dma_wait3A_150] : memref<2x4x128xf32, #tpu.memory_space<vmem>> -> memref<1x4x128xf32, #tpu.memory_space<vmem>>
    %dma_wait3A_152 = tpu.memref_squeeze %dma_wait3A_151 : memref<1x4x128xf32, #tpu.memory_space<vmem>> -> memref<4x128xf32, #tpu.memory_space<vmem>>
    tpu.wait_dma2 semaphore(%arg19 : memref<!tpu.dma_semaphore, #tpu.memory_space<semaphore_mem>>) src(%dma_wait3A_152 : memref<4x128xf32, #tpu.memory_space<vmem>>) dst(%dma_wait3A_148 : memref<4x128xf32, #tpu.memory_space<hbm>>)
    %dma_wait3A_153 = arith.constant 1 : i32
    %dma_wait3A_154 = arith.constant 0 : i32
    %dma_wait3A_155 = arith.constant 0 : i32
    %dma_wait3A_156 = tpu.memref_slice %arg11[%dma_wait3A_153, %dma_wait3A_154, %dma_wait3A_155] : memref<2x4x128xf32, #tpu.memory_space<vmem>> -> memref<1x4x128xf32, #tpu.memory_space<vmem>>
    %dma_wait3A_157 = tpu.memref_squeeze %dma_wait3A_156 : memref<1x4x128xf32, #tpu.memory_space<vmem>> -> memref<4x128xf32, #tpu.memory_space<vmem>>
    %dma_wait3A_158 = arith.constant 0 : i32
    %dma_wait3A_159 = arith.constant 0 : i32
    %dma_wait3A_160 = tpu.memref_slice %arg5[%dma_wait3A_158, %dma_wait3A_159] : memref<10240x128xf32, #tpu.memory_space<hbm>> -> memref<4x128xf32, #tpu.memory_space<hbm>>
    %dma_wait3A_161 = arith.constant 0 : i32
    %dma_wait3A_162 = arith.constant 0 : i32
    %dma_wait3A_163 = tpu.memref_slice %arg5[%dma_wait3A_161, %dma_wait3A_162] : memref<10240x128xf32, #tpu.memory_space<hbm>> -> memref<4x128xf32, #tpu.memory_space<hbm>>
    %dma_wait3A_164 = arith.constant 0 : i32
    %dma_wait3A_165 = arith.constant 0 : i32
    %dma_wait3A_166 = tpu.memref_slice %arg11[%dma_wait3A_153, %dma_wait3A_164, %dma_wait3A_165] : memref<2x4x128xf32, #tpu.memory_space<vmem>> -> memref<1x4x128xf32, #tpu.memory_space<vmem>>
    %dma_wait3A_167 = tpu.memref_squeeze %dma_wait3A_166 : memref<1x4x128xf32, #tpu.memory_space<vmem>> -> memref<4x128xf32, #tpu.memory_space<vmem>>
    tpu.wait_dma2 semaphore(%arg20 : memref<!tpu.dma_semaphore, #tpu.memory_space<semaphore_mem>>) src(%dma_wait3A_167 : memref<4x128xf32, #tpu.memory_space<vmem>>) dst(%dma_wait3A_163 : memref<4x128xf32, #tpu.memory_space<hbm>>)
    %swap3A = arith.constant 0 : i32
    %swap3A_168 = arith.index_cast %swap3A : i32 to index
    %swap3A_169 = arith.constant 0 : index
    %swap3A_170 = tpu.vector_load %arg12[%swap3A_168, %swap3A_169] {strides = array<i32>} : memref<2x128xf32, #tpu.memory_space<vmem>>, vector<1x16xf32>,
    %swap3A_171 = vector.shape_cast %swap3A_170 : vector<1x16xf32> to vector<16xf32>
    %swap3A_172 = vector.shape_cast %scan3A_88#0 : vector<16xf32> to vector<1x16xf32>
    tpu.vector_store %arg12[%swap3A_168, %swap3A_169], %swap3A_172 {strides = array<i32>} : memref<2x128xf32, #tpu.memory_space<vmem>>, vector<1x16xf32>,
    %swap3A_173 = arith.constant 1 : i32
    %swap3A_174 = arith.index_cast %swap3A_173 : i32 to index
    %swap3A_175 = arith.constant 0 : index
    %swap3A_176 = tpu.vector_load %arg12[%swap3A_174, %swap3A_175] {strides = array<i32>} : memref<2x128xf32, #tpu.memory_space<vmem>>, vector<1x16xf32>,
    %swap3A_177 = vector.shape_cast %swap3A_176 : vector<1x16xf32> to vector<16xf32>
    %swap3A_178 = vector.shape_cast %scan3A_88#8 : vector<16xf32> to vector<1x16xf32>
    tpu.vector_store %arg12[%swap3A_174, %swap3A_175], %swap3A_178 {strides = array<i32>} : memref<2x128xf32, #tpu.memory_space<vmem>>, vector<1x16xf32>,
    %swap3A_179 = arith.constant 0 : i32
    %swap3A_180 = arith.index_cast %swap3A_179 : i32 to index
    %swap3A_181 = arith.constant 16 : index
    %swap3A_182 = tpu.vector_load %arg12[%swap3A_180, %swap3A_181] {strides = array<i32>} : memref<2x128xf32, #tpu.memory_space<vmem>>, vector<1x16xf32>,
    %swap3A_183 = vector.shape_cast %swap3A_182 : vector<1x16xf32> to vector<16xf32>
    %swap3A_184 = vector.shape_cast %scan3A_88#1 : vector<16xf32> to vector<1x16xf32>
    tpu.vector_store %arg12[%swap3A_180, %swap3A_181], %swap3A_184 {strides = array<i32>} : memref<2x128xf32, #tpu.memory_space<vmem>>, vector<1x16xf32>,
    %swap3A_185 = arith.constant 1 : i32
    %swap3A_186 = arith.index_cast %swap3A_185 : i32 to index
    %swap3A_187 = arith.constant 16 : index
    %swap3A_188 = tpu.vector_load %arg12[%swap3A_186, %swap3A_187] {strides = array<i32>} : memref<2x128xf32, #tpu.memory_space<vmem>>, vector<1x16xf32>,
    %swap3A_189 = vector.shape_cast %swap3A_188 : vector<1x16xf32> to vector<16xf32>
    %swap3A_190 = vector.shape_cast %scan3A_88#9 : vector<16xf32> to vector<1x16xf32>
    tpu.vector_store %arg12[%swap3A_186, %swap3A_187], %swap3A_190 {strides = array<i32>} : memref<2x128xf32, #tpu.memory_space<vmem>>, vector<1x16xf32>,
    %swap3A_191 = arith.constant 0 : i32
    %swap3A_192 = arith.index_cast %swap3A_191 : i32 to index
    %swap3A_193 = arith.constant 32 : index
    %swap3A_194 = tpu.vector_load %arg12[%swap3A_192, %swap3A_193] {strides = array<i32>} : memref<2x128xf32, #tpu.memory_space<vmem>>, vector<1x16xf32>,
    %swap3A_195 = vector.shape_cast %swap3A_194 : vector<1x16xf32> to vector<16xf32>
    %swap3A_196 = vector.shape_cast %scan3A_88#2 : vector<16xf32> to vector<1x16xf32>
    tpu.vector_store %arg12[%swap3A_192, %swap3A_193], %swap3A_196 {strides = array<i32>} : memref<2x128xf32, #tpu.memory_space<vmem>>, vector<1x16xf32>,
    %swap3A_197 = arith.constant 1 : i32
    %swap3A_198 = arith.index_cast %swap3A_197 : i32 to index
    %swap3A_199 = arith.constant 32 : index
    %swap3A_200 = tpu.vector_load %arg12[%swap3A_198, %swap3A_199] {strides = array<i32>} : memref<2x128xf32, #tpu.memory_space<vmem>>, vector<1x16xf32>,
    %swap3A_201 = vector.shape_cast %swap3A_200 : vector<1x16xf32> to vector<16xf32>
    %swap3A_202 = vector.shape_cast %scan3A_88#10 : vector<16xf32> to vector<1x16xf32>
    tpu.vector_store %arg12[%swap3A_198, %swap3A_199], %swap3A_202 {strides = array<i32>} : memref<2x128xf32, #tpu.memory_space<vmem>>, vector<1x16xf32>,
    %swap3A_203 = arith.constant 0 : i32
    %swap3A_204 = arith.index_cast %swap3A_203 : i32 to index
    %swap3A_205 = arith.constant 48 : index
    %swap3A_206 = tpu.vector_load %arg12[%swap3A_204, %swap3A_205] {strides = array<i32>} : memref<2x128xf32, #tpu.memory_space<vmem>>, vector<1x16xf32>,
    %swap3A_207 = vector.shape_cast %swap3A_206 : vector<1x16xf32> to vector<16xf32>
    %swap3A_208 = vector.shape_cast %scan3A_88#3 : vector<16xf32> to vector<1x16xf32>
    tpu.vector_store %arg12[%swap3A_204, %swap3A_205], %swap3A_208 {strides = array<i32>} : memref<2x128xf32, #tpu.memory_space<vmem>>, vector<1x16xf32>,
    %swap3A_209 = arith.constant 1 : i32
    %swap3A_210 = arith.index_cast %swap3A_209 : i32 to index
    %swap3A_211 = arith.constant 48 : index
    %swap3A_212 = tpu.vector_load %arg12[%swap3A_210, %swap3A_211] {strides = array<i32>} : memref<2x128xf32, #tpu.memory_space<vmem>>, vector<1x16xf32>,
    %swap3A_213 = vector.shape_cast %swap3A_212 : vector<1x16xf32> to vector<16xf32>
    %swap3A_214 = vector.shape_cast %scan3A_88#11 : vector<16xf32> to vector<1x16xf32>
    tpu.vector_store %arg12[%swap3A_210, %swap3A_211], %swap3A_214 {strides = array<i32>} : memref<2x128xf32, #tpu.memory_space<vmem>>, vector<1x16xf32>,
    %swap3A_215 = arith.constant 0 : i32
    %swap3A_216 = arith.index_cast %swap3A_215 : i32 to index
    %swap3A_217 = arith.constant 64 : index
    %swap3A_218 = tpu.vector_load %arg12[%swap3A_216, %swap3A_217] {strides = array<i32>} : memref<2x128xf32, #tpu.memory_space<vmem>>, vector<1x16xf32>,
    %swap3A_219 = vector.shape_cast %swap3A_218 : vector<1x16xf32> to vector<16xf32>
    %swap3A_220 = vector.shape_cast %scan3A_88#4 : vector<16xf32> to vector<1x16xf32>
    tpu.vector_store %arg12[%swap3A_216, %swap3A_217], %swap3A_220 {strides = array<i32>} : memref<2x128xf32, #tpu.memory_space<vmem>>, vector<1x16xf32>,
    %swap3A_221 = arith.constant 1 : i32
    %swap3A_222 = arith.index_cast %swap3A_221 : i32 to index
    %swap3A_223 = arith.constant 64 : index
    %swap3A_224 = tpu.vector_load %arg12[%swap3A_222, %swap3A_223] {strides = array<i32>} : memref<2x128xf32, #tpu.memory_space<vmem>>, vector<1x16xf32>,
    %swap3A_225 = vector.shape_cast %swap3A_224 : vector<1x16xf32> to vector<16xf32>
    %swap3A_226 = vector.shape_cast %scan3A_88#12 : vector<16xf32> to vector<1x16xf32>
    tpu.vector_store %arg12[%swap3A_222, %swap3A_223], %swap3A_226 {strides = array<i32>} : memref<2x128xf32, #tpu.memory_space<vmem>>, vector<1x16xf32>,
    %swap3A_227 = arith.constant 0 : i32
    %swap3A_228 = arith.index_cast %swap3A_227 : i32 to index
    %swap3A_229 = arith.constant 80 : index
    %swap3A_230 = tpu.vector_load %arg12[%swap3A_228, %swap3A_229] {strides = array<i32>} : memref<2x128xf32, #tpu.memory_space<vmem>>, vector<1x16xf32>,
    %swap3A_231 = vector.shape_cast %swap3A_230 : vector<1x16xf32> to vector<16xf32>
    %swap3A_232 = vector.shape_cast %scan3A_88#5 : vector<16xf32> to vector<1x16xf32>
    tpu.vector_store %arg12[%swap3A_228, %swap3A_229], %swap3A_232 {strides = array<i32>} : memref<2x128xf32, #tpu.memory_space<vmem>>, vector<1x16xf32>,
    %swap3A_233 = arith.constant 1 : i32
    %swap3A_234 = arith.index_cast %swap3A_233 : i32 to index
    %swap3A_235 = arith.constant 80 : index
    %swap3A_236 = tpu.vector_load %arg12[%swap3A_234, %swap3A_235] {strides = array<i32>} : memref<2x128xf32, #tpu.memory_space<vmem>>, vector<1x16xf32>,
    %swap3A_237 = vector.shape_cast %swap3A_236 : vector<1x16xf32> to vector<16xf32>
    %swap3A_238 = vector.shape_cast %scan3A_88#13 : vector<16xf32> to vector<1x16xf32>
    tpu.vector_store %arg12[%swap3A_234, %swap3A_235], %swap3A_238 {strides = array<i32>} : memref<2x128xf32, #tpu.memory_space<vmem>>, vector<1x16xf32>,
    %swap3A_239 = arith.constant 0 : i32
    %swap3A_240 = arith.index_cast %swap3A_239 : i32 to index
    %swap3A_241 = arith.constant 96 : index
    %swap3A_242 = tpu.vector_load %arg12[%swap3A_240, %swap3A_241] {strides = array<i32>} : memref<2x128xf32, #tpu.memory_space<vmem>>, vector<1x16xf32>,
    %swap3A_243 = vector.shape_cast %swap3A_242 : vector<1x16xf32> to vector<16xf32>
    %swap3A_244 = vector.shape_cast %scan3A_88#6 : vector<16xf32> to vector<1x16xf32>
    tpu.vector_store %arg12[%swap3A_240, %swap3A_241], %swap3A_244 {strides = array<i32>} : memref<2x128xf32, #tpu.memory_space<vmem>>, vector<1x16xf32>,
    %swap3A_245 = arith.constant 1 : i32
    %swap3A_246 = arith.index_cast %swap3A_245 : i32 to index
    %swap3A_247 = arith.constant 96 : index
    %swap3A_248 = tpu.vector_load %arg12[%swap3A_246, %swap3A_247] {strides = array<i32>} : memref<2x128xf32, #tpu.memory_space<vmem>>, vector<1x16xf32>,
    %swap3A_249 = vector.shape_cast %swap3A_248 : vector<1x16xf32> to vector<16xf32>
    %swap3A_250 = vector.shape_cast %scan3A_88#14 : vector<16xf32> to vector<1x16xf32>
    tpu.vector_store %arg12[%swap3A_246, %swap3A_247], %swap3A_250 {strides = array<i32>} : memref<2x128xf32, #tpu.memory_space<vmem>>, vector<1x16xf32>,
    %swap3A_251 = arith.constant 0 : i32
    %swap3A_252 = arith.index_cast %swap3A_251 : i32 to index
    %swap3A_253 = arith.constant 112 : index
    %swap3A_254 = tpu.vector_load %arg12[%swap3A_252, %swap3A_253] {strides = array<i32>} : memref<2x128xf32, #tpu.memory_space<vmem>>, vector<1x16xf32>,
    %swap3A_255 = vector.shape_cast %swap3A_254 : vector<1x16xf32> to vector<16xf32>
    %swap3A_256 = vector.shape_cast %scan3A_88#7 : vector<16xf32> to vector<1x16xf32>
    tpu.vector_store %arg12[%swap3A_252, %swap3A_253], %swap3A_256 {strides = array<i32>} : memref<2x128xf32, #tpu.memory_space<vmem>>, vector<1x16xf32>,
    %swap3A_257 = arith.constant 1 : i32
    %swap3A_258 = arith.index_cast %swap3A_257 : i32 to index
    %swap3A_259 = arith.constant 112 : index
    %swap3A_260 = tpu.vector_load %arg12[%swap3A_258, %swap3A_259] {strides = array<i32>} : memref<2x128xf32, #tpu.memory_space<vmem>>, vector<1x16xf32>,
    %swap3A_261 = vector.shape_cast %swap3A_260 : vector<1x16xf32> to vector<16xf32>
    %swap3A_262 = vector.shape_cast %scan3A_88#15 : vector<16xf32> to vector<1x16xf32>
    tpu.vector_store %arg12[%swap3A_258, %swap3A_259], %swap3A_262 {strides = array<i32>} : memref<2x128xf32, #tpu.memory_space<vmem>>, vector<1x16xf32>,
    %run_scoped3A = arith.constant 0 : i32
    "tpu.region"() ({
      %run_scoped3A_264 = tpu.sem_alloc : memref<!tpu.dma_semaphore, #tpu.memory_space<semaphore_mem>>
      %dma_start3A_265 = arith.constant 0 : i32
      %dma_start3A_266 = tpu.memref_slice %arg12[%run_scoped3A, %dma_start3A_265] : memref<2x128xf32, #tpu.memory_space<vmem>> -> memref<1x128xf32, #tpu.memory_space<vmem>>
      %dma_start3A_267 = tpu.memref_squeeze %dma_start3A_266 : memref<1x128xf32, #tpu.memory_space<vmem>> -> memref<128xf32, #tpu.memory_space<vmem>>
      %dma_start3A_268 = arith.constant 0 : i32
      %dma_start3A_269 = tpu.memref_slice %arg6[%add3A, %dma_start3A_268] : memref<32x128xf32, #tpu.memory_space<hbm>> -> memref<1x128xf32, #tpu.memory_space<hbm>>
      %dma_start3A_270 = tpu.memref_squeeze %dma_start3A_269 : memref<1x128xf32, #tpu.memory_space<hbm>> -> memref<128xf32, #tpu.memory_space<hbm>>
      %dma_start3A_271 = arith.constant 0 : i32
      %dma_start3A_272 = tpu.memref_slice %arg6[%add3A, %dma_start3A_271] : memref<32x128xf32, #tpu.memory_space<hbm>> -> memref<1x128xf32, #tpu.memory_space<hbm>>
      %dma_start3A_273 = tpu.memref_squeeze %dma_start3A_272 : memref<1x128xf32, #tpu.memory_space<hbm>> -> memref<128xf32, #tpu.memory_space<hbm>>
      %dma_start3A_274 = arith.constant 0 : i32
      %dma_start3A_275 = tpu.memref_slice %arg12[%run_scoped3A, %dma_start3A_274] : memref<2x128xf32, #tpu.memory_space<vmem>> -> memref<1x128xf32, #tpu.memory_space<vmem>>
      %dma_start3A_276 = tpu.memref_squeeze %dma_start3A_275 : memref<1x128xf32, #tpu.memory_space<vmem>> -> memref<128xf32, #tpu.memory_space<vmem>>
      tpu.enqueue_dma source(%dma_start3A_276 : memref<128xf32, #tpu.memory_space<vmem>>) target(%dma_start3A_273 : memref<128xf32, #tpu.memory_space<hbm>>) target_semaphore(%run_scoped3A_264 : memref<!tpu.dma_semaphore, #tpu.memory_space<semaphore_mem>>)
      %dma_wait3A_277 = arith.constant 0 : i32
      %dma_wait3A_278 = tpu.memref_slice %arg12[%run_scoped3A, %dma_wait3A_277] : memref<2x128xf32, #tpu.memory_space<vmem>> -> memref<1x128xf32, #tpu.memory_space<vmem>>
      %dma_wait3A_279 = tpu.memref_squeeze %dma_wait3A_278 : memref<1x128xf32, #tpu.memory_space<vmem>> -> memref<128xf32, #tpu.memory_space<vmem>>
      %dma_wait3A_280 = arith.constant 0 : i32
      %dma_wait3A_281 = tpu.memref_slice %arg6[%add3A, %dma_wait3A_280] : memref<32x128xf32, #tpu.memory_space<hbm>> -> memref<1x128xf32, #tpu.memory_space<hbm>>
      %dma_wait3A_282 = tpu.memref_squeeze %dma_wait3A_281 : memref<1x128xf32, #tpu.memory_space<hbm>> -> memref<128xf32, #tpu.memory_space<hbm>>
      %dma_wait3A_283 = arith.constant 0 : i32
      %dma_wait3A_284 = tpu.memref_slice %arg6[%add3A, %dma_wait3A_283] : memref<32x128xf32, #tpu.memory_space<hbm>> -> memref<1x128xf32, #tpu.memory_space<hbm>>
      %dma_wait3A_285 = tpu.memref_squeeze %dma_wait3A_284 : memref<1x128xf32, #tpu.memory_space<hbm>> -> memref<128xf32, #tpu.memory_space<hbm>>
      %dma_wait3A_286 = arith.constant 0 : i32
      %dma_wait3A_287 = tpu.memref_slice %arg12[%run_scoped3A, %dma_wait3A_286] : memref<2x128xf32, #tpu.memory_space<vmem>> -> memref<1x128xf32, #tpu.memory_space<vmem>>
      %dma_wait3A_288 = tpu.memref_squeeze %dma_wait3A_287 : memref<1x128xf32, #tpu.memory_space<vmem>> -> memref<128xf32, #tpu.memory_space<vmem>>
      tpu.wait_dma2 semaphore(%run_scoped3A_264 : memref<!tpu.dma_semaphore, #tpu.memory_space<semaphore_mem>>) src(%dma_wait3A_288 : memref<128xf32, #tpu.memory_space<vmem>>) dst(%dma_wait3A_285 : memref<128xf32, #tpu.memory_space<hbm>>)
      tpu.yield
    }) : () -> ()
    %run_scoped3A_263 = arith.constant 1 : i32
    "tpu.region"() ({
      %run_scoped3A_264 = tpu.sem_alloc : memref<!tpu.dma_semaphore, #tpu.memory_space<semaphore_mem>>
      %dma_start3A_265 = arith.constant 0 : i32
      %dma_start3A_266 = tpu.memref_slice %arg12[%run_scoped3A_263, %dma_start3A_265] : memref<2x128xf32, #tpu.memory_space<vmem>> -> memref<1x128xf32, #tpu.memory_space<vmem>>
      %dma_start3A_267 = tpu.memref_squeeze %dma_start3A_266 : memref<1x128xf32, #tpu.memory_space<vmem>> -> memref<128xf32, #tpu.memory_space<vmem>>
      %dma_start3A_268 = arith.constant 0 : i32
      %dma_start3A_269 = tpu.memref_slice %arg7[%add3A, %dma_start3A_268] : memref<32x128xf32, #tpu.memory_space<hbm>> -> memref<1x128xf32, #tpu.memory_space<hbm>>
      %dma_start3A_270 = tpu.memref_squeeze %dma_start3A_269 : memref<1x128xf32, #tpu.memory_space<hbm>> -> memref<128xf32, #tpu.memory_space<hbm>>
      %dma_start3A_271 = arith.constant 0 : i32
      %dma_start3A_272 = tpu.memref_slice %arg7[%add3A, %dma_start3A_271] : memref<32x128xf32, #tpu.memory_space<hbm>> -> memref<1x128xf32, #tpu.memory_space<hbm>>
      %dma_start3A_273 = tpu.memref_squeeze %dma_start3A_272 : memref<1x128xf32, #tpu.memory_space<hbm>> -> memref<128xf32, #tpu.memory_space<hbm>>
      %dma_start3A_274 = arith.constant 0 : i32
      %dma_start3A_275 = tpu.memref_slice %arg12[%run_scoped3A_263, %dma_start3A_274] : memref<2x128xf32, #tpu.memory_space<vmem>> -> memref<1x128xf32, #tpu.memory_space<vmem>>
      %dma_start3A_276 = tpu.memref_squeeze %dma_start3A_275 : memref<1x128xf32, #tpu.memory_space<vmem>> -> memref<128xf32, #tpu.memory_space<vmem>>
      tpu.enqueue_dma source(%dma_start3A_276 : memref<128xf32, #tpu.memory_space<vmem>>) target(%dma_start3A_273 : memref<128xf32, #tpu.memory_space<hbm>>) target_semaphore(%run_scoped3A_264 : memref<!tpu.dma_semaphore, #tpu.memory_space<semaphore_mem>>)
      %dma_wait3A_277 = arith.constant 0 : i32
      %dma_wait3A_278 = tpu.memref_slice %arg12[%run_scoped3A_263, %dma_wait3A_277] : memref<2x128xf32, #tpu.memory_space<vmem>> -> memref<1x128xf32, #tpu.memory_space<vmem>>
      %dma_wait3A_279 = tpu.memref_squeeze %dma_wait3A_278 : memref<1x128xf32, #tpu.memory_space<vmem>> -> memref<128xf32, #tpu.memory_space<vmem>>
      %dma_wait3A_280 = arith.constant 0 : i32
      %dma_wait3A_281 = tpu.memref_slice %arg7[%add3A, %dma_wait3A_280] : memref<32x128xf32, #tpu.memory_space<hbm>> -> memref<1x128xf32, #tpu.memory_space<hbm>>
      %dma_wait3A_282 = tpu.memref_squeeze %dma_wait3A_281 : memref<1x128xf32, #tpu.memory_space<hbm>> -> memref<128xf32, #tpu.memory_space<hbm>>
      %dma_wait3A_283 = arith.constant 0 : i32
      %dma_wait3A_284 = tpu.memref_slice %arg7[%add3A, %dma_wait3A_283] : memref<32x128xf32, #tpu.memory_space<hbm>> -> memref<1x128xf32, #tpu.memory_space<hbm>>
      %dma_wait3A_285 = tpu.memref_squeeze %dma_wait3A_284 : memref<1x128xf32, #tpu.memory_space<hbm>> -> memref<128xf32, #tpu.memory_space<hbm>>
      %dma_wait3A_286 = arith.constant 0 : i32
      %dma_wait3A_287 = tpu.memref_slice %arg12[%run_scoped3A_263, %dma_wait3A_286] : memref<2x128xf32, #tpu.memory_space<vmem>> -> memref<1x128xf32, #tpu.memory_space<vmem>>
      %dma_wait3A_288 = tpu.memref_squeeze %dma_wait3A_287 : memref<1x128xf32, #tpu.memory_space<vmem>> -> memref<128xf32, #tpu.memory_space<vmem>>
      tpu.wait_dma2 semaphore(%run_scoped3A_264 : memref<!tpu.dma_semaphore, #tpu.memory_space<semaphore_mem>>) src(%dma_wait3A_288 : memref<128xf32, #tpu.memory_space<vmem>>) dst(%dma_wait3A_285 : memref<128xf32, #tpu.memory_space<hbm>>)
      tpu.yield
    }) : () -> ()
    return
  }
}

module attributes {stable_mosaic.version = 14 : i64} {
  func.func @_table_body(%arg0: i32, %arg1: memref<128x2048xf32, #tpu.memory_space<vmem>>, %arg2: memref<128x256xf32, #tpu.memory_space<vmem>>, %arg3: memref<128x256xf32, #tpu.memory_space<vmem>>, %arg4: memref<2048x128xbf16, #tpu.memory_space<vmem>>, %arg5: memref<2048x128xbf16, #tpu.memory_space<vmem>>, %arg6: memref<8x128xf32, #tpu.memory_space<vmem>>, %arg7: memref<8x128xf32, #tpu.memory_space<vmem>>) attributes {dimension_semantics = [#tpu.dimension_semantics<arbitrary>], iteration_bounds = array<i64: 5>, scalar_prefetch = 0 : i64, scratch_operands = 0 : i64, tpu.core_type = #tpu.core_type<tc>, window_params = [{transform_indices = @transform_0, window_bounds = array<i64: 128, 2048>}, {pipeline_mode = #tpu.pipeline_mode<synchronous>, transform_indices = @transform_1, window_bounds = array<i64: 128, 256>}, {pipeline_mode = #tpu.pipeline_mode<synchronous>, transform_indices = @transform_2, window_bounds = array<i64: 128, 256>}, {transform_indices = @transform_3, window_bounds = array<i64: 2048, 128>}, {transform_indices = @transform_4, window_bounds = array<i64: 2048, 128>}, {pipeline_mode = #tpu.pipeline_mode<synchronous>, transform_indices = @transform_5, window_bounds = array<i64: 8, 128>}, {pipeline_mode = #tpu.pipeline_mode<synchronous>, transform_indices = @transform_6, window_bounds = array<i64: 8, 128>}]} {
    %get3A = arith.constant 0 : index
    %get3A_0 = arith.constant 0 : index
    %get3A_1 = vector.load %arg3[%get3A, %get3A_0] : memref<128x256xf32, #tpu.memory_space<vmem>>, vector<128x128xf32>
    %get3A_2 = arith.constant 0 : index
    %get3A_3 = arith.constant 128 : index
    %get3A_4 = vector.load %arg3[%get3A_2, %get3A_3] : memref<128x256xf32, #tpu.memory_space<vmem>>, vector<128x128xf32>
    %get3A_5 = arith.constant 0 : index
    %get3A_6 = arith.constant 0 : index
    %get3A_7 = vector.load %arg1[%get3A_5, %get3A_6] : memref<128x2048xf32, #tpu.memory_space<vmem>>, vector<128x2048xf32>
    %sub3A = arith.subf %get3A_1, %get3A_4 : vector<128x128xf32>
    %dot_general3A = arith.constant dense<0.000000e+00> : vector<2048x128xf32>
    %dot_general3A_8 = tpu.matmul %get3A_7, %sub3A, %dot_general3A {dimension_numbers = #tpu.dot_dimension_numbers<[0], [1], [1], [0], [0, 1, 1, 0], [], []>, transpose_lhs_hint = false} : vector<128x2048xf32>, vector<128x128xf32>, vector<2048x128xf32> -> vector<2048x128xf32>
    %dot_general3A_9 = arith.constant dense<0.000000e+00> : vector<2048x128xf32>
    %dot_general3A_10 = tpu.matmul %get3A_7, %get3A_4, %dot_general3A_9 {dimension_numbers = #tpu.dot_dimension_numbers<[0], [1], [1], [0], [0, 1, 1, 0], [], []>, transpose_lhs_hint = false} : vector<128x2048xf32>, vector<128x128xf32>, vector<2048x128xf32> -> vector<2048x128xf32>
    %convert_element_type3A = arith.truncf %dot_general3A_8 : vector<2048x128xf32> to vector<2048x128xbf16>
    %swap3A = arith.constant 0 : index
    %swap3A_11 = arith.constant 0 : index
    %swap3A_12 = vector.load %arg4[%swap3A, %swap3A_11] : memref<2048x128xbf16, #tpu.memory_space<vmem>>, vector<2048x128xbf16>
    tpu.vector_store %arg4[%swap3A, %swap3A_11], %convert_element_type3A {strides = array<i32>} : memref<2048x128xbf16, #tpu.memory_space<vmem>>, vector<2048x128xbf16>,
    %convert_element_type3A_13 = arith.truncf %dot_general3A_10 : vector<2048x128xf32> to vector<2048x128xbf16>
    %swap3A_14 = arith.constant 0 : index
    %swap3A_15 = arith.constant 0 : index
    %swap3A_16 = vector.load %arg5[%swap3A_14, %swap3A_15] : memref<2048x128xbf16, #tpu.memory_space<vmem>>, vector<2048x128xbf16>
    tpu.vector_store %arg5[%swap3A_14, %swap3A_15], %convert_element_type3A_13 {strides = array<i32>} : memref<2048x128xbf16, #tpu.memory_space<vmem>>, vector<2048x128xbf16>,
    %eq3A = arith.constant 0 : i32
    %eq3A_17 = arith.cmpi eq, %arg0, %eq3A : i32
    %convert_element_type3A_18 = arith.extui %eq3A_17 : i1 to i32
    %cond3A = arith.constant 0 : i32
    %cond3A_19 = arith.cmpi ne, %convert_element_type3A_18, %cond3A : i32
    scf.if %cond3A_19 {
      %get3A_20 = arith.constant 0 : index
      %get3A_21 = arith.constant 0 : index
      %get3A_22 = vector.load %arg2[%get3A_20, %get3A_21] : memref<128x256xf32, #tpu.memory_space<vmem>>, vector<128x128xf32>
      %get3A_23 = arith.constant 0 : index
      %get3A_24 = arith.constant 128 : index
      %get3A_25 = vector.load %arg2[%get3A_23, %get3A_24] : memref<128x256xf32, #tpu.memory_space<vmem>>, vector<128x128xf32>
      %get3A_26 = arith.constant 0 : index
      %get3A_27 = arith.constant 0 : index
      %get3A_28 = vector.load %arg1[%get3A_26, %get3A_27] : memref<128x2048xf32, #tpu.memory_space<vmem>>, vector<128x8xf32>
      %sub3A_29 = arith.subf %get3A_22, %get3A_25 : vector<128x128xf32>
      %dot_general3A_30 = arith.constant dense<0.000000e+00> : vector<8x128xf32>
      %dot_general3A_31 = tpu.matmul %get3A_28, %sub3A_29, %dot_general3A_30 {dimension_numbers = #tpu.dot_dimension_numbers<[0], [1], [1], [0], [0, 1, 1, 0], [], []>, transpose_lhs_hint = false} : vector<128x8xf32>, vector<128x128xf32>, vector<8x128xf32> -> vector<8x128xf32>
      %swap3A_32 = arith.constant 0 : index
      %swap3A_33 = arith.constant 0 : index
      %swap3A_34 = vector.load %arg6[%swap3A_32, %swap3A_33] : memref<8x128xf32, #tpu.memory_space<vmem>>, vector<8x128xf32>
      tpu.vector_store %arg6[%swap3A_32, %swap3A_33], %dot_general3A_31 {strides = array<i32>} : memref<8x128xf32, #tpu.memory_space<vmem>>, vector<8x128xf32>,
      %dot_general3A_35 = arith.constant dense<0.000000e+00> : vector<8x128xf32>
      %dot_general3A_36 = tpu.matmul %get3A_28, %get3A_25, %dot_general3A_35 {dimension_numbers = #tpu.dot_dimension_numbers<[0], [1], [1], [0], [0, 1, 1, 0], [], []>, transpose_lhs_hint = false} : vector<128x8xf32>, vector<128x128xf32>, vector<8x128xf32> -> vector<8x128xf32>
      %swap3A_37 = arith.constant 0 : index
      %swap3A_38 = arith.constant 0 : index
      %swap3A_39 = vector.load %arg7[%swap3A_37, %swap3A_38] : memref<8x128xf32, #tpu.memory_space<vmem>>, vector<8x128xf32>
      tpu.vector_store %arg7[%swap3A_37, %swap3A_38], %dot_general3A_36 {strides = array<i32>} : memref<8x128xf32, #tpu.memory_space<vmem>>, vector<8x128xf32>,
    } else {
    }
    return
  }
  func.func @transform_0(%arg0: i32) -> (i32, i32) {
    %c0_i32 = arith.constant 0 : i32
    %c0_i32_0 = arith.constant 0 : i32
    return %c0_i32, %arg0 : i32, i32
  }
  func.func @transform_1(%arg0: i32) -> (i32, i32) {
    %c0_i32 = arith.constant 0 : i32
    %c0_i32_0 = arith.constant 0 : i32
    %c0_i32_1 = arith.constant 0 : i32
    return %c0_i32, %c0_i32_0 : i32, i32
  }
  func.func @transform_2(%arg0: i32) -> (i32, i32) {
    %c0_i32 = arith.constant 0 : i32
    %c0_i32_0 = arith.constant 0 : i32
    %c0_i32_1 = arith.constant 0 : i32
    return %c0_i32, %c0_i32_0 : i32, i32
  }
  func.func @transform_3(%arg0: i32) -> (i32, i32) {
    %c0_i32 = arith.constant 0 : i32
    %c0_i32_0 = arith.constant 0 : i32
    return %arg0, %c0_i32 : i32, i32
  }
  func.func @transform_4(%arg0: i32) -> (i32, i32) {
    %c0_i32 = arith.constant 0 : i32
    %c0_i32_0 = arith.constant 0 : i32
    return %arg0, %c0_i32 : i32, i32
  }
  func.func @transform_5(%arg0: i32) -> (i32, i32) {
    %c0_i32 = arith.constant 0 : i32
    %c0_i32_0 = arith.constant 0 : i32
    %c0_i32_1 = arith.constant 0 : i32
    return %c0_i32, %c0_i32_0 : i32, i32
  }
  func.func @transform_6(%arg0: i32) -> (i32, i32) {
    %c0_i32 = arith.constant 0 : i32
    %c0_i32_0 = arith.constant 0 : i32
    %c0_i32_1 = arith.constant 0 : i32
    return %c0_i32, %c0_i32_0 : i32, i32
  }
}

module attributes {stable_mosaic.version = 14 : i64} {
  func.func @_epilogue_body(%arg0: i32, %arg1: memref<2048x128xf32, #tpu.memory_space<vmem>>, %arg2: memref<32x128xf32, #tpu.memory_space<vmem>>, %arg3: memref<32x128xf32, #tpu.memory_space<vmem>>, %arg4: memref<8x128xf32, #tpu.memory_space<vmem>>, %arg5: memref<8x128xf32, #tpu.memory_space<vmem>>, %arg6: memref<1x128xf32, #tpu.memory_space<vmem>>, %arg7: memref<1x128xf32, #tpu.memory_space<vmem>>, %arg8: memref<128x2048xf32, #tpu.memory_space<vmem>>) attributes {dimension_semantics = [#tpu.dimension_semantics<arbitrary>], iteration_bounds = array<i64: 5>, scalar_prefetch = 0 : i64, scratch_operands = 0 : i64, tpu.core_type = #tpu.core_type<tc>, window_params = [{transform_indices = @transform_0, window_bounds = array<i64: 2048, 128>}, {pipeline_mode = #tpu.pipeline_mode<synchronous>, transform_indices = @transform_1, window_bounds = array<i64: 32, 128>}, {pipeline_mode = #tpu.pipeline_mode<synchronous>, transform_indices = @transform_2, window_bounds = array<i64: 32, 128>}, {pipeline_mode = #tpu.pipeline_mode<synchronous>, transform_indices = @transform_3, window_bounds = array<i64: 8, 128>}, {pipeline_mode = #tpu.pipeline_mode<synchronous>, transform_indices = @transform_4, window_bounds = array<i64: 8, 128>}, {pipeline_mode = #tpu.pipeline_mode<synchronous>, transform_indices = @transform_5, window_bounds = array<i64: 1, 128>}, {pipeline_mode = #tpu.pipeline_mode<synchronous>, transform_indices = @transform_6, window_bounds = array<i64: 1, 128>}, {transform_indices = @transform_7, window_bounds = array<i64: 128, 2048>}]} {
    %get3A = arith.constant 0 : index
    %get3A_0 = arith.constant 0 : index
    %get3A_1 = vector.load %arg2[%get3A, %get3A_0] : memref<32x128xf32, #tpu.memory_space<vmem>>, vector<32x128xf32>
    %reduce_sum3A = arith.constant dense<0.000000e+00> : vector<128xf32>
    %reduce_sum3A_2 = vector.multi_reduction <add>, %get3A_1, %reduce_sum3A [0] : vector<32x128xf32> to vector<128xf32>
    %broadcast_in_dim3A = vector.shape_cast %reduce_sum3A_2 : vector<128xf32> to vector<1x128xf32>
    %get3A_3 = arith.constant 0 : index
    %get3A_4 = arith.constant 0 : index
    %get3A_5 = vector.load %arg3[%get3A_3, %get3A_4] : memref<32x128xf32, #tpu.memory_space<vmem>>, vector<32x128xf32>
    %reduce_sum3A_6 = arith.constant dense<0.000000e+00> : vector<128xf32>
    %reduce_sum3A_7 = vector.multi_reduction <add>, %get3A_5, %reduce_sum3A_6 [0] : vector<32x128xf32> to vector<128xf32>
    %broadcast_in_dim3A_8 = vector.shape_cast %reduce_sum3A_7 : vector<128xf32> to vector<1x128xf32>
    %get3A_9 = arith.constant 0 : index
    %get3A_10 = arith.constant 0 : index
    %get3A_11 = vector.load %arg4[%get3A_9, %get3A_10] : memref<8x128xf32, #tpu.memory_space<vmem>>, vector<1x128xf32>
    %get3A_12 = arith.constant 0 : index
    %get3A_13 = arith.constant 0 : index
    %get3A_14 = vector.load %arg5[%get3A_12, %get3A_13] : memref<8x128xf32, #tpu.memory_space<vmem>>, vector<1x128xf32>
    %add3A = arith.addf %get3A_11, %get3A_14 : vector<1x128xf32>
    %mul3A = arith.constant 7.680000e+03 : f32
    %mul3A_15 = vector.broadcast %mul3A : f32 to vector<1x128xf32>
    %mul3A_16 = arith.mulf %mul3A_15, %add3A : vector<1x128xf32>
    %sub3A = arith.subf %broadcast_in_dim3A, %mul3A_16 : vector<1x128xf32>
    %mul3A_17 = arith.constant 7.680000e+03 : f32
    %mul3A_18 = vector.broadcast %mul3A_17 : f32 to vector<1x128xf32>
    %mul3A_19 = arith.mulf %mul3A_18, %add3A : vector<1x128xf32>
    %mul3A_20 = arith.mulf %mul3A_19, %add3A : vector<1x128xf32>
    %sub3A_21 = arith.subf %broadcast_in_dim3A_8, %mul3A_20 : vector<1x128xf32>
    %div3A = arith.constant 3.200000e+05 : f32
    %div3A_22 = vector.broadcast %div3A : f32 to vector<1x128xf32>
    %div3A_23 = arith.divf %sub3A, %div3A_22 : vector<1x128xf32>
    %div3A_24 = arith.constant 3.200000e+05 : f32
    %div3A_25 = vector.broadcast %div3A_24 : f32 to vector<1x128xf32>
    %div3A_26 = arith.divf %sub3A_21, %div3A_25 : vector<1x128xf32>
    %mul3A_27 = arith.mulf %div3A_23, %div3A_23 : vector<1x128xf32>
    %sub3A_28 = arith.subf %div3A_26, %mul3A_27 : vector<1x128xf32>
    %get3A_29 = arith.constant 0 : index
    %get3A_30 = arith.constant 0 : index
    %get3A_31 = vector.load %arg6[%get3A_29, %get3A_30] : memref<1x128xf32, #tpu.memory_space<vmem>>, vector<1x128xf32>
    %add3A_32 = arith.constant 9.99999974E-6 : f32
    %add3A_33 = vector.broadcast %add3A_32 : f32 to vector<1x128xf32>
    %add3A_34 = arith.addf %sub3A_28, %add3A_33 : vector<1x128xf32>
    %rsqrt3A = math.rsqrt %add3A_34 : vector<1x128xf32>
    %mul3A_35 = arith.mulf %get3A_31, %rsqrt3A : vector<1x128xf32>
    %get3A_36 = arith.constant 0 : index
    %get3A_37 = arith.constant 0 : index
    %get3A_38 = vector.load %arg7[%get3A_36, %get3A_37] : memref<1x128xf32, #tpu.memory_space<vmem>>, vector<1x128xf32>
    %mul3A_39 = arith.mulf %div3A_23, %mul3A_35 : vector<1x128xf32>
    %sub3A_40 = arith.subf %get3A_38, %mul3A_39 : vector<1x128xf32>
    %get3A_41 = arith.constant 0 : index
    %get3A_42 = arith.constant 0 : index
    %get3A_43 = vector.load %arg1[%get3A_41, %get3A_42] : memref<2048x128xf32, #tpu.memory_space<vmem>>, vector<2048x128xf32>
    %mul3A_44 = vector.broadcast %mul3A_35 : vector<1x128xf32> to vector<2048x128xf32>
    %mul3A_45 = arith.mulf %get3A_43, %mul3A_44 : vector<2048x128xf32>
    %add3A_46 = vector.broadcast %sub3A_40 : vector<1x128xf32> to vector<2048x128xf32>
    %add3A_47 = arith.addf %mul3A_45, %add3A_46 : vector<2048x128xf32>
    %gt3A = arith.constant 0.000000e+00 : f32
    %gt3A_48 = vector.broadcast %gt3A : f32 to vector<2048x128xf32>
    %gt3A_49 = arith.cmpf ogt, %add3A_47, %gt3A_48 : vector<2048x128xf32>
    %mul3A_50 = arith.constant 2.000000e-01 : f32
    %mul3A_51 = vector.broadcast %mul3A_50 : f32 to vector<2048x128xf32>
    %mul3A_52 = arith.mulf %mul3A_51, %add3A_47 : vector<2048x128xf32>
    %select_n3A = arith.select %gt3A_49, %add3A_47, %mul3A_52 : vector<2048x128xi1>, vector<2048x128xf32>
    %transpose3A = tpu.transpose %select_n3A, [1, 0] : vector<2048x128xf32> -> vector<128x2048xf32>
    %swap3A = arith.constant 0 : index
    %swap3A_53 = arith.constant 0 : index
    %swap3A_54 = vector.load %arg8[%swap3A, %swap3A_53] : memref<128x2048xf32, #tpu.memory_space<vmem>>, vector<128x2048xf32>
    tpu.vector_store %arg8[%swap3A, %swap3A_53], %transpose3A {strides = array<i32>} : memref<128x2048xf32, #tpu.memory_space<vmem>>, vector<128x2048xf32>,
    return
  }
  func.func @transform_0(%arg0: i32) -> (i32, i32) {
    %c0_i32 = arith.constant 0 : i32
    %c0_i32_0 = arith.constant 0 : i32
    return %arg0, %c0_i32 : i32, i32
  }
  func.func @transform_1(%arg0: i32) -> (i32, i32) {
    %c0_i32 = arith.constant 0 : i32
    %c0_i32_0 = arith.constant 0 : i32
    %c0_i32_1 = arith.constant 0 : i32
    return %c0_i32, %c0_i32_0 : i32, i32
  }
  func.func @transform_2(%arg0: i32) -> (i32, i32) {
    %c0_i32 = arith.constant 0 : i32
    %c0_i32_0 = arith.constant 0 : i32
    %c0_i32_1 = arith.constant 0 : i32
    return %c0_i32, %c0_i32_0 : i32, i32
  }
  func.func @transform_3(%arg0: i32) -> (i32, i32) {
    %c0_i32 = arith.constant 0 : i32
    %c0_i32_0 = arith.constant 0 : i32
    %c0_i32_1 = arith.constant 0 : i32
    return %c0_i32, %c0_i32_0 : i32, i32
  }
  func.func @transform_4(%arg0: i32) -> (i32, i32) {
    %c0_i32 = arith.constant 0 : i32
    %c0_i32_0 = arith.constant 0 : i32
    %c0_i32_1 = arith.constant 0 : i32
    return %c0_i32, %c0_i32_0 : i32, i32
  }
  func.func @transform_5(%arg0: i32) -> (i32, i32) {
    %c0_i32 = arith.constant 0 : i32
    %c0_i32_0 = arith.constant 0 : i32
    %c0_i32_1 = arith.constant 0 : i32
    return %c0_i32, %c0_i32_0 : i32, i32
  }
  func.func @transform_6(%arg0: i32) -> (i32, i32) {
    %c0_i32 = arith.constant 0 : i32
    %c0_i32_0 = arith.constant 0 : i32
    %c0_i32_1 = arith.constant 0 : i32
    return %c0_i32, %c0_i32_0 : i32, i32
  }
  func.func @transform_7(%arg0: i32) -> (i32, i32) {
    %c0_i32 = arith.constant 0 : i32
    %c0_i32_0 = arith.constant 0 : i32
    return %c0_i32, %arg0 : i32, i32
  }
}

</mosaic_0001>

<sc_bundles>
// kernel: kernel.5.cloned.1.call-start
scs
__scs_entry_jumppad:
0x0: {  	(pc) =	sbr.rel $0x88, $3  }
0x1: {  	(tag) =	ssettag $0x0;
	lr =	simm.s32 $0x1  }
0x2: {  	[smem:$0x3F9C] =	sst lr;
	_ =	strace $0xD0000000  }
0x3: {  	_ = 	snop  }
0x4: {  	_ = 	snop  }
0x5: {  	_ = 	snop  }
0x6: {  	_ = 	snop  }
0x7: {  	_ = 	snop  }
__scs_overlays_trampoline_lowered:
0x8: {  	[smem:$0x3FAB] =	sst s0  }
0x9: {  	[smem:$0x3FAC] =	sst s1  }
0xa: {  	[smem:$0x3FAD] =	sst s2  }
0xb: {  	[smem:$0x3FAE] =	sst s3  }
0xc: {  	[smem:$0x3FAF] =	sst s4  }
0xd: {  	[smem:$0x3FB0] =	sst s5  }
0xe: {  	[smem:$0x3FB1] =	sst s6  }
0xf: {  	[smem:$0x3FB2] =	sst s7  }
0x10: {  	[smem:$0x3FB3] =	sst s8  }
0x11: {  	[smem:$0x3FB4] =	sst s9;
	s0 =	simm.s32 @!p0 $0x0  }
0x12: {  	s1 =	sld [smem:$0x3F9A];
	s0 =	simm.s32 @p0 $0x1  }
0x13: {  	[smem:$0x3FB5] =	sst s0;
	s0 =	simm.s32 @!p1 $0x0  }
0x14: {  	s2 =	sld [smem:$0x3F99];
	s0 =	simm.s32 @p1 $0x1  }
0x15: {  	[smem:$0x3FB6] =	sst s0;
	s0 =	simm.s32 @!p2 $0x0  }
0x16: {  	s3 =	sld [smem:$0x3FDB];
	s0 =	simm.s32 @p2 $0x1  }
0x17: {  	s4 =	simm.s32 $0x1BF5;
	[smem:$0x3FB8] =	sst s0  }
0x18: {  	s0 =	sld [smem:$0x3F9B];
	_ =	swait.ge [sflag:s4], $0x0  }
0x19: {  	s7 =	sld [smem:$0x3F9C]  }
0x1a: {  	s8 =	sadd.s32 $0xFFFFE003, lr  }
0x1b: {  	s9 =	sadd.s32 $0xFFFFFEF7, lr;
	s5 =	simm.s32 $0xFFFFFFFF;
	p2 =	slt.u32 s8, $0xFFFFF086  }
0x1c: {  	p1 =	slt.u32 s9, $0xF7A;
	s5 =	simm.s32 @!p2 $0x0  }
0x1d: {  	s5 =	simm.s32 @p1 $0x1;
	p0 =	seq.s32 s7, s2  }
0x1e: {  	s7 =	smul.u32 @!p0 $0xF7A, s2;
	p2 =	seq.s32 @!p0 s5, $0x0  }
0x1f: {  	s9 =	smul.u32 $0xF7A, s1;
	s8 =	simm.s32 @!p0 $0x1BF5;
	p2 =	por !p2, p0  }
0x20: {  	[sflag:s8] =	ssyncset.s32 @!p0 $0xFFFFF086;
	s6 =	sadd.s32 @!p0 s3, s7;
	s7 =	simm.s32 @!p0 $0x108  }
0x21: {  	s3 =	sadd.s32 s3, s9;
	s6 =	sadd.s32 @!p0 $0x88, s6;
	s7 =	simm.s32 @p2 $0x1082  }
0x22: {  	[simem:s7], [sflag:s8] =	dma.local @!p0 [hbm:s6], $0xF7A  }
0x23: {  	s9 =	sor.u32 $0xD0000000, s2;
	s6 =	simm.s32 $0x108;
	_ =	swait.ge @!p0 [sflag:s8], $0x0  }
0x24: {  	s3 =	sadd.s32 $0x88, s3;
	s6 =	simm.s32 @!p1 $0x1082;
	[sflag:s4] =	ssyncset.s32 $0xFFFFF086  }
0x25: {  	[simem:s6], [sflag:s4] =	dma.local [hbm:s3], $0xF7A  }
0x26: {  	[smem:$0x3F9C] =	sst s1;
	(tag) =	ssettag s2;
	_ =	strace s9  }
0x27: {  	s1 =	sld [smem:$0x3FAC]  }
0x28: {  	s2 =	sld [smem:$0x3FAD]  }
0x29: {  	s4 =	sld [smem:$0x3FAF]  }
0x2a: {  	p0 =	seq.s32 s5, $0x0;
	s5 =	sld [smem:$0x3FB0]  }
0x2b: {  	s6 =	sld [smem:$0x3FB1]  }
0x2c: {  	s7 =	sld [smem:$0x3FB2]  }
0x2d: {  	s3 =	simm.s32 $0x108;
	s8 =	sld [smem:$0x3FB3]  }
0x2e: {  	s3 =	simm.s32 @!p0 $0x1082;
	s9 =	sld [smem:$0x3FB4]  }
0x2f: {  	lr =	sadd.s32 s0, s3;
	s0 =	sld [smem:$0x3FAB]  }
0x30: {  	s3 =	sld [smem:$0x3FAE]  }
0x31: {  	[smem:$0x3FB7] =	sst s10  }
0x32: {  	s10 =	sld [smem:$0x3FB5];
	_ =	sdelay $0x3  }
0x33: {  	p0 =	seq.s32 s10, $0x1;
	s10 =	sld [smem:$0x3FB7];
	_ =	sdelay $0x3  }
0x34: {  	[smem:$0x3FB7] =	sst s10  }
0x35: {  	s10 =	sld [smem:$0x3FB6];
	_ =	sdelay $0x3  }
0x36: {  	p1 =	seq.s32 s10, $0x1;
	s10 =	sld [smem:$0x3FB7];
	_ =	sdelay $0x3  }
0x37: {  	[smem:$0x3FB7] =	sst s10  }
0x38: {  	s10 =	sld [smem:$0x3FB8]  }
0x39: {  	_ = 	snop;
	(pc) =	sbr.ind lr, $3  }
0x3a: {  	_ = 	snop  }
0x3b: {  	_ = 	snop  }
0x3c: {  	p2 =	seq.s32 s10, $0x1;
	s10 =	sld [smem:$0x3FB7]  }
0x3d: {  	_ =	shalt  }
0x3e: {  	_ =	shalt  }
0x3f: {  	_ =	shalt  }
0x40: {  	_ =	shalt  }
0x41: {  	_ =	shalt  }
0x42: {  	_ =	shalt  }
0x43: {  	_ =	shalt  }
0x44: {  	_ =	shalt  }
0x45: {  	_ =	shalt  }
0x46: {  	_ =	shalt  }
0x47: {  	_ =	shalt  }
0x48: {  	_ =	shalt  }
0x49: {  	_ =	shalt  }
0x4a: {  	_ =	shalt  }
0x4b: {  	_ =	shalt  }
0x4c: {  	_ =	shalt  }
0x4d: {  	_ =	shalt  }
0x4e: {  	_ =	shalt  }
0x4f: {  	_ =	shalt  }
0x50: {  	_ =	shalt  }
0x51: {  	_ =	shalt  }
0x52: {  	_ =	shalt  }
0x53: {  	_ =	shalt  }
0x54: {  	_ =	shalt  }
0x55: {  	_ =	shalt  }
0x56: {  	_ =	shalt  }
0x57: {  	_ =	shalt  }
0x58: {  	_ =	shalt  }
0x59: {  	_ =	shalt  }
0x5a: {  	_ =	shalt  }
0x5b: {  	_ =	shalt  }
0x5c: {  	_ =	shalt  }
0x5d: {  	_ =	shalt  }
0x5e: {  	_ =	shalt  }
0x5f: {  	_ =	shalt  }
0x60: {  	_ =	shalt  }
0x61: {  	_ =	shalt  }
0x62: {  	_ =	shalt  }
0x63: {  	_ =	shalt  }
0x64: {  	_ =	shalt  }
0x65: {  	_ =	shalt  }
0x66: {  	_ =	shalt  }
0x67: {  	_ =	shalt  }
0x68: {  	_ =	shalt  }
0x69: {  	_ =	shalt  }
0x6a: {  	_ =	shalt  }
0x6b: {  	_ =	shalt  }
0x6c: {  	_ =	shalt  }
0x6d: {  	_ =	shalt  }
0x6e: {  	_ =	shalt  }
0x6f: {  	_ =	shalt  }
0x70: {  	_ =	shalt  }
0x71: {  	_ =	shalt  }
0x72: {  	_ =	shalt  }
0x73: {  	_ =	shalt  }
0x74: {  	_ =	shalt  }
0x75: {  	_ =	shalt  }
0x76: {  	_ =	shalt  }
0x77: {  	_ =	shalt  }
0x78: {  	_ =	shalt  }
0x79: {  	_ =	shalt  }
0x7a: {  	_ =	shalt  }
0x7b: {  	_ =	shalt  }
0x7c: {  	_ =	shalt  }
0x7d: {  	_ =	shalt  }
0x7e: {  	_ =	shalt  }
0x7f: {  	_ =	shalt  }
0x80: {  	_ =	shalt  }
0x81: {  	_ =	shalt  }
0x82: {  	_ =	shalt  }
0x83: {  	_ =	shalt  }
0x84: {  	_ =	shalt  }
0x85: {  	_ =	shalt  }
0x86: {  	_ =	shalt  }
0x87: {  	_ =	shalt  }
.Lfunc_end0:
.L_simem_size_0:
called_computation_lowered:
.L_overlay_start_0:
0x88: {  	s2 =	sld [smem:$0x3FD9]  }
0x89: {  	s3 =	sld [smem:$0x3FFE];
	_ =	sdelay $0x1  }
0x8a: {  	s1 =	srdreg.scid  }
0x8b: {  	s0 =	sand.u32 $0x1, s1  }
0x8c: {  	s17 =	sshll.u32 s0, $0xA;
	s2 =	sadd.s32 s3, s2  }
0x8d: {  	s2 =	sadd.s32 s2, s17  }
0x8e: {  	[smem:$0x3FC3] =	sst s2  }
0x8f: {  	_ = 	snop  }
0x90: {  	s2 =	sld [smem:$0x3FD0];
	(tm) =	ssettm $0x1  }
0x91: {  	s18 =	sld [smem:$0x3FFB];
	_ =	sdelay $0x3  }
0x92: {  	_ =	strace s18  }
0x93: {  	s3 =	sld [smem:$0x3FFC];
	_ =	sdelay $0x3  }
0x94: {  	_ =	strace s3  }
0x95: {  	s3 =	sld [smem:$0x3FFD];
	_ =	sdelay $0x3  }
0x96: {  	_ =	strace s3  }
0x97: {  	_ =	strace $0x8FFFFFFF  }
0x98: {  	s19 =	sld [smem:$0x3FDB];
	_ =	sdelay $0x1  }
0x99: {  	s4 =	simm.s32 $_scs_section_size  }
0x9a: {  	s5 =	simm.s32 $_size__tile_overlayer_lowered;
	s6 =	simm.s32 $_tile_overlayer_lowered  }
0x9b: {  	s22 =	simm.s32 $0x1BFF;
	s21 =	sshll.u32 s6, $0x1;
	s3 =	sadd.s32 s4, s19  }
0x9c: {  	s7 =	simm.s32 $0x0;
	s20 =	sshll.u32 s5, $0x1;
	s5 =	sadd.s32 s21, s3  }
0x9d: {  	[timem:s7], [sflag:s22] =	dma.local [hbm:s5], s20  }
0x9e: {  	_ =	swait.ge [sflag:s22], s20  }
0x9f: {  	s4 =	ssub.s32 $0x0, s20;
	[sflag:s22] =	ssyncset.done $0x0  }
0xa0: {  	[sflag:s22] =	ssyncadd.s32 s4;
	_ =	sdelay $0x1  }
0xa1: {  	s23 =	simm.s32 $0x1B8B  }
0xa2: {  	_ =	swait.ge [sflag:s23], $0x1  }
0xa3: {  	[sflag:s23] =	ssyncset.done $0x0  }
0xa4: {  	s25 =	simm.s32 $0x1B8E;
	s24 =	sld [smem:$0x3FFE];
	[sflag:s23] =	ssyncadd.s32 $0xFFFFFFFF  }
0xa5: {  	s26 =	simm.s32 $execute0_lowered;
	[smem:$0x3FD2] =	sst s25  }
0xa6: {  	s5 =	sshll.u32 s26, $0x1;
	_ =	strace $0x80000046;
	[dreg:$0x1] =	wrdreg $0xFFFFFFFF  }
0xa7: {  	s28 =	simm.s32 $_size_execute0_lowered;
	s3 =	sadd.s32 s3, s5;
	[dreg:$0x0] =	wrdreg $0x0  }
0xa8: {  	s5 =	sshll.u32 s28, $0x1;
	[dreg:$0x2] =	wrdreg s3  }
0xa9: {  	[dreg:$0x3] =	wrdreg s5  }
0xaa: {  	[dreg:$0x4] =	wrdreg $0xC0  }
0xab: {  	_ =	task [dreg:s7], $0x5FFFF  }
0xac: {  	[dreg:$0x1] =	wrdreg $0xFFFFFFFF  }
0xad: {  	[dreg:$0x0] =	wrdreg $0x60  }
0xae: {  	[dreg:$0x2] =	wrdreg s24  }
0xaf: {  	[dreg:$0x3] =	wrdreg s2  }
0xb0: {  	[dreg:$0x4] =	wrdreg $0x9  }
0xb1: {  	_ =	task.clear_ibuf [dreg:s7], $0x5FFFF;
	_ =	strace $0x90000046  }
0xb2: {  	s29 =	simm.s32 $0x9;
	_ =	strace $0x80000048  }
0xb3: {  	_ =	swait.ge [sflag:s29], $0x1  }
0xb4: {  	[sflag:s29] =	ssyncadd.s32 $0xFFFFFFFF  }
0xb5: {  	_ =	strace $0x90000048  }
0xb6: {  	_ =	sfence  }
0xb7: {  	s30 =	sld [smem:$0x0];
	_ =	sdelay $0x2  }
0xb8: {  	s31 =	sshll.u32 s1, $0xD;
	s1 =	sshrl.u32 s1, $0x2  }
0xb9: {  	s3 =	sand.u32 $0x4000, s31;
	s1 =	sadd.s32 s1, s30  }
0xba: {  	s0 =	sor.u32 s3, s0;
	s1 =	sshll.u32 s1, $0x11  }
0xbb: {  	s0 =	sor.u32 s1, s0  }
0xbc: {  	s0 =	sadd.s32 $0x8F2B, s0  }
0xbd: {  	[sflag:s0] =	ssyncadd.remote.s32 $0x1  }
0xbe: {  	_ =	sfence.sel $0xFFFF  }
0xbf: {  	[dreg:$0x0] =	wrdreg $0xFFFFFFFF;
	(pc) =	sbr.abs _section_cstart, $3  }
0xc0: {  	[dreg:$0x1] =	wrdreg $0xFFFFFFFF  }
0xc1: {  	_ =	task.clear_ibuf [dreg:s7], $0x2FFFF;
	_ =	strace $0x9FFFFFFF  }
0xc2: {  	(tm) =	ssettm $0x7FFFFFFF  }
0xc3: {  	_ =	shalt  }
tec
execute0_lowered:
.L_overlay_start_1:
0x0: {  	(tag) =	ssettag $0x1  }
0x1: {  	s0 =	rddreg [dreg:$0x0]  }
0x2: {  	s1 =	rddreg [dreg:$0x1];
	s3 =	simm.s32 $0x0  }
0x3: {  	s2 =	srdreg.scid;
	s5 =	stileid.u32;
	s16 =	simm.s32 $0x1  }
0x4: {  	s17 =	simm.s32 $0x80;
	s18 =	simm.s32 $0x200;
	s19 =	simm.s32 $0x4200  }
0x5: {  	s20 =	simm.s32 $0x100;
	s21 =	simm.s32 $0x2;
	s28 =	simm.s32 $0x8200  }
0x6: {  	s29 =	simm.s32 $0x4;
	s30 =	simm.s32 $0x6;
	s31 =	simm.s32 $0x8400  }
0x7: {  	s12 =	simm.s32 $0x0;
	s2 =	sand.u32 $0x1, s2;
	s7 =	sshll.u32 s5, $0x1  }
0x8: {  	[smem:$0x7FF] =	sst s3;
	s4 =	sadd.s32 $0x15000, s0;
	s7 =	sor.u32 s2, s7  }
0x9: {  	s5 =	sadd.s32 $0x1000, s0;
	s6 =	sadd.s32 $0x29000, s0;
	s9 =	smul.u32 $0xA00, s7  }
0xa: {  	_ =	strace $0x80000047;
	s2 =	ssub.s32 $0x2, s2;
	s11 =	smul.u32 $0x50, s7  }
0xb: {  	s8 =	sshll.u32 s7, $0x4;
	s22 =	sshrl.u32 s2, $0x1;
	s23 =	smul.u32 $0x1400, s7  }
0xc: {  	s10 =	smul.u32 $0xA000, s7;
	s0 =	sadd.s32 s8, s0;
	s2 =	ssub.s32 s2, s22  }
0xd: {  	s22 =	simm.s32 $0x2200;
	s8 =	simm.s32 $0x9;
	s9 =	sadd.s32 s1, s9  }
0xe: {  	s24 =	sadd.s32 $0x51000, s0;
	s25 =	sadd.s32 s23, s6;
	[dreg:$0x3] =	wrdreg s9  }
0xf: {  	s0 =	sadd.s32 $0x51200, s0;
	s26 =	smax.u32 s2, $0x1;
	[dreg:$0x5] =	wrdreg s24  }
0x10: {  	s23 =	simm.s32 $0x180;
	s2 =	simm.s32 $0x8;
	[dreg:$0x6] =	wrdreg s0  }
0x11: {  	s9 =	sadd.s32 $0x20, s9;
	[dreg:$0x7] =	wrdreg s26;
	s15 =	sadd.s32 $0x40, s25  }
0x12: {  	s24 =	simm.s32 $0x6200;
	s25 =	simm.s32 $0x3;
	s26 =	simm.s32 $0x5  }
0x13: {  	[dreg:$0x4] =	wrdreg s9;
	s9 =	sor.u32 $0x2, s11;
	s11 =	sor.u32 $0x3, s11  }
.LBB2_1:
0x14: {  	s0 =	rddreg [dreg:$0x3]  }
0x15: {  	[tilespmem:s3], [sflag:$0x1] =	stream.linear.gather [hbm4b:s0+s3], $0x100, $0x38;
	[tilespmem:$0x8700] =	vst v63  }
0x16: {  	_ =	swait.ge [sflag:s16], $0x100  }
0x17: {  	[sflag:s16] =	ssyncset.done $0x0  }
0x18: {  	v0 =	vimm.f32 $0.0e+00;
	[sflag:s16] =	ssyncadd.s32 $0xFFFFFF00  }
0x19: {  	v11 =	vimm.f32 $0.0e+00;
	v12 =	vimm.f32 $0.0e+00;
	v13 =	vimm.f32 $0.0e+00;
	[tilespmem:s18], [sflag:$0x3] =	stream.indirect.gather [hbm4b:s4+s17], $0x40, s3, s17, $0xb8;
	[tilespmem:$0x8700] =	vst v63  }
0x1a: {  	v8 =	vimm.f32 $0.0e+00;
	v5 =	vimm.f32 $0.0e+00;
	v2 =	vimm.f32 $0.0e+00  }
0x1b: {  	v3 =	vimm.f32 $0.0e+00;
	v14 =	vimm.f32 $0.0e+00;
	v16 =	vimm.f32 $0.0e+00;
	[tilespmem:s19], [sflag:$0x5] =	stream.indirect.gather [hbm4b:s5+s17], $0x40, s17, s17, $0xb8;
	[tilespmem:$0x8700] =	vst v63  }
0x1c: {  	v15 =	vimm.f32 $0.0e+00;
	v10 =	vimm.f32 $0.0e+00;
	v6 =	vimm.f32 $0.0e+00;
	s13 =	simm.s32 $0x0;
	s14 =	rddreg [dreg:$0x4]  }
0x1d: {  	v4 =	vimm.f32 $0.0e+00;
	v7 =	vimm.f32 $0.0e+00;
	v1 =	vimm.f32 $0.0e+00;
	[tilespmem:s20], [sflag:$0x2] =	stream.linear.gather [hbm4b:s14+s3], $0x100, $0x38;
	[tilespmem:$0x8700] =	vst v63  }
.LBB2_2:
0x1e: {  	_ =	swait.ge [sflag:s21], $0x100  }
0x1f: {  	[sflag:s21] =	ssyncset.done $0x0  }
0x20: {  	[sflag:s21] =	ssyncadd.s32 $0xFFFFFF00  }
0x21: {  	[tilespmem:s22], [sflag:$0x4] =	stream.indirect.gather [hbm4b:s4+s17], $0x40, s20, s17, $0xb8;
	[tilespmem:$0x8700] =	vst v63  }
0x22: {  	_ = 	snop  }
0x23: {  	[tilespmem:s24], [sflag:$0x6] =	stream.indirect.gather [hbm4b:s5+s17], $0x40, s23, s17, $0xb8;
	[tilespmem:$0x8700] =	vst v63  }
0x24: {  	_ =	swait.ge [sflag:s25], $0x2000  }
0x25: {  	s14 =	sshll.u32 s13, $0x1;
	[sflag:s25] =	ssyncset.done $0x0  }
0x26: {  	s0 =	sadd.s32 s14, s9;
	[sflag:s25] =	ssyncadd.s32 $0xFFFFE000  }
0x27: {  	s0 =	sshll.u32 s0, $0x5;
	_ =	swait.ge [sflag:s26], $0x2000  }
0x28: {  	s0 =	sand.u32 $0x1FFFFFC0, s0;
	[sflag:s26] =	ssyncset.done $0x0  }
0x29: {  	s7 =	simm.s32 $0x0;
	s0 =	sadd.s32 s1, s0;
	[sflag:s26] =	ssyncadd.s32 $0xFFFFE000  }
0x2a: {  	[tilespmem:s7], [sflag:$0x1] =	stream.linear.gather [hbm4b:s0+s7], $0x100, $0x38;
	[tilespmem:$0x8700] =	vst v63  }
0x2b: {  	v9 =	vld [tilespmem:$0x200]  }
0x2c: {  	v17 =	vld [tilespmem:$0x4200]  }
0x2d: {  	v18 =	vld [tilespmem:$0x210]  }
0x2e: {  	v19 =	vld [tilespmem:$0x4210]  }
0x2f: {  	v20 =	vld [tilespmem:$0x220]  }
0x30: {  	v21 =	vld [tilespmem:$0x4220]  }
0x31: {  	v23 =	vld [tilespmem:$0x230];
	v22 =	vshll.u32 v9, $0x10;
	v9 =	vand.u32 $0xFFFF0000, v9  }
0x32: {  	v24 =	vshll.u32 v17, $0x10;
	v17 =	vand.u32 $0xFFFF0000, v17;
	v25 =	vshll.u32 v18, $0x10  }
0x33: {  	v27 =	vld [tilespmem:$0x4230];
	v18 =	vand.u32 $0xFFFF0000, v18;
	v26 =	vshll.u32 v19, $0x10;
	v19 =	vand.u32 $0xFFFF0000, v19  }
0x34: {  	v28 =	vshll.u32 v20, $0x10;
	v20 =	vand.u32 $0xFFFF0000, v20;
	v31 =	vadd.f32 v24, v22  }
0x35: {  	v22 =	vshll.u32 v21, $0x10;
	v21 =	vand.u32 $0xFFFF0000, v21;
	v32 =	vadd.f32 v17, v9  }
0x36: {  	v17 =	vshll.u32 v23, $0x10;
	v23 =	vand.u32 $0xFFFF0000, v23;
	v9 =	vmul.f32 v31, v31  }
0x37: {  	v33 =	vadd.f32 v31, v1;
	v24 =	vmul.f32 v32, v32;
	v1 =	vadd.f32 v26, v25  }
0x38: {  	v25 =	vshll.u32 v27, $0x10;
	v34 =	vadd.f32 v9, v3;
	v3 =	vadd.f32 v32, v7  }
0x39: {  	s7 =	simm.s32 $0x0;
	v35 =	vadd.f32 v24, v2;
	v9 =	vmul.f32 v1, v1;
	v2 =	vadd.f32 v19, v18  }
0x3a: {  	v18 =	vand.u32 $0xFFFF0000, v27;
	v7 =	vadd.f32 v1, v4;
	v4 =	vadd.f32 v22, v28;
	v28 =	vld [tilespmem:s7+$0x4260]  }
0x3b: {  	v19 =	vadd.f32 v9, v5;
	v22 =	vmul.f32 v2, v2;
	v5 =	vadd.f32 v21, v20  }
0x3c: {  	v9 =	vadd.f32 v2, v6;
	v20 =	vmul.f32 v4, v4;
	v6 =	vadd.f32 v25, v17;
	v17 =	vld [tilespmem:s7+$0x270]  }
0x3d: {  	v36 =	vadd.f32 v22, v8;
	v8 =	vadd.f32 v18, v23;
	v18 =	vld [tilespmem:s7+$0x4270]  }
0x3e: {  	v21 =	vmul.f32 v5, v5;
	v13 =	vadd.f32 v20, v13;
	v20 =	vmul.f32 v6, v6;
	v22 =	vld [tilespmem:s7+$0x240]  }
0x3f: {  	v10 =	vadd.f32 v4, v10;
	v15 =	vadd.f32 v5, v15;
	v23 =	vld [tilespmem:s7+$0x4240];
	v39 =	vand.u32 $0xFFFF0000, v28  }
0x40: {  	v37 =	vadd.f32 v21, v12;
	v12 =	vmul.f32 v8, v8;
	v20 =	vadd.f32 v20, v11;
	v11 =	vld [tilespmem:s7+$0x250]  }
0x41: {  	v26 =	vld [tilespmem:s7+$0x260];
	v21 =	vadd.f32 v6, v16;
	v16 =	vadd.f32 v8, v14;
	v14 =	vshll.u32 v17, $0x10  }
0x42: {  	v17 =	vand.u32 $0xFFFF0000, v17;
	v0 =	vadd.f32 v12, v0;
	v25 =	vshll.u32 v18, $0x10  }
0x43: {  	v12 =	vld [tilespmem:s7+$0x4250];
	v18 =	vand.u32 $0xFFFF0000, v18;
	v27 =	vshll.u32 v22, $0x10;
	v22 =	vand.u32 $0xFFFF0000, v22  }
0x44: {  	v24 =	vadd.f32 v18, v17;
	v17 =	vshll.u32 v23, $0x10;
	v18 =	vand.u32 $0xFFFF0000, v23  }
0x45: {  	v25 =	vadd.f32 v25, v14;
	v14 =	vshll.u32 v11, $0x10;
	v11 =	vand.u32 $0xFFFF0000, v11  }
0x46: {  	v38 =	vadd.f32 v17, v27;
	v17 =	vshll.u32 v26, $0x10;
	v26 =	vand.u32 $0xFFFF0000, v26  }
0x47: {  	v29 =	vadd.f32 v18, v22;
	v23 =	vmul.f32 v24, v24;
	v26 =	vadd.f32 v39, v26  }
0x48: {  	v63 =	vmul.f32 v25, v25;
	v30 =	vshll.u32 v12, $0x10;
	v12 =	vand.u32 $0xFFFF0000, v12  }
0x49: {  	v23 =	vadd.f32 v23, v0;
	v0 =	vshll.u32 v28, $0x10;
	v30 =	vadd.f32 v30, v14  }
0x4a: {  	v18 =	vmul.f32 v38, v38;
	v28 =	vadd.f32 v12, v11;
	v27 =	vadd.f32 v0, v17  }
0x4b: {  	v11 =	vmul.f32 v29, v29;
	v20 =	vadd.f32 v63, v20;
	v0 =	vmul.f32 v30, v30  }
0x4c: {  	v22 =	vadd.f32 v18, v34;
	v12 =	vmul.f32 v28, v28;
	v14 =	vmul.f32 v27, v27  }
0x4d: {  	v18 =	vmul.f32 v26, v26;
	v17 =	vadd.f32 v11, v35;
	v0 =	vadd.f32 v0, v19  }
0x4e: {  	s0 =	simm.s32 $0x40;
	v11 =	vadd.f32 v12, v36;
	v12 =	vmax.f32 v31, v38;
	v13 =	vadd.f32 v14, v13  }
0x4f: {  	s7 =	simm.s32 $0x200;
	v31 =	vld [tilespmem:s0+$0x270];
	v19 =	vmax.f32 v32, v29;
	v14 =	vadd.f32 v18, v37;
	v18 =	vadd.f32 v38, v33  }
.LBB2_3:
0x50: {  	p0 =	sne.s32 s7, $0x1E00;
	v32 =	vld [tilespmem:s0+$0x4270];
	v3 =	vadd.f32 v29, v3;
	v1 =	vmax.f32 v1, v30;
	v7 =	vadd.f32 v30, v7  }
0x51: {  	v2 =	vmax.f32 v2, v28;
	v9 =	vadd.f32 v28, v9;
	v4 =	vmax.f32 v4, v27;
	v29 =	vld [tilespmem:s0+$0x240]  }
0x52: {  	v10 =	vadd.f32 v27, v10;
	v5 =	vmax.f32 v5, v26;
	v15 =	vadd.f32 v26, v15;
	v28 =	vld [tilespmem:s0+$0x4240]  }
0x53: {  	v6 =	vmax.f32 v6, v25;
	v21 =	vadd.f32 v25, v21;
	v8 =	vmax.f32 v8, v24;
	v26 =	vld [tilespmem:s0+$0x250]  }
0x54: {  	v16 =	vadd.f32 v24, v16;
	v27 =	vld [tilespmem:s0+$0x4250];
	v25 =	vshll.u32 v31, $0x10  }
0x55: {  	v24 =	vand.u32 $0xFFFF0000, v31;
	v30 =	vld [tilespmem:s0+$0x260];
	v31 =	vshll.u32 v32, $0x10;
	v32 =	vand.u32 $0xFFFF0000, v32  }
0x56: {  	v33 =	vshll.u32 v29, $0x10;
	v29 =	vand.u32 $0xFFFF0000, v29;
	v34 =	vld [tilespmem:s0+$0x4260];
	v24 =	vadd.f32 v32, v24  }
0x57: {  	v25 =	vadd.f32 v31, v25;
	v32 =	vshll.u32 v28, $0x10;
	v28 =	vand.u32 $0xFFFF0000, v28  }
0x58: {  	v31 =	vshll.u32 v26, $0x10;
	v26 =	vand.u32 $0xFFFF0000, v26;
	v35 =	vmul.f32 v24, v24  }
0x59: {  	v32 =	vadd.f32 v32, v33;
	v36 =	vshll.u32 v27, $0x10;
	v27 =	vand.u32 $0xFFFF0000, v27  }
0x5a: {  	v33 =	vshll.u32 v30, $0x10;
	v37 =	vand.u32 $0xFFFF0000, v30;
	v23 =	vadd.f32 v35, v23  }
0x5b: {  	v29 =	vadd.f32 v28, v29;
	v35 =	vshll.u32 v34, $0x10;
	v34 =	vand.u32 $0xFFFF0000, v34  }
0x5c: {  	v38 =	vmul.f32 v32, v32;
	v30 =	vadd.f32 v36, v31;
	v28 =	vadd.f32 v27, v26  }
0x5d: {  	v31 =	vmul.f32 v29, v29;
	v27 =	vadd.f32 v35, v33;
	v26 =	vadd.f32 v34, v37  }
.Ltmp0:
0x5e: {  	v22 =	vadd.f32 v38, v22;
	v33 =	vmul.f32 v30, v30;
	v34 =	vmul.f32 v28, v28;
	(pc) =	sbr.rel @p0 .LBB2_3-.Ltmp0, $4  }
0x5f: {  	v17 =	vadd.f32 v31, v17;
	v31 =	vmul.f32 v27, v27;
	v35 =	vmul.f32 v26, v26  }
0x60: {  	v0 =	vadd.f32 v33, v0;
	v11 =	vadd.f32 v34, v11;
	v33 =	vmul.f32 v25, v25  }
0x61: {  	s0 =	sshra.s32 s7, $0x2;
	v12 =	vmax.f32 v12, v32;
	v13 =	vadd.f32 v31, v13;
	v14 =	vadd.f32 v35, v14  }
0x62: {  	s7 =	sadd.s32 $0x100, s7;
	v18 =	vadd.f32 v32, v18;
	v19 =	vmax.f32 v19, v29;
	v20 =	vadd.f32 v33, v20;
	v31 =	vld [tilespmem:s0+$0x270]  }
0x63: {  	v32 =	vld [tilespmem:s0+$0x4270]  }
0x64: {  	v3 =	vadd.f32 v29, v3;
	v29 =	vld [tilespmem:s0+$0x240]  }
0x65: {  	v2 =	vmax.f32 v2, v28;
	v9 =	vadd.f32 v28, v9;
	v28 =	vld [tilespmem:s0+$0x4240]  }
0x66: {  	v6 =	vmax.f32 v6, v25;
	v21 =	vadd.f32 v25, v21;
	v25 =	vld [tilespmem:s0+$0x4250]  }
0x67: {  	v1 =	vmax.f32 v1, v30;
	v8 =	vmax.f32 v8, v24;
	v16 =	vadd.f32 v24, v16;
	v24 =	vld [tilespmem:s0+$0x260]  }
0x68: {  	v7 =	vadd.f32 v30, v7;
	v4 =	vmax.f32 v4, v27;
	v10 =	vadd.f32 v27, v10;
	v34 =	vld [tilespmem:s0+$0x4260]  }
0x69: {  	v5 =	vmax.f32 v5, v26;
	v15 =	vadd.f32 v26, v15;
	v27 =	vshll.u32 v31, $0x10  }
0x6a: {  	v26 =	vld [tilespmem:s0+$0x250];
	v30 =	vand.u32 $0xFFFF0000, v31;
	v31 =	vshll.u32 v32, $0x10;
	v32 =	vand.u32 $0xFFFF0000, v32  }
0x6b: {  	v33 =	vshll.u32 v29, $0x10;
	v29 =	vand.u32 $0xFFFF0000, v29;
	v51 =	vshll.u32 v28, $0x10  }
0x6c: {  	v28 =	vand.u32 $0xFFFF0000, v28;
	v36 =	vshll.u32 v25, $0x10;
	v25 =	vand.u32 $0xFFFF0000, v25  }
0x6d: {  	v52 =	vshll.u32 v24, $0x10;
	v24 =	vand.u32 $0xFFFF0000, v24;
	v53 =	vshll.u32 v34, $0x10  }
0x6e: {  	v34 =	vand.u32 $0xFFFF0000, v34;
	v30 =	vadd.f32 v32, v30;
	v27 =	vadd.f32 v31, v27  }
0x6f: {  	v31 =	vshll.u32 v26, $0x10;
	v32 =	vadd.f32 v51, v33;
	v28 =	vadd.f32 v28, v29  }
0x70: {  	p0 =	seq.s32 s13, $0x0;
	v26 =	vand.u32 $0xFFFF0000, v26;
	v33 =	vadd.f32 v53, v52;
	v24 =	vadd.f32 v34, v24  }
0x71: {  	s0 =	simm.s32 @!p0 $0x7;
	v31 =	vadd.f32 v36, v31;
	v35 =	vmul.f32 v30, v30;
	v29 =	vmul.f32 v32, v32  }
0x72: {  	_ =	swait.ge @!p0 [sflag:s0], $0x200;
	v25 =	vadd.f32 v25, v26;
	v26 =	vmul.f32 v28, v28;
	v55 =	vmul.f32 v24, v24  }
0x73: {  	[sflag:s0] =	ssyncset.done @!p0 $0x0;
	v12 =	vmax.f32 v12, v32;
	v18 =	vadd.f32 v32, v18;
	v19 =	vmax.f32 v19, v28  }
0x74: {  	[sflag:s0] =	ssyncadd.s32 @!p0 $0xFFFFFE00;
	v3 =	vadd.f32 v28, v3;
	v5 =	vmax.f32 v5, v24;
	v15 =	vadd.f32 v24, v15  }
0x75: {  	v28 =	vld [tilespmem:$0xA10];
	v54 =	vmul.f32 v25, v25;
	v22 =	vadd.f32 v29, v22;
	v29 =	vmul.f32 v31, v31  }
0x76: {  	v24 =	vld [tilespmem:$0xA20];
	v2 =	vmax.f32 v2, v25;
	v17 =	vadd.f32 v26, v17;
	v26 =	vmul.f32 v33, v33  }
0x77: {  	v9 =	vadd.f32 v25, v9;
	v25 =	vld [tilespmem:$0x4A10];
	v29 =	vadd.f32 v29, v0;
	v0 =	vmul.f32 v27, v27  }
0x78: {  	v4 =	vmax.f32 v4, v33;
	v10 =	vadd.f32 v33, v10;
	v13 =	vadd.f32 v26, v13;
	v26 =	vld [tilespmem:$0xA00]  }
0x79: {  	v6 =	vmax.f32 v6, v27;
	v21 =	vadd.f32 v27, v21;
	v20 =	vadd.f32 v0, v20;
	v0 =	vld [tilespmem:$0x4A00]  }
0x7a: {  	v8 =	vmax.f32 v8, v30;
	v16 =	vadd.f32 v30, v16;
	v7 =	vadd.f32 v31, v7  }
0x7b: {  	v1 =	vmax.f32 v1, v31;
	v23 =	vadd.f32 v35, v23;
	v14 =	vadd.f32 v55, v14;
	v27 =	vld [tilespmem:$0x4A20]  }
0x7c: {  	v31 =	vld [tilespmem:$0xA30];
	v11 =	vadd.f32 v54, v11;
	v57 =	vshll.u32 v28, $0x10;
	v28 =	vand.u32 $0xFFFF0000, v28  }
0x7d: {  	v59 =	vld [tilespmem:$0x4A30];
	[tilespmem:$0x8200] =	vst v12;
	v12 =	vshll.u32 v24, $0x10;
	v24 =	vand.u32 $0xFFFF0000, v24;
	v58 =	vshll.u32 v25, $0x10  }
0x7e: {  	v25 =	vand.u32 $0xFFFF0000, v25;
	v30 =	vshll.u32 v26, $0x10;
	v56 =	vshll.u32 v0, $0x10  }
0x7f: {  	[tilespmem:$0x8210] =	vst v19;
	v26 =	vand.u32 $0xFFFF0000, v26;
	v0 =	vand.u32 $0xFFFF0000, v0;
	v32 =	vadd.f32 v56, v30  }
0x80: {  	[tilespmem:$0x8260] =	vst v6;
	v19 =	vshll.u32 v27, $0x10;
	v60 =	vadd.f32 v0, v26;
	v0 =	vadd.f32 v58, v57  }
0x81: {  	[tilespmem:$0x8220] =	vst v1;
	v26 =	vshll.u32 v31, $0x10;
	v1 =	vmul.f32 v32, v32;
	v37 =	vadd.f32 v32, v18  }
0x82: {  	[tilespmem:$0x8230] =	vst v2;
	v2 =	vmul.f32 v60, v60;
	v18 =	vshll.u32 v59, $0x10;
	v6 =	vadd.f32 v0, v7  }
0x83: {  	[tilespmem:$0x8250] =	vst v5;
	v27 =	vand.u32 $0xFFFF0000, v27;
	v5 =	vadd.f32 v18, v26;
	v22 =	vadd.f32 v1, v22  }
0x84: {  	[tilespmem:$0x8240] =	vst v4;
	v4 =	vmul.f32 v0, v0;
	v17 =	vadd.f32 v2, v17;
	v2 =	vadd.f32 v25, v28  }
0x85: {  	s7 =	simm.s32 $0x0;
	[tilespmem:$0x8270] =	vst v8;
	v30 =	vand.u32 $0xFFFF0000, v31;
	v1 =	vadd.f32 v60, v3;
	v3 =	vadd.f32 v19, v12  }
0x86: {  	v18 =	vld [tilespmem:s7+$0xA70];
	v19 =	vadd.f32 v4, v29;
	v4 =	vadd.f32 v27, v24;
	v7 =	vmul.f32 v2, v2  }
0x87: {  	v25 =	vand.u32 $0xFFFF0000, v59;
	v24 =	vld [tilespmem:s7+$0x4A70];
	v8 =	vadd.f32 v2, v9;
	v12 =	vmul.f32 v3, v3  }
0x88: {  	v28 =	vld [tilespmem:s7+$0x4A60];
	v9 =	vadd.f32 v3, v10;
	v31 =	vadd.f32 v7, v11;
	v11 =	vmul.f32 v4, v4  }
0x89: {  	v7 =	vadd.f32 v25, v30;
	v61 =	vadd.f32 v12, v13;
	v13 =	vmul.f32 v5, v5;
	v25 =	vld [tilespmem:s7+$0xA40]  }
0x8a: {  	v10 =	vadd.f32 v4, v15;
	v15 =	vld [tilespmem:s7+$0x4A40];
	v12 =	vadd.f32 v5, v21  }
0x8b: {  	v21 =	vld [tilespmem:s7+$0xA60];
	v62 =	vadd.f32 v11, v14;
	v14 =	vmul.f32 v7, v7;
	v63 =	vadd.f32 v13, v20  }
0x8c: {  	v13 =	vld [tilespmem:s7+$0xA50];
	v11 =	vadd.f32 v7, v16;
	v20 =	vshll.u32 v18, $0x10;
	v18 =	vand.u32 $0xFFFF0000, v18  }
0x8d: {  	v16 =	vld [tilespmem:s7+$0x4A50];
	v14 =	vadd.f32 v14, v23;
	v23 =	vshll.u32 v24, $0x10;
	v24 =	vand.u32 $0xFFFF0000, v24  }
0x8e: {  	v26 =	vshll.u32 v25, $0x10;
	v27 =	vand.u32 $0xFFFF0000, v25;
	v24 =	vadd.f32 v24, v18  }
0x8f: {  	v18 =	vshll.u32 v15, $0x10;
	v15 =	vand.u32 $0xFFFF0000, v15;
	v25 =	vadd.f32 v23, v20  }
0x90: {  	v38 =	vadd.f32 v18, v26;
	v18 =	vshll.u32 v21, $0x10;
	v21 =	vand.u32 $0xFFFF0000, v21  }
0x91: {  	v26 =	vand.u32 $0xFFFF0000, v28;
	v29 =	vadd.f32 v15, v27;
	v20 =	vshll.u32 v13, $0x10  }
0x92: {  	v23 =	vand.u32 $0xFFFF0000, v13;
	v13 =	vmul.f32 v24, v24;
	v30 =	vshll.u32 v16, $0x10  }
0x93: {  	v16 =	vand.u32 $0xFFFF0000, v16;
	v26 =	vadd.f32 v26, v21;
	v15 =	vmul.f32 v38, v38  }
0x94: {  	v30 =	vadd.f32 v30, v20;
	v13 =	vadd.f32 v13, v14;
	v14 =	vshll.u32 v28, $0x10  }
0x95: {  	v28 =	vadd.f32 v16, v23;
	v16 =	vmul.f32 v29, v29;
	v23 =	vmul.f32 v25, v25  }
0x96: {  	v27 =	vadd.f32 v14, v18;
	v14 =	vadd.f32 v15, v22;
	v18 =	vmul.f32 v30, v30  }
0x97: {  	v22 =	vmul.f32 v26, v26;
	v20 =	vmul.f32 v28, v28;
	v15 =	vadd.f32 v16, v17  }
0x98: {  	v23 =	vadd.f32 v23, v63;
	v21 =	vmul.f32 v27, v27;
	v16 =	vadd.f32 v18, v19  }
0x99: {  	s0 =	simm.s32 $0x40;
	v18 =	vmax.f32 v32, v38;
	v17 =	vadd.f32 v20, v31;
	v20 =	vadd.f32 v22, v62  }
0x9a: {  	s7 =	simm.s32 $0x200;
	v31 =	vld [tilespmem:s0+$0xA70];
	v22 =	vmax.f32 v60, v29;
	v19 =	vadd.f32 v21, v61;
	v21 =	vadd.f32 v38, v37  }
.LBB2_5:
0x9b: {  	p1 =	sne.s32 s7, $0x1E00;
	v32 =	vld [tilespmem:s0+$0x4A70];
	v1 =	vadd.f32 v29, v1;
	v0 =	vmax.f32 v0, v30;
	v6 =	vadd.f32 v30, v6  }
0x9c: {  	v2 =	vmax.f32 v2, v28;
	v8 =	vadd.f32 v28, v8;
	v3 =	vmax.f32 v3, v27;
	v29 =	vld [tilespmem:s0+$0xA40]  }
0x9d: {  	v9 =	vadd.f32 v27, v9;
	v4 =	vmax.f32 v4, v26;
	v10 =	vadd.f32 v26, v10;
	v28 =	vld [tilespmem:s0+$0x4A40]  }
0x9e: {  	v5 =	vmax.f32 v5, v25;
	v12 =	vadd.f32 v25, v12;
	v7 =	vmax.f32 v7, v24;
	v26 =	vld [tilespmem:s0+$0xA50]  }
0x9f: {  	v11 =	vadd.f32 v24, v11;
	v27 =	vld [tilespmem:s0+$0x4A50];
	v25 =	vshll.u32 v31, $0x10  }
0xa0: {  	v24 =	vand.u32 $0xFFFF0000, v31;
	v30 =	vld [tilespmem:s0+$0xA60];
	v31 =	vshll.u32 v32, $0x10;
	v32 =	vand.u32 $0xFFFF0000, v32  }
0xa1: {  	v33 =	vshll.u32 v29, $0x10;
	v29 =	vand.u32 $0xFFFF0000, v29;
	v34 =	vld [tilespmem:s0+$0x4A60];
	v24 =	vadd.f32 v32, v24  }
0xa2: {  	v25 =	vadd.f32 v31, v25;
	v32 =	vshll.u32 v28, $0x10;
	v28 =	vand.u32 $0xFFFF0000, v28  }
0xa3: {  	v31 =	vshll.u32 v26, $0x10;
	v26 =	vand.u32 $0xFFFF0000, v26;
	v35 =	vmul.f32 v24, v24  }
0xa4: {  	v32 =	vadd.f32 v32, v33;
	v36 =	vshll.u32 v27, $0x10;
	v27 =	vand.u32 $0xFFFF0000, v27  }
0xa5: {  	v33 =	vshll.u32 v30, $0x10;
	v37 =	vand.u32 $0xFFFF0000, v30;
	v13 =	vadd.f32 v35, v13  }
0xa6: {  	v29 =	vadd.f32 v28, v29;
	v35 =	vshll.u32 v34, $0x10;
	v34 =	vand.u32 $0xFFFF0000, v34  }
0xa7: {  	v38 =	vmul.f32 v32, v32;
	v30 =	vadd.f32 v36, v31;
	v28 =	vadd.f32 v27, v26  }
0xa8: {  	v31 =	vmul.f32 v29, v29;
	v27 =	vadd.f32 v35, v33;
	v26 =	vadd.f32 v34, v37  }
.Ltmp1:
0xa9: {  	v14 =	vadd.f32 v38, v14;
	v33 =	vmul.f32 v30, v30;
	v34 =	vmul.f32 v28, v28;
	(pc) =	sbr.rel @p1 .LBB2_5-.Ltmp1, $4  }
0xaa: {  	v15 =	vadd.f32 v31, v15;
	v31 =	vmul.f32 v27, v27;
	v35 =	vmul.f32 v26, v26  }
0xab: {  	v16 =	vadd.f32 v33, v16;
	v17 =	vadd.f32 v34, v17;
	v33 =	vmul.f32 v25, v25  }
0xac: {  	s0 =	sshra.s32 s7, $0x2;
	v18 =	vmax.f32 v18, v32;
	v19 =	vadd.f32 v31, v19;
	v20 =	vadd.f32 v35, v20  }
0xad: {  	s7 =	sadd.s32 $0x100, s7;
	v21 =	vadd.f32 v32, v21;
	v22 =	vmax.f32 v22, v29;
	v23 =	vadd.f32 v33, v23;
	v31 =	vld [tilespmem:s0+$0xA70]  }
0xae: {  	v32 =	vld [tilespmem:s0+$0x4A70]  }
0xaf: {  	v1 =	vadd.f32 v29, v1;
	v29 =	vld [tilespmem:s0+$0xA40]  }
0xb0: {  	v0 =	vmax.f32 v0, v30;
	v2 =	vmax.f32 v2, v28;
	v8 =	vadd.f32 v28, v8;
	v28 =	vld [tilespmem:s0+$0x4A40]  }
0xb1: {  	v6 =	vadd.f32 v30, v6;
	v5 =	vmax.f32 v5, v25;
	v12 =	vadd.f32 v25, v12;
	v25 =	vld [tilespmem:s0+$0x4A50]  }
0xb2: {  	v3 =	vmax.f32 v3, v27;
	v7 =	vmax.f32 v7, v24;
	v11 =	vadd.f32 v24, v11;
	v24 =	vld [tilespmem:s0+$0xA60]  }
0xb3: {  	v9 =	vadd.f32 v27, v9;
	v4 =	vmax.f32 v4, v26;
	v10 =	vadd.f32 v26, v10;
	v34 =	vld [tilespmem:s0+$0x4A60]  }
0xb4: {  	v26 =	vld [tilespmem:s0+$0xA50];
	v27 =	vshll.u32 v31, $0x10;
	v30 =	vand.u32 $0xFFFF0000, v31;
	v31 =	vshll.u32 v32, $0x10  }
0xb5: {  	v32 =	vand.u32 $0xFFFF0000, v32;
	v33 =	vshll.u32 v29, $0x10;
	v29 =	vand.u32 $0xFFFF0000, v29  }
0xb6: {  	v46 =	vshll.u32 v28, $0x10;
	v28 =	vand.u32 $0xFFFF0000, v28;
	v36 =	vshll.u32 v25, $0x10  }
0xb7: {  	v25 =	vand.u32 $0xFFFF0000, v25;
	v47 =	vshll.u32 v24, $0x10;
	v24 =	vand.u32 $0xFFFF0000, v24  }
0xb8: {  	v48 =	vshll.u32 v34, $0x10;
	v34 =	vand.u32 $0xFFFF0000, v34;
	v30 =	vadd.f32 v32, v30  }
0xb9: {  	v27 =	vadd.f32 v31, v27;
	v31 =	vshll.u32 v26, $0x10;
	v32 =	vadd.f32 v46, v33  }
0xba: {  	v26 =	vand.u32 $0xFFFF0000, v26;
	v28 =	vadd.f32 v28, v29;
	v33 =	vadd.f32 v48, v47  }
0xbb: {  	v24 =	vadd.f32 v34, v24;
	v31 =	vadd.f32 v36, v31;
	v35 =	vmul.f32 v30, v30  }
0xbc: {  	v25 =	vadd.f32 v25, v26;
	v29 =	vmul.f32 v32, v32;
	v26 =	vmul.f32 v28, v28  }
0xbd: {  	v50 =	vmul.f32 v24, v24;
	v18 =	vmax.f32 v18, v32;
	v21 =	vadd.f32 v32, v21  }
0xbe: {  	v22 =	vmax.f32 v22, v28;
	v1 =	vadd.f32 v28, v1;
	v3 =	vmax.f32 v3, v33  }
0xbf: {  	v9 =	vadd.f32 v33, v9;
	v4 =	vmax.f32 v4, v24;
	v10 =	vadd.f32 v24, v10  }
0xc0: {  	v28 =	vld [tilespmem:$0x1210];
	v5 =	vmax.f32 v5, v27;
	v49 =	vmul.f32 v25, v25;
	v2 =	vmax.f32 v2, v25  }
0xc1: {  	v8 =	vadd.f32 v25, v8;
	v25 =	vld [tilespmem:$0x5210];
	v15 =	vadd.f32 v26, v15;
	v26 =	vmul.f32 v33, v33  }
0xc2: {  	v24 =	vld [tilespmem:$0x1220];
	v12 =	vadd.f32 v27, v12;
	v14 =	vadd.f32 v29, v14;
	v29 =	vmul.f32 v31, v31  }
0xc3: {  	v7 =	vmax.f32 v7, v30;
	v11 =	vadd.f32 v30, v11;
	v19 =	vadd.f32 v26, v19;
	v26 =	vld [tilespmem:$0x1200]  }
0xc4: {  	v6 =	vadd.f32 v31, v6;
	v16 =	vadd.f32 v29, v16;
	v29 =	vmul.f32 v27, v27;
	v27 =	vld [tilespmem:$0x5220]  }
0xc5: {  	v0 =	vmax.f32 v0, v31;
	v13 =	vadd.f32 v35, v13;
	v20 =	vadd.f32 v50, v20  }
0xc6: {  	[tilespmem:$0x8280] =	vst v18;
	v52 =	vshll.u32 v28, $0x10;
	v23 =	vadd.f32 v29, v23;
	v29 =	vld [tilespmem:$0x5200];
	v53 =	vshll.u32 v25, $0x10  }
0xc7: {  	[tilespmem:$0x82A0] =	vst v0;
	v17 =	vadd.f32 v49, v17;
	v28 =	vand.u32 $0xFFFF0000, v28;
	v0 =	vadd.f32 v53, v52  }
0xc8: {  	[tilespmem:$0x8290] =	vst v22;
	v31 =	vld [tilespmem:$0x1230];
	v18 =	vshll.u32 v24, $0x10;
	v24 =	vand.u32 $0xFFFF0000, v24;
	v30 =	vshll.u32 v26, $0x10  }
0xc9: {  	v54 =	vld [tilespmem:$0x5230];
	[tilespmem:$0x82D0] =	vst v4;
	v26 =	vand.u32 $0xFFFF0000, v26;
	v22 =	vshll.u32 v27, $0x10;
	v4 =	vmul.f32 v0, v0  }
0xca: {  	[tilespmem:$0x82C0] =	vst v3;
	v27 =	vand.u32 $0xFFFF0000, v27;
	v6 =	vadd.f32 v0, v6;
	v3 =	vadd.f32 v22, v18  }
0xcb: {  	v51 =	vshll.u32 v29, $0x10;
	v29 =	vand.u32 $0xFFFF0000, v29;
	v16 =	vadd.f32 v4, v16  }
0xcc: {  	[tilespmem:$0x82E0] =	vst v5;
	v25 =	vand.u32 $0xFFFF0000, v25;
	v4 =	vadd.f32 v27, v24;
	v55 =	vadd.f32 v29, v26  }
0xcd: {  	[tilespmem:$0x82F0] =	vst v7;
	v32 =	vadd.f32 v51, v30;
	v26 =	vshll.u32 v31, $0x10;
	v29 =	vand.u32 $0xFFFF0000, v31  }
0xce: {  	s7 =	simm.s32 $0x0;
	[tilespmem:$0x82B0] =	vst v2;
	v31 =	vshll.u32 v54, $0x10;
	v9 =	vadd.f32 v3, v9;
	v2 =	vmul.f32 v55, v55  }
0xcf: {  	v57 =	vld [tilespmem:s7+$0x5260];
	v18 =	vmul.f32 v3, v3;
	v5 =	vadd.f32 v31, v26;
	v10 =	vadd.f32 v4, v10  }
0xd0: {  	v22 =	vld [tilespmem:s7+$0x1270];
	v24 =	vmul.f32 v4, v4;
	v15 =	vadd.f32 v2, v15;
	v2 =	vadd.f32 v25, v28  }
0xd1: {  	v26 =	vld [tilespmem:s7+$0x1240];
	v30 =	vmul.f32 v32, v32;
	v21 =	vadd.f32 v32, v21;
	v1 =	vadd.f32 v55, v1  }
0xd2: {  	v19 =	vadd.f32 v18, v19;
	v18 =	vmul.f32 v5, v5;
	v28 =	vld [tilespmem:s7+$0x5250];
	v7 =	vmul.f32 v2, v2  }
0xd3: {  	v20 =	vadd.f32 v24, v20;
	v14 =	vadd.f32 v30, v14;
	v25 =	vand.u32 $0xFFFF0000, v54;
	v30 =	vld [tilespmem:s7+$0x1260]  }
0xd4: {  	v38 =	vshll.u32 v57, $0x10;
	v17 =	vadd.f32 v7, v17;
	v7 =	vadd.f32 v25, v29;
	v25 =	vld [tilespmem:s7+$0x5270]  }
0xd5: {  	v34 =	vand.u32 $0xFFFF0000, v57;
	v12 =	vadd.f32 v5, v12;
	v23 =	vadd.f32 v18, v23  }
0xd6: {  	v27 =	vld [tilespmem:s7+$0x5240];
	v8 =	vadd.f32 v2, v8;
	v56 =	vshll.u32 v26, $0x10;
	v26 =	vand.u32 $0xFFFF0000, v26  }
0xd7: {  	v18 =	vld [tilespmem:s7+$0x1250];
	v29 =	vshll.u32 v22, $0x10;
	v22 =	vand.u32 $0xFFFF0000, v22;
	v24 =	vmul.f32 v7, v7  }
0xd8: {  	v58 =	vshll.u32 v28, $0x10;
	v28 =	vand.u32 $0xFFFF0000, v28;
	v59 =	vshll.u32 v30, $0x10  }
0xd9: {  	v37 =	vand.u32 $0xFFFF0000, v30;
	v13 =	vadd.f32 v24, v13;
	v24 =	vand.u32 $0xFFFF0000, v25  }
0xda: {  	v11 =	vadd.f32 v7, v11;
	v31 =	vshll.u32 v25, $0x10;
	v24 =	vadd.f32 v24, v22  }
0xdb: {  	v22 =	vshll.u32 v27, $0x10;
	v27 =	vand.u32 $0xFFFF0000, v27;
	v25 =	vadd.f32 v31, v29  }
0xdc: {  	v31 =	vshll.u32 v18, $0x10;
	v18 =	vand.u32 $0xFFFF0000, v18;
	v22 =	vadd.f32 v22, v56  }
0xdd: {  	v30 =	vadd.f32 v58, v31;
	v28 =	vadd.f32 v28, v18;
	v29 =	vmul.f32 v24, v24  }
0xde: {  	v63 =	vmul.f32 v25, v25;
	v39 =	vmul.f32 v22, v22;
	v21 =	vadd.f32 v22, v21  }
0xdf: {  	v31 =	vmul.f32 v30, v30;
	v13 =	vadd.f32 v29, v13;
	v29 =	vadd.f32 v27, v26  }
0xe0: {  	v60 =	vmul.f32 v28, v28;
	v27 =	vadd.f32 v38, v59;
	v26 =	vadd.f32 v34, v37  }
0xe1: {  	v23 =	vadd.f32 v63, v23;
	v14 =	vadd.f32 v39, v14;
	v18 =	vmul.f32 v29, v29  }
0xe2: {  	v16 =	vadd.f32 v31, v16;
	v61 =	vmul.f32 v27, v27;
	v62 =	vmul.f32 v26, v26  }
0xe3: {  	s0 =	simm.s32 $0x40;
	v17 =	vadd.f32 v60, v17;
	v15 =	vadd.f32 v18, v15;
	v18 =	vmax.f32 v32, v22  }
0xe4: {  	s7 =	simm.s32 $0x200;
	v31 =	vld [tilespmem:s0+$0x1270];
	v19 =	vadd.f32 v61, v19;
	v20 =	vadd.f32 v62, v20;
	v22 =	vmax.f32 v55, v29  }
.LBB2_7:
0xe5: {  	p1 =	sne.s32 s7, $0x1E00;
	v32 =	vld [tilespmem:s0+$0x5270];
	v1 =	vadd.f32 v29, v1;
	v0 =	vmax.f32 v0, v30;
	v6 =	vadd.f32 v30, v6  }
0xe6: {  	v2 =	vmax.f32 v2, v28;
	v8 =	vadd.f32 v28, v8;
	v3 =	vmax.f32 v3, v27;
	v29 =	vld [tilespmem:s0+$0x1240]  }
0xe7: {  	v9 =	vadd.f32 v27, v9;
	v4 =	vmax.f32 v4, v26;
	v10 =	vadd.f32 v26, v10;
	v28 =	vld [tilespmem:s0+$0x5240]  }
0xe8: {  	v5 =	vmax.f32 v5, v25;
	v12 =	vadd.f32 v25, v12;
	v7 =	vmax.f32 v7, v24;
	v26 =	vld [tilespmem:s0+$0x1250]  }
0xe9: {  	v11 =	vadd.f32 v24, v11;
	v27 =	vld [tilespmem:s0+$0x5250];
	v25 =	vshll.u32 v31, $0x10  }
0xea: {  	v24 =	vand.u32 $0xFFFF0000, v31;
	v30 =	vld [tilespmem:s0+$0x1260];
	v31 =	vshll.u32 v32, $0x10;
	v32 =	vand.u32 $0xFFFF0000, v32  }
0xeb: {  	v33 =	vshll.u32 v29, $0x10;
	v29 =	vand.u32 $0xFFFF0000, v29;
	v34 =	vld [tilespmem:s0+$0x5260];
	v24 =	vadd.f32 v32, v24  }
0xec: {  	v25 =	vadd.f32 v31, v25;
	v32 =	vshll.u32 v28, $0x10;
	v28 =	vand.u32 $0xFFFF0000, v28  }
0xed: {  	v31 =	vshll.u32 v26, $0x10;
	v26 =	vand.u32 $0xFFFF0000, v26;
	v35 =	vmul.f32 v24, v24  }
0xee: {  	v32 =	vadd.f32 v32, v33;
	v36 =	vshll.u32 v27, $0x10;
	v27 =	vand.u32 $0xFFFF0000, v27  }
0xef: {  	v33 =	vshll.u32 v30, $0x10;
	v37 =	vand.u32 $0xFFFF0000, v30;
	v13 =	vadd.f32 v35, v13  }
0xf0: {  	v29 =	vadd.f32 v28, v29;
	v35 =	vshll.u32 v34, $0x10;
	v34 =	vand.u32 $0xFFFF0000, v34  }
0xf1: {  	v38 =	vmul.f32 v32, v32;
	v30 =	vadd.f32 v36, v31;
	v28 =	vadd.f32 v27, v26  }
0xf2: {  	v31 =	vmul.f32 v29, v29;
	v27 =	vadd.f32 v35, v33;
	v26 =	vadd.f32 v34, v37  }
.Ltmp2:
0xf3: {  	v14 =	vadd.f32 v38, v14;
	v33 =	vmul.f32 v30, v30;
	v34 =	vmul.f32 v28, v28;
	(pc) =	sbr.rel @p1 .LBB2_7-.Ltmp2, $4  }
0xf4: {  	v15 =	vadd.f32 v31, v15;
	v31 =	vmul.f32 v27, v27;
	v35 =	vmul.f32 v26, v26  }
0xf5: {  	v16 =	vadd.f32 v33, v16;
	v17 =	vadd.f32 v34, v17;
	v33 =	vmul.f32 v25, v25  }
0xf6: {  	s0 =	sshra.s32 s7, $0x2;
	v18 =	vmax.f32 v18, v32;
	v19 =	vadd.f32 v31, v19;
	v20 =	vadd.f32 v35, v20  }
0xf7: {  	s7 =	sadd.s32 $0x100, s7;
	v21 =	vadd.f32 v32, v21;
	v22 =	vmax.f32 v22, v29;
	v23 =	vadd.f32 v33, v23;
	v31 =	vld [tilespmem:s0+$0x1270]  }
0xf8: {  	v32 =	vld [tilespmem:s0+$0x5270]  }
0xf9: {  	v1 =	vadd.f32 v29, v1;
	v29 =	vld [tilespmem:s0+$0x1240]  }
0xfa: {  	v2 =	vmax.f32 v2, v28;
	v8 =	vadd.f32 v28, v8;
	v28 =	vld [tilespmem:s0+$0x5240]  }
0xfb: {  	v0 =	vmax.f32 v0, v30;
	v5 =	vmax.f32 v5, v25;
	v12 =	vadd.f32 v25, v12;
	v25 =	vld [tilespmem:s0+$0x5250]  }
0xfc: {  	v6 =	vadd.f32 v30, v6;
	v7 =	vmax.f32 v7, v24;
	v11 =	vadd.f32 v24, v11;
	v24 =	vld [tilespmem:s0+$0x1260]  }
0xfd: {  	v3 =	vmax.f32 v3, v27;
	v9 =	vadd.f32 v27, v9;
	v4 =	vmax.f32 v4, v26;
	v34 =	vld [tilespmem:s0+$0x5260]  }
0xfe: {  	v10 =	vadd.f32 v26, v10;
	v27 =	vshll.u32 v31, $0x10;
	v30 =	vand.u32 $0xFFFF0000, v31  }
0xff: {  	v26 =	vld [tilespmem:s0+$0x1250];
	v31 =	vshll.u32 v32, $0x10;
	v32 =	vand.u32 $0xFFFF0000, v32;
	v33 =	vshll.u32 v29, $0x10  }
0x100: {  	v29 =	vand.u32 $0xFFFF0000, v29;
	v46 =	vshll.u32 v28, $0x10;
	v28 =	vand.u32 $0xFFFF0000, v28  }
0x101: {  	v36 =	vshll.u32 v25, $0x10;
	v25 =	vand.u32 $0xFFFF0000, v25;
	v47 =	vshll.u32 v24, $0x10  }
0x102: {  	v24 =	vand.u32 $0xFFFF0000, v24;
	v48 =	vshll.u32 v34, $0x10;
	v30 =	vadd.f32 v32, v30  }
0x103: {  	v34 =	vand.u32 $0xFFFF0000, v34;
	v27 =	vadd.f32 v31, v27;
	v32 =	vadd.f32 v46, v33  }
0x104: {  	v31 =	vshll.u32 v26, $0x10;
	v28 =	vadd.f32 v28, v29;
	v33 =	vadd.f32 v48, v47  }
0x105: {  	v26 =	vand.u32 $0xFFFF0000, v26;
	v24 =	vadd.f32 v34, v24;
	v31 =	vadd.f32 v36, v31  }
0x106: {  	v25 =	vadd.f32 v25, v26;
	v35 =	vmul.f32 v30, v30;
	v29 =	vmul.f32 v32, v32  }
0x107: {  	v26 =	vmul.f32 v28, v28;
	v50 =	vmul.f32 v24, v24;
	v18 =	vmax.f32 v18, v32  }
0x108: {  	v21 =	vadd.f32 v32, v21;
	v22 =	vmax.f32 v22, v28;
	v1 =	vadd.f32 v28, v1  }
0x109: {  	v3 =	vmax.f32 v3, v33;
	v4 =	vmax.f32 v4, v24;
	v24 =	vadd.f32 v24, v10  }
0x10a: {  	v54 =	vld [tilespmem:$0x5A30];
	v5 =	vmax.f32 v5, v27;
	v10 =	vmax.f32 v7, v30;
	v49 =	vmul.f32 v25, v25  }
0x10b: {  	v28 =	vld [tilespmem:$0x1A10];
	v2 =	vmax.f32 v2, v25;
	v25 =	vadd.f32 v25, v8;
	v14 =	vadd.f32 v29, v14  }
0x10c: {  	v8 =	vld [tilespmem:$0x5A10];
	v29 =	vmul.f32 v31, v31;
	v15 =	vadd.f32 v26, v15;
	v26 =	vmul.f32 v33, v33  }
0x10d: {  	v0 =	vmax.f32 v0, v31;
	v6 =	vadd.f32 v31, v6;
	v31 =	vadd.f32 v33, v9;
	v9 =	vld [tilespmem:$0x1A20]  }
0x10e: {  	v16 =	vadd.f32 v29, v16;
	v29 =	vmul.f32 v27, v27;
	v19 =	vadd.f32 v26, v19;
	v26 =	vld [tilespmem:$0x1A00]  }
0x10f: {  	v7 =	vld [tilespmem:$0x5A20];
	v30 =	vadd.f32 v30, v11;
	[tilespmem:$0x8340] =	vst v3;
	v3 =	vshll.u32 v54, $0x10;
	v13 =	vadd.f32 v35, v13  }
0x110: {  	v17 =	vadd.f32 v49, v17;
	v52 =	vshll.u32 v28, $0x10;
	v23 =	vadd.f32 v29, v23;
	v29 =	vld [tilespmem:$0x5A00]  }
0x111: {  	v28 =	vand.u32 $0xFFFF0000, v28;
	v53 =	vshll.u32 v8, $0x10;
	v8 =	vand.u32 $0xFFFF0000, v8  }
0x112: {  	[tilespmem:$0x8350] =	vst v4;
	v4 =	vand.u32 $0xFFFF0000, v54;
	v27 =	vadd.f32 v27, v12;
	v8 =	vadd.f32 v8, v28  }
0x113: {  	[tilespmem:$0x8300] =	vst v18;
	v18 =	vshll.u32 v9, $0x10;
	v11 =	vshll.u32 v26, $0x10;
	v12 =	vand.u32 $0xFFFF0000, v26;
	v26 =	vld [tilespmem:$0x1A30]  }
0x114: {  	[tilespmem:$0x8360] =	vst v5;
	v55 =	vand.u32 $0xFFFF0000, v9;
	v9 =	vshll.u32 v7, $0x10;
	v5 =	vmul.f32 v8, v8  }
0x115: {  	v20 =	vadd.f32 v50, v20;
	v9 =	vadd.f32 v9, v18;
	v51 =	vshll.u32 v29, $0x10  }
0x116: {  	v29 =	vand.u32 $0xFFFF0000, v29;
	v18 =	vadd.f32 v5, v17;
	v32 =	vadd.f32 v51, v11  }
0x117: {  	[tilespmem:$0x8310] =	vst v22;
	v11 =	vand.u32 $0xFFFF0000, v7;
	v22 =	vadd.f32 v29, v12;
	v7 =	vadd.f32 v53, v52  }
0x118: {  	[tilespmem:$0x8370] =	vst v10;
	v12 =	vadd.f32 v11, v55;
	v29 =	vshll.u32 v26, $0x10;
	v26 =	vand.u32 $0xFFFF0000, v26  }
0x119: {  	[tilespmem:$0x8320] =	vst v0;
	v0 =	vmul.f32 v32, v32;
	v37 =	vadd.f32 v32, v21;
	v11 =	vadd.f32 v3, v29  }
0x11a: {  	[tilespmem:$0x8330] =	vst v2;
	v2 =	vmul.f32 v22, v22;
	v10 =	vadd.f32 v4, v26;
	v3 =	vadd.f32 v9, v31  }
0x11b: {  	s7 =	simm.s32 $0x0;
	v4 =	vadd.f32 v12, v24;
	v21 =	vadd.f32 v0, v14  }
0x11c: {  	v5 =	vmul.f32 v12, v12;
	v0 =	vadd.f32 v22, v1;
	v15 =	vadd.f32 v2, v15;
	v14 =	vld [tilespmem:s7+$0x1A70]  }
0x11d: {  	v17 =	vld [tilespmem:s7+$0x5A70];
	v2 =	vmul.f32 v7, v7;
	v1 =	vadd.f32 v7, v6;
	v6 =	vmul.f32 v9, v9  }
0x11e: {  	v26 =	vld [tilespmem:s7+$0x1A40];
	v20 =	vadd.f32 v5, v20;
	v24 =	vmul.f32 v10, v10;
	v5 =	vadd.f32 v10, v30  }
0x11f: {  	v28 =	vld [tilespmem:s7+$0x5A40];
	v16 =	vadd.f32 v2, v16;
	v2 =	vadd.f32 v8, v25;
	v25 =	vmul.f32 v11, v11  }
0x120: {  	v19 =	vadd.f32 v6, v19;
	v6 =	vadd.f32 v11, v27;
	v27 =	vld [tilespmem:s7+$0x5A50]  }
0x121: {  	v29 =	vld [tilespmem:s7+$0x1A60];
	v24 =	vadd.f32 v24, v13;
	v56 =	vadd.f32 v25, v23;
	v23 =	vshll.u32 v14, $0x10  }
0x122: {  	v25 =	vld [tilespmem:s7+$0x1A50];
	v13 =	vand.u32 $0xFFFF0000, v14;
	v14 =	vshll.u32 v17, $0x10;
	v17 =	vand.u32 $0xFFFF0000, v17  }
0x123: {  	v31 =	vld [tilespmem:s7+$0x5A60];
	v30 =	vshll.u32 v26, $0x10;
	v26 =	vand.u32 $0xFFFF0000, v26;
	v13 =	vadd.f32 v17, v13  }
0x124: {  	v17 =	vshll.u32 v28, $0x10;
	v28 =	vand.u32 $0xFFFF0000, v28;
	v23 =	vadd.f32 v14, v23  }
0x125: {  	v58 =	vshll.u32 v27, $0x10;
	v59 =	vand.u32 $0xFFFF0000, v27;
	v30 =	vadd.f32 v17, v30  }
0x126: {  	v17 =	vshll.u32 v29, $0x10;
	v29 =	vand.u32 $0xFFFF0000, v29;
	v14 =	vmul.f32 v13, v13  }
0x127: {  	v27 =	vadd.f32 v28, v26;
	v57 =	vshll.u32 v25, $0x10;
	v25 =	vand.u32 $0xFFFF0000, v25  }
0x128: {  	v38 =	vmul.f32 v30, v30;
	v14 =	vadd.f32 v14, v24;
	v24 =	vshll.u32 v31, $0x10  }
0x129: {  	v31 =	vand.u32 $0xFFFF0000, v31;
	v28 =	vadd.f32 v58, v57;
	v25 =	vadd.f32 v59, v25  }
0x12a: {  	v60 =	vmul.f32 v27, v27;
	v26 =	vadd.f32 v24, v17;
	v24 =	vadd.f32 v31, v29  }
0x12b: {  	v21 =	vadd.f32 v38, v21;
	v29 =	vmul.f32 v28, v28;
	v31 =	vmul.f32 v25, v25  }
0x12c: {  	v17 =	vadd.f32 v60, v15;
	v61 =	vmul.f32 v26, v26;
	v62 =	vmul.f32 v24, v24  }
0x12d: {  	v63 =	vmul.f32 v23, v23;
	v15 =	vadd.f32 v29, v16;
	v16 =	vadd.f32 v31, v18  }
0x12e: {  	s0 =	simm.s32 $0x40;
	v29 =	vmax.f32 v32, v30;
	v18 =	vadd.f32 v61, v19;
	v19 =	vadd.f32 v62, v20  }
0x12f: {  	s7 =	simm.s32 $0x200;
	v31 =	vld [tilespmem:s0+$0x1A70];
	v20 =	vadd.f32 v30, v37;
	v30 =	vmax.f32 v22, v27;
	v22 =	vadd.f32 v63, v56  }
.LBB2_9:
0x130: {  	p1 =	sne.s32 s7, $0x1E00;
	v32 =	vld [tilespmem:s0+$0x5A70];
	v0 =	vadd.f32 v27, v0;
	v7 =	vmax.f32 v7, v28;
	v1 =	vadd.f32 v28, v1  }
0x131: {  	v8 =	vmax.f32 v8, v25;
	v2 =	vadd.f32 v25, v2;
	v9 =	vmax.f32 v9, v26;
	v27 =	vld [tilespmem:s0+$0x1A40]  }
0x132: {  	v3 =	vadd.f32 v26, v3;
	v12 =	vmax.f32 v12, v24;
	v4 =	vadd.f32 v24, v4;
	v25 =	vld [tilespmem:s0+$0x5A40]  }
0x133: {  	v11 =	vmax.f32 v11, v23;
	v6 =	vadd.f32 v23, v6;
	v10 =	vmax.f32 v10, v13;
	v24 =	vld [tilespmem:s0+$0x1A50]  }
0x134: {  	v5 =	vadd.f32 v13, v5;
	v26 =	vld [tilespmem:s0+$0x5A50];
	v23 =	vshll.u32 v31, $0x10  }
0x135: {  	v13 =	vand.u32 $0xFFFF0000, v31;
	v28 =	vld [tilespmem:s0+$0x1A60];
	v31 =	vshll.u32 v32, $0x10;
	v32 =	vand.u32 $0xFFFF0000, v32  }
0x136: {  	v33 =	vshll.u32 v27, $0x10;
	v27 =	vand.u32 $0xFFFF0000, v27;
	v34 =	vld [tilespmem:s0+$0x5A60];
	v13 =	vadd.f32 v32, v13  }
0x137: {  	v23 =	vadd.f32 v31, v23;
	v32 =	vshll.u32 v25, $0x10;
	v25 =	vand.u32 $0xFFFF0000, v25  }
0x138: {  	v31 =	vshll.u32 v24, $0x10;
	v24 =	vand.u32 $0xFFFF0000, v24;
	v35 =	vmul.f32 v13, v13  }
0x139: {  	v32 =	vadd.f32 v32, v33;
	v36 =	vshll.u32 v26, $0x10;
	v26 =	vand.u32 $0xFFFF0000, v26  }
0x13a: {  	v33 =	vshll.u32 v28, $0x10;
	v37 =	vand.u32 $0xFFFF0000, v28;
	v14 =	vadd.f32 v35, v14  }
0x13b: {  	v27 =	vadd.f32 v25, v27;
	v35 =	vshll.u32 v34, $0x10;
	v34 =	vand.u32 $0xFFFF0000, v34  }
0x13c: {  	v38 =	vmul.f32 v32, v32;
	v28 =	vadd.f32 v36, v31;
	v25 =	vadd.f32 v26, v24  }
0x13d: {  	v31 =	vmul.f32 v27, v27;
	v26 =	vadd.f32 v35, v33;
	v24 =	vadd.f32 v34, v37  }
.Ltmp3:
0x13e: {  	v21 =	vadd.f32 v38, v21;
	v33 =	vmul.f32 v28, v28;
	v34 =	vmul.f32 v25, v25;
	(pc) =	sbr.rel @p1 .LBB2_9-.Ltmp3, $4  }
0x13f: {  	v17 =	vadd.f32 v31, v17;
	v31 =	vmul.f32 v26, v26;
	v35 =	vmul.f32 v24, v24  }
0x140: {  	v15 =	vadd.f32 v33, v15;
	v16 =	vadd.f32 v34, v16;
	v33 =	vmul.f32 v23, v23  }
0x141: {  	s0 =	sshra.s32 s7, $0x2;
	v29 =	vmax.f32 v29, v32;
	v18 =	vadd.f32 v31, v18;
	v19 =	vadd.f32 v35, v19  }
0x142: {  	s7 =	sadd.s32 $0x100, s7;
	v20 =	vadd.f32 v32, v20;
	v30 =	vmax.f32 v30, v27;
	v22 =	vadd.f32 v33, v22;
	v31 =	vld [tilespmem:s0+$0x1A70]  }
0x143: {  	v32 =	vld [tilespmem:s0+$0x5A70]  }
0x144: {  	v33 =	vld [tilespmem:s0+$0x1A40]  }
0x145: {  	v34 =	vld [tilespmem:s0+$0x5A40]  }
0x146: {  	v35 =	vld [tilespmem:s0+$0x1A50]  }
0x147: {  	v36 =	vld [tilespmem:s0+$0x5A50]  }
0x148: {  	v37 =	vld [tilespmem:s0+$0x1A60]  }
0x149: {  	v40 =	vld [tilespmem:s0+$0x5A60];
	v7 =	vmax.f32 v7, v28;
	v8 =	vmax.f32 v8, v25;
	v38 =	vshll.u32 v31, $0x10  }
0x14a: {  	v39 =	vshll.u32 v32, $0x10;
	v41 =	vshll.u32 v33, $0x10;
	v49 =	vshll.u32 v34, $0x10  }
0x14b: {  	v33 =	vand.u32 $0xFFFF0000, v33;
	v34 =	vand.u32 $0xFFFF0000, v34;
	v50 =	vshll.u32 v35, $0x10  }
0x14c: {  	v51 =	vshll.u32 v36, $0x10;
	v35 =	vand.u32 $0xFFFF0000, v35;
	v36 =	vand.u32 $0xFFFF0000, v36  }
0x14d: {  	v52 =	vshll.u32 v37, $0x10;
	v38 =	vadd.f32 v39, v38;
	v39 =	vadd.f32 v49, v41  }
0x14e: {  	v53 =	vshll.u32 v40, $0x10;
	v33 =	vadd.f32 v34, v33;
	v34 =	vadd.f32 v51, v50  }
0x14f: {  	v54 =	vand.u32 $0xFFFF0000, v40;
	v35 =	vadd.f32 v36, v35;
	v29 =	vmax.f32 v29, v39  }
0x150: {  	v36 =	vadd.f32 v53, v52;
	v30 =	vmax.f32 v30, v33;
	v7 =	vmax.f32 v7, v34;
	[tilespmem:$0x8380] =	vst v29  }
0x151: {  	v8 =	vmax.f32 v8, v35;
	v29 =	vand.u32 $0xFFFF0000, v37;
	[tilespmem:$0x83A0] =	vst v7;
	v7 =	vmax.f32 v9, v26  }
0x152: {  	[tilespmem:$0x8390] =	vst v30;
	v9 =	vmax.f32 v12, v24;
	v12 =	vand.u32 $0xFFFF0000, v31;
	v30 =	vand.u32 $0xFFFF0000, v32  }
0x153: {  	[tilespmem:$0x83B0] =	vst v8;
	v8 =	vmax.f32 v11, v23;
	v29 =	vadd.f32 v54, v29;
	v7 =	vmax.f32 v7, v36  }
0x154: {  	s7 =	sshll.u32 s13, $0xA;
	v11 =	vadd.f32 v30, v12;
	v8 =	vmax.f32 v8, v38;
	[tilespmem:$0x83C0] =	vst v7  }
0x155: {  	s0 =	sadd.s32 s10, s7;
	v7 =	vmax.f32 v10, v13;
	[tilespmem:$0x83E0] =	vst v8;
	v9 =	vmax.f32 v9, v29  }
0x156: {  	s0 =	sshrl.u32 s0, $0x3;
	v7 =	vmax.f32 v7, v11;
	[tilespmem:$0x83D0] =	vst v9  }
0x157: {  	s7 =	simm.s32 $0x0;
	s0 =	sadd.s32 s6, s0;
	[tilespmem:$0x83F0] =	vst v7  }
0x158: {  	[hbm4b:s0+s7] =	stream.linear.scatter [tilespmem:s28], [sflag:$0x7], $0x200, $0x38;
	[tilespmem:$0x8700] =	vst v63  }
0x159: {  	_ =	swait.ge [sflag:s16], $0x100  }
0x15a: {  	[sflag:s16] =	ssyncset.done $0x0  }
0x15b: {  	[sflag:s16] =	ssyncadd.s32 $0xFFFFFF00  }
0x15c: {  	[tilespmem:s18], [sflag:$0x3] =	stream.indirect.gather [hbm4b:s4+s17], $0x40, s7, s17, $0xb8;
	[tilespmem:$0x8700] =	vst v63  }
0x15d: {  	_ = 	snop  }
0x15e: {  	[tilespmem:s19], [sflag:$0x5] =	stream.indirect.gather [hbm4b:s5+s17], $0x40, s17, s17, $0xb8;
	[tilespmem:$0x8700] =	vst v63  }
0x15f: {  	_ =	swait.ge [sflag:s29], $0x2000  }
0x160: {  	[sflag:s29] =	ssyncset.done $0x0  }
0x161: {  	v0 =	vadd.f32 v27, v0;
	v1 =	vadd.f32 v28, v1;
	s14 =	sadd.s32 s14, s11;
	[sflag:s29] =	ssyncadd.s32 $0xFFFFE000  }
0x162: {  	v2 =	vadd.f32 v25, v2;
	v6 =	vadd.f32 v23, v6;
	s0 =	sshll.u32 s14, $0x5;
	_ =	swait.ge [sflag:s30], $0x2000  }
0x163: {  	v3 =	vadd.f32 v26, v3;
	v4 =	vadd.f32 v24, v4;
	v7 =	vmul.f32 v11, v11;
	s0 =	sand.u32 $0x1FFFFFE0, s0;
	[sflag:s30] =	ssyncset.done $0x0  }
0x164: {  	v5 =	vadd.f32 v13, v5;
	v25 =	vadd.f32 v38, v6;
	v10 =	vmul.f32 v35, v35;
	s0 =	sadd.s32 s1, s0;
	[sflag:s30] =	ssyncadd.s32 $0xFFFFE000  }
0x165: {  	v8 =	vmul.f32 v39, v39;
	v12 =	vadd.f32 v7, v14;
	v7 =	vmul.f32 v33, v33;
	[tilespmem:s20], [sflag:$0x2] =	stream.linear.gather [hbm4b:s0+s7], $0x100, $0x38;
	[tilespmem:$0x8700] =	vst v63  }
0x166: {  	v13 =	vmul.f32 v36, v36;
	v10 =	vadd.f32 v10, v16;
	v14 =	vmul.f32 v29, v29;
	v16 =	vld [tilespmem:$0x2200]  }
0x167: {  	v8 =	vadd.f32 v8, v21;
	v7 =	vadd.f32 v7, v17;
	v17 =	vld [tilespmem:$0x6200]  }
0x168: {  	v9 =	vmul.f32 v34, v34;
	v13 =	vadd.f32 v13, v18;
	v14 =	vadd.f32 v14, v19;
	v19 =	vld [tilespmem:$0x2210]  }
0x169: {  	v18 =	vadd.f32 v39, v20;
	v20 =	vadd.f32 v33, v0;
	v0 =	vld [tilespmem:$0x6210]  }
0x16a: {  	v21 =	vadd.f32 v34, v1;
	v9 =	vadd.f32 v9, v15;
	v15 =	vmul.f32 v38, v38;
	v1 =	vld [tilespmem:$0x2220]  }
0x16b: {  	v23 =	vadd.f32 v36, v3;
	v11 =	vadd.f32 v11, v5;
	v5 =	vld [tilespmem:$0x2230]  }
0x16c: {  	v15 =	vadd.f32 v15, v22;
	v22 =	vadd.f32 v35, v2;
	v2 =	vld [tilespmem:$0x6220]  }
0x16d: {  	v24 =	vadd.f32 v29, v4;
	v28 =	vld [tilespmem:$0x6230];
	v3 =	vshll.u32 v16, $0x10;
	v4 =	vand.u32 $0xFFFF0000, v16  }
0x16e: {  	v6 =	vshll.u32 v17, $0x10;
	v16 =	vand.u32 $0xFFFF0000, v17;
	v17 =	vshll.u32 v19, $0x10  }
0x16f: {  	v19 =	vand.u32 $0xFFFF0000, v19;
	v26 =	vshll.u32 v0, $0x10;
	v27 =	vand.u32 $0xFFFF0000, v0  }
0x170: {  	v29 =	vshll.u32 v1, $0x10;
	v30 =	vand.u32 $0xFFFF0000, v1;
	v57 =	vand.u32 $0xFFFF0000, v5  }
0x171: {  	v31 =	vadd.f32 v6, v3;
	v3 =	vshll.u32 v2, $0x10;
	v56 =	vadd.f32 v16, v4  }
0x172: {  	v16 =	vshll.u32 v5, $0x10;
	v0 =	vadd.f32 v26, v17;
	v5 =	vshll.u32 v28, $0x10  }
0x173: {  	v55 =	vand.u32 $0xFFFF0000, v2;
	v3 =	vadd.f32 v3, v29;
	v5 =	vadd.f32 v5, v16  }
0x174: {  	v1 =	vmul.f32 v31, v31;
	v58 =	vadd.f32 v31, v18;
	v4 =	vmul.f32 v56, v56  }
0x175: {  	v2 =	vadd.f32 v56, v20;
	v6 =	vadd.f32 v0, v21;
	v17 =	vmul.f32 v3, v3  }
0x176: {  	s14 =	simm.s32 $0x0;
	v18 =	vadd.f32 v1, v8;
	v20 =	vadd.f32 v4, v7;
	v4 =	vmul.f32 v0, v0  }
0x177: {  	v16 =	vld [tilespmem:s14+$0x2270];
	v1 =	vadd.f32 v27, v19;
	v7 =	vand.u32 $0xFFFF0000, v28;
	v59 =	vadd.f32 v17, v13  }
0x178: {  	v26 =	vld [tilespmem:s14+$0x6270];
	v13 =	vmul.f32 v5, v5;
	v19 =	vadd.f32 v4, v9;
	v4 =	vadd.f32 v55, v30  }
0x179: {  	v29 =	vld [tilespmem:s14+$0x6260];
	v7 =	vadd.f32 v7, v57;
	v17 =	vadd.f32 v5, v25;
	v9 =	vmul.f32 v1, v1  }
0x17a: {  	v8 =	vadd.f32 v1, v22;
	v61 =	vadd.f32 v13, v15;
	v13 =	vld [tilespmem:s14+$0x2250];
	v22 =	vmul.f32 v4, v4  }
0x17b: {  	v21 =	vadd.f32 v9, v10;
	v9 =	vadd.f32 v3, v23;
	v23 =	vld [tilespmem:s14+$0x2240]  }
0x17c: {  	v15 =	vshll.u32 v16, $0x10;
	v16 =	vand.u32 $0xFFFF0000, v16;
	v60 =	vadd.f32 v22, v14;
	v22 =	vld [tilespmem:s14+$0x6240]  }
0x17d: {  	v10 =	vadd.f32 v4, v24;
	v24 =	vand.u32 $0xFFFF0000, v26;
	v14 =	vmul.f32 v7, v7  }
0x17e: {  	v27 =	vld [tilespmem:s14+$0x2260];
	v25 =	vshll.u32 v26, $0x10;
	v63 =	vand.u32 $0xFFFF0000, v29;
	v24 =	vadd.f32 v24, v16  }
0x17f: {  	v25 =	vadd.f32 v25, v15;
	v12 =	vadd.f32 v14, v12;
	v14 =	vld [tilespmem:s14+$0x6250];
	v15 =	vshll.u32 v13, $0x10  }
0x180: {  	v26 =	vshll.u32 v23, $0x10;
	v28 =	vand.u32 $0xFFFF0000, v23;
	v23 =	vmul.f32 v24, v24  }
0x181: {  	v13 =	vand.u32 $0xFFFF0000, v13;
	v16 =	vshll.u32 v22, $0x10;
	v22 =	vand.u32 $0xFFFF0000, v22  }
0x182: {  	v23 =	vadd.f32 v23, v12;
	v12 =	vshll.u32 v29, $0x10;
	v62 =	vadd.f32 v16, v26  }
0x183: {  	v16 =	vshll.u32 v27, $0x10;
	v26 =	vand.u32 $0xFFFF0000, v27;
	v29 =	vadd.f32 v22, v28  }
0x184: {  	v30 =	vshll.u32 v14, $0x10;
	v14 =	vand.u32 $0xFFFF0000, v14;
	v27 =	vadd.f32 v12, v16  }
0x185: {  	v26 =	vadd.f32 v63, v26;
	v22 =	vmul.f32 v62, v62;
	v28 =	vadd.f32 v14, v13  }
0x186: {  	v30 =	vadd.f32 v30, v15;
	v13 =	vmul.f32 v29, v29;
	v15 =	vmul.f32 v27, v27  }
0x187: {  	v11 =	vadd.f32 v7, v11;
	v16 =	vmul.f32 v26, v26;
	v14 =	vmul.f32 v28, v28  }
0x188: {  	v22 =	vadd.f32 v22, v18;
	v12 =	vmul.f32 v30, v30;
	v18 =	vadd.f32 v13, v20  }
0x189: {  	v15 =	vadd.f32 v15, v59;
	v13 =	vadd.f32 v14, v21;
	v21 =	vmul.f32 v25, v25  }
0x18a: {  	s0 =	simm.s32 $0x40;
	v20 =	vmax.f32 v56, v29;
	v16 =	vadd.f32 v16, v60;
	v12 =	vadd.f32 v12, v19  }
0x18b: {  	s7 =	simm.s32 $0x200;
	v14 =	vmax.f32 v31, v62;
	v31 =	vld [tilespmem:s0+$0x2270];
	v19 =	vadd.f32 v62, v58;
	v21 =	vadd.f32 v21, v61  }
.LBB2_11:
0x18c: {  	p1 =	sne.s32 s7, $0x1E00;
	v32 =	vld [tilespmem:s0+$0x6270];
	v2 =	vadd.f32 v29, v2;
	v0 =	vmax.f32 v0, v30;
	v6 =	vadd.f32 v30, v6  }
0x18d: {  	v1 =	vmax.f32 v1, v28;
	v8 =	vadd.f32 v28, v8;
	v3 =	vmax.f32 v3, v27;
	v29 =	vld [tilespmem:s0+$0x2240]  }
0x18e: {  	v9 =	vadd.f32 v27, v9;
	v4 =	vmax.f32 v4, v26;
	v10 =	vadd.f32 v26, v10;
	v28 =	vld [tilespmem:s0+$0x6240]  }
0x18f: {  	v5 =	vmax.f32 v5, v25;
	v17 =	vadd.f32 v25, v17;
	v7 =	vmax.f32 v7, v24;
	v26 =	vld [tilespmem:s0+$0x2250]  }
0x190: {  	v11 =	vadd.f32 v24, v11;
	v27 =	vld [tilespmem:s0+$0x6250];
	v25 =	vshll.u32 v31, $0x10  }
0x191: {  	v24 =	vand.u32 $0xFFFF0000, v31;
	v30 =	vld [tilespmem:s0+$0x2260];
	v31 =	vshll.u32 v32, $0x10;
	v32 =	vand.u32 $0xFFFF0000, v32  }
0x192: {  	v33 =	vshll.u32 v29, $0x10;
	v29 =	vand.u32 $0xFFFF0000, v29;
	v34 =	vld [tilespmem:s0+$0x6260];
	v24 =	vadd.f32 v32, v24  }
0x193: {  	v25 =	vadd.f32 v31, v25;
	v32 =	vshll.u32 v28, $0x10;
	v28 =	vand.u32 $0xFFFF0000, v28  }
0x194: {  	v31 =	vshll.u32 v26, $0x10;
	v26 =	vand.u32 $0xFFFF0000, v26;
	v35 =	vmul.f32 v24, v24  }
0x195: {  	v32 =	vadd.f32 v32, v33;
	v36 =	vshll.u32 v27, $0x10;
	v27 =	vand.u32 $0xFFFF0000, v27  }
0x196: {  	v33 =	vshll.u32 v30, $0x10;
	v37 =	vand.u32 $0xFFFF0000, v30;
	v23 =	vadd.f32 v35, v23  }
0x197: {  	v29 =	vadd.f32 v28, v29;
	v35 =	vshll.u32 v34, $0x10;
	v34 =	vand.u32 $0xFFFF0000, v34  }
0x198: {  	v38 =	vmul.f32 v32, v32;
	v30 =	vadd.f32 v36, v31;
	v28 =	vadd.f32 v27, v26  }
0x199: {  	v31 =	vmul.f32 v29, v29;
	v27 =	vadd.f32 v35, v33;
	v26 =	vadd.f32 v34, v37  }
.Ltmp4:
0x19a: {  	v22 =	vadd.f32 v38, v22;
	v33 =	vmul.f32 v30, v30;
	v34 =	vmul.f32 v28, v28;
	(pc) =	sbr.rel @p1 .LBB2_11-.Ltmp4, $4  }
0x19b: {  	v18 =	vadd.f32 v31, v18;
	v31 =	vmul.f32 v27, v27;
	v35 =	vmul.f32 v26, v26  }
0x19c: {  	v12 =	vadd.f32 v33, v12;
	v13 =	vadd.f32 v34, v13;
	v33 =	vmul.f32 v25, v25  }
0x19d: {  	s0 =	sshra.s32 s7, $0x2;
	v14 =	vmax.f32 v14, v32;
	v15 =	vadd.f32 v31, v15;
	v16 =	vadd.f32 v35, v16  }
0x19e: {  	s7 =	sadd.s32 $0x100, s7;
	v19 =	vadd.f32 v32, v19;
	v20 =	vmax.f32 v20, v29;
	v21 =	vadd.f32 v33, v21;
	v31 =	vld [tilespmem:s0+$0x2270]  }
0x19f: {  	v32 =	vld [tilespmem:s0+$0x6270]  }
0x1a0: {  	v2 =	vadd.f32 v29, v2;
	v29 =	vld [tilespmem:s0+$0x2240]  }
0x1a1: {  	v1 =	vmax.f32 v1, v28;
	v8 =	vadd.f32 v28, v8;
	v28 =	vld [tilespmem:s0+$0x6240]  }
0x1a2: {  	v5 =	vmax.f32 v5, v25;
	v17 =	vadd.f32 v25, v17;
	v25 =	vld [tilespmem:s0+$0x6250]  }
0x1a3: {  	v0 =	vmax.f32 v0, v30;
	v7 =	vmax.f32 v7, v24;
	v11 =	vadd.f32 v24, v11;
	v24 =	vld [tilespmem:s0+$0x2260]  }
0x1a4: {  	v6 =	vadd.f32 v30, v6;
	v3 =	vmax.f32 v3, v27;
	v9 =	vadd.f32 v27, v9;
	v34 =	vld [tilespmem:s0+$0x6260]  }
0x1a5: {  	v4 =	vmax.f32 v4, v26;
	v10 =	vadd.f32 v26, v10;
	v27 =	vshll.u32 v31, $0x10  }
0x1a6: {  	v26 =	vld [tilespmem:s0+$0x2250];
	v30 =	vand.u32 $0xFFFF0000, v31;
	v31 =	vshll.u32 v32, $0x10;
	v32 =	vand.u32 $0xFFFF0000, v32  }
0x1a7: {  	v33 =	vshll.u32 v29, $0x10;
	v29 =	vand.u32 $0xFFFF0000, v29;
	v51 =	vshll.u32 v28, $0x10  }
0x1a8: {  	v28 =	vand.u32 $0xFFFF0000, v28;
	v36 =	vshll.u32 v25, $0x10;
	v25 =	vand.u32 $0xFFFF0000, v25  }
0x1a9: {  	v52 =	vshll.u32 v24, $0x10;
	v24 =	vand.u32 $0xFFFF0000, v24;
	v53 =	vshll.u32 v34, $0x10  }
0x1aa: {  	v34 =	vand.u32 $0xFFFF0000, v34;
	v30 =	vadd.f32 v32, v30;
	v27 =	vadd.f32 v31, v27  }
0x1ab: {  	v31 =	vshll.u32 v26, $0x10;
	v32 =	vadd.f32 v51, v33;
	v28 =	vadd.f32 v28, v29  }
0x1ac: {  	v26 =	vand.u32 $0xFFFF0000, v26;
	v33 =	vadd.f32 v53, v52;
	v24 =	vadd.f32 v34, v24  }
0x1ad: {  	v31 =	vadd.f32 v36, v31;
	v35 =	vmul.f32 v30, v30;
	v29 =	vmul.f32 v32, v32  }
0x1ae: {  	s0 =	simm.s32 @!p0 $0x8;
	v25 =	vadd.f32 v25, v26;
	v26 =	vmul.f32 v28, v28;
	v55 =	vmul.f32 v24, v24  }
0x1af: {  	_ =	swait.ge @!p0 [sflag:s0], $0x200;
	v14 =	vmax.f32 v14, v32;
	v19 =	vadd.f32 v32, v19;
	v20 =	vmax.f32 v20, v28  }
0x1b0: {  	[sflag:s0] =	ssyncset.done @!p0 $0x0;
	v2 =	vadd.f32 v28, v2;
	v3 =	vmax.f32 v3, v33;
	v9 =	vadd.f32 v33, v9  }
0x1b1: {  	[sflag:s0] =	ssyncadd.s32 @!p0 $0xFFFFFE00;
	v4 =	vmax.f32 v4, v24;
	v10 =	vadd.f32 v24, v10;
	v54 =	vmul.f32 v25, v25  }
0x1b2: {  	v28 =	vld [tilespmem:$0x2A10];
	v1 =	vmax.f32 v1, v25;
	v8 =	vadd.f32 v25, v8;
	v22 =	vadd.f32 v29, v22  }
0x1b3: {  	v25 =	vld [tilespmem:$0x6A10];
	v29 =	vmul.f32 v31, v31;
	v18 =	vadd.f32 v26, v18;
	v26 =	vmul.f32 v33, v33  }
0x1b4: {  	v24 =	vld [tilespmem:$0x2A20];
	v5 =	vmax.f32 v5, v27;
	v17 =	vadd.f32 v27, v17;
	v11 =	vadd.f32 v30, v11  }
0x1b5: {  	v12 =	vadd.f32 v29, v12;
	v29 =	vmul.f32 v27, v27;
	v15 =	vadd.f32 v26, v15;
	v26 =	vld [tilespmem:$0x2A00]  }
0x1b6: {  	v7 =	vmax.f32 v7, v30;
	v6 =	vadd.f32 v31, v6;
	v23 =	vadd.f32 v35, v23;
	v27 =	vld [tilespmem:$0x6A20]  }
0x1b7: {  	v0 =	vmax.f32 v0, v31;
	v16 =	vadd.f32 v55, v16;
	v21 =	vadd.f32 v29, v21;
	v29 =	vld [tilespmem:$0x6A00]  }
0x1b8: {  	[tilespmem:$0x8400] =	vst v14;
	v13 =	vadd.f32 v54, v13;
	v57 =	vshll.u32 v28, $0x10;
	v58 =	vshll.u32 v25, $0x10  }
0x1b9: {  	v31 =	vld [tilespmem:$0x2A30];
	[tilespmem:$0x8420] =	vst v0;
	v28 =	vand.u32 $0xFFFF0000, v28;
	v14 =	vshll.u32 v24, $0x10;
	v0 =	vadd.f32 v58, v57  }
0x1ba: {  	v59 =	vld [tilespmem:$0x6A30];
	[tilespmem:$0x8410] =	vst v20;
	v24 =	vand.u32 $0xFFFF0000, v24;
	v30 =	vshll.u32 v26, $0x10;
	v26 =	vand.u32 $0xFFFF0000, v26  }
0x1bb: {  	[tilespmem:$0x8450] =	vst v4;
	v20 =	vshll.u32 v27, $0x10;
	v27 =	vand.u32 $0xFFFF0000, v27;
	v4 =	vmul.f32 v0, v0  }
0x1bc: {  	[tilespmem:$0x8440] =	vst v3;
	v6 =	vadd.f32 v0, v6;
	v3 =	vadd.f32 v20, v14;
	v56 =	vshll.u32 v29, $0x10  }
0x1bd: {  	v29 =	vand.u32 $0xFFFF0000, v29;
	v20 =	vadd.f32 v4, v12;
	v4 =	vadd.f32 v27, v24  }
0x1be: {  	v32 =	vadd.f32 v56, v30;
	v60 =	vadd.f32 v29, v26;
	v26 =	vshll.u32 v31, $0x10  }
0x1bf: {  	[tilespmem:$0x8460] =	vst v5;
	v29 =	vand.u32 $0xFFFF0000, v31;
	v31 =	vshll.u32 v59, $0x10;
	v9 =	vadd.f32 v3, v9  }
0x1c0: {  	[tilespmem:$0x8470] =	vst v7;
	v25 =	vand.u32 $0xFFFF0000, v25;
	v5 =	vadd.f32 v31, v26;
	v10 =	vadd.f32 v4, v10  }
0x1c1: {  	s14 =	simm.s32 $0x0;
	[tilespmem:$0x8430] =	vst v1;
	v12 =	vmul.f32 v3, v3;
	v1 =	vadd.f32 v60, v2;
	v2 =	vadd.f32 v25, v28  }
0x1c2: {  	v24 =	vld [tilespmem:s14+$0x2A40];
	v30 =	vmul.f32 v32, v32;
	v37 =	vadd.f32 v32, v19;
	v19 =	vmul.f32 v60, v60  }
0x1c3: {  	v14 =	vld [tilespmem:s14+$0x2A70];
	v61 =	vadd.f32 v12, v15;
	v15 =	vmul.f32 v5, v5;
	v7 =	vmul.f32 v2, v2  }
0x1c4: {  	v12 =	vadd.f32 v5, v17;
	v17 =	vld [tilespmem:s14+$0x6A50];
	v18 =	vadd.f32 v19, v18;
	v19 =	vand.u32 $0xFFFF0000, v59  }
0x1c5: {  	v31 =	vadd.f32 v7, v13;
	v13 =	vmul.f32 v4, v4;
	v7 =	vadd.f32 v19, v29;
	v19 =	vld [tilespmem:s14+$0x6A70]  }
0x1c6: {  	v22 =	vadd.f32 v30, v22;
	v63 =	vadd.f32 v15, v21;
	v15 =	vld [tilespmem:s14+$0x2A50]  }
0x1c7: {  	v8 =	vadd.f32 v2, v8;
	v26 =	vshll.u32 v24, $0x10;
	v62 =	vadd.f32 v13, v16;
	v16 =	vld [tilespmem:s14+$0x6A40]  }
0x1c8: {  	v27 =	vand.u32 $0xFFFF0000, v24;
	v21 =	vshll.u32 v14, $0x10;
	v13 =	vmul.f32 v7, v7  }
0x1c9: {  	v28 =	vld [tilespmem:s14+$0x6A60];
	v14 =	vand.u32 $0xFFFF0000, v14;
	v11 =	vadd.f32 v7, v11;
	v30 =	vshll.u32 v17, $0x10  }
0x1ca: {  	v13 =	vadd.f32 v13, v23;
	v23 =	vld [tilespmem:s14+$0x2A60];
	v25 =	vshll.u32 v19, $0x10;
	v19 =	vand.u32 $0xFFFF0000, v19  }
0x1cb: {  	v17 =	vand.u32 $0xFFFF0000, v17;
	v24 =	vadd.f32 v19, v14;
	v25 =	vadd.f32 v25, v21  }
0x1cc: {  	v19 =	vshll.u32 v15, $0x10;
	v15 =	vand.u32 $0xFFFF0000, v15;
	v14 =	vshll.u32 v16, $0x10  }
0x1cd: {  	v16 =	vand.u32 $0xFFFF0000, v16;
	v30 =	vadd.f32 v30, v19;
	v21 =	vmul.f32 v24, v24  }
0x1ce: {  	v38 =	vadd.f32 v14, v26;
	v26 =	vand.u32 $0xFFFF0000, v28;
	v29 =	vadd.f32 v16, v27  }
0x1cf: {  	v14 =	vshll.u32 v23, $0x10;
	v23 =	vand.u32 $0xFFFF0000, v23;
	v13 =	vadd.f32 v21, v13  }
0x1d0: {  	v21 =	vshll.u32 v28, $0x10;
	v16 =	vmul.f32 v38, v38;
	v28 =	vadd.f32 v17, v15  }
0x1d1: {  	v15 =	vmul.f32 v29, v29;
	v26 =	vadd.f32 v26, v23;
	v23 =	vmul.f32 v25, v25  }
0x1d2: {  	v27 =	vadd.f32 v21, v14;
	v14 =	vadd.f32 v16, v22;
	v16 =	vmul.f32 v30, v30  }
0x1d3: {  	v17 =	vmul.f32 v28, v28;
	v15 =	vadd.f32 v15, v18;
	v21 =	vmul.f32 v26, v26  }
0x1d4: {  	v23 =	vadd.f32 v23, v63;
	v19 =	vmul.f32 v27, v27;
	v16 =	vadd.f32 v16, v20  }
0x1d5: {  	s0 =	simm.s32 $0x40;
	v18 =	vmax.f32 v32, v38;
	v17 =	vadd.f32 v17, v31;
	v20 =	vadd.f32 v21, v62  }
0x1d6: {  	s7 =	simm.s32 $0x200;
	v22 =	vmax.f32 v60, v29;
	v31 =	vld [tilespmem:s0+$0x2A70];
	v21 =	vadd.f32 v38, v37;
	v19 =	vadd.f32 v19, v61  }
.LBB2_13:
0x1d7: {  	p0 =	sne.s32 s7, $0x1E00;
	v32 =	vld [tilespmem:s0+$0x6A70];
	v1 =	vadd.f32 v29, v1;
	v0 =	vmax.f32 v0, v30;
	v6 =	vadd.f32 v30, v6  }
0x1d8: {  	v2 =	vmax.f32 v2, v28;
	v8 =	vadd.f32 v28, v8;
	v3 =	vmax.f32 v3, v27;
	v29 =	vld [tilespmem:s0+$0x2A40]  }
0x1d9: {  	v9 =	vadd.f32 v27, v9;
	v4 =	vmax.f32 v4, v26;
	v10 =	vadd.f32 v26, v10;
	v28 =	vld [tilespmem:s0+$0x6A40]  }
0x1da: {  	v5 =	vmax.f32 v5, v25;
	v12 =	vadd.f32 v25, v12;
	v7 =	vmax.f32 v7, v24;
	v26 =	vld [tilespmem:s0+$0x2A50]  }
0x1db: {  	v11 =	vadd.f32 v24, v11;
	v27 =	vld [tilespmem:s0+$0x6A50];
	v25 =	vshll.u32 v31, $0x10  }
0x1dc: {  	v24 =	vand.u32 $0xFFFF0000, v31;
	v30 =	vld [tilespmem:s0+$0x2A60];
	v31 =	vshll.u32 v32, $0x10;
	v32 =	vand.u32 $0xFFFF0000, v32  }
0x1dd: {  	v33 =	vshll.u32 v29, $0x10;
	v29 =	vand.u32 $0xFFFF0000, v29;
	v34 =	vld [tilespmem:s0+$0x6A60];
	v24 =	vadd.f32 v32, v24  }
0x1de: {  	v25 =	vadd.f32 v31, v25;
	v32 =	vshll.u32 v28, $0x10;
	v28 =	vand.u32 $0xFFFF0000, v28  }
0x1df: {  	v31 =	vshll.u32 v26, $0x10;
	v26 =	vand.u32 $0xFFFF0000, v26;
	v35 =	vmul.f32 v24, v24  }
0x1e0: {  	v32 =	vadd.f32 v32, v33;
	v36 =	vshll.u32 v27, $0x10;
	v27 =	vand.u32 $0xFFFF0000, v27  }
0x1e1: {  	v33 =	vshll.u32 v30, $0x10;
	v37 =	vand.u32 $0xFFFF0000, v30;
	v13 =	vadd.f32 v35, v13  }
0x1e2: {  	v29 =	vadd.f32 v28, v29;
	v35 =	vshll.u32 v34, $0x10;
	v34 =	vand.u32 $0xFFFF0000, v34  }
0x1e3: {  	v38 =	vmul.f32 v32, v32;
	v30 =	vadd.f32 v36, v31;
	v28 =	vadd.f32 v27, v26  }
0x1e4: {  	v31 =	vmul.f32 v29, v29;
	v27 =	vadd.f32 v35, v33;
	v26 =	vadd.f32 v34, v37  }
.Ltmp5:
0x1e5: {  	v14 =	vadd.f32 v38, v14;
	v33 =	vmul.f32 v30, v30;
	v34 =	vmul.f32 v28, v28;
	(pc) =	sbr.rel @p0 .LBB2_13-.Ltmp5, $4  }
0x1e6: {  	v15 =	vadd.f32 v31, v15;
	v31 =	vmul.f32 v27, v27;
	v35 =	vmul.f32 v26, v26  }
0x1e7: {  	v16 =	vadd.f32 v33, v16;
	v17 =	vadd.f32 v34, v17;
	v33 =	vmul.f32 v25, v25  }
0x1e8: {  	s0 =	sshra.s32 s7, $0x2;
	v18 =	vmax.f32 v18, v32;
	v19 =	vadd.f32 v31, v19;
	v20 =	vadd.f32 v35, v20  }
0x1e9: {  	s7 =	sadd.s32 $0x100, s7;
	v21 =	vadd.f32 v32, v21;
	v22 =	vmax.f32 v22, v29;
	v23 =	vadd.f32 v33, v23;
	v31 =	vld [tilespmem:s0+$0x2A70]  }
0x1ea: {  	v32 =	vld [tilespmem:s0+$0x6A70]  }
0x1eb: {  	v1 =	vadd.f32 v29, v1;
	v29 =	vld [tilespmem:s0+$0x2A40]  }
0x1ec: {  	v0 =	vmax.f32 v0, v30;
	v2 =	vmax.f32 v2, v28;
	v8 =	vadd.f32 v28, v8;
	v28 =	vld [tilespmem:s0+$0x6A40]  }
0x1ed: {  	v6 =	vadd.f32 v30, v6;
	v5 =	vmax.f32 v5, v25;
	v12 =	vadd.f32 v25, v12;
	v25 =	vld [tilespmem:s0+$0x6A50]  }
0x1ee: {  	v3 =	vmax.f32 v3, v27;
	v7 =	vmax.f32 v7, v24;
	v11 =	vadd.f32 v24, v11;
	v24 =	vld [tilespmem:s0+$0x2A60]  }
0x1ef: {  	v9 =	vadd.f32 v27, v9;
	v4 =	vmax.f32 v4, v26;
	v10 =	vadd.f32 v26, v10;
	v34 =	vld [tilespmem:s0+$0x6A60]  }
0x1f0: {  	v26 =	vld [tilespmem:s0+$0x2A50];
	v27 =	vshll.u32 v31, $0x10;
	v30 =	vand.u32 $0xFFFF0000, v31;
	v31 =	vshll.u32 v32, $0x10  }
0x1f1: {  	v32 =	vand.u32 $0xFFFF0000, v32;
	v33 =	vshll.u32 v29, $0x10;
	v29 =	vand.u32 $0xFFFF0000, v29  }
0x1f2: {  	v46 =	vshll.u32 v28, $0x10;
	v28 =	vand.u32 $0xFFFF0000, v28;
	v36 =	vshll.u32 v25, $0x10  }
0x1f3: {  	v25 =	vand.u32 $0xFFFF0000, v25;
	v47 =	vshll.u32 v24, $0x10;
	v24 =	vand.u32 $0xFFFF0000, v24  }
0x1f4: {  	v48 =	vshll.u32 v34, $0x10;
	v34 =	vand.u32 $0xFFFF0000, v34;
	v30 =	vadd.f32 v32, v30  }
0x1f5: {  	v27 =	vadd.f32 v31, v27;
	v31 =	vshll.u32 v26, $0x10;
	v32 =	vadd.f32 v46, v33  }
0x1f6: {  	v26 =	vand.u32 $0xFFFF0000, v26;
	v28 =	vadd.f32 v28, v29;
	v33 =	vadd.f32 v48, v47  }
0x1f7: {  	v24 =	vadd.f32 v34, v24;
	v31 =	vadd.f32 v36, v31;
	v35 =	vmul.f32 v30, v30  }
0x1f8: {  	v25 =	vadd.f32 v25, v26;
	v29 =	vmul.f32 v32, v32;
	v26 =	vmul.f32 v28, v28  }
0x1f9: {  	v50 =	vmul.f32 v24, v24;
	v18 =	vmax.f32 v18, v32;
	v21 =	vadd.f32 v32, v21  }
0x1fa: {  	v22 =	vmax.f32 v22, v28;
	v1 =	vadd.f32 v28, v1;
	v3 =	vmax.f32 v3, v33  }
0x1fb: {  	v9 =	vadd.f32 v33, v9;
	v4 =	vmax.f32 v4, v24;
	v10 =	vadd.f32 v24, v10  }
0x1fc: {  	v28 =	vld [tilespmem:$0x3210];
	v5 =	vmax.f32 v5, v27;
	v49 =	vmul.f32 v25, v25;
	v2 =	vmax.f32 v2, v25  }
0x1fd: {  	v8 =	vadd.f32 v25, v8;
	v25 =	vld [tilespmem:$0x7210];
	v15 =	vadd.f32 v26, v15;
	v26 =	vmul.f32 v33, v33  }
0x1fe: {  	v24 =	vld [tilespmem:$0x3220];
	v12 =	vadd.f32 v27, v12;
	v14 =	vadd.f32 v29, v14;
	v29 =	vmul.f32 v31, v31  }
0x1ff: {  	v7 =	vmax.f32 v7, v30;
	v11 =	vadd.f32 v30, v11;
	v19 =	vadd.f32 v26, v19;
	v26 =	vld [tilespmem:$0x3200]  }
0x200: {  	v6 =	vadd.f32 v31, v6;
	v16 =	vadd.f32 v29, v16;
	v29 =	vmul.f32 v27, v27;
	v27 =	vld [tilespmem:$0x7220]  }
0x201: {  	v0 =	vmax.f32 v0, v31;
	v13 =	vadd.f32 v35, v13;
	v20 =	vadd.f32 v50, v20  }
0x202: {  	[tilespmem:$0x8480] =	vst v18;
	v52 =	vshll.u32 v28, $0x10;
	v23 =	vadd.f32 v29, v23;
	v29 =	vld [tilespmem:$0x7200];
	v53 =	vshll.u32 v25, $0x10  }
0x203: {  	[tilespmem:$0x84A0] =	vst v0;
	v17 =	vadd.f32 v49, v17;
	v28 =	vand.u32 $0xFFFF0000, v28;
	v0 =	vadd.f32 v53, v52  }
0x204: {  	[tilespmem:$0x8490] =	vst v22;
	v31 =	vld [tilespmem:$0x3230];
	v18 =	vshll.u32 v24, $0x10;
	v24 =	vand.u32 $0xFFFF0000, v24;
	v30 =	vshll.u32 v26, $0x10  }
0x205: {  	v54 =	vld [tilespmem:$0x7230];
	[tilespmem:$0x84D0] =	vst v4;
	v26 =	vand.u32 $0xFFFF0000, v26;
	v22 =	vshll.u32 v27, $0x10;
	v4 =	vmul.f32 v0, v0  }
0x206: {  	[tilespmem:$0x84C0] =	vst v3;
	v27 =	vand.u32 $0xFFFF0000, v27;
	v6 =	vadd.f32 v0, v6;
	v3 =	vadd.f32 v22, v18  }
0x207: {  	v51 =	vshll.u32 v29, $0x10;
	v29 =	vand.u32 $0xFFFF0000, v29;
	v16 =	vadd.f32 v4, v16  }
0x208: {  	[tilespmem:$0x84E0] =	vst v5;
	v25 =	vand.u32 $0xFFFF0000, v25;
	v4 =	vadd.f32 v27, v24;
	v55 =	vadd.f32 v29, v26  }
0x209: {  	[tilespmem:$0x84F0] =	vst v7;
	v32 =	vadd.f32 v51, v30;
	v26 =	vshll.u32 v31, $0x10;
	v29 =	vand.u32 $0xFFFF0000, v31  }
0x20a: {  	s14 =	simm.s32 $0x0;
	[tilespmem:$0x84B0] =	vst v2;
	v31 =	vshll.u32 v54, $0x10;
	v9 =	vadd.f32 v3, v9;
	v2 =	vmul.f32 v55, v55  }
0x20b: {  	v57 =	vld [tilespmem:s14+$0x7260];
	v18 =	vmul.f32 v3, v3;
	v5 =	vadd.f32 v31, v26;
	v10 =	vadd.f32 v4, v10  }
0x20c: {  	v22 =	vld [tilespmem:s14+$0x3270];
	v24 =	vmul.f32 v4, v4;
	v15 =	vadd.f32 v2, v15;
	v2 =	vadd.f32 v25, v28  }
0x20d: {  	v26 =	vld [tilespmem:s14+$0x3240];
	v30 =	vmul.f32 v32, v32;
	v21 =	vadd.f32 v32, v21;
	v1 =	vadd.f32 v55, v1  }
0x20e: {  	v19 =	vadd.f32 v18, v19;
	v18 =	vmul.f32 v5, v5;
	v28 =	vld [tilespmem:s14+$0x7250];
	v7 =	vmul.f32 v2, v2  }
0x20f: {  	v20 =	vadd.f32 v24, v20;
	v14 =	vadd.f32 v30, v14;
	v25 =	vand.u32 $0xFFFF0000, v54;
	v30 =	vld [tilespmem:s14+$0x3260]  }
0x210: {  	v38 =	vshll.u32 v57, $0x10;
	v17 =	vadd.f32 v7, v17;
	v7 =	vadd.f32 v25, v29;
	v25 =	vld [tilespmem:s14+$0x7270]  }
0x211: {  	v34 =	vand.u32 $0xFFFF0000, v57;
	v12 =	vadd.f32 v5, v12;
	v23 =	vadd.f32 v18, v23  }
0x212: {  	v27 =	vld [tilespmem:s14+$0x7240];
	v8 =	vadd.f32 v2, v8;
	v56 =	vshll.u32 v26, $0x10;
	v26 =	vand.u32 $0xFFFF0000, v26  }
0x213: {  	v18 =	vld [tilespmem:s14+$0x3250];
	v29 =	vshll.u32 v22, $0x10;
	v22 =	vand.u32 $0xFFFF0000, v22;
	v24 =	vmul.f32 v7, v7  }
0x214: {  	v58 =	vshll.u32 v28, $0x10;
	v28 =	vand.u32 $0xFFFF0000, v28;
	v59 =	vshll.u32 v30, $0x10  }
0x215: {  	v37 =	vand.u32 $0xFFFF0000, v30;
	v13 =	vadd.f32 v24, v13;
	v24 =	vand.u32 $0xFFFF0000, v25  }
0x216: {  	v11 =	vadd.f32 v7, v11;
	v31 =	vshll.u32 v25, $0x10;
	v24 =	vadd.f32 v24, v22  }
0x217: {  	v22 =	vshll.u32 v27, $0x10;
	v27 =	vand.u32 $0xFFFF0000, v27;
	v25 =	vadd.f32 v31, v29  }
0x218: {  	v31 =	vshll.u32 v18, $0x10;
	v18 =	vand.u32 $0xFFFF0000, v18;
	v22 =	vadd.f32 v22, v56  }
0x219: {  	v30 =	vadd.f32 v58, v31;
	v28 =	vadd.f32 v28, v18;
	v29 =	vmul.f32 v24, v24  }
0x21a: {  	v63 =	vmul.f32 v25, v25;
	v39 =	vmul.f32 v22, v22;
	v21 =	vadd.f32 v22, v21  }
0x21b: {  	v31 =	vmul.f32 v30, v30;
	v13 =	vadd.f32 v29, v13;
	v29 =	vadd.f32 v27, v26  }
0x21c: {  	v60 =	vmul.f32 v28, v28;
	v27 =	vadd.f32 v38, v59;
	v26 =	vadd.f32 v34, v37  }
0x21d: {  	v23 =	vadd.f32 v63, v23;
	v14 =	vadd.f32 v39, v14;
	v18 =	vmul.f32 v29, v29  }
0x21e: {  	v16 =	vadd.f32 v31, v16;
	v61 =	vmul.f32 v27, v27;
	v62 =	vmul.f32 v26, v26  }
0x21f: {  	s0 =	simm.s32 $0x40;
	v17 =	vadd.f32 v60, v17;
	v15 =	vadd.f32 v18, v15;
	v18 =	vmax.f32 v32, v22  }
0x220: {  	s7 =	simm.s32 $0x200;
	v31 =	vld [tilespmem:s0+$0x3270];
	v19 =	vadd.f32 v61, v19;
	v20 =	vadd.f32 v62, v20;
	v22 =	vmax.f32 v55, v29  }
.LBB2_15:
0x221: {  	p0 =	sne.s32 s7, $0x1E00;
	v32 =	vld [tilespmem:s0+$0x7270];
	v1 =	vadd.f32 v29, v1;
	v0 =	vmax.f32 v0, v30;
	v6 =	vadd.f32 v30, v6  }
0x222: {  	v2 =	vmax.f32 v2, v28;
	v8 =	vadd.f32 v28, v8;
	v3 =	vmax.f32 v3, v27;
	v29 =	vld [tilespmem:s0+$0x3240]  }
0x223: {  	v9 =	vadd.f32 v27, v9;
	v4 =	vmax.f32 v4, v26;
	v10 =	vadd.f32 v26, v10;
	v28 =	vld [tilespmem:s0+$0x7240]  }
0x224: {  	v5 =	vmax.f32 v5, v25;
	v12 =	vadd.f32 v25, v12;
	v7 =	vmax.f32 v7, v24;
	v26 =	vld [tilespmem:s0+$0x3250]  }
0x225: {  	v11 =	vadd.f32 v24, v11;
	v27 =	vld [tilespmem:s0+$0x7250];
	v25 =	vshll.u32 v31, $0x10  }
0x226: {  	v24 =	vand.u32 $0xFFFF0000, v31;
	v30 =	vld [tilespmem:s0+$0x3260];
	v31 =	vshll.u32 v32, $0x10;
	v32 =	vand.u32 $0xFFFF0000, v32  }
0x227: {  	v33 =	vshll.u32 v29, $0x10;
	v29 =	vand.u32 $0xFFFF0000, v29;
	v34 =	vld [tilespmem:s0+$0x7260];
	v24 =	vadd.f32 v32, v24  }
0x228: {  	v25 =	vadd.f32 v31, v25;
	v32 =	vshll.u32 v28, $0x10;
	v28 =	vand.u32 $0xFFFF0000, v28  }
0x229: {  	v31 =	vshll.u32 v26, $0x10;
	v26 =	vand.u32 $0xFFFF0000, v26;
	v35 =	vmul.f32 v24, v24  }
0x22a: {  	v32 =	vadd.f32 v32, v33;
	v36 =	vshll.u32 v27, $0x10;
	v27 =	vand.u32 $0xFFFF0000, v27  }
0x22b: {  	v33 =	vshll.u32 v30, $0x10;
	v37 =	vand.u32 $0xFFFF0000, v30;
	v13 =	vadd.f32 v35, v13  }
0x22c: {  	v29 =	vadd.f32 v28, v29;
	v35 =	vshll.u32 v34, $0x10;
	v34 =	vand.u32 $0xFFFF0000, v34  }
0x22d: {  	v38 =	vmul.f32 v32, v32;
	v30 =	vadd.f32 v36, v31;
	v28 =	vadd.f32 v27, v26  }
0x22e: {  	v31 =	vmul.f32 v29, v29;
	v27 =	vadd.f32 v35, v33;
	v26 =	vadd.f32 v34, v37  }
.Ltmp6:
0x22f: {  	v14 =	vadd.f32 v38, v14;
	v33 =	vmul.f32 v30, v30;
	v34 =	vmul.f32 v28, v28;
	(pc) =	sbr.rel @p0 .LBB2_15-.Ltmp6, $4  }
0x230: {  	v15 =	vadd.f32 v31, v15;
	v31 =	vmul.f32 v27, v27;
	v35 =	vmul.f32 v26, v26  }
0x231: {  	v16 =	vadd.f32 v33, v16;
	v17 =	vadd.f32 v34, v17;
	v33 =	vmul.f32 v25, v25  }
0x232: {  	s0 =	sshra.s32 s7, $0x2;
	v18 =	vmax.f32 v18, v32;
	v19 =	vadd.f32 v31, v19;
	v20 =	vadd.f32 v35, v20  }
0x233: {  	s7 =	sadd.s32 $0x100, s7;
	v21 =	vadd.f32 v32, v21;
	v22 =	vmax.f32 v22, v29;
	v23 =	vadd.f32 v33, v23;
	v31 =	vld [tilespmem:s0+$0x3270]  }
0x234: {  	v32 =	vld [tilespmem:s0+$0x7270]  }
0x235: {  	v1 =	vadd.f32 v29, v1;
	v29 =	vld [tilespmem:s0+$0x3240]  }
0x236: {  	v0 =	vmax.f32 v0, v30;
	v2 =	vmax.f32 v2, v28;
	v8 =	vadd.f32 v28, v8;
	v28 =	vld [tilespmem:s0+$0x7240]  }
0x237: {  	v6 =	vadd.f32 v30, v6;
	v5 =	vmax.f32 v5, v25;
	v12 =	vadd.f32 v25, v12;
	v25 =	vld [tilespmem:s0+$0x7250]  }
0x238: {  	v3 =	vmax.f32 v3, v27;
	v7 =	vmax.f32 v7, v24;
	v11 =	vadd.f32 v24, v11;
	v24 =	vld [tilespmem:s0+$0x3260]  }
0x239: {  	v9 =	vadd.f32 v27, v9;
	v4 =	vmax.f32 v4, v26;
	v10 =	vadd.f32 v26, v10;
	v34 =	vld [tilespmem:s0+$0x7260]  }
0x23a: {  	v26 =	vld [tilespmem:s0+$0x3250];
	v27 =	vshll.u32 v31, $0x10;
	v30 =	vand.u32 $0xFFFF0000, v31;
	v31 =	vshll.u32 v32, $0x10  }
0x23b: {  	v32 =	vand.u32 $0xFFFF0000, v32;
	v33 =	vshll.u32 v29, $0x10;
	v29 =	vand.u32 $0xFFFF0000, v29  }
0x23c: {  	v50 =	vshll.u32 v28, $0x10;
	v28 =	vand.u32 $0xFFFF0000, v28;
	v36 =	vshll.u32 v25, $0x10  }
0x23d: {  	v25 =	vand.u32 $0xFFFF0000, v25;
	v51 =	vshll.u32 v24, $0x10;
	v24 =	vand.u32 $0xFFFF0000, v24  }
0x23e: {  	v52 =	vshll.u32 v34, $0x10;
	v34 =	vand.u32 $0xFFFF0000, v34;
	v30 =	vadd.f32 v32, v30  }
0x23f: {  	v27 =	vadd.f32 v31, v27;
	v31 =	vshll.u32 v26, $0x10;
	v32 =	vadd.f32 v50, v33  }
0x240: {  	v26 =	vand.u32 $0xFFFF0000, v26;
	v28 =	vadd.f32 v28, v29;
	v33 =	vadd.f32 v52, v51  }
0x241: {  	v24 =	vadd.f32 v34, v24;
	v31 =	vadd.f32 v36, v31;
	v35 =	vmul.f32 v30, v30  }
0x242: {  	v25 =	vadd.f32 v25, v26;
	v29 =	vmul.f32 v32, v32;
	v26 =	vmul.f32 v28, v28  }
0x243: {  	v54 =	vmul.f32 v24, v24;
	v18 =	vmax.f32 v18, v32;
	v21 =	vadd.f32 v32, v21  }
0x244: {  	v22 =	vmax.f32 v22, v28;
	v1 =	vadd.f32 v28, v1;
	v3 =	vmax.f32 v3, v33  }
0x245: {  	v9 =	vadd.f32 v33, v9;
	v4 =	vmax.f32 v4, v24;
	v53 =	vmul.f32 v25, v25  }
0x246: {  	v28 =	vld [tilespmem:$0x3A10];
	v2 =	vmax.f32 v2, v25;
	v8 =	vadd.f32 v25, v8;
	v14 =	vadd.f32 v29, v14  }
0x247: {  	v25 =	vld [tilespmem:$0x7A10];
	v29 =	vmul.f32 v31, v31;
	v15 =	vadd.f32 v26, v15;
	v26 =	vmul.f32 v33, v33  }
0x248: {  	v10 =	vadd.f32 v24, v10;
	v24 =	vld [tilespmem:$0x3A20];
	v5 =	vmax.f32 v5, v27;
	v12 =	vadd.f32 v27, v12  }
0x249: {  	v16 =	vadd.f32 v29, v16;
	v29 =	vmul.f32 v27, v27;
	v19 =	vadd.f32 v26, v19;
	v26 =	vld [tilespmem:$0x3A00]  }
0x24a: {  	v7 =	vmax.f32 v7, v30;
	v11 =	vadd.f32 v30, v11;
	v6 =	vadd.f32 v31, v6;
	v27 =	vld [tilespmem:$0x7A20]  }
0x24b: {  	v0 =	vmax.f32 v0, v31;
	[tilespmem:$0x8500] =	vst v18;
	v13 =	vadd.f32 v35, v13;
	v23 =	vadd.f32 v29, v23;
	v29 =	vld [tilespmem:$0x7A00]  }
0x24c: {  	[tilespmem:$0x8510] =	vst v22;
	v20 =	vadd.f32 v54, v20;
	v56 =	vshll.u32 v28, $0x10;
	v57 =	vshll.u32 v25, $0x10  }
0x24d: {  	[tilespmem:$0x8520] =	vst v0;
	v17 =	vadd.f32 v53, v17;
	v28 =	vand.u32 $0xFFFF0000, v28;
	v0 =	vadd.f32 v57, v56  }
0x24e: {  	[tilespmem:$0x8540] =	vst v3;
	v31 =	vld [tilespmem:$0x3A30];
	v18 =	vshll.u32 v24, $0x10;
	v24 =	vand.u32 $0xFFFF0000, v24;
	v30 =	vshll.u32 v26, $0x10  }
0x24f: {  	[tilespmem:$0x8550] =	vst v4;
	v26 =	vand.u32 $0xFFFF0000, v26;
	v22 =	vshll.u32 v27, $0x10;
	v4 =	vmul.f32 v0, v0  }
0x250: {  	v58 =	vld [tilespmem:$0x7A30];
	[tilespmem:$0x8560] =	vst v5;
	v6 =	vadd.f32 v0, v6;
	v55 =	vshll.u32 v29, $0x10;
	v29 =	vand.u32 $0xFFFF0000, v29  }
0x251: {  	[tilespmem:$0x8570] =	vst v7;
	v25 =	vand.u32 $0xFFFF0000, v25;
	v3 =	vadd.f32 v22, v18;
	v59 =	vadd.f32 v29, v26  }
0x252: {  	s14 =	simm.s32 $0x0;
	[tilespmem:$0x8530] =	vst v2;
	v27 =	vand.u32 $0xFFFF0000, v27;
	v7 =	vadd.f32 v4, v16;
	v32 =	vadd.f32 v55, v30  }
0x253: {  	v4 =	vadd.f32 v27, v24;
	v24 =	vld [tilespmem:s14+$0x7A70];
	v26 =	vshll.u32 v31, $0x10;
	v2 =	vmul.f32 v59, v59  }
0x254: {  	v29 =	vand.u32 $0xFFFF0000, v31;
	v30 =	vmul.f32 v32, v32;
	v37 =	vadd.f32 v32, v21  }
0x255: {  	v21 =	vshll.u32 v58, $0x10;
	v15 =	vadd.f32 v2, v15;
	v2 =	vadd.f32 v25, v28  }
0x256: {  	v18 =	vmul.f32 v3, v3;
	v1 =	vadd.f32 v59, v1;
	v5 =	vadd.f32 v21, v26  }
0x257: {  	v31 =	vadd.f32 v30, v14;
	v25 =	vand.u32 $0xFFFF0000, v58;
	v16 =	vmul.f32 v2, v2  }
0x258: {  	v21 =	vld [tilespmem:s14+$0x3A70];
	v27 =	vshll.u32 v24, $0x10;
	v14 =	vadd.f32 v2, v8;
	v8 =	vadd.f32 v25, v29  }
0x259: {  	v25 =	vld [tilespmem:s14+$0x3A40];
	v22 =	vadd.f32 v16, v17;
	v17 =	vmul.f32 v4, v4;
	v16 =	vadd.f32 v3, v9  }
0x25a: {  	v26 =	vld [tilespmem:s14+$0x7A40];
	v9 =	vadd.f32 v18, v19;
	v19 =	vmul.f32 v5, v5;
	v18 =	vadd.f32 v4, v10  }
0x25b: {  	v30 =	vld [tilespmem:s14+$0x7A60];
	v10 =	vadd.f32 v17, v20;
	v17 =	vmul.f32 v8, v8;
	v20 =	vadd.f32 v5, v12  }
0x25c: {  	v24 =	vand.u32 $0xFFFF0000, v24;
	v60 =	vadd.f32 v19, v23;
	v12 =	vld [tilespmem:s14+$0x3A50];
	v19 =	vadd.f32 v8, v11  }
0x25d: {  	v23 =	vld [tilespmem:s14+$0x3A60];
	v11 =	vadd.f32 v17, v13;
	v17 =	vshll.u32 v21, $0x10;
	v21 =	vand.u32 $0xFFFF0000, v21  }
0x25e: {  	v28 =	vshll.u32 v25, $0x10;
	v29 =	vand.u32 $0xFFFF0000, v25;
	v13 =	vld [tilespmem:s14+$0x7A50];
	v24 =	vadd.f32 v24, v21  }
0x25f: {  	v21 =	vshll.u32 v26, $0x10;
	v26 =	vand.u32 $0xFFFF0000, v26;
	v25 =	vadd.f32 v27, v17  }
0x260: {  	v39 =	vand.u32 $0xFFFF0000, v30;
	v62 =	vadd.f32 v21, v28;
	v29 =	vadd.f32 v26, v29  }
0x261: {  	v17 =	vshll.u32 v12, $0x10;
	v12 =	vand.u32 $0xFFFF0000, v12;
	v27 =	vmul.f32 v24, v24  }
0x262: {  	v38 =	vshll.u32 v23, $0x10;
	v23 =	vand.u32 $0xFFFF0000, v23;
	v40 =	vmul.f32 v62, v62  }
0x263: {  	v61 =	vshll.u32 v13, $0x10;
	v13 =	vand.u32 $0xFFFF0000, v13;
	v21 =	vadd.f32 v27, v11  }
0x264: {  	v11 =	vshll.u32 v30, $0x10;
	v30 =	vadd.f32 v61, v17;
	v28 =	vadd.f32 v13, v12  }
0x265: {  	v26 =	vadd.f32 v39, v23;
	v12 =	vmul.f32 v29, v29;
	v27 =	vadd.f32 v11, v38  }
0x266: {  	v17 =	vadd.f32 v40, v31;
	v11 =	vmul.f32 v30, v30;
	v13 =	vmul.f32 v28, v28  }
0x267: {  	v31 =	vmul.f32 v26, v26;
	v15 =	vadd.f32 v12, v15;
	v23 =	vmul.f32 v27, v27  }
0x268: {  	v63 =	vmul.f32 v25, v25;
	v11 =	vadd.f32 v11, v7;
	v12 =	vadd.f32 v13, v22  }
0x269: {  	s0 =	simm.s32 $0x40;
	v22 =	vmax.f32 v32, v62;
	v13 =	vadd.f32 v23, v9;
	v7 =	vadd.f32 v31, v10  }
0x26a: {  	s7 =	simm.s32 $0x200;
	v31 =	vld [tilespmem:s0+$0x3A70];
	v10 =	vadd.f32 v62, v37;
	v23 =	vmax.f32 v59, v29;
	v9 =	vadd.f32 v63, v60  }
.LBB2_17:
0x26b: {  	p0 =	sne.s32 s7, $0x1E00;
	v32 =	vld [tilespmem:s0+$0x7A70];
	v1 =	vadd.f32 v29, v1;
	v0 =	vmax.f32 v0, v30;
	v6 =	vadd.f32 v30, v6  }
0x26c: {  	v2 =	vmax.f32 v2, v28;
	v14 =	vadd.f32 v28, v14;
	v3 =	vmax.f32 v3, v27;
	v29 =	vld [tilespmem:s0+$0x3A40]  }
0x26d: {  	v16 =	vadd.f32 v27, v16;
	v4 =	vmax.f32 v4, v26;
	v18 =	vadd.f32 v26, v18;
	v28 =	vld [tilespmem:s0+$0x7A40]  }
0x26e: {  	v5 =	vmax.f32 v5, v25;
	v20 =	vadd.f32 v25, v20;
	v8 =	vmax.f32 v8, v24;
	v26 =	vld [tilespmem:s0+$0x3A50]  }
0x26f: {  	v19 =	vadd.f32 v24, v19;
	v27 =	vld [tilespmem:s0+$0x7A50];
	v25 =	vshll.u32 v31, $0x10  }
0x270: {  	v24 =	vand.u32 $0xFFFF0000, v31;
	v30 =	vld [tilespmem:s0+$0x3A60];
	v31 =	vshll.u32 v32, $0x10;
	v32 =	vand.u32 $0xFFFF0000, v32  }
0x271: {  	v33 =	vshll.u32 v29, $0x10;
	v29 =	vand.u32 $0xFFFF0000, v29;
	v34 =	vld [tilespmem:s0+$0x7A60];
	v24 =	vadd.f32 v32, v24  }
0x272: {  	v25 =	vadd.f32 v31, v25;
	v32 =	vshll.u32 v28, $0x10;
	v28 =	vand.u32 $0xFFFF0000, v28  }
0x273: {  	v31 =	vshll.u32 v26, $0x10;
	v26 =	vand.u32 $0xFFFF0000, v26;
	v35 =	vmul.f32 v24, v24  }
0x274: {  	v32 =	vadd.f32 v32, v33;
	v36 =	vshll.u32 v27, $0x10;
	v27 =	vand.u32 $0xFFFF0000, v27  }
0x275: {  	v33 =	vshll.u32 v30, $0x10;
	v37 =	vand.u32 $0xFFFF0000, v30;
	v21 =	vadd.f32 v35, v21  }
0x276: {  	v29 =	vadd.f32 v28, v29;
	v35 =	vshll.u32 v34, $0x10;
	v34 =	vand.u32 $0xFFFF0000, v34  }
0x277: {  	v38 =	vmul.f32 v32, v32;
	v30 =	vadd.f32 v36, v31;
	v28 =	vadd.f32 v27, v26  }
0x278: {  	v31 =	vmul.f32 v29, v29;
	v27 =	vadd.f32 v35, v33;
	v26 =	vadd.f32 v34, v37  }
.Ltmp7:
0x279: {  	v17 =	vadd.f32 v38, v17;
	v33 =	vmul.f32 v30, v30;
	v34 =	vmul.f32 v28, v28;
	(pc) =	sbr.rel @p0 .LBB2_17-.Ltmp7, $4  }
0x27a: {  	v15 =	vadd.f32 v31, v15;
	v31 =	vmul.f32 v27, v27;
	v35 =	vmul.f32 v26, v26  }
0x27b: {  	v11 =	vadd.f32 v33, v11;
	v12 =	vadd.f32 v34, v12;
	v33 =	vmul.f32 v25, v25  }
0x27c: {  	s0 =	sshra.s32 s7, $0x2;
	v22 =	vmax.f32 v22, v32;
	v13 =	vadd.f32 v31, v13;
	v7 =	vadd.f32 v35, v7  }
0x27d: {  	s7 =	sadd.s32 $0x100, s7;
	v10 =	vadd.f32 v32, v10;
	v23 =	vmax.f32 v23, v29;
	v9 =	vadd.f32 v33, v9;
	v31 =	vld [tilespmem:s0+$0x3A70]  }
0x27e: {  	v32 =	vld [tilespmem:s0+$0x7A70]  }
0x27f: {  	v29 =	vadd.f32 v29, v1;
	v1 =	vmax.f32 v0, v30;
	v0 =	vld [tilespmem:s0+$0x3A40]  }
0x280: {  	v53 =	vmax.f32 v3, v27;
	v3 =	vld [tilespmem:s0+$0x7A40]  }
0x281: {  	v6 =	vadd.f32 v30, v6;
	v2 =	vmax.f32 v2, v28;
	v14 =	vadd.f32 v28, v14;
	v54 =	vld [tilespmem:s0+$0x3A50]  }
0x282: {  	v16 =	vadd.f32 v27, v16;
	v4 =	vmax.f32 v4, v26;
	v55 =	vmax.f32 v5, v25;
	v5 =	vld [tilespmem:s0+$0x7A50]  }
0x283: {  	v18 =	vadd.f32 v26, v18;
	v20 =	vadd.f32 v25, v20;
	v56 =	vmax.f32 v8, v24;
	v57 =	vld [tilespmem:s0+$0x3A60]  }
0x284: {  	v19 =	vadd.f32 v24, v19;
	v35 =	vld [tilespmem:s0+$0x7A60];
	v8 =	vshll.u32 v31, $0x10;
	v58 =	vand.u32 $0xFFFF0000, v31  }
0x285: {  	v59 =	vshll.u32 v32, $0x10;
	v32 =	vand.u32 $0xFFFF0000, v32;
	v33 =	vshll.u32 v0, $0x10  }
0x286: {  	v34 =	vand.u32 $0xFFFF0000, v0;
	v0 =	vshll.u32 v3, $0x10;
	v3 =	vand.u32 $0xFFFF0000, v3  }
0x287: {  	v26 =	vand.u32 $0xFFFF0000, v54;
	v36 =	vshll.u32 v5, $0x10;
	v5 =	vand.u32 $0xFFFF0000, v5  }
0x288: {  	v37 =	vshll.u32 v57, $0x10;
	v24 =	vand.u32 $0xFFFF0000, v57;
	v30 =	vadd.f32 v32, v58  }
0x289: {  	v61 =	vand.u32 $0xFFFF0000, v35;
	v31 =	vadd.f32 v59, v8;
	v33 =	vadd.f32 v0, v33  }
0x28a: {  	v8 =	vshll.u32 v54, $0x10;
	v34 =	vadd.f32 v3, v34;
	v63 =	vadd.f32 v5, v26  }
0x28b: {  	v60 =	vshll.u32 v35, $0x10;
	v24 =	vadd.f32 v61, v24;
	v62 =	vadd.f32 v36, v8  }
0x28c: {  	v32 =	vmul.f32 v30, v30;
	v3 =	vmul.f32 v33, v33;
	v8 =	vmax.f32 v22, v33  }
0x28d: {  	v5 =	vmul.f32 v34, v34;
	v4 =	vmax.f32 v4, v24;
	[tilespmem:$0x8580] =	vst v8;
	v1 =	vmax.f32 v1, v62  }
0x28e: {  	v8 =	vmul.f32 v62, v62;
	[tilespmem:$0x85D0] =	vst v4;
	v0 =	vadd.f32 v32, v21;
	v21 =	vadd.f32 v60, v37  }
0x28f: {  	v3 =	vadd.f32 v3, v17;
	v17 =	vmax.f32 v2, v63;
	[tilespmem:$0x85A0] =	vst v1;
	v1 =	vmul.f32 v63, v63  }
0x290: {  	v2 =	vadd.f32 v5, v15;
	[tilespmem:$0x85B0] =	vst v17;
	v17 =	vmul.f32 v24, v24;
	v5 =	vmax.f32 v53, v21  }
0x291: {  	s14 =	sshll.u32 s13, $0x7;
	s13 =	sadd.s32 $0x1, s13;
	v4 =	vmul.f32 v31, v31;
	v15 =	vmul.f32 v21, v21;
	[tilespmem:$0x85C0] =	vst v5;
	v5 =	vadd.f32 v8, v11  }
0x292: {  	p0 =	sne.s32 s13, $0x28;
	v8 =	vadd.f32 v1, v12;
	v1 =	vmax.f32 v55, v31;
	v12 =	vadd.f32 v17, v7  }
.Ltmp8:
0x293: {  	v11 =	vmax.f32 v56, v30;
	v7 =	vadd.f32 v34, v29;
	v13 =	vadd.f32 v15, v13;
	[tilespmem:$0x85E0] =	vst v1;
	(pc) =	sbr.rel @p0 .LBB2_2-.Ltmp8, $4  }
0x294: {  	v1 =	vadd.f32 v33, v10;
	[tilespmem:$0x85F0] =	vst v11;
	v11 =	vadd.f32 v4, v9  }
0x295: {  	v23 =	vmax.f32 v23, v34;
	v4 =	vadd.f32 v62, v6;
	v6 =	vadd.f32 v63, v14  }
0x296: {  	s0 =	sadd.s32 s15, s14;
	[tilespmem:$0x8590] =	vst v23;
	v10 =	vadd.f32 v21, v16;
	v15 =	vadd.f32 v24, v18  }
0x297: {  	v16 =	vadd.f32 v31, v20;
	v14 =	vadd.f32 v30, v19;
	[hbm4b:s0+s3] =	stream.linear.scatter [tilespmem:s31], [sflag:$0x8], $0x200, $0x38;
	[tilespmem:$0x8700] =	vst v63  }
0x298: {  	_ =	swait.ge [sflag:s25], $0x2000  }
0x299: {  	[sflag:s25] =	ssyncset.done $0x0  }
0x29a: {  	[sflag:s25] =	ssyncadd.s32 $0xFFFFE000  }
0x29b: {  	_ =	swait.ge [sflag:s26], $0x2000  }
0x29c: {  	[sflag:s26] =	ssyncset.done $0x0  }
0x29d: {  	[sflag:s26] =	ssyncadd.s32 $0xFFFFE000  }
0x29e: {  	_ =	swait.ge [sflag:s21], $0x100  }
0x29f: {  	[sflag:s21] =	ssyncset.done $0x0  }
0x2a0: {  	s0 =	simm.s32 $0x7;
	[sflag:s21] =	ssyncadd.s32 $0xFFFFFF00  }
0x2a1: {  	_ =	swait.ge [sflag:s0], $0x200  }
0x2a2: {  	[sflag:s0] =	ssyncset.done $0x0  }
0x2a3: {  	[sflag:s0] =	ssyncadd.s32 $0xFFFFFE00  }
0x2a4: {  	_ =	swait.ge [sflag:s2], $0x200  }
0x2a5: {  	[sflag:s2] =	ssyncset.done $0x0  }
0x2a6: {  	[sflag:s2] =	ssyncadd.s32 $0xFFFFFE00  }
0x2a7: {  	[tilespmem:$0x8600] =	vst v1  }
0x2a8: {  	[tilespmem:$0x8680] =	vst v3  }
0x2a9: {  	[tilespmem:$0x8610] =	vst v7  }
0x2aa: {  	[tilespmem:$0x8690] =	vst v2  }
0x2ab: {  	[tilespmem:$0x8620] =	vst v4  }
0x2ac: {  	[tilespmem:$0x86A0] =	vst v5  }
0x2ad: {  	[tilespmem:$0x8630] =	vst v6  }
0x2ae: {  	[tilespmem:$0x86B0] =	vst v8  }
0x2af: {  	[tilespmem:$0x8640] =	vst v10  }
0x2b0: {  	[tilespmem:$0x86C0] =	vst v13  }
0x2b1: {  	[tilespmem:$0x8650] =	vst v15  }
0x2b2: {  	[tilespmem:$0x86D0] =	vst v12  }
0x2b3: {  	[tilespmem:$0x8660] =	vst v16  }
0x2b4: {  	[tilespmem:$0x86E0] =	vst v11  }
0x2b5: {  	[tilespmem:$0x8670] =	vst v14  }
0x2b6: {  	s7 =	simm.s32 $0x8600;
	s14 =	rddreg [dreg:$0x5];
	[tilespmem:$0x86F0] =	vst v0  }
0x2b7: {  	[hbm4b:s14+s3] =	stream.linear.scatter [tilespmem:s7], [sflag:$0x9], $0x80, $0x38;
	[tilespmem:$0x8700] =	vst v63  }
0x2b8: {  	_ =	swait.ge [sflag:s8], $0x80  }
0x2b9: {  	[sflag:s8] =	ssyncset.done $0x0  }
0x2ba: {  	s13 =	simm.s32 $0x8680;
	s7 =	rddreg [dreg:$0x6];
	[sflag:s8] =	ssyncadd.s32 $0xFFFFFF80  }
0x2bb: {  	[hbm4b:s7+s3] =	stream.linear.scatter [tilespmem:s13], [sflag:$0x9], $0x80, $0x38;
	[tilespmem:$0x8700] =	vst v63  }
0x2bc: {  	_ =	swait.ge [sflag:s8], $0x80  }
0x2bd: {  	s12 =	sadd.s32 $0x1, s12;
	s14 =	rddreg [dreg:$0x7]  }
0x2be: {  	p0 =	sne.s32 s12, s14  }
.Ltmp9:
0x2bf: {  	_ = 	snop;
	(pc) =	sbr.rel @p0 .LBB2_1-.Ltmp9, $3  }
0x2c0: {  	_ =	sdelay $0x1  }
0x2c1: {  	[sflag:s8] =	ssyncset.done $0x0  }
0x2c2: {  	[sflag:s8] =	ssyncadd.s32 $0xFFFFFF80  }
0x2c3: {  	_ =	sfence.sel $0x180000  }
0x2c4: {  	[bflag:$0x0] =	sbarrier.arrive $0xFFFF  }
0x2c5: {  	_ =	strace $0x90000047  }
0x2c6: {  	s0 =	stileid.u32;
	[bflag:$0x2] =	sbarrier.arrive $0xFFFF  }
0x2c7: {  	p0 =	sne.s32 s0, $0x0;
	s0 =	rddreg [dreg:$0x2]  }
0x2c8: {  	s0 =	sadd.s32 @!p0 $0x100000, s0  }
0x2c9: {  	[sflag:s0] =	ssyncadd.tile.s32 @!p0 $0x1;
	_ =	shalt  }
.Lfunc_end2:
_tile_overlayer_lowered:
.L_overlay_start_2:
0x2ca: {  	(tag) =	ssettag $0x2  }
0x2cb: {  	s0 =	rddreg [dreg:$0x0];
	s2 =	stileid.u32  }
0x2cc: {  	s1 =	rddreg [dreg:$0x1];
	p0 =	sne.s32 s2, $0x0  }
0x2cd: {  	s3 =	rddreg [dreg:$0x2];
	[bflag:$0x3] =	sbarrier.arrive $0xFFFF;
	s2 =	simm.s32 @!p0 $0x1C09  }
0x2ce: {  	[timem:s3], [sflag:s2] =	dma.local @!p0 [hbm:s0], s1  }
0x2cf: {  	s0 =	simm.s32 @!p0 $0x9  }
0x2d0: {  	_ =	swait.ge @!p0 [sflag:s0], s1  }
0x2d1: {  	s1 =	ssub.s32 @!p0 $0x0, s1;
	[sflag:s0] =	ssyncset.done @!p0 $0x0  }
0x2d2: {  	[sflag:s0] =	ssyncadd.s32 @!p0 s1  }
0x2d3: {  	[bflag:$0x3] =	sbarrier.arrive $0xFFFF  }
0x2d4: {  	_ =	shalt  }

</sc_bundles>
